<compile_context>
chip_gen: v7x
topology: tpu7x:2x2x1
jax: 0.10.2.dev20260603
libtpu: 0.0.44.dev20260713+nightly
codegen_flags: <defaults>
</compile_context>

<pallas_src>
import functools

import jax
import jax.numpy as jnp
from jax.experimental import pallas as pl
from jax.experimental.pallas import tpu as pltpu

_N = 10000
_G = 64
_H = 256
_ROWS_BLK = 1000


def _mlp_body(z_ref, w1_ref, b1_ref, w2_ref, b2_ref, sc_ref, sh_ref, out_ref):
    z = z_ref[...]
    a = jnp.maximum(
        jax.lax.dot_general(z, w1_ref[...], (((1,), (0,)), ((), ())),
                            preferred_element_type=jnp.float32) + b1_ref[...], 0.0)
    b = jnp.maximum(
        jax.lax.dot_general(a, w2_ref[...], (((1,), (0,)), ((), ())),
                            preferred_element_type=jnp.float32) + b2_ref[...], 0.0)
    out_ref[...] = b * sc_ref[...] + sh_ref[...]


def _mlp_bn(z, w1, b1, w2, b2, scale, shift):
    n = z.shape[0]
    grid = n // _ROWS_BLK
    full = lambda s: pl.BlockSpec(s, lambda i: (0,) * len(s))
    return pl.pallas_call(
        _mlp_body,
        grid=(grid,),
        in_specs=[
            pl.BlockSpec((_ROWS_BLK, _H), lambda i: (i, 0)),
            full((_H, _H)), full((_H,)), full((_H, _H)), full((_H,)),
            full((_H,)), full((_H,)),
        ],
        out_specs=pl.BlockSpec((_ROWS_BLK, _H), lambda i: (i, 0)),
        out_shape=jax.ShapeDtypeStruct((n, _H), jnp.float32),
    )(z, w1, b1, w2, b2, scale, shift)


def _head_body(p_ref, w1_ref, b1_ref, w2_ref, b2_ref, out_ref):
    o = jnp.maximum(
        jax.lax.dot_general(p_ref[...], w1_ref[...], (((1,), (0,)), ((), ())),
                            preferred_element_type=jnp.float32) + b1_ref[...], 0.0)
    o = jax.lax.dot_general(o, w2_ref[...], (((1,), (0,)), ((), ())),
                            preferred_element_type=jnp.float32) + b2_ref[...]
    m = jnp.max(o, axis=-1, keepdims=True)
    lse = jnp.log(jnp.sum(jnp.exp(o - m), axis=-1, keepdims=True)) + m
    out_ref[...] = o - lse


def _head(pooled, w1, b1, w2, b2):
    c = w2.shape[1]
    return pl.pallas_call(
        _head_body,
        out_shape=jax.ShapeDtypeStruct((pooled.shape[0], c), jnp.float32),
    )(pooled, w1, b1, w2, b2)


def kernel(x, edge_index, batch, params):
    src = edge_index[0]
    dst = edge_index[1]
    h = x
    for layer in params['convs']:
        msgs = jnp.take(h, src, axis=0)
        agg = jax.ops.segment_sum(msgs, dst, num_segments=_N)
        z = agg + h
        scale = layer['bn_gamma'] * jax.lax.rsqrt(layer['bn_var'] + 1e-5)
        shift = layer['bn_beta'] - layer['bn_mean'] * scale
        h = _mlp_bn(z, layer['W1'], layer['b1'], layer['W2'], layer['b2'],
                    scale, shift)
    pooled = jax.ops.segment_max(h, batch, num_segments=_G)
    return _head(pooled, params['fc1_W'], params['fc1_b'],
                 params['fc2_W'], params['fc2_b'])

# --- scband reference (transcript-rebuilt; emitter-appended) ---
"""Pipeline reference for scband-degree-quant-gin-1005022347455 (READ-ONLY COPY).

The authoritative reference and input builder live on the scoring server;
editing this copy changes nothing except your own understanding.
"""

import jax, jax.numpy as jnp
import numpy as np

N = 10000
E = 160000
D = 256
H = 256
C = 10
L = 4
G = 64


def setup_inputs(seed: int = 0) -> dict:
    key = jax.random.key(seed)
    ks = jax.random.split(key, 8)
    x = jax.random.normal(ks[0], (N, D), dtype=jnp.float32)
    edge_index = jax.random.randint(ks[1], (2, E), 0, N, dtype=jnp.int32)
    batch = jnp.sort(jax.random.randint(ks[2], (N,), 0, G, dtype=jnp.int32))
    convs = []
    kk = ks[3]
    for i in range(L):
        in_dim = D if i == 0 else H
        kk, k1, k2 = jax.random.split(kk, 3)
        convs.append({
            'W1': (jax.random.normal(k1, (in_dim, H), dtype=jnp.float32) / np.sqrt(in_dim)),
            'b1': jnp.zeros((H,), dtype=jnp.float32),
            'W2': (jax.random.normal(k2, (H, H), dtype=jnp.float32) / np.sqrt(H)),
            'b2': jnp.zeros((H,), dtype=jnp.float32),
            'bn_gamma': jnp.ones((H,), dtype=jnp.float32),
            'bn_beta': jnp.zeros((H,), dtype=jnp.float32),
            'bn_mean': jnp.zeros((H,), dtype=jnp.float32),
            'bn_var': jnp.ones((H,), dtype=jnp.float32),
        })
    params = {
        'convs': convs,
        'fc1_W': (jax.random.normal(ks[4], (H, H), dtype=jnp.float32) / np.sqrt(H)),
        'fc1_b': jnp.zeros((H,), dtype=jnp.float32),
        'fc2_W': (jax.random.normal(ks[5], (H, C), dtype=jnp.float32) / np.sqrt(H)),
        'fc2_b': jnp.zeros((C,), dtype=jnp.float32),
    }
    return {'x': x, 'edge_index': edge_index, 'batch': batch, 'params': params}


def reference(x, edge_index, batch, params):
    src = edge_index[0]
    dst = edge_index[1]
    eps = 0.0
    h = x
    for layer in params['convs']:
        # GIN message passing: sum-aggregate neighbor features at dst nodes
        msgs = jnp.take(h, src, axis=0)
        agg = jax.ops.segment_sum(msgs, dst, num_segments=N)
        z = agg + (1.0 + eps) * h
        # MLP: QuantLinear -> ReLU -> QuantLinear -> ReLU -> BatchNorm1d (eval mode, quantizers identity)
        z = jnp.maximum(z @ layer['W1'] + layer['b1'], 0.0)
        z = jnp.maximum(z @ layer['W2'] + layer['b2'], 0.0)
        z = (z - layer['bn_mean']) / jnp.sqrt(layer['bn_var'] + 1e-5) * layer['bn_gamma'] + layer['bn_beta']
        h = z
    # global max pool per graph
    pooled = jax.ops.segment_max(h, batch, num_segments=G)
    o = jnp.maximum(pooled @ params['fc1_W'] + params['fc1_b'], 0.0)
    # dropout p=0.5 skipped (eval mode)
    o = o @ params['fc2_W'] + params['fc2_b']
    return jax.nn.log_softmax(o, axis=-1)

if __name__ == "__main__":
    import jax
    _d = setup_inputs()
    print(jax.jit(kernel)(*tuple(_d.values())))

</pallas_src>

<mosaic_0001>
module attributes {stable_mosaic.version = 14 : i64} {
  func.func @_mlp_body(%arg0: i32, %arg1: memref<1000x256xf32, #tpu.memory_space<vmem>>, %arg2: memref<256x256xf32, #tpu.memory_space<vmem>>, %arg3: memref<256xf32, #tpu.memory_space<vmem>>, %arg4: memref<256x256xf32, #tpu.memory_space<vmem>>, %arg5: memref<256xf32, #tpu.memory_space<vmem>>, %arg6: memref<256xf32, #tpu.memory_space<vmem>>, %arg7: memref<256xf32, #tpu.memory_space<vmem>>, %arg8: memref<1000x256xf32, #tpu.memory_space<vmem>>) attributes {dimension_semantics = [#tpu.dimension_semantics<arbitrary>], iteration_bounds = array<i64: 10>, scalar_prefetch = 0 : i64, scratch_operands = 0 : i64, tpu.core_type = #tpu.core_type<tc>, window_params = [{transform_indices = @transform_0, window_bounds = array<i64: 1000, 256>}, {pipeline_mode = #tpu.pipeline_mode<synchronous>, transform_indices = @transform_1, window_bounds = array<i64: 256, 256>}, {pipeline_mode = #tpu.pipeline_mode<synchronous>, transform_indices = @transform_2, window_bounds = array<i64: 256>}, {pipeline_mode = #tpu.pipeline_mode<synchronous>, transform_indices = @transform_3, window_bounds = array<i64: 256, 256>}, {pipeline_mode = #tpu.pipeline_mode<synchronous>, transform_indices = @transform_4, window_bounds = array<i64: 256>}, {pipeline_mode = #tpu.pipeline_mode<synchronous>, transform_indices = @transform_5, window_bounds = array<i64: 256>}, {pipeline_mode = #tpu.pipeline_mode<synchronous>, transform_indices = @transform_6, window_bounds = array<i64: 256>}, {transform_indices = @transform_7, window_bounds = array<i64: 1000, 256>}]} {
    %get3A = arith.constant 0 : index
    %get3A_0 = arith.constant 0 : index
    %get3A_1 = vector.load %arg1[%get3A, %get3A_0] : memref<1000x256xf32, #tpu.memory_space<vmem>>, vector<1000x256xf32>
    %get3A_2 = arith.constant 0 : index
    %get3A_3 = arith.constant 0 : index
    %get3A_4 = vector.load %arg2[%get3A_2, %get3A_3] : memref<256x256xf32, #tpu.memory_space<vmem>>, vector<256x256xf32>
    %dot_general3A = arith.constant dense<0.000000e+00> : vector<1000x256xf32>
    %dot_general3A_5 = tpu.matmul %get3A_1, %get3A_4, %dot_general3A {dimension_numbers = #tpu.dot_dimension_numbers<[1], [0], [0], [1], [0, 0, 1, 1], [], []>, transpose_lhs_hint = false} : vector<1000x256xf32>, vector<256x256xf32>, vector<1000x256xf32> -> vector<1000x256xf32>
    %get3A_6 = arith.constant 0 : index
    %get3A_7 = vector.load %arg3[%get3A_6] : memref<256xf32, #tpu.memory_space<vmem>>, vector<256xf32>
    %broadcast_in_dim3A = vector.shape_cast %get3A_7 : vector<256xf32> to vector<1x256xf32>
    %add3A = vector.broadcast %broadcast_in_dim3A : vector<1x256xf32> to vector<1000x256xf32>
    %add3A_8 = arith.addf %dot_general3A_5, %add3A : vector<1000x256xf32>
    %max3A = arith.constant 0.000000e+00 : f32
    %max3A_9 = vector.broadcast %max3A : f32 to vector<1000x256xf32>
    %max3A_10 = arith.maximumf %add3A_8, %max3A_9 : vector<1000x256xf32>
    %get3A_11 = arith.constant 0 : index
    %get3A_12 = arith.constant 0 : index
    %get3A_13 = vector.load %arg4[%get3A_11, %get3A_12] : memref<256x256xf32, #tpu.memory_space<vmem>>, vector<256x256xf32>
    %dot_general3A_14 = arith.constant dense<0.000000e+00> : vector<1000x256xf32>
    %dot_general3A_15 = tpu.matmul %max3A_10, %get3A_13, %dot_general3A_14 {dimension_numbers = #tpu.dot_dimension_numbers<[1], [0], [0], [1], [0, 0, 1, 1], [], []>, transpose_lhs_hint = false} : vector<1000x256xf32>, vector<256x256xf32>, vector<1000x256xf32> -> vector<1000x256xf32>
    %get3A_16 = arith.constant 0 : index
    %get3A_17 = vector.load %arg5[%get3A_16] : memref<256xf32, #tpu.memory_space<vmem>>, vector<256xf32>
    %broadcast_in_dim3A_18 = vector.shape_cast %get3A_17 : vector<256xf32> to vector<1x256xf32>
    %add3A_19 = vector.broadcast %broadcast_in_dim3A_18 : vector<1x256xf32> to vector<1000x256xf32>
    %add3A_20 = arith.addf %dot_general3A_15, %add3A_19 : vector<1000x256xf32>
    %max3A_21 = arith.constant 0.000000e+00 : f32
    %max3A_22 = vector.broadcast %max3A_21 : f32 to vector<1000x256xf32>
    %max3A_23 = arith.maximumf %add3A_20, %max3A_22 : vector<1000x256xf32>
    %get3A_24 = arith.constant 0 : index
    %get3A_25 = vector.load %arg6[%get3A_24] : memref<256xf32, #tpu.memory_space<vmem>>, vector<256xf32>
    %broadcast_in_dim3A_26 = vector.shape_cast %get3A_25 : vector<256xf32> to vector<1x256xf32>
    %mul3A = vector.broadcast %broadcast_in_dim3A_26 : vector<1x256xf32> to vector<1000x256xf32>
    %mul3A_27 = arith.mulf %max3A_23, %mul3A : vector<1000x256xf32>
    %get3A_28 = arith.constant 0 : index
    %get3A_29 = vector.load %arg7[%get3A_28] : memref<256xf32, #tpu.memory_space<vmem>>, vector<256xf32>
    %broadcast_in_dim3A_30 = vector.shape_cast %get3A_29 : vector<256xf32> to vector<1x256xf32>
    %add3A_31 = vector.broadcast %broadcast_in_dim3A_30 : vector<1x256xf32> to vector<1000x256xf32>
    %add3A_32 = arith.addf %mul3A_27, %add3A_31 : vector<1000x256xf32>
    %swap3A = arith.constant 0 : index
    %swap3A_33 = arith.constant 0 : index
    %swap3A_34 = vector.load %arg8[%swap3A, %swap3A_33] : memref<1000x256xf32, #tpu.memory_space<vmem>>, vector<1000x256xf32>
    tpu.vector_store %arg8[%swap3A, %swap3A_33], %add3A_32 {strides = array<i32>} : memref<1000x256xf32, #tpu.memory_space<vmem>>, vector<1000x256xf32>,
    return
  }
  func.func @transform_0(%arg0: i32) -> (i32, i32) {
    %c0_i32 = arith.constant 0 : i32
    %c0_i32_0 = arith.constant 0 : i32
    return %arg0, %c0_i32 : i32, i32
  }
  func.func @transform_1(%arg0: i32) -> (i32, i32) {
    %c0_i32 = arith.constant 0 : i32
    %c0_i32_0 = arith.constant 0 : i32
    %c0_i32_1 = arith.constant 0 : i32
    return %c0_i32, %c0_i32_0 : i32, i32
  }
  func.func @transform_2(%arg0: i32) -> i32 {
    %c0_i32 = arith.constant 0 : i32
    %c0_i32_0 = arith.constant 0 : i32
    return %c0_i32 : i32
  }
  func.func @transform_3(%arg0: i32) -> (i32, i32) {
    %c0_i32 = arith.constant 0 : i32
    %c0_i32_0 = arith.constant 0 : i32
    %c0_i32_1 = arith.constant 0 : i32
    return %c0_i32, %c0_i32_0 : i32, i32
  }
  func.func @transform_4(%arg0: i32) -> i32 {
    %c0_i32 = arith.constant 0 : i32
    %c0_i32_0 = arith.constant 0 : i32
    return %c0_i32 : i32
  }
  func.func @transform_5(%arg0: i32) -> i32 {
    %c0_i32 = arith.constant 0 : i32
    %c0_i32_0 = arith.constant 0 : i32
    return %c0_i32 : i32
  }
  func.func @transform_6(%arg0: i32) -> i32 {
    %c0_i32 = arith.constant 0 : i32
    %c0_i32_0 = arith.constant 0 : i32
    return %c0_i32 : i32
  }
  func.func @transform_7(%arg0: i32) -> (i32, i32) {
    %c0_i32 = arith.constant 0 : i32
    %c0_i32_0 = arith.constant 0 : i32
    return %arg0, %c0_i32 : i32, i32
  }
}

module attributes {stable_mosaic.version = 14 : i64} {
  func.func @_head_body(%arg0: memref<64x256xf32, #tpu.memory_space<vmem>>, %arg1: memref<256x256xf32, #tpu.memory_space<vmem>>, %arg2: memref<256xf32, #tpu.memory_space<vmem>>, %arg3: memref<256x10xf32, #tpu.memory_space<vmem>>, %arg4: memref<10xf32, #tpu.memory_space<vmem>>, %arg5: memref<64x10xf32, #tpu.memory_space<vmem>>) attributes {dimension_semantics = [], scalar_prefetch = 0 : i64, scratch_operands = 0 : i64, tpu.core_type = #tpu.core_type<tc>} {
    %get3A = arith.constant 0 : index
    %get3A_0 = arith.constant 0 : index
    %get3A_1 = vector.load %arg0[%get3A, %get3A_0] : memref<64x256xf32, #tpu.memory_space<vmem>>, vector<64x256xf32>
    %get3A_2 = arith.constant 0 : index
    %get3A_3 = arith.constant 0 : index
    %get3A_4 = vector.load %arg1[%get3A_2, %get3A_3] : memref<256x256xf32, #tpu.memory_space<vmem>>, vector<256x256xf32>
    %dot_general3A = arith.constant dense<0.000000e+00> : vector<64x256xf32>
    %dot_general3A_5 = tpu.matmul %get3A_1, %get3A_4, %dot_general3A {dimension_numbers = #tpu.dot_dimension_numbers<[1], [0], [0], [1], [0, 0, 1, 1], [], []>, transpose_lhs_hint = false} : vector<64x256xf32>, vector<256x256xf32>, vector<64x256xf32> -> vector<64x256xf32>
    %get3A_6 = arith.constant 0 : index
    %get3A_7 = vector.load %arg2[%get3A_6] : memref<256xf32, #tpu.memory_space<vmem>>, vector<256xf32>
    %broadcast_in_dim3A = vector.shape_cast %get3A_7 : vector<256xf32> to vector<1x256xf32>
    %add3A = vector.broadcast %broadcast_in_dim3A : vector<1x256xf32> to vector<64x256xf32>
    %add3A_8 = arith.addf %dot_general3A_5, %add3A : vector<64x256xf32>
    %max3A = arith.constant 0.000000e+00 : f32
    %max3A_9 = vector.broadcast %max3A : f32 to vector<64x256xf32>
    %max3A_10 = arith.maximumf %add3A_8, %max3A_9 : vector<64x256xf32>
    %get3A_11 = arith.constant 0 : index
    %get3A_12 = arith.constant 0 : index
    %get3A_13 = vector.load %arg3[%get3A_11, %get3A_12] : memref<256x10xf32, #tpu.memory_space<vmem>>, vector<256x10xf32>
    %dot_general3A_14 = arith.constant dense<0.000000e+00> : vector<64x10xf32>
    %dot_general3A_15 = tpu.matmul %max3A_10, %get3A_13, %dot_general3A_14 {dimension_numbers = #tpu.dot_dimension_numbers<[1], [0], [0], [1], [0, 0, 1, 1], [], []>, transpose_lhs_hint = false} : vector<64x256xf32>, vector<256x10xf32>, vector<64x10xf32> -> vector<64x10xf32>
    %get3A_16 = arith.constant 0 : index
    %get3A_17 = vector.load %arg4[%get3A_16] : memref<10xf32, #tpu.memory_space<vmem>>, vector<10xf32>
    %broadcast_in_dim3A_18 = vector.shape_cast %get3A_17 : vector<10xf32> to vector<1x10xf32>
    %add3A_19 = vector.broadcast %broadcast_in_dim3A_18 : vector<1x10xf32> to vector<64x10xf32>
    %add3A_20 = arith.addf %dot_general3A_15, %add3A_19 : vector<64x10xf32>
    %reduce_max3A = arith.constant dense<0xFF800000> : vector<64xf32>
    %reduce_max3A_21 = vector.multi_reduction <maximumf>, %add3A_20, %reduce_max3A [1] : vector<64x10xf32> to vector<64xf32>
    %broadcast_in_dim3A_22 = vector.shape_cast %reduce_max3A_21 : vector<64xf32> to vector<64x1xf32>
    %sub3A = vector.broadcast %broadcast_in_dim3A_22 : vector<64x1xf32> to vector<64x10xf32>
    %sub3A_23 = arith.subf %add3A_20, %sub3A : vector<64x10xf32>
    %exp3A = math.exp %sub3A_23 : vector<64x10xf32>
    %reduce_sum3A = arith.constant dense<0.000000e+00> : vector<64xf32>
    %reduce_sum3A_24 = vector.multi_reduction <add>, %exp3A, %reduce_sum3A [1] : vector<64x10xf32> to vector<64xf32>
    %broadcast_in_dim3A_25 = vector.shape_cast %reduce_sum3A_24 : vector<64xf32> to vector<64x1xf32>
    %log3A = math.log %broadcast_in_dim3A_25 : vector<64x1xf32>
    %add3A_26 = arith.addf %log3A, %broadcast_in_dim3A_22 : vector<64x1xf32>
    %sub3A_27 = vector.broadcast %add3A_26 : vector<64x1xf32> to vector<64x10xf32>
    %sub3A_28 = arith.subf %add3A_20, %sub3A_27 : vector<64x10xf32>
    %swap3A = arith.constant 0 : index
    %swap3A_29 = arith.constant 0 : index
    %swap3A_30 = vector.load %arg5[%swap3A, %swap3A_29] : memref<64x10xf32, #tpu.memory_space<vmem>>, vector<64x10xf32>
    tpu.vector_store %arg5[%swap3A, %swap3A_29], %sub3A_28 {strides = array<i32>} : memref<64x10xf32, #tpu.memory_space<vmem>>, vector<64x10xf32>,
    return
  }
}

</mosaic_0001>

<sc_bundles>
// kernel: scatter_offload_async_start.1
scs
__scs_entry_jumppad:
0x0: {  	(pc) =	sbr.rel $0x88, $3  }
0x1: {  	(tag) =	ssettag $0x0;
	lr =	simm.s32 $0x1  }
0x2: {  	[smem:$0x3F7A] =	sst lr;
	_ =	strace $0xD0000000  }
0x3: {  	_ = 	snop  }
0x4: {  	_ = 	snop  }
0x5: {  	_ = 	snop  }
0x6: {  	_ = 	snop  }
0x7: {  	_ = 	snop  }
__scs_overlays_trampoline_lowered:
0x8: {  	[smem:$0x3F89] =	sst s0  }
0x9: {  	[smem:$0x3F8A] =	sst s1  }
0xa: {  	[smem:$0x3F8B] =	sst s2  }
0xb: {  	[smem:$0x3F8C] =	sst s3  }
0xc: {  	[smem:$0x3F8D] =	sst s4  }
0xd: {  	[smem:$0x3F8E] =	sst s5  }
0xe: {  	[smem:$0x3F8F] =	sst s6  }
0xf: {  	[smem:$0x3F90] =	sst s7  }
0x10: {  	[smem:$0x3F91] =	sst s8  }
0x11: {  	[smem:$0x3F92] =	sst s9;
	s0 =	simm.s32 @!p0 $0x0  }
0x12: {  	s1 =	sld [smem:$0x3F78];
	s0 =	simm.s32 @p0 $0x1  }
0x13: {  	[smem:$0x3F93] =	sst s0;
	s0 =	simm.s32 @!p1 $0x0  }
0x14: {  	s2 =	sld [smem:$0x3F77];
	s0 =	simm.s32 @p1 $0x1  }
0x15: {  	[smem:$0x3F94] =	sst s0;
	s0 =	simm.s32 @!p2 $0x0  }
0x16: {  	s3 =	sld [smem:$0x3FDB];
	s0 =	simm.s32 @p2 $0x1  }
0x17: {  	s4 =	simm.s32 $0x1BF5;
	[smem:$0x3F96] =	sst s0  }
0x18: {  	s0 =	sld [smem:$0x3F79];
	_ =	swait.ge [sflag:s4], $0x0  }
0x19: {  	s7 =	sld [smem:$0x3F7A]  }
0x1a: {  	s8 =	sadd.s32 $0xFFFFE003, lr  }
0x1b: {  	s9 =	sadd.s32 $0xFFFFFEF7, lr;
	s5 =	simm.s32 $0xFFFFFFFF;
	p2 =	slt.u32 s8, $0xFFFFF086  }
0x1c: {  	p1 =	slt.u32 s9, $0xF7A;
	s5 =	simm.s32 @!p2 $0x0  }
0x1d: {  	s5 =	simm.s32 @p1 $0x1;
	p0 =	seq.s32 s7, s2  }
0x1e: {  	s7 =	smul.u32 @!p0 $0xF7A, s2;
	p2 =	seq.s32 @!p0 s5, $0x0  }
0x1f: {  	s9 =	smul.u32 $0xF7A, s1;
	s8 =	simm.s32 @!p0 $0x1BF5;
	p2 =	por !p2, p0  }
0x20: {  	[sflag:s8] =	ssyncset.s32 @!p0 $0xFFFFF086;
	s6 =	sadd.s32 @!p0 s3, s7;
	s7 =	simm.s32 @!p0 $0x108  }
0x21: {  	s3 =	sadd.s32 s3, s9;
	s6 =	sadd.s32 @!p0 $0x88, s6;
	s7 =	simm.s32 @p2 $0x1082  }
0x22: {  	[simem:s7], [sflag:s8] =	dma.local @!p0 [hbm:s6], $0xF7A  }
0x23: {  	s9 =	sor.u32 $0xD0000000, s2;
	s6 =	simm.s32 $0x108;
	_ =	swait.ge @!p0 [sflag:s8], $0x0  }
0x24: {  	s3 =	sadd.s32 $0x88, s3;
	s6 =	simm.s32 @!p1 $0x1082;
	[sflag:s4] =	ssyncset.s32 $0xFFFFF086  }
0x25: {  	[simem:s6], [sflag:s4] =	dma.local [hbm:s3], $0xF7A  }
0x26: {  	[smem:$0x3F7A] =	sst s1;
	(tag) =	ssettag s2;
	_ =	strace s9  }
0x27: {  	s1 =	sld [smem:$0x3F8A]  }
0x28: {  	s2 =	sld [smem:$0x3F8B]  }
0x29: {  	s4 =	sld [smem:$0x3F8D]  }
0x2a: {  	p0 =	seq.s32 s5, $0x0;
	s5 =	sld [smem:$0x3F8E]  }
0x2b: {  	s6 =	sld [smem:$0x3F8F]  }
0x2c: {  	s7 =	sld [smem:$0x3F90]  }
0x2d: {  	s3 =	simm.s32 $0x108;
	s8 =	sld [smem:$0x3F91]  }
0x2e: {  	s3 =	simm.s32 @!p0 $0x1082;
	s9 =	sld [smem:$0x3F92]  }
0x2f: {  	lr =	sadd.s32 s0, s3;
	s0 =	sld [smem:$0x3F89]  }
0x30: {  	s3 =	sld [smem:$0x3F8C]  }
0x31: {  	[smem:$0x3F95] =	sst s10  }
0x32: {  	s10 =	sld [smem:$0x3F93];
	_ =	sdelay $0x3  }
0x33: {  	p0 =	seq.s32 s10, $0x1;
	s10 =	sld [smem:$0x3F95];
	_ =	sdelay $0x3  }
0x34: {  	[smem:$0x3F95] =	sst s10  }
0x35: {  	s10 =	sld [smem:$0x3F94];
	_ =	sdelay $0x3  }
0x36: {  	p1 =	seq.s32 s10, $0x1;
	s10 =	sld [smem:$0x3F95];
	_ =	sdelay $0x3  }
0x37: {  	[smem:$0x3F95] =	sst s10  }
0x38: {  	s10 =	sld [smem:$0x3F96]  }
0x39: {  	_ = 	snop;
	(pc) =	sbr.ind lr, $3  }
0x3a: {  	_ = 	snop  }
0x3b: {  	_ = 	snop  }
0x3c: {  	p2 =	seq.s32 s10, $0x1;
	s10 =	sld [smem:$0x3F95]  }
0x3d: {  	_ =	shalt  }
0x3e: {  	_ =	shalt  }
0x3f: {  	_ =	shalt  }
0x40: {  	_ =	shalt  }
0x41: {  	_ =	shalt  }
0x42: {  	_ =	shalt  }
0x43: {  	_ =	shalt  }
0x44: {  	_ =	shalt  }
0x45: {  	_ =	shalt  }
0x46: {  	_ =	shalt  }
0x47: {  	_ =	shalt  }
0x48: {  	_ =	shalt  }
0x49: {  	_ =	shalt  }
0x4a: {  	_ =	shalt  }
0x4b: {  	_ =	shalt  }
0x4c: {  	_ =	shalt  }
0x4d: {  	_ =	shalt  }
0x4e: {  	_ =	shalt  }
0x4f: {  	_ =	shalt  }
0x50: {  	_ =	shalt  }
0x51: {  	_ =	shalt  }
0x52: {  	_ =	shalt  }
0x53: {  	_ =	shalt  }
0x54: {  	_ =	shalt  }
0x55: {  	_ =	shalt  }
0x56: {  	_ =	shalt  }
0x57: {  	_ =	shalt  }
0x58: {  	_ =	shalt  }
0x59: {  	_ =	shalt  }
0x5a: {  	_ =	shalt  }
0x5b: {  	_ =	shalt  }
0x5c: {  	_ =	shalt  }
0x5d: {  	_ =	shalt  }
0x5e: {  	_ =	shalt  }
0x5f: {  	_ =	shalt  }
0x60: {  	_ =	shalt  }
0x61: {  	_ =	shalt  }
0x62: {  	_ =	shalt  }
0x63: {  	_ =	shalt  }
0x64: {  	_ =	shalt  }
0x65: {  	_ =	shalt  }
0x66: {  	_ =	shalt  }
0x67: {  	_ =	shalt  }
0x68: {  	_ =	shalt  }
0x69: {  	_ =	shalt  }
0x6a: {  	_ =	shalt  }
0x6b: {  	_ =	shalt  }
0x6c: {  	_ =	shalt  }
0x6d: {  	_ =	shalt  }
0x6e: {  	_ =	shalt  }
0x6f: {  	_ =	shalt  }
0x70: {  	_ =	shalt  }
0x71: {  	_ =	shalt  }
0x72: {  	_ =	shalt  }
0x73: {  	_ =	shalt  }
0x74: {  	_ =	shalt  }
0x75: {  	_ =	shalt  }
0x76: {  	_ =	shalt  }
0x77: {  	_ =	shalt  }
0x78: {  	_ =	shalt  }
0x79: {  	_ =	shalt  }
0x7a: {  	_ =	shalt  }
0x7b: {  	_ =	shalt  }
0x7c: {  	_ =	shalt  }
0x7d: {  	_ =	shalt  }
0x7e: {  	_ =	shalt  }
0x7f: {  	_ =	shalt  }
0x80: {  	_ =	shalt  }
0x81: {  	_ =	shalt  }
0x82: {  	_ =	shalt  }
0x83: {  	_ =	shalt  }
0x84: {  	_ =	shalt  }
0x85: {  	_ =	shalt  }
0x86: {  	_ =	shalt  }
0x87: {  	_ =	shalt  }
.Lfunc_end0:
.L_simem_size_0:
called_computation.1_lowered:
.L_overlay_start_0:
0x88: {  	s2 =	sld [smem:$0x3FD9]  }
0x89: {  	s3 =	sld [smem:$0x3FFE];
	_ =	sdelay $0x1  }
0x8a: {  	s1 =	srdreg.scid  }
0x8b: {  	s0 =	sand.u32 $0x1, s1  }
0x8c: {  	s15 =	sshll.u32 s0, $0xA;
	s2 =	sadd.s32 s3, s2  }
0x8d: {  	s2 =	sadd.s32 s2, s15  }
0x8e: {  	[smem:$0x3FA1] =	sst s2  }
0x8f: {  	_ = 	snop  }
0x90: {  	(tm) =	ssettm $0x1  }
0x91: {  	s16 =	sld [smem:$0x3FFB];
	_ =	sdelay $0x3  }
0x92: {  	_ =	strace s16  }
0x93: {  	s2 =	sld [smem:$0x3FFC];
	_ =	sdelay $0x3  }
0x94: {  	_ =	strace s2  }
0x95: {  	s2 =	sld [smem:$0x3FFD];
	_ =	sdelay $0x3  }
0x96: {  	_ =	strace s2  }
0x97: {  	_ =	strace $0x8FFFFFFF  }
0x98: {  	s17 =	sld [smem:$0x3FDB];
	_ =	sdelay $0x1  }
0x99: {  	s18 =	simm.s32 $_scs_section_size  }
0x9a: {  	s4 =	simm.s32 $_size__tile_overlayer_lowered;
	s5 =	simm.s32 $_tile_overlayer_lowered  }
0x9b: {  	s21 =	simm.s32 $0x1BFF;
	s20 =	sshll.u32 s5, $0x1;
	s2 =	sadd.s32 s18, s17  }
0x9c: {  	s6 =	simm.s32 $0x0;
	s19 =	sshll.u32 s4, $0x1;
	s4 =	sadd.s32 s20, s2  }
0x9d: {  	[timem:s6], [sflag:s21] =	dma.local [hbm:s4], s19  }
0x9e: {  	_ =	swait.ge [sflag:s21], s19  }
0x9f: {  	s3 =	ssub.s32 $0x0, s19;
	[sflag:s21] =	ssyncset.done $0x0  }
0xa0: {  	[sflag:s21] =	ssyncadd.s32 s3;
	_ =	sdelay $0x1  }
0xa1: {  	s22 =	simm.s32 $0x1B8B  }
0xa2: {  	_ =	swait.ge [sflag:s22], $0x1  }
0xa3: {  	[sflag:s22] =	ssyncset.done $0x0  }
0xa4: {  	s23 =	sld [smem:$0x3FFE];
	[sflag:s22] =	ssyncadd.s32 $0xFFFFFFFF  }
0xa5: {  	s25 =	simm.s32 $0x1B8E;
	s24 =	sld [smem:$0x0]  }
0xa6: {  	s26 =	simm.s32 $execute0_lowered;
	[smem:$0x3FD2] =	sst s25  }
0xa7: {  	s5 =	sshll.u32 s26, $0x1;
	_ =	strace $0x80000049;
	[dreg:$0x1] =	wrdreg $0xFFFFFFFF  }
0xa8: {  	s28 =	simm.s32 $_size_execute0_lowered;
	s2 =	sadd.s32 s2, s5;
	[dreg:$0x0] =	wrdreg $0x0  }
0xa9: {  	s5 =	sshll.u32 s28, $0x1;
	[dreg:$0x2] =	wrdreg s2  }
0xaa: {  	[dreg:$0x3] =	wrdreg s5  }
0xab: {  	[dreg:$0x4] =	wrdreg $0xC0  }
0xac: {  	_ =	task [dreg:s6], $0x5FFFF  }
0xad: {  	[dreg:$0x1] =	wrdreg $0xFFFFFFFF  }
0xae: {  	[dreg:$0x0] =	wrdreg $0x60  }
0xaf: {  	[dreg:$0x2] =	wrdreg s23  }
0xb0: {  	[dreg:$0x3] =	wrdreg s1  }
0xb1: {  	[dreg:$0x4] =	wrdreg s24  }
0xb2: {  	[dreg:$0x5] =	wrdreg $0x9  }
0xb3: {  	_ =	task.clear_ibuf [dreg:s6], $0x6FFFF;
	_ =	strace $0x90000049  }
0xb4: {  	s29 =	simm.s32 $0x9;
	_ =	strace $0x8000004B  }
0xb5: {  	_ =	swait.ge [sflag:s29], $0x1  }
0xb6: {  	[sflag:s29] =	ssyncadd.s32 $0xFFFFFFFF  }
0xb7: {  	_ =	strace $0x9000004B  }
0xb8: {  	_ =	sfence  }
0xb9: {  	s30 =	sld [smem:$0x0];
	_ =	sdelay $0x2  }
0xba: {  	s31 =	sshll.u32 s1, $0xD;
	s1 =	sshrl.u32 s1, $0x2  }
0xbb: {  	s3 =	sand.u32 $0x4000, s31;
	s1 =	sadd.s32 s1, s30  }
0xbc: {  	s0 =	sor.u32 s3, s0;
	s1 =	sshll.u32 s1, $0x11  }
0xbd: {  	s0 =	sor.u32 s1, s0  }
0xbe: {  	s0 =	sadd.s32 $0x8F2B, s0  }
0xbf: {  	[sflag:s0] =	ssyncadd.remote.s32 $0x1  }
0xc0: {  	_ =	sfence.sel $0xFFFF  }
0xc1: {  	[dreg:$0x0] =	wrdreg $0xFFFFFFFF;
	(pc) =	sbr.abs _section_cstart, $3  }
0xc2: {  	[dreg:$0x1] =	wrdreg $0xFFFFFFFF  }
0xc3: {  	_ =	task.clear_ibuf [dreg:s6], $0x2FFFF;
	_ =	strace $0x9FFFFFFF  }
0xc4: {  	(tm) =	ssettm $0x7FFFFFFF  }
0xc5: {  	_ =	shalt  }
tec
execute0_lowered:
.L_overlay_start_1:
0x0: {  	(tag) =	ssettag $0x1  }
0x1: {  	s2 =	rddreg [dreg:$0x0]  }
0x2: {  	s3 =	rddreg [dreg:$0x1];
	_ =	strace $0x8000004A;
	s0 =	simm.s32 $0x1  }
0x3: {  	s5 =	simm.s32 $0x208;
	v0 =	vimm.s32 $0x0;
	[sflag:s0] =	ssyncpa.u1 $0x0  }
0x4: {  	[tilespmem:s5+$0x70] =	vst v0  }
0x5: {  	[tilespmem:s5+$0x60] =	vst v0  }
0x6: {  	[tilespmem:s5+$0x50] =	vst v0  }
0x7: {  	[tilespmem:s5+$0x40] =	vst v0  }
0x8: {  	[tilespmem:s5+$0x30] =	vst v0  }
0x9: {  	s1 =	sadd.s32 $0x4A00, s2;
	s0 =	sadd.s32 $0x52C00, s2;
	s6 =	sadd.s32 $0x5E000, s2;
	[tilespmem:s5+$0x20] =	vst v0  }
0xa: {  	s4 =	sadd.s32 $0x540000, s2;
	s10 =	sand.u32 $0x1, s3;
	s2 =	simm.s32 $0x40;
	[tilespmem:s5+$0x10] =	vst v0  }
.LBB2_1:
0xb: {  	s2 =	sadd.s32 $0x40, s2;
	[tilespmem:s5+$0x0] =	vst v0;
	s5 =	sadd.s32 $0x80, s5  }
0xc: {  	p0 =	slt.u32 s2, $0x3880;
	[tilespmem:s5+$0x70] =	vst v0  }
0xd: {  	[tilespmem:s5+$0x60] =	vst v0  }
.Ltmp0:
0xe: {  	[tilespmem:s5+$0x50] =	vst v0;
	(pc) =	sbr.rel @p0 .LBB2_1-.Ltmp0, $4  }
0xf: {  	[tilespmem:s5+$0x40] =	vst v0  }
0x10: {  	[tilespmem:s5+$0x30] =	vst v0  }
0x11: {  	[tilespmem:s5+$0x20] =	vst v0  }
0x12: {  	[tilespmem:s5+$0x10] =	vst v0  }
0x13: {  	s11 =	stileid.u32  }
0x14: {  	s2 =	smul.u32 $0x2C, s11  }
0x15: {  	s3 =	smin.u32 s11, $0xB  }
0x16: {  	s2 =	sadd.s32 s3, s2  }
0x17: {  	p0 =	slt.u32 s11, $0xB;
	s20 =	smul.u32 $0x70, s2;
	s2 =	simm.s32 $0x13B0  }
0x18: {  	s2 =	simm.s32 @!p0 $0x1340  }
0x19: {  	s2 =	sadd.s32 s2, s20  }
0x1a: {  	s8 =	smin.u32 s2, $0x13880  }
0x1b: {  	s26 =	simm.s32 $0x2;
	s2 =	ssub.s32 s8, s20  }
0x1c: {  	s9 =	simm.s32 $0x9;
	s29 =	simm.s32 $0xA;
	p0 =	sgt.s32 s2, $0x0  }
0x1d: {  	s30 =	simm.s32 $0xB;
	s31 =	smul.u32 $0x2710, s10;
	s2 =	simm.s32 @!p0 $0x0  }
0x1e: {  	[dreg:$0x4] =	wrdreg s10;
	s12 =	simm.s32 $0x1;
	s25 =	smulhi.u32 $0x92492493, s2  }
0x1f: {  	s24 =	simm.s32 $0x0;
	p1 =	por $0x0, $0x0;
	s18 =	simm.s32 $0x80  }
0x20: {  	s19 =	simm.s32 $0x400;
	s17 =	simm.s32 $0xC;
	s3 =	sshrl.u32 s25, $0x6  }
0x21: {  	s21 =	simm.s32 $0x0;
	s23 =	simm.s32 $0x0;
	s28 =	smul.u32 $0x70, s3  }
.Ltmp1:
0x22: {  	[tilespmem:s5+$0x0] =	vst v0;
	v0 =	vimm.s32 $0xFFFFFFFF;
	[sflag:s26] =	ssyncpa.u1 $0x0;
	s16 =	sshll.u32 s11, $0x9;
	(pc) =	sbr.rel .LBB2_3-.Ltmp1, $4  }
0x23: {  	[tilespmem:$0xE408] =	vst v0;
	[sflag:s9] =	ssyncpa.u1 $0x0;
	p0 =	sne.s32 s2, s28;
	s2 =	simm.s32 $0x1  }
0x24: {  	s14 =	sadd.s32 s31, s4;
	[sflag:s29] =	ssyncpa.u1 $0x0;
	s2 =	simm.s32 @!p0 $0x0  }
0x25: {  	s15 =	sadd.s32 s31, s0;
	[sflag:s30] =	ssyncpa.u1 $0x0;
	s13 =	sadd.s32 s2, s3  }
0x26: {  	v0 =	vlaneseq.u32;
	s22 =	smov.u32 s20;
	p0 =	por $0x1, $0x1;
	s11 =	sadd.s32 $0x1, s13  }
.LBB2_24:
0x27: {  	s2 =	sshrl.u32 s4, $0x2  }
.LBB2_26:
0x28: {  	_ =	swait.ge [sflag:s17], s2  }
0x29: {  	s31 =	ssub.s32 $0x0, s2;
	v1 =	vmov s26;
	vm0 =	veq.s32 v0, $0x0;
	[sflag:s17] =	ssyncset.done $0x0  }
0x2a: {  	vm15 =	veq.s32 v0, $0x2;
	v1 =	vsel vm0, s0, v1;
	[sflag:s17] =	ssyncadd.s32 s31  }
0x2b: {  	v1 =	vsel vm15, s24, v1;
	[sflag:s17] =	ssyncpa.u1 $0x1  }
0x2c: {  	[tilespmem:$0xE408] =	vst v1  }
.LBB2_27:
0x2d: {  	s0 =	sadd.s32 $0x70, s22  }
0x2e: {  	s2 =	smov.u32 s20;
	p2 =	slt.s32 s0, s8  }
0x2f: {  	s2 =	smov.u32 @p2 s0;
	p2 =	sne.s32 s23, s11  }
.Ltmp2:
0x30: {  	_ = 	snop;
	(pc) =	sbr.rel @!p2 .LBB2_28-.Ltmp2, $4  }
0x31: {  	_ = 	snop  }
0x32: {  	s24 =	smov.u32 s21  }
0x33: {  	s31 =	sadd.s32 $0x1, s23;
	s21 =	smov.u32 s22;
	p0 =	por !p0, !p0  }
0x34: {  	p1 =	por !p1, !p1;
	s23 =	smov.u32 s31;
	s22 =	smov.u32 s2  }
.LBB2_3:
0x35: {  	p2 =	sge.u32 s23, s13  }
0x36: {  	s0 =	smulhi.u32 @!p2 $0xAAAAAAAB, s23  }
0x37: {  	s2 =	smov.u32 s22;
	p3 =	sgt.s32 @!p2 s22, $0x13810  }
0x38: {  	s3 =	sshra.s32 @!p2 s22, $0x1F;
	p3 =	por !p3, p2;
	s0 =	sshrl.u32 @!p2 s0, $0x1  }
0x39: {  	s3 =	sand.u32 @!p2 s3, s22;
	s2 =	simm.s32 @p3 $0x13810;
	s0 =	smul.u32 @!p2 $0x3, s0  }
0x3a: {  	s2 =	ssub.s32 @!p2 s2, s3  }
0x3b: {  	s2 =	sadd.s32 @!p2 $0xFFFEC7F0, s2;
	s0 =	ssub.s32 @!p2 s23, s0  }
0x3c: {  	s3 =	sshll.u32 @!p2 s2, $0x2;
	p3 =	sgt.s32 @!p2 s2, $0x6F;
	s0 =	smul.u32 @!p2 $0x1C0, s0  }
0x3d: {  	s4 =	sand.u32 @!p2 $0x7, s22;
	s2 =	ssub.s32 @!p2 $0x1C0, s3;
	p3 =	por !p3, p2  }
0x3e: {  	s3 =	sshrl.u32 @!p2 s22, $0x3;
	s2 =	sshrl.u32 @!p2 s2, $0x2;
	s0 =	sshrl.u32 @!p2 s0, $0x2  }
0x3f: {  	s3 =	sadd.s32 @!p2 s3, s14;
	s2 =	simm.s32 @!p3 $0x0;
	s0 =	sadd.s32 @!p2 $0x10448, s0  }
0x40: {  	[tilespmem:s0], [sflag:$0xA] =	stream.linear.gather @!p2 [hbm4b:s3+s4], s2, $0x38;
	[tilespmem:$0x1E678] =	vst v63  }
0x41: {  	s2 =	sadd.s32 $0xFFFFFFFF, s23  }
0x42: {  	p2 =	sge.u32 s2, s13  }
0x43: {  	p3 =	sgt.s32 @!p2 s21, $0x13810  }
0x44: {  	s0 =	smov.u32 s21;
	s3 =	sshra.s32 @!p2 s21, $0x1F;
	p3 =	por !p3, p2  }
0x45: {  	s3 =	sand.u32 @!p2 s3, s21;
	s0 =	simm.s32 @p3 $0x13810  }
0x46: {  	s0 =	ssub.s32 @!p2 s0, s3  }
0x47: {  	s0 =	sadd.s32 @!p2 $0xFFFEC7F0, s0  }
0x48: {  	s3 =	sshll.u32 @!p2 s0, $0x2  }
0x49: {  	p3 =	sgt.s32 @!p2 s0, $0x6F;
	s0 =	ssub.s32 @!p2 $0x1C0, s3  }
0x4a: {  	p3 =	por !p3, p2;
	s0 =	sshrl.u32 @!p2 s0, $0x2  }
0x4b: {  	s4 =	simm.s32 @!p2 $0xA;
	s3 =	sand.u32 @!p2 $0x1, s2;
	s0 =	simm.s32 @!p3 $0x0  }
0x4c: {  	s3 =	smul.u32 @!p2 $0x1C0, s3;
	_ =	swait.ge @!p2 [sflag:s4], s0  }
0x4d: {  	s5 =	ssub.s32 @!p2 $0x0, s0;
	[sflag:s4] =	ssyncset.done @!p2 $0x0  }
0x4e: {  	s3 =	sshrl.u32 @!p2 s3, $0x2;
	[sflag:s4] =	ssyncadd.s32 @!p2 s5;
	s4 =	sshrl.u32 @!p2 s21, $0x3  }
0x4f: {  	s3 =	sadd.s32 @!p2 $0x10598, s3;
	s5 =	sand.u32 @!p2 $0x7, s21;
	s4 =	sadd.s32 @!p2 s4, s15  }
0x50: {  	[tilespmem:s3], [sflag:$0xB] =	stream.linear.gather @!p2 [hbm4b:s4+s5], s0, $0x38;
	[tilespmem:$0x1E678] =	vst v63  }
0x51: {  	s0 =	ssub.s32 @!p2 $0x13880, s21  }
0x52: {  	p3 =	slt.s32 @!p2 s0, $0x1  }
0x53: {  	p3 =	por p2, p3  }
.Ltmp3:
0x54: {  	_ = 	snop;
	(pc) =	sbr.rel @p3 .LBB2_9-.Ltmp3, $1  }
0x55: {  	_ =	sdelay $0x3  }
0x56: {  	s3 =	smulhi.u32 $0xAAAAAAAB, s2;
	_ =	sdelay $0x1  }
0x57: {  	s3 =	sshrl.u32 s3, $0x1  }
0x58: {  	s3 =	smul.u32 $0x3, s3;
	_ =	sdelay $0x1  }
0x59: {  	s30 =	ssub.s32 s2, s3  }
0x5a: {  	s4 =	simm.s32 $0x1;
	s2 =	smul.u32 $0x1C0, s30  }
.Ltmp4:
0x5b: {  	s4 =	simm.s32 @!p0 $0x0;
	(pc) =	sbr.rel .LBB2_6-.Ltmp4, $4  }
0x5c: {  	s31 =	smul.u32 $0x1C000, s4  }
0x5d: {  	p3 =	slt.s32 @!p2 s0, $0x70;
	s2 =	sshrl.u32 s2, $0x2  }
0x5e: {  	p2 =	por !p3, p2;
	s3 =	sshrl.u32 s31, $0x2;
	s5 =	sadd.s32 $0x10448, s2  }
0x5f: {  	s0 =	simm.s32 @p2 $0x70;
	s4 =	sor.u32 $0x10678, s3;
	s2 =	simm.s32 $0x0;
	v1 =	vmov s5  }
.LBB2_5:
0x60: {  	p2 =	sge.s32 s2, s0  }
.Ltmp5:
0x61: {  	_ = 	snop;
	(pc) =	sbr.rel @p2 .LBB2_9-.Ltmp5, $2  }
0x62: {  	_ =	sdelay $0x2  }
0x63: {  	s4 =	sadd.s32 $0x1000, s4  }
.LBB2_6:
0x64: {  	p2 =	sle.s32 s0, s2  }
.Ltmp6:
0x65: {  	_ = 	snop;
	(pc) =	sbr.rel @p2 .LBB2_5-.Ltmp6, $2  }
0x66: {  	_ =	sdelay $0x2  }
0x67: {  	s5 =	smov.u32 s2;
	s2 =	sadd.s32 $0x10, s2  }
0x68: {  	s3 =	ssub.s32 s0, s5  }
0x69: {  	p2 =	slt.s32 s3, $0x10  }
0x6a: {  	s3 =	simm.s32 @!p2 $0x10  }
0x6b: {  	v2 =	vmov s3  }
0x6c: {  	vm0 =	vgt.s32 v2, v0;
	_ =	sdelay $0x5  }
0x6d: {  	v2 =	vld.idx.msk [tilespmem:v1+s5+$0x0 ss:$0x1], vm0;
	_ =	sdelay $0x2  }
0x6e: {  	p2 =	slt.s32 s2, s0;
	s3 =	smov.u32 s0  }
0x6f: {  	s9 =	smov.u32 s4;
	s25 =	simm.s32 $0x0;
	s3 =	smov.u32 @p2 s2  }
.LBB2_8:
0x70: {  	(v2sf) =	vpush v2, s25;
	_ =	sdelay $0xe  }
0x71: {  	s25 =	sadd.s32 $0x1, s25;
	s10 =	spop (v2sf)  }
0x72: {  	s31 =	sadd.s32 s25, s5;
	s26 =	sshll.u32 s10, $0x8;
	s10 =	sshll.u32 s10, $0x7  }
0x73: {  	p2 =	slt.s32 s31, s3;
	s26 =	sand.u32 $0xFFFFF800, s26;
	s10 =	sand.u32 $0x380, s10  }
.Ltmp7:
0x74: {  	s10 =	sor.u32 s10, s26;
	(pc) =	sbr.rel @p2 .LBB2_8-.Ltmp7, $4  }
0x75: {  	s10 =	sshrl.u32 s10, $0x3  }
0x76: {  	s10 =	sadd.s32 s6, s10  }
0x77: {  	[tilespmem:s9], [sflag:$0x9] =	stream.strided.gather [hbm4b:s10+s18], $0x100, s19, s18, $0x38;
	[tilespmem:$0x1E678] =	vst v63  }
0x78: {  	s9 =	sadd.s32 $0x100, s9  }
.Ltmp8:
0x79: {  	_ = 	snop;
	(pc) =	sbr.rel .LBB2_5-.Ltmp8, $1  }
0x7a: {  	_ =	sdelay $0x3  }
.LBB2_9:
0x7b: {  	p2 =	slt.u32 s23, $0x2  }
.Ltmp9:
0x7c: {  	_ = 	snop;
	(pc) =	sbr.rel @p2 .LBB2_27-.Ltmp9, $1  }
0x7d: {  	_ =	sdelay $0x3  }
0x7e: {  	p2 =	sgt.s32 s24, $0x13810  }
0x7f: {  	s0 =	smov.u32 s24;
	s2 =	sshra.s32 s24, $0x1F;
	s3 =	ssub.s32 $0x13880, s24  }
0x80: {  	s0 =	simm.s32 @!p2 $0x13810;
	s2 =	sand.u32 s2, s24;
	p2 =	slt.s32 s3, $0x70  }
0x81: {  	s0 =	ssub.s32 s0, s2;
	s3 =	simm.s32 @!p2 $0x70  }
0x82: {  	s0 =	sadd.s32 $0xFFFEC7F0, s0;
	s9 =	sshll.u32 s3, $0x8  }
0x83: {  	s26 =	simm.s32 $0x9;
	s10 =	sshll.u32 s0, $0x2;
	s2 =	sand.u32 $0x3FFFFF00, s9  }
0x84: {  	p2 =	sgt.s32 s0, $0x6F;
	s25 =	ssub.s32 $0x1C0, s10;
	_ =	swait.ge [sflag:s26], s2  }
0x85: {  	s2 =	ssub.s32 $0x0, s2;
	[sflag:s26] =	ssyncset.done $0x0;
	s0 =	sshrl.u32 s25, $0x2  }
0x86: {  	s29 =	simm.s32 $0xB;
	[sflag:s26] =	ssyncadd.s32 s2;
	s0 =	simm.s32 @p2 $0x0  }
0x87: {  	_ =	swait.ge [sflag:s29], s0  }
0x88: {  	s0 =	ssub.s32 $0x0, s0;
	[sflag:s29] =	ssyncset.done $0x0  }
0x89: {  	[sflag:s29] =	ssyncadd.s32 s0  }
0x8a: {  	v1 =	vld [tilespmem:$0xE408];
	_ =	sdelay $0x4  }
0x8b: {  	(v2sf) =	vpush v1, $0x0  }
0x8c: {  	(v2sf) =	vpush v1, $0x1  }
0x8d: {  	(v2sf) =	vpush v1, $0x2;
	_ =	sdelay $0x3  }
0x8e: {  	s0 =	sadd.s32 $0x70, s24  }
0x8f: {  	s2 =	ssub.s32 $0x27100, s24;
	p2 =	slt.s32 s8, s0  }
0x90: {  	s0 =	smov.u32 @p2 s8;
	p2 =	sgt.s32 s2, $0x0  }
0x91: {  	s0 =	ssub.s32 s0, s24;
	s2 =	simm.s32 @!p2 $0x0  }
0x92: {  	p2 =	slt.s32 s2, s0  }
0x93: {  	s0 =	smov.u32 @p2 s2  }
0x94: {  	s4 =	simm.s32 $0x1;
	p2 =	slt.s32 s0, $0x1  }
.Ltmp10:
0x95: {  	s4 =	simm.s32 @!p1 $0x0;
	(pc) =	sbr.rel @p2 .LBB2_14-.Ltmp10, $4  }
0x96: {  	s30 =	smul.u32 $0x1C0, s4  }
0x97: {  	s5 =	spop (v2sf)  }
0x98: {  	s31 =	sshrl.u32 s30, $0x2;
	s28 =	spop (v2sf)  }
0x99: {  	s25 =	sadd.s32 $0x10598, s31;
	s24 =	spop (v2sf)  }
0x9a: {  	s2 =	smin.u32 s0, $0x10  }
0x9b: {  	v1 =	vmov s2  }
0x9c: {  	vm1 =	vgt.u32 v1, v0  }
0x9d: {  	p3 =	sgt.s32 s0, $0x10  }
.Ltmp11:
0x9e: {  	_ = 	snop;
	(pc) =	sbr.rel @!p3 .LBB2_13-.Ltmp11, $2  }
0x9f: {  	_ =	sdelay $0x2  }
0xa0: {  	s26 =	simm.s32 $0x10;
	s29 =	sadd.s32 $0xFFFFFFF0, s0;
	s2 =	smov.u32 s25;
	vm0 =	vmmov vm1;
	v1 =	vld.msk [tilespmem:s25+$0x0 ss:$0x1], vm1  }
.LBB2_12:
0xa1: {  	s3 =	smin.u32 s29, $0x10;
	s26 =	sadd.s32 $0x10, s26  }
0xa2: {  	v2 =	vmov s3;
	p3 =	slt.s32 s26, s0  }
0xa3: {  	vm1 =	vgt.u32 v2, v0;
	_ =	sdelay $0x1  }
0xa4: {  	v2 =	vshll.u32 v1, $0x5;
	v1 =	vshll.u32 v1, $0x4  }
.Ltmp12:
0xa5: {  	v2 =	vand.u32 $0xFFFFFF00, v2;
	v1 =	vand.u32 $0x70, v1;
	(pc) =	sbr.rel @p3 .LBB2_12-.Ltmp12, $4  }
0xa6: {  	v1 =	vor.u32 v1, v2  }
0xa7: {  	[tilespmem:s2+$0x0] =	vst.msk vm0, v1;
	s2 =	sadd.s32 $0x10, s2;
	vm0 =	vmmov vm1  }
0xa8: {  	v1 =	vld.msk [tilespmem:s2+$0x0 ss:$0x1], vm1  }
0xa9: {  	s29 =	sadd.s32 $0xFFFFFFF0, s29  }
.LBB2_13:
0xaa: {  	_ =	sdelay $0x3  }
0xab: {  	v2 =	vshll.u32 v1, $0x5;
	v1 =	vshll.u32 v1, $0x4  }
0xac: {  	v2 =	vand.u32 $0xFFFFFF00, v2;
	v1 =	vand.u32 $0x70, v1  }
0xad: {  	v1 =	vor.u32 v1, v2  }
0xae: {  	[tilespmem:s2+$0x0] =	vst.msk vm0, v1  }
.LBB2_14:
0xaf: {  	s2 =	sand.u32 $0x1, s23  }
0xb0: {  	s2 =	smul.u32 $0x70, s2  }
0xb1: {  	p3 =	sne.s32 s28, $0xFFFFFFFF  }
0xb2: {  	v1 =	vld.msk @!p3 [tilespmem:s2+$0x10598], $0x1;
	_ =	sdelay $0x4  }
0xb3: {  	(v2sf) =	vpush @!p3 v1, $0x0;
	_ =	sdelay $0xc  }
.Ltmp13:
0xb4: {  	_ = 	snop;
	(pc) =	sbr.rel @p2 .LBB2_25-.Ltmp13, $4  }
0xb5: {  	_ = 	snop  }
0xb6: {  	s31 =	spop @!p3 (v2sf)  }
0xb7: {  	s24 =	simm.s32 @!p3 $0x0;
	s26 =	smov.u32 s31  }
0xb8: {  	[sflag:s17] =	ssyncpa.u1 $0x0;
	s31 =	smov.u32 @p3 s5;
	s26 =	smov.u32 @p3 s28  }
0xb9: {  	v1 =	vld.msk [tilespmem:s25+$0x0], $0x1;
	_ =	sdelay $0x4  }
0xba: {  	(v2sf) =	vpush v1, $0x0;
	_ =	sdelay $0xe  }
0xbb: {  	s7 =	smov.u32 s11;
	s5 =	spop (v2sf)  }
0xbc: {  	s17 =	smov.u32 s15;
	s2 =	smul.u32 $0x1C000, s4;
	p2 =	seq.s32 s31, s5  }
0xbd: {  	s3 =	smov.u32 s31;
	s29 =	ssub.s32 $0x0, s0;
	p3 =	sgt.s32 @!p2 s31, $0x0  }
0xbe: {  	s30 =	simm.s32 $0x0;
	s2 =	sshrl.u32 s2, $0x2;
	p3 =	por !p3, p2  }
0xbf: {  	s0 =	sadd.s32 $0x1, s29;
	s28 =	sor.u32 $0x106F8, s2;
	s3 =	simm.s32 @p3 $0x0  }
0xc0: {  	s2 =	simm.s32 @!p2 $0x1;
	p3 =	seq.s32 s0, $0x0;
	s3 =	smin.u32 @!p2 s3, $0x4E170  }
.Ltmp14:
0xc1: {  	s4 =	simm.s32 @!p2 $0x7308;
	s9 =	sand.u32 @!p2 $0x7FFF8, s3;
	(pc) =	sbr.rel @p3 .LBB2_17-.Ltmp14, $4  }
0xc2: {  	s10 =	sadd.s32 @!p2 $0x80, s3;
	s11 =	sadd.s32 @!p2 s1, s9;
	s9 =	sand.u32 @!p2 $0x7, s3  }
0xc3: {  	[tilespmem:s4], [sflag:$0x2] =	stream.linear.gather @!p2 [hbm4b:s11+s9], $0x80, $0x38;
	[tilespmem:$0x1E678] =	vst v63  }
0xc4: {  	s15 =	smov.u32 s14;
	s2 =	smov.u32 @p2 s30;
	s4 =	sand.u32 @!p2 $0xFFFF8, s10  }
0xc5: {  	s3 =	simm.s32 @!p2 $0x7388;
	s10 =	sadd.s32 @!p2 s1, s4;
	s4 =	sadd.s32 $0x1, s25  }
.LBB2_16:
0xc6: {  	s11 =	smov.u32 s2  }
0xc7: {  	[tilespmem:s3], [sflag:$0x2] =	stream.linear.gather @!p2 [hbm4b:s10+s9], $0x80, $0x38;
	[tilespmem:$0x1E678] =	vst v63  }
0xc8: {  	s0 =	sadd.s32 $0x1, s0;
	s9 =	smov.u32 s5;
	v1 =	vld.msk [tilespmem:s4+$0x0], $0x1  }
0xc9: {  	p3 =	seq.s32 s0, $0x0;
	_ =	sdelay $0x3  }
0xca: {  	(v2sf) =	vpush v1, $0x0;
	_ =	sdelay $0xe  }
0xcb: {  	s5 =	spop (v2sf)  }
0xcc: {  	p2 =	seq.s32 s9, s5  }
0xcd: {  	p4 =	sgt.s32 @!p2 s9, $0x0;
	s3 =	sshll.u32 @!p2 s2, $0xA;
	s2 =	sadd.s32 @!p2 $0x1, s2  }
0xce: {  	p4 =	por !p4, p2;
	s3 =	sshra.s32 @!p2 s3, $0x2;
	s2 =	smov.u32 @p2 s11  }
0xcf: {  	s9 =	simm.s32 @p4 $0x0;
	s10 =	sadd.s32 @!p2 $0x7308, s3;
	s3 =	sadd.s32 @!p2 $0x7388, s3  }
.Ltmp15:
0xd0: {  	s9 =	smin.u32 @!p2 s9, $0x4E170;
	(pc) =	sbr.rel @!p3 .LBB2_16-.Ltmp15, $4  }
0xd1: {  	s11 =	sand.u32 @!p2 $0x7FFF8, s9;
	s14 =	sadd.s32 @!p2 $0x80, s9  }
0xd2: {  	s9 =	sand.u32 @!p2 $0x7, s9;
	s11 =	sadd.s32 @!p2 s1, s11;
	s14 =	sand.u32 @!p2 $0xFFFF8, s14  }
0xd3: {  	[tilespmem:s10], [sflag:$0x2] =	stream.linear.gather @!p2 [hbm4b:s11+s9], $0x80, $0x38;
	[tilespmem:$0x1E678] =	vst v63  }
0xd4: {  	s4 =	sadd.s32 $0x1, s4;
	s10 =	sadd.s32 @!p2 s1, s14  }
.LBB2_17:
0xd5: {  	[tilespmem:s3], [sflag:$0x2] =	stream.linear.gather @!p2 [hbm4b:s10+s9], $0x80, $0x38;
	[tilespmem:$0x1E678] =	vst v63  }
0xd6: {  	s0 =	sshll.u32 s2, $0x8  }
.Ltmp16:
0xd7: {  	s14 =	simm.s32 $0x2;
	s0 =	sand.u32 $0x3FFFFF00, s0;
	(pc) =	sbr.rel .LBB2_18-.Ltmp16, $4  }
0xd8: {  	_ =	swait.ge [sflag:s14], s0  }
0xd9: {  	s0 =	ssub.s32 $0x0, s0;
	[sflag:s14] =	ssyncset.done $0x0  }
0xda: {  	s4 =	simm.s32 $0x0;
	s11 =	smov.u32 s7;
	[sflag:s14] =	ssyncadd.s32 s0  }
0xdb: {  	s14 =	smov.u32 s15;
	s15 =	smov.u32 s17;
	s17 =	simm.s32 $0xC  }
.LBB2_19:
0xdc: {  	v1 =	vld [tilespmem:s28+$0xFFFFFF80];
	_ =	sdelay $0x4  }
0xdd: {  	[tilespmem:s5+$0x208] =	vst.add.f32.msk $0xffff, v1  }
0xde: {  	v1 =	vld [tilespmem:s28+$0xFFFFFF90];
	_ =	sdelay $0x4  }
0xdf: {  	[tilespmem:s5+$0x218] =	vst.add.f32.msk $0xffff, v1  }
0xe0: {  	v1 =	vld [tilespmem:s28+$0xFFFFFFA0];
	_ =	sdelay $0x4  }
0xe1: {  	[tilespmem:s5+$0x228] =	vst.add.f32.msk $0xffff, v1  }
0xe2: {  	v1 =	vld [tilespmem:s28+$0xFFFFFFB0];
	_ =	sdelay $0x4  }
0xe3: {  	[tilespmem:s5+$0x238] =	vst.add.f32.msk $0xffff, v1  }
0xe4: {  	v1 =	vld [tilespmem:s28+$0xFFFFFFC0];
	_ =	sdelay $0x4  }
0xe5: {  	[tilespmem:s5+$0x248] =	vst.add.f32.msk $0xffff, v1  }
0xe6: {  	v1 =	vld [tilespmem:s28+$0xFFFFFFD0];
	_ =	sdelay $0x4  }
0xe7: {  	[tilespmem:s5+$0x258] =	vst.add.f32.msk $0xffff, v1  }
0xe8: {  	v1 =	vld [tilespmem:s28+$0xFFFFFFE0];
	_ =	sdelay $0x4  }
0xe9: {  	[tilespmem:s5+$0x268] =	vst.add.f32.msk $0xffff, v1  }
0xea: {  	v1 =	vld [tilespmem:s28+$0xFFFFFFF0];
	_ =	sdelay $0x4  }
0xeb: {  	[tilespmem:s5+$0x278] =	vst.add.f32.msk $0xffff, v1  }
0xec: {  	v1 =	vld [tilespmem:s28+$0x0];
	_ =	sdelay $0x4  }
0xed: {  	[tilespmem:s5+$0x288] =	vst.add.f32.msk $0xffff, v1  }
0xee: {  	v1 =	vld [tilespmem:s28+$0x10];
	_ =	sdelay $0x4  }
0xef: {  	[tilespmem:s5+$0x298] =	vst.add.f32.msk $0xffff, v1  }
0xf0: {  	v1 =	vld [tilespmem:s28+$0x20];
	_ =	sdelay $0x4  }
0xf1: {  	[tilespmem:s5+$0x2A8] =	vst.add.f32.msk $0xffff, v1  }
0xf2: {  	v1 =	vld [tilespmem:s28+$0x30];
	_ =	sdelay $0x4  }
0xf3: {  	[tilespmem:s5+$0x2B8] =	vst.add.f32.msk $0xffff, v1  }
0xf4: {  	v1 =	vld [tilespmem:s28+$0x40];
	_ =	sdelay $0x4  }
0xf5: {  	[tilespmem:s5+$0x2C8] =	vst.add.f32.msk $0xffff, v1  }
0xf6: {  	v1 =	vld [tilespmem:s28+$0x50];
	_ =	sdelay $0x4  }
0xf7: {  	[tilespmem:s5+$0x2D8] =	vst.add.f32.msk $0xffff, v1  }
0xf8: {  	v1 =	vld [tilespmem:s28+$0x60];
	_ =	sdelay $0x4  }
0xf9: {  	[tilespmem:s5+$0x2E8] =	vst.add.f32.msk $0xffff, v1  }
0xfa: {  	v1 =	vld [tilespmem:s28+$0x70];
	_ =	sdelay $0x4  }
0xfb: {  	[tilespmem:s5+$0x2F8] =	vst.add.f32.msk $0xffff, v1  }
.LBB2_23:
0xfc: {  	s29 =	sadd.s32 $0x1, s29  }
0xfd: {  	p2 =	seq.s32 s29, $0x0  }
.Ltmp17:
0xfe: {  	_ = 	snop;
	(pc) =	sbr.rel @p2 .LBB2_24-.Ltmp17, $2  }
0xff: {  	_ =	sdelay $0x2  }
0x100: {  	s25 =	sadd.s32 $0x1, s25;
	s28 =	sadd.s32 $0x100, s28;
	s31 =	smov.u32 s0  }
.LBB2_18:
0x101: {  	v1 =	vld.msk [tilespmem:s25+$0x0], $0x1;
	_ =	sdelay $0x4  }
0x102: {  	(v2sf) =	vpush v1, $0x0;
	_ =	sdelay $0xe  }
0x103: {  	s0 =	spop (v2sf)  }
0x104: {  	p2 =	sne.s32 s31, s0  }
.Ltmp18:
0x105: {  	_ = 	snop;
	(pc) =	sbr.rel @!p2 .LBB2_19-.Ltmp18, $3  }
0x106: {  	_ =	sdelay $0x1  }
0x107: {  	s2 =	sshll.u32 s24, $0xA  }
0x108: {  	s5 =	sshra.s32 s2, $0x2  }
0x109: {  	p2 =	seq.s32 s31, s26  }
.Ltmp19:
0x10a: {  	_ = 	snop;
	(pc) =	sbr.rel @!p2 .LBB2_21-.Ltmp19, $1  }
0x10b: {  	_ =	sdelay $0x3  }
.Ltmp20:
0x10c: {  	s2 =	sadd.s32 $0x208, s5;
	(pc) =	sbr.rel .LBB2_22-.Ltmp20, $4  }
0x10d: {  	[spmem:s16] =	stream.linear.scatter [tilespmem:s2], [sflag:$0x1], $0x100, $0x38;
	[tilespmem:$0x1E678] =	vst v63  }
0x10e: {  	_ =	swait.ge [sflag:s12], $0x100  }
0x10f: {  	[sflag:s12] =	ssyncset.done $0x0  }
0x110: {  	[sflag:s12] =	ssyncadd.s32 $0xFFFFFF00  }
.LBB2_21:
0x111: {  	s2 =	sshll.u32 s30, $0xA  }
0x112: {  	s2 =	sshra.s32 s2, $0x2  }
0x113: {  	v1 =	vld [tilespmem:s2+$0x7308];
	_ =	sdelay $0x4  }
0x114: {  	[tilespmem:s5+$0x208] =	vst.add.f32.msk $0xffff, v1  }
0x115: {  	v1 =	vld [tilespmem:s2+$0x7318];
	_ =	sdelay $0x4  }
0x116: {  	[tilespmem:s5+$0x218] =	vst.add.f32.msk $0xffff, v1  }
0x117: {  	v1 =	vld [tilespmem:s2+$0x7328];
	_ =	sdelay $0x4  }
0x118: {  	[tilespmem:s5+$0x228] =	vst.add.f32.msk $0xffff, v1  }
0x119: {  	v1 =	vld [tilespmem:s2+$0x7338];
	_ =	sdelay $0x4  }
0x11a: {  	[tilespmem:s5+$0x238] =	vst.add.f32.msk $0xffff, v1  }
0x11b: {  	v1 =	vld [tilespmem:s2+$0x7348];
	_ =	sdelay $0x4  }
0x11c: {  	[tilespmem:s5+$0x248] =	vst.add.f32.msk $0xffff, v1  }
0x11d: {  	v1 =	vld [tilespmem:s2+$0x7358];
	_ =	sdelay $0x4  }
0x11e: {  	[tilespmem:s5+$0x258] =	vst.add.f32.msk $0xffff, v1  }
0x11f: {  	v1 =	vld [tilespmem:s2+$0x7368];
	_ =	sdelay $0x4  }
0x120: {  	[tilespmem:s5+$0x268] =	vst.add.f32.msk $0xffff, v1  }
0x121: {  	v1 =	vld [tilespmem:s2+$0x7378];
	_ =	sdelay $0x4  }
0x122: {  	[tilespmem:s5+$0x278] =	vst.add.f32.msk $0xffff, v1  }
0x123: {  	v1 =	vld [tilespmem:s2+$0x7388];
	_ =	sdelay $0x4  }
0x124: {  	[tilespmem:s5+$0x288] =	vst.add.f32.msk $0xffff, v1  }
0x125: {  	v1 =	vld [tilespmem:s2+$0x7398];
	_ =	sdelay $0x4  }
0x126: {  	[tilespmem:s5+$0x298] =	vst.add.f32.msk $0xffff, v1  }
0x127: {  	v1 =	vld [tilespmem:s2+$0x73A8];
	_ =	sdelay $0x4  }
0x128: {  	[tilespmem:s5+$0x2A8] =	vst.add.f32.msk $0xffff, v1  }
0x129: {  	v1 =	vld [tilespmem:s2+$0x73B8];
	_ =	sdelay $0x4  }
0x12a: {  	[tilespmem:s5+$0x2B8] =	vst.add.f32.msk $0xffff, v1  }
0x12b: {  	v1 =	vld [tilespmem:s2+$0x73C8];
	_ =	sdelay $0x4  }
0x12c: {  	[tilespmem:s5+$0x2C8] =	vst.add.f32.msk $0xffff, v1  }
0x12d: {  	v1 =	vld [tilespmem:s2+$0x73D8];
	_ =	sdelay $0x4  }
0x12e: {  	[tilespmem:s5+$0x2D8] =	vst.add.f32.msk $0xffff, v1  }
0x12f: {  	v1 =	vld [tilespmem:s2+$0x73E8];
	_ =	sdelay $0x4  }
0x130: {  	[tilespmem:s5+$0x2E8] =	vst.add.f32.msk $0xffff, v1  }
0x131: {  	v1 =	vld [tilespmem:s2+$0x73F8];
	_ =	sdelay $0x2  }
0x132: {  	p2 =	sgt.u32 s31, $0x4E170  }
0x133: {  	s2 =	sand.u32 @!p2 $0x7FFF8, s31  }
0x134: {  	s3 =	sadd.s32 $0x208, s5;
	s9 =	sand.u32 @!p2 $0x7, s31;
	s2 =	sadd.s32 @!p2 s1, s2;
	[tilespmem:s5+$0x2F8] =	vst.add.f32.msk $0xffff, v1  }
0x135: {  	[hbm4b:s2+s9] =	stream.linear.scatter @!p2 [tilespmem:s3], [sflag:$0xC], $0x80, $0x38;
	[tilespmem:$0x1E678] =	vst v63  }
0x136: {  	s2 =	sadd.s32 @!p2 $0x80, s31  }
0x137: {  	s2 =	sand.u32 @!p2 $0xFFFF8, s2  }
0x138: {  	s3 =	sadd.s32 $0x288, s5;
	s2 =	sadd.s32 @!p2 s1, s2  }
0x139: {  	[hbm4b:s2+s9] =	stream.linear.scatter @!p2 [tilespmem:s3], [sflag:$0xC], $0x80, $0x38;
	[tilespmem:$0x1E678] =	vst v63  }
0x13a: {  	s2 =	simm.s32 $0x0  }
0x13b: {  	s2 =	simm.s32 @!p2 $0x400  }
0x13c: {  	s4 =	sadd.s32 s2, s4  }
.LBB2_22:
0x13d: {  	s2 =	sadd.s32 $0x1, s24  }
0x13e: {  	s3 =	sshrl.u32 s2, $0x4  }
0x13f: {  	s3 =	smulhi.u32 $0x24924925, s3  }
0x140: {  	v1 =	vld [tilespmem:s28+$0xFFFFFF80]  }
0x141: {  	s3 =	smul.u32 $0x70, s3;
	_ =	sdelay $0x1  }
0x142: {  	s24 =	ssub.s32 s2, s3  }
0x143: {  	s2 =	sshll.u32 s24, $0x8  }
0x144: {  	[tilespmem:s2+$0x208] =	vst v1  }
0x145: {  	v1 =	vld [tilespmem:s28+$0xFFFFFF90];
	_ =	sdelay $0x4  }
0x146: {  	[tilespmem:s2+$0x218] =	vst v1  }
0x147: {  	v1 =	vld [tilespmem:s28+$0xFFFFFFA0];
	_ =	sdelay $0x4  }
0x148: {  	[tilespmem:s2+$0x228] =	vst v1  }
0x149: {  	v1 =	vld [tilespmem:s28+$0xFFFFFFB0];
	_ =	sdelay $0x4  }
0x14a: {  	[tilespmem:s2+$0x238] =	vst v1  }
0x14b: {  	v1 =	vld [tilespmem:s28+$0xFFFFFFC0];
	_ =	sdelay $0x4  }
0x14c: {  	[tilespmem:s2+$0x248] =	vst v1  }
0x14d: {  	v1 =	vld [tilespmem:s28+$0xFFFFFFD0];
	_ =	sdelay $0x4  }
0x14e: {  	[tilespmem:s2+$0x258] =	vst v1  }
0x14f: {  	v1 =	vld [tilespmem:s28+$0xFFFFFFE0];
	_ =	sdelay $0x4  }
0x150: {  	[tilespmem:s2+$0x268] =	vst v1  }
0x151: {  	v1 =	vld [tilespmem:s28+$0xFFFFFFF0];
	_ =	sdelay $0x4  }
0x152: {  	[tilespmem:s2+$0x278] =	vst v1  }
0x153: {  	v1 =	vld [tilespmem:s28+$0x0];
	_ =	sdelay $0x4  }
0x154: {  	[tilespmem:s2+$0x288] =	vst v1  }
0x155: {  	v1 =	vld [tilespmem:s28+$0x10];
	_ =	sdelay $0x4  }
0x156: {  	[tilespmem:s2+$0x298] =	vst v1  }
0x157: {  	v1 =	vld [tilespmem:s28+$0x20];
	_ =	sdelay $0x4  }
0x158: {  	[tilespmem:s2+$0x2A8] =	vst v1  }
0x159: {  	v1 =	vld [tilespmem:s28+$0x30];
	_ =	sdelay $0x4  }
0x15a: {  	[tilespmem:s2+$0x2B8] =	vst v1  }
0x15b: {  	v1 =	vld [tilespmem:s28+$0x40];
	_ =	sdelay $0x4  }
0x15c: {  	[tilespmem:s2+$0x2C8] =	vst v1  }
0x15d: {  	v1 =	vld [tilespmem:s28+$0x50];
	_ =	sdelay $0x4  }
0x15e: {  	[tilespmem:s2+$0x2D8] =	vst v1  }
0x15f: {  	v1 =	vld [tilespmem:s28+$0x60];
	_ =	sdelay $0x4  }
0x160: {  	[tilespmem:s2+$0x2E8] =	vst v1  }
0x161: {  	v1 =	vld [tilespmem:s28+$0x70]  }
.Ltmp21:
0x162: {  	_ = 	snop;
	(pc) =	sbr.rel .LBB2_23-.Ltmp21, $2  }
0x163: {  	_ =	sdelay $0x2  }
0x164: {  	s30 =	sadd.s32 $0x1, s30;
	[tilespmem:s2+$0x2F8] =	vst v1  }
.LBB2_25:
.Ltmp22:
0x165: {  	(pc) =	sbr.rel .LBB2_26-.Ltmp22, $4  }
0x166: {  	_ = 	snop  }
0x167: {  	s0 =	simm.s32 $0x2  }
0x168: {  	_ =	swait.ge [sflag:s0], $0x0  }
0x169: {  	s2 =	simm.s32 $0x0;
	[sflag:s0] =	ssyncset.done $0x0;
	s0 =	smov.u32 s31  }
.LBB2_28:
0x16a: {  	_ =	sfence.sel $0x180000  }
0x16b: {  	s0 =	simm.s32 $0x9;
	[bflag:$0x0] =	sbarrier.arrive $0xFFFF  }
0x16c: {  	s24 =	simm.s32 $0xA;
	[sflag:s0] =	ssyncpa.u1 $0x1  }
0x16d: {  	s25 =	simm.s32 $0xB;
	[sflag:s24] =	ssyncpa.u1 $0x1  }
0x16e: {  	s26 =	simm.s32 $0x2;
	[sflag:s25] =	ssyncpa.u1 $0x1  }
0x16f: {  	[sflag:s26] =	ssyncpa.u1 $0x1  }
0x170: {  	v0 =	vld [tilespmem:$0xE408];
	_ =	sdelay $0x4  }
0x171: {  	(v2sf) =	vpush v0, $0x0  }
0x172: {  	(v2sf) =	vpush v0, $0x1;
	_ =	sdelay $0x1  }
0x173: {  	(v2sf) =	vpush v0, $0x2;
	_ =	sdelay $0xb  }
0x174: {  	s0 =	spop (v2sf)  }
0x175: {  	s2 =	spop (v2sf)  }
0x176: {  	s3 =	smov.u32 s0;
	p0 =	sne.s32 s0, s2  }
0x177: {  	s4 =	spop (v2sf);
	s3 =	simm.s32 @!p0 $0xFFFFFFFF  }
0x178: {  	v2 =	vimm.s32 $0x1;
	v3 =	vlaneseq.u32;
	p0 =	seq.s32 s4, $0xFFFFFFFF;
	v1 =	vmov s3  }
0x179: {  	s15 =	stileid.u32;
	v0 =	vperm.xlane v0, v2;
	p1 =	sne.s32 @!p0 s0, s2;
	v1 =	vperm.xlane v1, v3  }
0x17a: {  	vm0 =	vcmask $0x3F04;
	s6 =	simm.s32 $0xE408;
	s0 =	simm.s32 @!p0 $0x1;
	p1 =	por !p1, p0  }
0x17b: {  	s3 =	sshll.u32 s15, $0x1;
	s2 =	sshll.u32 @!p0 s4, $0xA;
	s0 =	simm.s32 @p1 $0x0;
	v0 =	vsel vm0, v1, v0  }
0x17c: {  	s5 =	sor.u32 $0x2000, s3;
	s2 =	sshra.s32 @!p0 s2, $0x2;
	s0 =	sor.u32 @!p0 s0, s3;
	[tilespmem:$0xE408] =	vst v0  }
0x17d: {  	[spmem:s5] =	stream.linear.scatter [tilespmem:s6], [sflag:$0x1], $0x2, $0x38;
	[tilespmem:$0x1E678] =	vst v63  }
0x17e: {  	s2 =	sadd.s32 @!p0 $0x208, s2;
	s0 =	sshll.u32 @!p0 s0, $0x8  }
0x17f: {  	[spmem:s0] =	stream.linear.scatter @!p0 [tilespmem:s2], [sflag:$0x1], $0x100, $0x38;
	[tilespmem:$0x1E678] =	vst v63  }
0x180: {  	s0 =	simm.s32 @!p0 $0x102  }
0x181: {  	s28 =	simm.s32 $0x1;
	s0 =	simm.s32 @p0 $0x2  }
0x182: {  	_ =	swait.ge [sflag:s28], s0  }
0x183: {  	s0 =	ssub.s32 $0x0, s0;
	[sflag:s28] =	ssyncset.done $0x0  }
0x184: {  	p0 =	sne.s32 s15, $0x0;
	[sflag:s28] =	ssyncadd.s32 s0  }
.Ltmp23:
0x185: {  	_ =	sfence.stream.spmem;
	(pc) =	sbr.rel @p0 .LBB2_45-.Ltmp23, $4  }
0x186: {  	s29 =	simm.s32 $0x3;
	[bflag:$0x0] =	sbarrier.arrive $0xFFFF  }
0x187: {  	s30 =	simm.s32 $0x4;
	[sflag:s29] =	ssyncpa.u1 $0x1  }
0x188: {  	s31 =	simm.s32 $0x3C;
	[sflag:s30] =	ssyncpa.u1 $0x1  }
0x189: {  	s14 =	rddreg [dreg:$0x4];
	[sflag:s31] =	ssyncpa.u1 $0x1  }
0x18a: {  	_ =	sfence.stream.spmem;
	s0 =	simm.s32 $0x5  }
0x18b: {  	s2 =	simm.s32 $0x2000;
	s3 =	simm.s32 $0xE418;
	[sflag:s0] =	ssyncpa.u1 $0x0  }
0x18c: {  	[tilespmem:s3], [sflag:$0x5] =	stream.linear.gather [spmem:s2], $0x20, $0x38;
	[tilespmem:$0x1E678] =	vst v63  }
0x18d: {  	s26 =	simm.s32 $0x0;
	s28 =	simm.s32 $0xE438  }
0x18e: {  	[tilespmem:s28], [sflag:$0x5] =	stream.linear.gather [spmem:s26], $0x2000, $0x38;
	[tilespmem:$0x1E678] =	vst v63  }
0x18f: {  	_ =	swait.ge [sflag:s0], $0x2020  }
0x190: {  	[sflag:s0] =	ssyncset.done $0x0  }
0x191: {  	s29 =	simm.s32 $0x0;
	[sflag:s0] =	ssyncadd.s32 $0xFFFFDFE0  }
0x192: {  	v0 =	vld.msk [tilespmem:s29+$0xE418], $0x1;
	_ =	sdelay $0x1  }
0x193: {  	s30 =	simm.s32 $0x1  }
0x194: {  	v1 =	vld.msk [tilespmem:s30+$0xE418], $0x1;
	_ =	sdelay $0x1  }
0x195: {  	(v2sf) =	vpush v0, $0x0;
	_ =	sdelay $0x2  }
0x196: {  	(v2sf) =	vpush v1, $0x0;
	_ =	sdelay $0x2  }
0x197: {  	s31 =	simm.s32 $0x2  }
0x198: {  	v0 =	vld.msk [tilespmem:s31+$0xE418], $0x1;
	_ =	sdelay $0x2  }
0x199: {  	s2 =	simm.s32 $0xFFFFFFFF;
	s3 =	simm.s32 $0xFFFFFFFF;
	s0 =	simm.s32 $0xC  }
.LBB2_30:
0x19a: {  	s4 =	smov.u32 s3;
	s5 =	smov.u32 s2  }
0x19b: {  	s2 =	sshra.s32 s0, $0x2;
	p1 =	sne.s32 s0, $0x7C;
	s0 =	sadd.s32 $0x4, s0;
	(v2sf) =	vpush v0, $0x0  }
0x19c: {  	v0 =	vld.msk [tilespmem:s2+$0xE418], $0x1  }
.Ltmp24:
0x19d: {  	(pc) =	sbr.rel @p1 .LBB2_30-.Ltmp24, $4  }
0x19e: {  	s3 =	spop (v2sf)  }
0x19f: {  	p2 =	sne.s32 s5, $0xFFFFFFFF;
	s2 =	smov.u32 s3  }
0x1a0: {  	p3 =	seq.s32 s3, $0xFFFFFFFF;
	s2 =	smov.u32 @p2 s5  }
0x1a1: {  	s3 =	smov.u32 @p3 s4;
	s2 =	smov.u32 @p3 s5  }
0x1a2: {  	(v2sf) =	vpush v0, $0x0;
	_ =	sdelay $0x8  }
0x1a3: {  	s0 =	spop (v2sf)  }
0x1a4: {  	p1 =	sne.s32 s2, $0xFFFFFFFF;
	s9 =	simm.s32 $0x6;
	s4 =	smov.u32 s0  }
0x1a5: {  	s6 =	simm.s32 $0x0;
	p2 =	seq.s32 s0, $0xFFFFFFFF;
	s4 =	smov.u32 @p1 s2  }
0x1a6: {  	s10 =	simm.s32 $0xE308;
	s4 =	smov.u32 @p2 s2;
	s2 =	spop (v2sf)  }
0x1a7: {  	s0 =	smov.u32 @p2 s3;
	p1 =	sne.s32 s4, $0xFFFFFFFF;
	s5 =	smov.u32 s2  }
.Ltmp25:
0x1a8: {  	p2 =	seq.s32 s2, $0xFFFFFFFF;
	s5 =	smov.u32 @p1 s4;
	(pc) =	sbr.rel .LBB2_32-.Ltmp25, $4  }
0x1a9: {  	s11 =	simm.s32 $0xE388;
	s5 =	smov.u32 @p2 s4;
	s7 =	spop (v2sf)  }
0x1aa: {  	s12 =	simm.s32 $0x0;
	p1 =	sne.s32 s5, $0xFFFFFFFF;
	s8 =	smov.u32 s7  }
0x1ab: {  	s2 =	smov.u32 @p2 s0;
	p2 =	seq.s32 s7, $0xFFFFFFFF;
	s8 =	smov.u32 @p1 s5  }
0x1ac: {  	[sflag:s9] =	ssyncpa.u1 $0x0;
	s7 =	smov.u32 @p2 s2;
	s8 =	smov.u32 @p2 s5  }
.LBB2_38:
0x1ad: {  	p1 =	sgt.u32 s0, $0x4E170  }
0x1ae: {  	p2 =	seq.s32 @!p1 s0, s8  }
0x1af: {  	p1 =	por p1, p2  }
0x1b0: {  	p2 =	sne.s32 @!p1 s0, s7  }
0x1b1: {  	p1 =	por p1, !p2  }
0x1b2: {  	s0 =	sshll.u32 @p1 s12, $0xA  }
0x1b3: {  	s2 =	sand.u32 @!p1 $0x7FFF8, s0;
	s3 =	sand.u32 @!p1 $0x7, s0;
	s0 =	sadd.s32 @!p1 $0x80, s0  }
0x1b4: {  	s2 =	sadd.s32 @!p1 s1, s2;
	s0 =	sand.u32 @!p1 $0xFFFF8, s0  }
0x1b5: {  	[tilespmem:s10], [sflag:$0x6] =	stream.linear.gather @!p1 [hbm4b:s2+s3], $0x80, $0x38;
	[tilespmem:$0x1E678] =	vst v63  }
0x1b6: {  	s0 =	sadd.s32 @!p1 s1, s0  }
0x1b7: {  	[tilespmem:s11], [sflag:$0x6] =	stream.linear.gather @!p1 [hbm4b:s0+s3], $0x80, $0x38;
	[tilespmem:$0x1E678] =	vst v63  }
0x1b8: {  	_ =	swait.ge @!p1 [sflag:s9], $0x100  }
0x1b9: {  	[sflag:s9] =	ssyncset.done @!p1 $0x0  }
0x1ba: {  	[sflag:s9] =	ssyncadd.s32 @!p1 $0xFFFFFF00  }
0x1bb: {  	v1 =	vld @!p1 [tilespmem:$0xE308];
	_ =	sdelay $0x2  }
0x1bc: {  	s0 =	sshll.u32 @!p1 s12, $0xA  }
0x1bd: {  	s2 =	sshrl.u32 @!p1 s0, $0x2  }
0x1be: {  	[tilespmem:s2+$0xE438] =	vst.add.f32.msk @!p1 $0xffff, v1  }
0x1bf: {  	v1 =	vld @!p1 [tilespmem:$0xE318];
	_ =	sdelay $0x4  }
0x1c0: {  	[tilespmem:s2+$0xE448] =	vst.add.f32.msk @!p1 $0xffff, v1  }
0x1c1: {  	v1 =	vld @!p1 [tilespmem:$0xE328];
	_ =	sdelay $0x4  }
0x1c2: {  	[tilespmem:s2+$0xE458] =	vst.add.f32.msk @!p1 $0xffff, v1  }
0x1c3: {  	v1 =	vld @!p1 [tilespmem:$0xE338];
	_ =	sdelay $0x4  }
0x1c4: {  	[tilespmem:s2+$0xE468] =	vst.add.f32.msk @!p1 $0xffff, v1  }
0x1c5: {  	v1 =	vld @!p1 [tilespmem:$0xE348];
	_ =	sdelay $0x4  }
0x1c6: {  	[tilespmem:s2+$0xE478] =	vst.add.f32.msk @!p1 $0xffff, v1  }
0x1c7: {  	v1 =	vld @!p1 [tilespmem:$0xE358];
	_ =	sdelay $0x4  }
0x1c8: {  	[tilespmem:s2+$0xE488] =	vst.add.f32.msk @!p1 $0xffff, v1  }
0x1c9: {  	v1 =	vld @!p1 [tilespmem:$0xE368];
	_ =	sdelay $0x4  }
0x1ca: {  	[tilespmem:s2+$0xE498] =	vst.add.f32.msk @!p1 $0xffff, v1  }
0x1cb: {  	v1 =	vld @!p1 [tilespmem:$0xE378];
	_ =	sdelay $0x4  }
0x1cc: {  	[tilespmem:s2+$0xE4A8] =	vst.add.f32.msk @!p1 $0xffff, v1  }
0x1cd: {  	v1 =	vld @!p1 [tilespmem:$0xE388];
	_ =	sdelay $0x4  }
0x1ce: {  	[tilespmem:s2+$0xE4B8] =	vst.add.f32.msk @!p1 $0xffff, v1  }
0x1cf: {  	v1 =	vld @!p1 [tilespmem:$0xE398];
	_ =	sdelay $0x4  }
0x1d0: {  	[tilespmem:s2+$0xE4C8] =	vst.add.f32.msk @!p1 $0xffff, v1  }
0x1d1: {  	v1 =	vld @!p1 [tilespmem:$0xE3A8];
	_ =	sdelay $0x4  }
0x1d2: {  	[tilespmem:s2+$0xE4D8] =	vst.add.f32.msk @!p1 $0xffff, v1  }
0x1d3: {  	v1 =	vld @!p1 [tilespmem:$0xE3B8];
	_ =	sdelay $0x4  }
0x1d4: {  	[tilespmem:s2+$0xE4E8] =	vst.add.f32.msk @!p1 $0xffff, v1  }
0x1d5: {  	v1 =	vld @!p1 [tilespmem:$0xE3C8];
	_ =	sdelay $0x4  }
0x1d6: {  	[tilespmem:s2+$0xE4F8] =	vst.add.f32.msk @!p1 $0xffff, v1  }
0x1d7: {  	v1 =	vld @!p1 [tilespmem:$0xE3D8];
	_ =	sdelay $0x4  }
0x1d8: {  	[tilespmem:s2+$0xE508] =	vst.add.f32.msk @!p1 $0xffff, v1  }
0x1d9: {  	v1 =	vld @!p1 [tilespmem:$0xE3E8];
	_ =	sdelay $0x4  }
0x1da: {  	[tilespmem:s2+$0xE518] =	vst.add.f32.msk @!p1 $0xffff, v1  }
0x1db: {  	v1 =	vld @!p1 [tilespmem:$0xE3F8];
	_ =	sdelay $0x4  }
0x1dc: {  	[tilespmem:s2+$0xE528] =	vst.add.f32.msk @!p1 $0xffff, v1  }
0x1dd: {  	s0 =	sshrl.u32 s0, $0x2;
	[tilespmem:s6+$0xE418] =	vst.msk $0x1, v0  }
0x1de: {  	v0 =	vld [tilespmem:s0+$0xE438];
	_ =	sdelay $0x2  }
0x1df: {  	s31 =	sshll.u32 s6, $0xA  }
0x1e0: {  	s2 =	sshra.s32 s31, $0x2  }
0x1e1: {  	[tilespmem:s2+$0xE438] =	vst v0  }
0x1e2: {  	v0 =	vld [tilespmem:s0+$0xE448];
	_ =	sdelay $0x4  }
0x1e3: {  	[tilespmem:s2+$0xE448] =	vst v0  }
0x1e4: {  	v0 =	vld [tilespmem:s0+$0xE458];
	_ =	sdelay $0x4  }
0x1e5: {  	[tilespmem:s2+$0xE458] =	vst v0  }
0x1e6: {  	v0 =	vld [tilespmem:s0+$0xE468];
	_ =	sdelay $0x4  }
0x1e7: {  	[tilespmem:s2+$0xE468] =	vst v0  }
0x1e8: {  	v0 =	vld [tilespmem:s0+$0xE478];
	_ =	sdelay $0x4  }
0x1e9: {  	[tilespmem:s2+$0xE478] =	vst v0  }
0x1ea: {  	v0 =	vld [tilespmem:s0+$0xE488];
	_ =	sdelay $0x4  }
0x1eb: {  	[tilespmem:s2+$0xE488] =	vst v0  }
0x1ec: {  	v0 =	vld [tilespmem:s0+$0xE498];
	_ =	sdelay $0x4  }
0x1ed: {  	[tilespmem:s2+$0xE498] =	vst v0  }
0x1ee: {  	v0 =	vld [tilespmem:s0+$0xE4A8];
	_ =	sdelay $0x4  }
0x1ef: {  	[tilespmem:s2+$0xE4A8] =	vst v0  }
0x1f0: {  	v0 =	vld [tilespmem:s0+$0xE4B8];
	_ =	sdelay $0x4  }
0x1f1: {  	[tilespmem:s2+$0xE4B8] =	vst v0  }
0x1f2: {  	v0 =	vld [tilespmem:s0+$0xE4C8];
	_ =	sdelay $0x4  }
0x1f3: {  	[tilespmem:s2+$0xE4C8] =	vst v0  }
0x1f4: {  	v0 =	vld [tilespmem:s0+$0xE4D8];
	_ =	sdelay $0x4  }
0x1f5: {  	[tilespmem:s2+$0xE4D8] =	vst v0  }
0x1f6: {  	v0 =	vld [tilespmem:s0+$0xE4E8];
	_ =	sdelay $0x4  }
0x1f7: {  	[tilespmem:s2+$0xE4E8] =	vst v0  }
0x1f8: {  	v0 =	vld [tilespmem:s0+$0xE4F8];
	_ =	sdelay $0x4  }
0x1f9: {  	[tilespmem:s2+$0xE4F8] =	vst v0  }
0x1fa: {  	v0 =	vld [tilespmem:s0+$0xE508];
	_ =	sdelay $0x4  }
0x1fb: {  	[tilespmem:s2+$0xE508] =	vst v0  }
0x1fc: {  	v0 =	vld [tilespmem:s0+$0xE518];
	_ =	sdelay $0x4  }
0x1fd: {  	[tilespmem:s2+$0xE518] =	vst v0  }
0x1fe: {  	v0 =	vld [tilespmem:s0+$0xE528];
	_ =	sdelay $0x4  }
0x1ff: {  	s6 =	sadd.s32 $0x1, s6;
	[tilespmem:s2+$0xE528] =	vst v0  }
.LBB2_39:
0x200: {  	s12 =	sadd.s32 $0x1, s12  }
0x201: {  	p1 =	sne.s32 s12, $0x20  }
.Ltmp26:
0x202: {  	_ = 	snop;
	(pc) =	sbr.rel @!p1 .LBB2_40-.Ltmp26, $1  }
0x203: {  	_ =	sdelay $0x3  }
.LBB2_32:
0x204: {  	v0 =	vld.msk [tilespmem:s12+$0xE418], $0x1;
	_ =	sdelay $0x4  }
0x205: {  	(v2sf) =	vpush v0, $0x0;
	_ =	sdelay $0xe  }
0x206: {  	s0 =	spop (v2sf)  }
0x207: {  	p1 =	seq.s32 s0, $0xFFFFFFFF  }
.Ltmp27:
0x208: {  	_ = 	snop;
	(pc) =	sbr.rel @p1 .LBB2_39-.Ltmp27, $1  }
0x209: {  	_ =	sdelay $0x3  }
0x20a: {  	p1 =	slt.s32 s6, $0x1  }
.Ltmp28:
0x20b: {  	_ = 	snop;
	(pc) =	sbr.rel @p1 .LBB2_38-.Ltmp28, $1  }
0x20c: {  	_ =	sdelay $0x3  }
0x20d: {  	s4 =	simm.s32 $0xE418;
	p1 =	por $0x0, $0x0  }
0x20e: {  	v1 =	vld.msk @!p1 [tilespmem:s4+$0x0], $0x1;
	_ =	sdelay $0x4  }
0x20f: {  	(v2sf) =	vpush @!p1 v1, $0x0;
	_ =	sdelay $0xd  }
0x210: {  	p3 =	sne.s32 s6, $0x1  }
.Ltmp29:
0x211: {  	s2 =	spop @!p1 (v2sf);
	(pc) =	sbr.rel @!p3 .LBB2_36-.Ltmp29, $4  }
0x212: {  	p2 =	seq.s32 @!p1 s0, s2  }
0x213: {  	s5 =	simm.s32 $0x0;
	p2 =	por !p2, p1  }
0x214: {  	s2 =	simm.s32 $0xFFFFFFFF;
	s5 =	simm.s32 @p2 $0xFFFFFFFF  }
0x215: {  	s13 =	simm.s32 $0x1;
	s5 =	smov.u32 @p1 s2  }
.LBB2_35:
0x216: {  	s2 =	smov.u32 s5;
	p1 =	sne.s32 s5, $0xFFFFFFFF  }
0x217: {  	s4 =	sadd.s32 $0x1, s4;
	s5 =	smov.u32 s13;
	s13 =	sadd.s32 $0x1, s13  }
0x218: {  	p2 =	sne.s32 s6, s13;
	v1 =	vld.msk @!p1 [tilespmem:s4+$0x0], $0x1;
	_ =	sdelay $0x4  }
0x219: {  	(v2sf) =	vpush @!p1 v1, $0x0;
	_ =	sdelay $0xe  }
.Ltmp30:
0x21a: {  	s3 =	spop @!p1 (v2sf);
	(pc) =	sbr.rel @p2 .LBB2_35-.Ltmp30, $4  }
0x21b: {  	p3 =	seq.s32 @!p1 s0, s3  }
0x21c: {  	p3 =	por !p3, p1  }
0x21d: {  	s5 =	simm.s32 @p3 $0xFFFFFFFF  }
0x21e: {  	s5 =	smov.u32 @p1 s2  }
.LBB2_36:
0x21f: {  	p1 =	seq.s32 s5, $0xFFFFFFFF  }
.Ltmp31:
0x220: {  	_ = 	snop;
	(pc) =	sbr.rel @p1 .LBB2_38-.Ltmp31, $1  }
0x221: {  	_ =	sdelay $0x3  }
0x222: {  	s0 =	sshll.u32 s12, $0x8  }
0x223: {  	s0 =	sand.u32 $0x3FFFFF00, s0  }
0x224: {  	v0 =	vld [tilespmem:s0+$0xE438];
	_ =	sdelay $0x2  }
0x225: {  	s2 =	sshll.u32 s5, $0xA  }
0x226: {  	s2 =	sshra.s32 s2, $0x2  }
0x227: {  	[tilespmem:s2+$0xE438] =	vst.add.f32.msk $0xffff, v0  }
0x228: {  	v0 =	vld [tilespmem:s0+$0xE448];
	_ =	sdelay $0x4  }
0x229: {  	[tilespmem:s2+$0xE448] =	vst.add.f32.msk $0xffff, v0  }
0x22a: {  	v0 =	vld [tilespmem:s0+$0xE458];
	_ =	sdelay $0x4  }
0x22b: {  	[tilespmem:s2+$0xE458] =	vst.add.f32.msk $0xffff, v0  }
0x22c: {  	v0 =	vld [tilespmem:s0+$0xE468];
	_ =	sdelay $0x4  }
0x22d: {  	[tilespmem:s2+$0xE468] =	vst.add.f32.msk $0xffff, v0  }
0x22e: {  	v0 =	vld [tilespmem:s0+$0xE478];
	_ =	sdelay $0x4  }
0x22f: {  	[tilespmem:s2+$0xE478] =	vst.add.f32.msk $0xffff, v0  }
0x230: {  	v0 =	vld [tilespmem:s0+$0xE488];
	_ =	sdelay $0x4  }
0x231: {  	[tilespmem:s2+$0xE488] =	vst.add.f32.msk $0xffff, v0  }
0x232: {  	v0 =	vld [tilespmem:s0+$0xE498];
	_ =	sdelay $0x4  }
0x233: {  	[tilespmem:s2+$0xE498] =	vst.add.f32.msk $0xffff, v0  }
0x234: {  	v0 =	vld [tilespmem:s0+$0xE4A8];
	_ =	sdelay $0x4  }
0x235: {  	[tilespmem:s2+$0xE4A8] =	vst.add.f32.msk $0xffff, v0  }
0x236: {  	v0 =	vld [tilespmem:s0+$0xE4B8];
	_ =	sdelay $0x4  }
0x237: {  	[tilespmem:s2+$0xE4B8] =	vst.add.f32.msk $0xffff, v0  }
0x238: {  	v0 =	vld [tilespmem:s0+$0xE4C8];
	_ =	sdelay $0x4  }
0x239: {  	[tilespmem:s2+$0xE4C8] =	vst.add.f32.msk $0xffff, v0  }
0x23a: {  	v0 =	vld [tilespmem:s0+$0xE4D8];
	_ =	sdelay $0x4  }
0x23b: {  	[tilespmem:s2+$0xE4D8] =	vst.add.f32.msk $0xffff, v0  }
0x23c: {  	v0 =	vld [tilespmem:s0+$0xE4E8];
	_ =	sdelay $0x4  }
0x23d: {  	[tilespmem:s2+$0xE4E8] =	vst.add.f32.msk $0xffff, v0  }
0x23e: {  	v0 =	vld [tilespmem:s0+$0xE4F8];
	_ =	sdelay $0x4  }
0x23f: {  	[tilespmem:s2+$0xE4F8] =	vst.add.f32.msk $0xffff, v0  }
0x240: {  	v0 =	vld [tilespmem:s0+$0xE508];
	_ =	sdelay $0x4  }
0x241: {  	[tilespmem:s2+$0xE508] =	vst.add.f32.msk $0xffff, v0  }
0x242: {  	v0 =	vld [tilespmem:s0+$0xE518];
	_ =	sdelay $0x4  }
0x243: {  	[tilespmem:s2+$0xE518] =	vst.add.f32.msk $0xffff, v0  }
0x244: {  	v0 =	vld [tilespmem:s0+$0xE528]  }
.Ltmp32:
0x245: {  	_ = 	snop;
	(pc) =	sbr.rel .LBB2_39-.Ltmp32, $2  }
0x246: {  	_ =	sdelay $0x2  }
0x247: {  	[tilespmem:s2+$0xE528] =	vst.add.f32.msk $0xffff, v0  }
.LBB2_40:
0x248: {  	s0 =	simm.s32 $0x6;
	p1 =	seq.s32 s6, $0x0  }
0x249: {  	[sflag:s0] =	ssyncpa.u1 $0x1;
	v0 =	vimm.s32 @p1 $0xFFFFFFFF  }
0x24a: {  	s0 =	sadd.s32 $0xFFFFFFFF, s6;
	[tilespmem:$0x10438] =	vst @p1 v0  }
0x24b: {  	v0 =	vld.msk @!p1 [tilespmem:s0+$0xE418], $0x1;
	_ =	sdelay $0x1  }
0x24c: {  	v1 =	vld.msk @!p1 [tilespmem:$0xE418], $0x1;
	_ =	sdelay $0x2  }
0x24d: {  	p2 =	seq.s32 @!p1 s0, $0x0;
	v0 =	vbroadcast @!p1 v0, $0x0  }
0x24e: {  	vm0 =	vmmov @!p1 $0x1;
	p2 =	por !p2, p1  }
0x24f: {  	v1 =	vnsel @!p1 vm0, $0xFFFFFFFF, v1;
	vm0 =	vcmask @!p1 $0x308;
	v0 =	vpsel !p2, $0xFFFFFFFF, v0  }
0x250: {  	p2 =	sne.s32 @!p1 s8, s7;
	v0 =	vsel @!p1 vm0, v1, v0  }
0x251: {  	s2 =	simm.s32 @!p1 $0xE438;
	s3 =	simm.s32 @!p1 $0x0;
	p3 =	por !p2, p1;
	[tilespmem:$0x10438] =	vst @!p1 v0  }
0x252: {  	[spmem:s3] =	stream.linear.scatter @!p1 [tilespmem:s2], [sflag:$0x1], $0x100, $0x38;
	[tilespmem:$0x1E678] =	vst v63  }
0x253: {  	s2 =	sshll.u32 @!p3 s0, $0xA  }
0x254: {  	s2 =	sshra.s32 @!p3 s2, $0x2  }
0x255: {  	s3 =	simm.s32 @!p3 $0x100;
	s2 =	sadd.s32 @!p3 $0xE438, s2  }
0x256: {  	[spmem:s3] =	stream.linear.scatter @!p3 [tilespmem:s2], [sflag:$0x1], $0x100, $0x38;
	[tilespmem:$0x1E678] =	vst v63  }
0x257: {  	s2 =	simm.s32 @!p3 $0x1  }
0x258: {  	_ =	swait.ge @!p3 [sflag:s2], $0x200  }
0x259: {  	p1 =	por p2, p1;
	[sflag:s2] =	ssyncset.done @!p3 $0x0  }
0x25a: {  	[sflag:s2] =	ssyncadd.s32 @!p3 $0xFFFFFE00;
	s2 =	simm.s32 @!p1 $0x1  }
0x25b: {  	_ =	swait.ge @!p1 [sflag:s2], $0x100  }
0x25c: {  	s29 =	simm.s32 $0x10438;
	[sflag:s2] =	ssyncset.done @!p1 $0x0  }
0x25d: {  	s30 =	simm.s32 $0x2000;
	s31 =	simm.s32 $0x1;
	[sflag:s2] =	ssyncadd.s32 @!p1 $0xFFFFFF00  }
0x25e: {  	[spmem:s30] =	stream.linear.scatter [tilespmem:s29], [sflag:$0x1], $0x10, $0x38;
	[tilespmem:$0x1E678] =	vst v63  }
0x25f: {  	_ =	swait.ge [sflag:s31], $0x10  }
0x260: {  	[sflag:s31] =	ssyncset.done $0x0  }
0x261: {  	p1 =	seq.s32 s14, $0x0;
	s9 =	rddreg [dreg:$0x1];
	[sflag:s31] =	ssyncadd.s32 $0xFFFFFFF0  }
0x262: {  	s3 =	sshll.u32 @p1 s9, $0xE;
	s8 =	rddreg [dreg:$0x2]  }
0x263: {  	s2 =	sadd.s32 @p1 $0x15C3C, s3;
	s3 =	sshll.u32 @p1 s8, $0x11  }
0x264: {  	_ =	sfence.stream.spmem;
	s2 =	sor.u32 @p1 s3, s2  }
0x265: {  	[sflag:s2] =	ssyncadd.remote.s32 @p1 $0x1;
	s2 =	simm.s32 @p1 $0x4  }
0x266: {  	s4 =	simm.s32 @!p1 $0x3C;
	s3 =	sand.u32 $0xFFFFFFFE, s9;
	_ =	swait.ge @p1 [sflag:s2], $0x42  }
0x267: {  	s5 =	simm.s32 @!p1 $0x0;
	s3 =	sadd.s32 @!p1 $0x4, s3;
	[sflag:s2] =	ssyncset.done @p1 $0x0  }
0x268: {  	s7 =	simm.s32 @!p1 $0x200;
	[sflag:s2] =	ssyncadd.s32 @p1 $0xFFFFFFBE;
	s2 =	sshll.u32 @!p1 s3, $0x1A  }
0x269: {  	s3 =	sshll.u32 @!p1 s3, $0xD;
	s2 =	sor.u32 @!p1 s2, s8;
	_ =	swait.eq @!p1 [sflag:s4], $0x1  }
0x26a: {  	s3 =	sor.u32 @!p1 $0x1C04, s3;
	s4 =	simm.s32 @!p1 $0x1C03;
	s2 =	sor.u32 @!p1 $0x80004000, s2  }
0x26b: {  	[spmem:s7], [sflag:s3] =	dma.general @!p1 [spmem:s5], [sflag:s4], length:$0x40, [dreg:$0x0], stride_count:$0x0, ici_dest:s2, dma_misc:DstOpCode:WRITE  }
0x26c: {  	p2 =	slt.s32 s0, $0x2;
	s5 =	simm.s32 @!p1 $0x400;
	s7 =	simm.s32 @!p1 $0x402  }
0x26d: {  	[spmem:s7], [sflag:s3] =	dma.general @!p1 [spmem:s5], [sflag:s4], length:$0x2, [dreg:$0x0], stride_count:$0x0, ici_dest:s2, dma_misc:DstOpCode:WRITE  }
.Ltmp33:
0x26e: {  	s2 =	simm.s32 @!p1 $0x3;
	(pc) =	sbr.rel @p2 .LBB2_44-.Ltmp33, $4  }
0x26f: {  	s3 =	sshll.u32 @!p1 s9, $0xE;
	_ =	swait.ge @!p1 [sflag:s2], $0x42  }
0x270: {  	s4 =	sshll.u32 @!p1 s8, $0x11;
	s3 =	sadd.s32 @!p1 $0x11C3C, s3;
	[sflag:s2] =	ssyncset.done @!p1 $0x0  }
0x271: {  	[sflag:s2] =	ssyncadd.s32 @!p1 $0xFFFFFFBE;
	s2 =	sor.u32 @!p1 s4, s3  }
0x272: {  	s0 =	simm.s32 $0x0;
	[sflag:s2] =	ssyncadd.remote.s32 @!p1 $0xFFFFFFFF  }
0x273: {  	s0 =	simm.s32 $0xE419  }
0x274: {  	v0 =	vld.msk [tilespmem:s0+$0x0], $0x1;
	_ =	sdelay $0x4  }
0x275: {  	(v2sf) =	vpush v0, $0x0;
	_ =	sdelay $0xd  }
0x276: {  	s31 =	sadd.s32 $0xFFFFFFFE, s6  }
0x277: {  	s6 =	simm.s32 $0x0;
	s0 =	sadd.s32 $0xFFFFFFFF, s31;
	s2 =	spop (v2sf)  }
0x278: {  	s3 =	simm.s32 $0xE538;
	p1 =	sne.s32 s0, $0x0;
	p2 =	sgt.u32 s2, $0x4E170  }
.Ltmp34:
0x279: {  	s4 =	simm.s32 $0xE638;
	s5 =	sand.u32 @!p2 $0x7FFF8, s2;
	(pc) =	sbr.rel @!p1 .LBB2_43-.Ltmp34, $4  }
0x27a: {  	s7 =	sadd.s32 @!p2 $0x80, s2;
	s2 =	sand.u32 @!p2 $0x7, s2;
	s6 =	simm.s32 @!p2 $0x400  }
0x27b: {  	s5 =	sadd.s32 @!p2 s1, s5;
	s7 =	sand.u32 @!p2 $0xFFFF8, s7;
	s6 =	sadd.s32 $0x0, s6  }
0x27c: {  	[hbm4b:s5+s2] =	stream.linear.scatter @!p2 [tilespmem:s3], [sflag:$0x5], $0x80, $0x38;
	[tilespmem:$0x1E678] =	vst v63  }
0x27d: {  	s5 =	simm.s32 $0xE41A;
	s3 =	simm.s32 @!p2 $0xE5B8;
	s7 =	sadd.s32 @!p2 s1, s7  }
.LBB2_42:
0x27e: {  	[hbm4b:s7+s2] =	stream.linear.scatter @!p2 [tilespmem:s3], [sflag:$0x5], $0x80, $0x38;
	[tilespmem:$0x1E678] =	vst v63  }
0x27f: {  	s0 =	sadd.s32 $0xFFFFFFFF, s0;
	s3 =	smov.u32 s4;
	v0 =	vld.msk [tilespmem:s5+$0x0], $0x1  }
0x280: {  	p1 =	sne.s32 s0, $0x0;
	_ =	sdelay $0x3  }
0x281: {  	(v2sf) =	vpush v0, $0x0;
	_ =	sdelay $0xe  }
0x282: {  	s4 =	sadd.s32 $0x100, s4;
	s8 =	simm.s32 $0x0;
	s2 =	spop (v2sf)  }
.Ltmp35:
0x283: {  	s5 =	sadd.s32 $0x1, s5;
	p2 =	sgt.u32 s2, $0x4E170;
	(pc) =	sbr.rel @p1 .LBB2_42-.Ltmp35, $4  }
0x284: {  	s8 =	simm.s32 @!p2 $0x400;
	s7 =	sand.u32 @!p2 $0x7FFF8, s2;
	s9 =	sadd.s32 @!p2 $0x80, s2  }
0x285: {  	s2 =	sand.u32 @!p2 $0x7, s2;
	s7 =	sadd.s32 @!p2 s1, s7;
	s9 =	sand.u32 @!p2 $0xFFFF8, s9  }
0x286: {  	[hbm4b:s7+s2] =	stream.linear.scatter @!p2 [tilespmem:s3], [sflag:$0x5], $0x80, $0x38;
	[tilespmem:$0x1E678] =	vst v63  }
0x287: {  	s6 =	sadd.s32 s6, s8;
	s3 =	sadd.s32 @!p2 $0x80, s3;
	s7 =	sadd.s32 @!p2 s1, s9  }
.LBB2_43:
0x288: {  	[hbm4b:s7+s2] =	stream.linear.scatter @!p2 [tilespmem:s3], [sflag:$0x5], $0x80, $0x38;
	[tilespmem:$0x1E678] =	vst v63  }
0x289: {  	s0 =	sshrl.u32 s6, $0x2  }
.LBB2_44:
0x28a: {  	s2 =	simm.s32 $0x5  }
0x28b: {  	_ =	swait.ge [sflag:s2], s0  }
0x28c: {  	s31 =	ssub.s32 $0x0, s0;
	[sflag:s2] =	ssyncset.done $0x0  }
0x28d: {  	[sflag:s2] =	ssyncadd.s32 s31  }
0x28e: {  	[sflag:s2] =	ssyncpa.u1 $0x1  }
.LBB2_45:
0x28f: {  	s0 =	sor.u32 s14, s15  }
0x290: {  	p1 =	sne.s32 s0, $0x0  }
.Ltmp36:
0x291: {  	_ = 	snop;
	(pc) =	sbr.rel @p1 .LBB2_60-.Ltmp36, $3  }
0x292: {  	_ =	sdelay $0x1  }
0x293: {  	[bflag:$0x0] =	sbarrier.arrive $0xFFFF  }
0x294: {  	_ =	sfence  }
0x295: {  	s0 =	simm.s32 $0x7  }
0x296: {  	s2 =	simm.s32 $0x2000;
	s3 =	simm.s32 $0xE418;
	[sflag:s0] =	ssyncpa.u1 $0x0  }
0x297: {  	[tilespmem:s3], [sflag:$0x7] =	stream.linear.gather [spmem:s2], $0x20, $0x38;
	[tilespmem:$0x1E678] =	vst v63  }
0x298: {  	s30 =	simm.s32 $0xE438;
	s2 =	simm.s32 $0x0  }
0x299: {  	[tilespmem:s30], [sflag:$0x7] =	stream.linear.gather [spmem:s2], $0x2000, $0x38;
	[tilespmem:$0x1E678] =	vst v63  }
.Ltmp37:
0x29a: {  	_ = 	snop;
	(pc) =	sbr.rel .LBB2_47-.Ltmp37, $4  }
0x29b: {  	_ =	swait.ge [sflag:s0], $0x2020  }
0x29c: {  	[sflag:s0] =	ssyncset.done $0x0  }
0x29d: {  	s31 =	simm.s32 $0x8;
	[sflag:s0] =	ssyncadd.s32 $0xFFFFDFE0  }
0x29e: {  	s3 =	simm.s32 $0x0;
	[sflag:s31] =	ssyncpa.u1 $0x0  }
.LBB2_53:
0x29f: {  	p1 =	slt.u32 s0, $0x4E171  }
0x2a0: {  	s4 =	sand.u32 @p1 $0x7FFF8, s0;
	s5 =	sand.u32 @p1 $0x7, s0;
	s0 =	sadd.s32 @p1 $0x80, s0  }
0x2a1: {  	s6 =	simm.s32 @p1 $0xE308;
	s4 =	sadd.s32 @p1 s1, s4;
	s0 =	sand.u32 @p1 $0xFFFF8, s0  }
0x2a2: {  	[tilespmem:s6], [sflag:$0x8] =	stream.linear.gather @p1 [hbm4b:s4+s5], $0x80, $0x38;
	[tilespmem:$0x1E678] =	vst v63  }
0x2a3: {  	s0 =	sadd.s32 @p1 s1, s0;
	s4 =	simm.s32 @p1 $0xE388  }
0x2a4: {  	[tilespmem:s4], [sflag:$0x8] =	stream.linear.gather @p1 [hbm4b:s0+s5], $0x80, $0x38;
	[tilespmem:$0x1E678] =	vst v63  }
0x2a5: {  	s0 =	simm.s32 @p1 $0x8  }
0x2a6: {  	_ =	swait.ge @p1 [sflag:s0], $0x100  }
0x2a7: {  	[sflag:s0] =	ssyncset.done @p1 $0x0  }
0x2a8: {  	[sflag:s0] =	ssyncadd.s32 @p1 $0xFFFFFF00  }
0x2a9: {  	v1 =	vld @p1 [tilespmem:$0xE308];
	_ =	sdelay $0x2  }
0x2aa: {  	s0 =	sshll.u32 @p1 s3, $0xA  }
0x2ab: {  	s4 =	sshrl.u32 @p1 s0, $0x2  }
0x2ac: {  	[tilespmem:s4+$0xE438] =	vst.add.f32.msk @p1 $0xffff, v1  }
0x2ad: {  	v1 =	vld @p1 [tilespmem:$0xE318];
	_ =	sdelay $0x4  }
0x2ae: {  	[tilespmem:s4+$0xE448] =	vst.add.f32.msk @p1 $0xffff, v1  }
0x2af: {  	v1 =	vld @p1 [tilespmem:$0xE328];
	_ =	sdelay $0x4  }
0x2b0: {  	[tilespmem:s4+$0xE458] =	vst.add.f32.msk @p1 $0xffff, v1  }
0x2b1: {  	v1 =	vld @p1 [tilespmem:$0xE338];
	_ =	sdelay $0x4  }
0x2b2: {  	[tilespmem:s4+$0xE468] =	vst.add.f32.msk @p1 $0xffff, v1  }
0x2b3: {  	v1 =	vld @p1 [tilespmem:$0xE348];
	_ =	sdelay $0x4  }
0x2b4: {  	[tilespmem:s4+$0xE478] =	vst.add.f32.msk @p1 $0xffff, v1  }
0x2b5: {  	v1 =	vld @p1 [tilespmem:$0xE358];
	_ =	sdelay $0x4  }
0x2b6: {  	[tilespmem:s4+$0xE488] =	vst.add.f32.msk @p1 $0xffff, v1  }
0x2b7: {  	v1 =	vld @p1 [tilespmem:$0xE368];
	_ =	sdelay $0x4  }
0x2b8: {  	[tilespmem:s4+$0xE498] =	vst.add.f32.msk @p1 $0xffff, v1  }
0x2b9: {  	v1 =	vld @p1 [tilespmem:$0xE378];
	_ =	sdelay $0x4  }
0x2ba: {  	[tilespmem:s4+$0xE4A8] =	vst.add.f32.msk @p1 $0xffff, v1  }
0x2bb: {  	v1 =	vld @p1 [tilespmem:$0xE388];
	_ =	sdelay $0x4  }
0x2bc: {  	[tilespmem:s4+$0xE4B8] =	vst.add.f32.msk @p1 $0xffff, v1  }
0x2bd: {  	v1 =	vld @p1 [tilespmem:$0xE398];
	_ =	sdelay $0x4  }
0x2be: {  	[tilespmem:s4+$0xE4C8] =	vst.add.f32.msk @p1 $0xffff, v1  }
0x2bf: {  	v1 =	vld @p1 [tilespmem:$0xE3A8];
	_ =	sdelay $0x4  }
0x2c0: {  	[tilespmem:s4+$0xE4D8] =	vst.add.f32.msk @p1 $0xffff, v1  }
0x2c1: {  	v1 =	vld @p1 [tilespmem:$0xE3B8];
	_ =	sdelay $0x4  }
0x2c2: {  	[tilespmem:s4+$0xE4E8] =	vst.add.f32.msk @p1 $0xffff, v1  }
0x2c3: {  	v1 =	vld @p1 [tilespmem:$0xE3C8];
	_ =	sdelay $0x4  }
0x2c4: {  	[tilespmem:s4+$0xE4F8] =	vst.add.f32.msk @p1 $0xffff, v1  }
0x2c5: {  	v1 =	vld @p1 [tilespmem:$0xE3D8];
	_ =	sdelay $0x4  }
0x2c6: {  	[tilespmem:s4+$0xE508] =	vst.add.f32.msk @p1 $0xffff, v1  }
0x2c7: {  	v1 =	vld @p1 [tilespmem:$0xE3E8];
	_ =	sdelay $0x4  }
0x2c8: {  	[tilespmem:s4+$0xE518] =	vst.add.f32.msk @p1 $0xffff, v1  }
0x2c9: {  	v1 =	vld @p1 [tilespmem:$0xE3F8];
	_ =	sdelay $0x3  }
0x2ca: {  	s5 =	sshll.u32 @!p1 s3, $0xA  }
0x2cb: {  	s5 =	smov.u32 @p1 s0;
	[tilespmem:s4+$0xE528] =	vst.add.f32.msk @p1 $0xffff, v1  }
0x2cc: {  	s0 =	sshrl.u32 s5, $0x2;
	[tilespmem:s2+$0xE418] =	vst.msk $0x1, v0  }
0x2cd: {  	v0 =	vld [tilespmem:s0+$0xE438];
	_ =	sdelay $0x2  }
0x2ce: {  	s31 =	sshll.u32 s2, $0xA  }
0x2cf: {  	s4 =	sshra.s32 s31, $0x2  }
0x2d0: {  	[tilespmem:s4+$0xE438] =	vst v0  }
0x2d1: {  	v0 =	vld [tilespmem:s0+$0xE448];
	_ =	sdelay $0x4  }
0x2d2: {  	[tilespmem:s4+$0xE448] =	vst v0  }
0x2d3: {  	v0 =	vld [tilespmem:s0+$0xE458];
	_ =	sdelay $0x4  }
0x2d4: {  	[tilespmem:s4+$0xE458] =	vst v0  }
0x2d5: {  	v0 =	vld [tilespmem:s0+$0xE468];
	_ =	sdelay $0x4  }
0x2d6: {  	[tilespmem:s4+$0xE468] =	vst v0  }
0x2d7: {  	v0 =	vld [tilespmem:s0+$0xE478];
	_ =	sdelay $0x4  }
0x2d8: {  	[tilespmem:s4+$0xE478] =	vst v0  }
0x2d9: {  	v0 =	vld [tilespmem:s0+$0xE488];
	_ =	sdelay $0x4  }
0x2da: {  	[tilespmem:s4+$0xE488] =	vst v0  }
0x2db: {  	v0 =	vld [tilespmem:s0+$0xE498];
	_ =	sdelay $0x4  }
0x2dc: {  	[tilespmem:s4+$0xE498] =	vst v0  }
0x2dd: {  	v0 =	vld [tilespmem:s0+$0xE4A8];
	_ =	sdelay $0x4  }
0x2de: {  	[tilespmem:s4+$0xE4A8] =	vst v0  }
0x2df: {  	v0 =	vld [tilespmem:s0+$0xE4B8];
	_ =	sdelay $0x4  }
0x2e0: {  	[tilespmem:s4+$0xE4B8] =	vst v0  }
0x2e1: {  	v0 =	vld [tilespmem:s0+$0xE4C8];
	_ =	sdelay $0x4  }
0x2e2: {  	[tilespmem:s4+$0xE4C8] =	vst v0  }
0x2e3: {  	v0 =	vld [tilespmem:s0+$0xE4D8];
	_ =	sdelay $0x4  }
0x2e4: {  	[tilespmem:s4+$0xE4D8] =	vst v0  }
0x2e5: {  	v0 =	vld [tilespmem:s0+$0xE4E8];
	_ =	sdelay $0x4  }
0x2e6: {  	[tilespmem:s4+$0xE4E8] =	vst v0  }
0x2e7: {  	v0 =	vld [tilespmem:s0+$0xE4F8];
	_ =	sdelay $0x4  }
0x2e8: {  	[tilespmem:s4+$0xE4F8] =	vst v0  }
0x2e9: {  	v0 =	vld [tilespmem:s0+$0xE508];
	_ =	sdelay $0x4  }
0x2ea: {  	[tilespmem:s4+$0xE508] =	vst v0  }
0x2eb: {  	v0 =	vld [tilespmem:s0+$0xE518];
	_ =	sdelay $0x4  }
0x2ec: {  	[tilespmem:s4+$0xE518] =	vst v0  }
0x2ed: {  	v0 =	vld [tilespmem:s0+$0xE528];
	_ =	sdelay $0x4  }
0x2ee: {  	s2 =	sadd.s32 $0x1, s2;
	[tilespmem:s4+$0xE528] =	vst v0  }
.LBB2_54:
0x2ef: {  	s3 =	sadd.s32 $0x1, s3  }
0x2f0: {  	p1 =	sne.s32 s3, $0x20  }
.Ltmp38:
0x2f1: {  	_ = 	snop;
	(pc) =	sbr.rel @!p1 .LBB2_55-.Ltmp38, $1  }
0x2f2: {  	_ =	sdelay $0x3  }
.LBB2_47:
0x2f3: {  	v0 =	vld.msk [tilespmem:s3+$0xE418], $0x1;
	_ =	sdelay $0x4  }
0x2f4: {  	(v2sf) =	vpush v0, $0x0;
	_ =	sdelay $0xe  }
0x2f5: {  	s0 =	spop (v2sf)  }
0x2f6: {  	p1 =	seq.s32 s0, $0xFFFFFFFF  }
.Ltmp39:
0x2f7: {  	_ = 	snop;
	(pc) =	sbr.rel @p1 .LBB2_54-.Ltmp39, $1  }
0x2f8: {  	_ =	sdelay $0x3  }
0x2f9: {  	p1 =	slt.s32 s2, $0x1  }
.Ltmp40:
0x2fa: {  	_ = 	snop;
	(pc) =	sbr.rel @p1 .LBB2_53-.Ltmp40, $1  }
0x2fb: {  	_ =	sdelay $0x3  }
0x2fc: {  	s4 =	simm.s32 $0xE418;
	p1 =	por $0x0, $0x0  }
0x2fd: {  	v1 =	vld.msk @!p1 [tilespmem:s4+$0x0], $0x1;
	_ =	sdelay $0x4  }
0x2fe: {  	(v2sf) =	vpush @!p1 v1, $0x0;
	_ =	sdelay $0xd  }
0x2ff: {  	p3 =	sne.s32 s2, $0x1  }
.Ltmp41:
0x300: {  	s5 =	spop @!p1 (v2sf);
	(pc) =	sbr.rel @!p3 .LBB2_51-.Ltmp41, $4  }
0x301: {  	p2 =	seq.s32 @!p1 s0, s5  }
0x302: {  	s5 =	simm.s32 $0x0;
	p2 =	por !p2, p1  }
0x303: {  	s7 =	simm.s32 $0xFFFFFFFF;
	s5 =	simm.s32 @p2 $0xFFFFFFFF  }
0x304: {  	s6 =	simm.s32 $0x1;
	s5 =	smov.u32 @p1 s7  }
.LBB2_50:
0x305: {  	s7 =	smov.u32 s5;
	p1 =	sne.s32 s5, $0xFFFFFFFF  }
0x306: {  	s4 =	sadd.s32 $0x1, s4;
	s5 =	smov.u32 s6;
	s6 =	sadd.s32 $0x1, s6  }
0x307: {  	p2 =	sne.s32 s2, s6;
	v1 =	vld.msk @!p1 [tilespmem:s4+$0x0], $0x1;
	_ =	sdelay $0x4  }
0x308: {  	(v2sf) =	vpush @!p1 v1, $0x0;
	_ =	sdelay $0xe  }
.Ltmp42:
0x309: {  	s8 =	spop @!p1 (v2sf);
	(pc) =	sbr.rel @p2 .LBB2_50-.Ltmp42, $4  }
0x30a: {  	p3 =	seq.s32 @!p1 s0, s8  }
0x30b: {  	p3 =	por !p3, p1  }
0x30c: {  	s5 =	simm.s32 @p3 $0xFFFFFFFF  }
0x30d: {  	s5 =	smov.u32 @p1 s7  }
.LBB2_51:
0x30e: {  	p1 =	seq.s32 s5, $0xFFFFFFFF  }
.Ltmp43:
0x30f: {  	_ = 	snop;
	(pc) =	sbr.rel @p1 .LBB2_53-.Ltmp43, $1  }
0x310: {  	_ =	sdelay $0x3  }
0x311: {  	s0 =	sshll.u32 s3, $0x8  }
0x312: {  	s0 =	sand.u32 $0x3FFFFF00, s0  }
0x313: {  	v0 =	vld [tilespmem:s0+$0xE438];
	_ =	sdelay $0x2  }
0x314: {  	s4 =	sshll.u32 s5, $0xA  }
0x315: {  	s4 =	sshra.s32 s4, $0x2  }
0x316: {  	[tilespmem:s4+$0xE438] =	vst.add.f32.msk $0xffff, v0  }
0x317: {  	v0 =	vld [tilespmem:s0+$0xE448];
	_ =	sdelay $0x4  }
0x318: {  	[tilespmem:s4+$0xE448] =	vst.add.f32.msk $0xffff, v0  }
0x319: {  	v0 =	vld [tilespmem:s0+$0xE458];
	_ =	sdelay $0x4  }
0x31a: {  	[tilespmem:s4+$0xE458] =	vst.add.f32.msk $0xffff, v0  }
0x31b: {  	v0 =	vld [tilespmem:s0+$0xE468];
	_ =	sdelay $0x4  }
0x31c: {  	[tilespmem:s4+$0xE468] =	vst.add.f32.msk $0xffff, v0  }
0x31d: {  	v0 =	vld [tilespmem:s0+$0xE478];
	_ =	sdelay $0x4  }
0x31e: {  	[tilespmem:s4+$0xE478] =	vst.add.f32.msk $0xffff, v0  }
0x31f: {  	v0 =	vld [tilespmem:s0+$0xE488];
	_ =	sdelay $0x4  }
0x320: {  	[tilespmem:s4+$0xE488] =	vst.add.f32.msk $0xffff, v0  }
0x321: {  	v0 =	vld [tilespmem:s0+$0xE498];
	_ =	sdelay $0x4  }
0x322: {  	[tilespmem:s4+$0xE498] =	vst.add.f32.msk $0xffff, v0  }
0x323: {  	v0 =	vld [tilespmem:s0+$0xE4A8];
	_ =	sdelay $0x4  }
0x324: {  	[tilespmem:s4+$0xE4A8] =	vst.add.f32.msk $0xffff, v0  }
0x325: {  	v0 =	vld [tilespmem:s0+$0xE4B8];
	_ =	sdelay $0x4  }
0x326: {  	[tilespmem:s4+$0xE4B8] =	vst.add.f32.msk $0xffff, v0  }
0x327: {  	v0 =	vld [tilespmem:s0+$0xE4C8];
	_ =	sdelay $0x4  }
0x328: {  	[tilespmem:s4+$0xE4C8] =	vst.add.f32.msk $0xffff, v0  }
0x329: {  	v0 =	vld [tilespmem:s0+$0xE4D8];
	_ =	sdelay $0x4  }
0x32a: {  	[tilespmem:s4+$0xE4D8] =	vst.add.f32.msk $0xffff, v0  }
0x32b: {  	v0 =	vld [tilespmem:s0+$0xE4E8];
	_ =	sdelay $0x4  }
0x32c: {  	[tilespmem:s4+$0xE4E8] =	vst.add.f32.msk $0xffff, v0  }
0x32d: {  	v0 =	vld [tilespmem:s0+$0xE4F8];
	_ =	sdelay $0x4  }
0x32e: {  	[tilespmem:s4+$0xE4F8] =	vst.add.f32.msk $0xffff, v0  }
0x32f: {  	v0 =	vld [tilespmem:s0+$0xE508];
	_ =	sdelay $0x4  }
0x330: {  	[tilespmem:s4+$0xE508] =	vst.add.f32.msk $0xffff, v0  }
0x331: {  	v0 =	vld [tilespmem:s0+$0xE518];
	_ =	sdelay $0x4  }
0x332: {  	[tilespmem:s4+$0xE518] =	vst.add.f32.msk $0xffff, v0  }
0x333: {  	v0 =	vld [tilespmem:s0+$0xE528]  }
.Ltmp44:
0x334: {  	_ = 	snop;
	(pc) =	sbr.rel .LBB2_54-.Ltmp44, $2  }
0x335: {  	_ =	sdelay $0x2  }
0x336: {  	[tilespmem:s4+$0xE528] =	vst.add.f32.msk $0xffff, v0  }
.LBB2_55:
0x337: {  	p1 =	slt.s32 s2, $0x1  }
.Ltmp45:
0x338: {  	_ = 	snop;
	(pc) =	sbr.rel @p1 .LBB2_59-.Ltmp45, $3  }
0x339: {  	_ =	sdelay $0x1  }
0x33a: {  	s0 =	simm.s32 $0x8  }
0x33b: {  	s4 =	simm.s32 $0x0;
	[sflag:s0] =	ssyncpa.u1 $0x1  }
0x33c: {  	s0 =	simm.s32 $0xE418  }
0x33d: {  	v0 =	vld.msk [tilespmem:s0+$0x0], $0x1;
	_ =	sdelay $0x4  }
0x33e: {  	(v2sf) =	vpush v0, $0x0;
	_ =	sdelay $0xe  }
0x33f: {  	s0 =	sadd.s32 $0xFFFFFFFF, s2;
	s3 =	spop (v2sf)  }
0x340: {  	s6 =	simm.s32 $0xE438;
	p1 =	sne.s32 s0, $0x0;
	p2 =	sgt.u32 s3, $0x4E170  }
.Ltmp46:
0x341: {  	s2 =	simm.s32 $0xE538;
	s5 =	sand.u32 @!p2 $0x7FFF8, s3;
	(pc) =	sbr.rel @!p1 .LBB2_58-.Ltmp46, $4  }
0x342: {  	s7 =	sadd.s32 @!p2 $0x80, s3;
	s4 =	simm.s32 @!p2 $0x400;
	s8 =	sadd.s32 @!p2 s1, s5  }
0x343: {  	s5 =	sand.u32 @!p2 $0x7, s3;
	s3 =	simm.s32 $0xE419;
	s7 =	sand.u32 @!p2 $0xFFFF8, s7  }
0x344: {  	[hbm4b:s8+s5] =	stream.linear.scatter @!p2 [tilespmem:s6], [sflag:$0x7], $0x80, $0x38;
	[tilespmem:$0x1E678] =	vst v63  }
0x345: {  	s4 =	sadd.s32 $0x0, s4;
	s6 =	simm.s32 @!p2 $0xE4B8;
	s7 =	sadd.s32 @!p2 s1, s7  }
.LBB2_57:
0x346: {  	[hbm4b:s7+s5] =	stream.linear.scatter @!p2 [tilespmem:s6], [sflag:$0x7], $0x80, $0x38;
	[tilespmem:$0x1E678] =	vst v63  }
0x347: {  	s0 =	sadd.s32 $0xFFFFFFFF, s0;
	s6 =	smov.u32 s2;
	v0 =	vld.msk [tilespmem:s3+$0x0], $0x1  }
0x348: {  	p1 =	sne.s32 s0, $0x0;
	_ =	sdelay $0x3  }
0x349: {  	(v2sf) =	vpush v0, $0x0;
	_ =	sdelay $0xe  }
0x34a: {  	s2 =	sadd.s32 $0x100, s2;
	s8 =	simm.s32 $0x0;
	s5 =	spop (v2sf)  }
.Ltmp47:
0x34b: {  	s3 =	sadd.s32 $0x1, s3;
	p2 =	sgt.u32 s5, $0x4E170;
	(pc) =	sbr.rel @p1 .LBB2_57-.Ltmp47, $4  }
0x34c: {  	s8 =	simm.s32 @!p2 $0x400;
	s7 =	sand.u32 @!p2 $0x7FFF8, s5;
	s9 =	sadd.s32 @!p2 $0x80, s5  }
0x34d: {  	s5 =	sand.u32 @!p2 $0x7, s5;
	s7 =	sadd.s32 @!p2 s1, s7;
	s9 =	sand.u32 @!p2 $0xFFFF8, s9  }
0x34e: {  	[hbm4b:s7+s5] =	stream.linear.scatter @!p2 [tilespmem:s6], [sflag:$0x7], $0x80, $0x38;
	[tilespmem:$0x1E678] =	vst v63  }
0x34f: {  	s4 =	sadd.s32 s4, s8;
	s6 =	sadd.s32 @!p2 $0x80, s6;
	s7 =	sadd.s32 @!p2 s1, s9  }
.LBB2_58:
0x350: {  	[hbm4b:s7+s5] =	stream.linear.scatter @!p2 [tilespmem:s6], [sflag:$0x7], $0x80, $0x38;
	[tilespmem:$0x1E678] =	vst v63  }
0x351: {  	s4 =	sshrl.u32 s4, $0x2  }
.LBB2_59:
0x352: {  	s0 =	simm.s32 $0x7  }
0x353: {  	_ =	swait.ge [sflag:s0], s4  }
0x354: {  	s1 =	ssub.s32 $0x0, s4;
	[sflag:s0] =	ssyncset.done $0x0  }
0x355: {  	[sflag:s0] =	ssyncadd.s32 s1  }
0x356: {  	[sflag:s0] =	ssyncpa.u1 $0x1  }
.LBB2_60:
0x357: {  	_ =	sfence;
	s0 =	simm.s32 $0x1  }
0x358: {  	[sflag:s0] =	ssyncpa.u1 $0x1  }
0x359: {  	_ =	strace $0x9000004A  }
0x35a: {  	[bflag:$0x2] =	sbarrier.arrive $0xFFFF  }
0x35b: {  	s0 =	rddreg [dreg:$0x3]  }
0x35c: {  	s0 =	sadd.s32 @!p0 $0x100000, s0  }
0x35d: {  	[sflag:s0] =	ssyncadd.tile.s32 @!p0 $0x1;
	_ =	shalt  }
.Lfunc_end2:
_tile_overlayer_lowered:
.L_overlay_start_2:
0x35e: {  	(tag) =	ssettag $0x2  }
0x35f: {  	s0 =	rddreg [dreg:$0x0];
	s2 =	stileid.u32  }
0x360: {  	s1 =	rddreg [dreg:$0x1];
	p0 =	sne.s32 s2, $0x0  }
0x361: {  	s3 =	rddreg [dreg:$0x2];
	[bflag:$0x3] =	sbarrier.arrive $0xFFFF;
	s2 =	simm.s32 @!p0 $0x1C01  }
0x362: {  	[timem:s3], [sflag:s2] =	dma.local @!p0 [hbm:s0], s1  }
0x363: {  	s0 =	simm.s32 @!p0 $0x1  }
0x364: {  	_ =	swait.ge @!p0 [sflag:s0], s1  }
0x365: {  	s1 =	ssub.s32 @!p0 $0x0, s1;
	[sflag:s0] =	ssyncset.done @!p0 $0x0  }
0x366: {  	[sflag:s0] =	ssyncadd.s32 @!p0 s1  }
0x367: {  	[bflag:$0x3] =	sbarrier.arrive $0xFFFF  }
0x368: {  	_ =	shalt  }

// kernel: scatter_offload_async_start.2
scs
__scs_entry_jumppad:
0x0: {  	(pc) =	sbr.rel $0x88, $3  }
0x1: {  	(tag) =	ssettag $0x0;
	lr =	simm.s32 $0x1  }
0x2: {  	[smem:$0x3F7A] =	sst lr;
	_ =	strace $0xD0000000  }
0x3: {  	_ = 	snop  }
0x4: {  	_ = 	snop  }
0x5: {  	_ = 	snop  }
0x6: {  	_ = 	snop  }
0x7: {  	_ = 	snop  }
__scs_overlays_trampoline_lowered:
0x8: {  	[smem:$0x3F89] =	sst s0  }
0x9: {  	[smem:$0x3F8A] =	sst s1  }
0xa: {  	[smem:$0x3F8B] =	sst s2  }
0xb: {  	[smem:$0x3F8C] =	sst s3  }
0xc: {  	[smem:$0x3F8D] =	sst s4  }
0xd: {  	[smem:$0x3F8E] =	sst s5  }
0xe: {  	[smem:$0x3F8F] =	sst s6  }
0xf: {  	[smem:$0x3F90] =	sst s7  }
0x10: {  	[smem:$0x3F91] =	sst s8  }
0x11: {  	[smem:$0x3F92] =	sst s9;
	s0 =	simm.s32 @!p0 $0x0  }
0x12: {  	s1 =	sld [smem:$0x3F78];
	s0 =	simm.s32 @p0 $0x1  }
0x13: {  	[smem:$0x3F93] =	sst s0;
	s0 =	simm.s32 @!p1 $0x0  }
0x14: {  	s2 =	sld [smem:$0x3F77];
	s0 =	simm.s32 @p1 $0x1  }
0x15: {  	[smem:$0x3F94] =	sst s0;
	s0 =	simm.s32 @!p2 $0x0  }
0x16: {  	s3 =	sld [smem:$0x3FDB];
	s0 =	simm.s32 @p2 $0x1  }
0x17: {  	s4 =	simm.s32 $0x1BF5;
	[smem:$0x3F96] =	sst s0  }
0x18: {  	s0 =	sld [smem:$0x3F79];
	_ =	swait.ge [sflag:s4], $0x0  }
0x19: {  	s7 =	sld [smem:$0x3F7A]  }
0x1a: {  	s8 =	sadd.s32 $0xFFFFE003, lr  }
0x1b: {  	s9 =	sadd.s32 $0xFFFFFEF7, lr;
	s5 =	simm.s32 $0xFFFFFFFF;
	p2 =	slt.u32 s8, $0xFFFFF086  }
0x1c: {  	p1 =	slt.u32 s9, $0xF7A;
	s5 =	simm.s32 @!p2 $0x0  }
0x1d: {  	s5 =	simm.s32 @p1 $0x1;
	p0 =	seq.s32 s7, s2  }
0x1e: {  	s7 =	smul.u32 @!p0 $0xF7A, s2;
	p2 =	seq.s32 @!p0 s5, $0x0  }
0x1f: {  	s9 =	smul.u32 $0xF7A, s1;
	s8 =	simm.s32 @!p0 $0x1BF5;
	p2 =	por !p2, p0  }
0x20: {  	[sflag:s8] =	ssyncset.s32 @!p0 $0xFFFFF086;
	s6 =	sadd.s32 @!p0 s3, s7;
	s7 =	simm.s32 @!p0 $0x108  }
0x21: {  	s3 =	sadd.s32 s3, s9;
	s6 =	sadd.s32 @!p0 $0x88, s6;
	s7 =	simm.s32 @p2 $0x1082  }
0x22: {  	[simem:s7], [sflag:s8] =	dma.local @!p0 [hbm:s6], $0xF7A  }
0x23: {  	s9 =	sor.u32 $0xD0000000, s2;
	s6 =	simm.s32 $0x108;
	_ =	swait.ge @!p0 [sflag:s8], $0x0  }
0x24: {  	s3 =	sadd.s32 $0x88, s3;
	s6 =	simm.s32 @!p1 $0x1082;
	[sflag:s4] =	ssyncset.s32 $0xFFFFF086  }
0x25: {  	[simem:s6], [sflag:s4] =	dma.local [hbm:s3], $0xF7A  }
0x26: {  	[smem:$0x3F7A] =	sst s1;
	(tag) =	ssettag s2;
	_ =	strace s9  }
0x27: {  	s1 =	sld [smem:$0x3F8A]  }
0x28: {  	s2 =	sld [smem:$0x3F8B]  }
0x29: {  	s4 =	sld [smem:$0x3F8D]  }
0x2a: {  	p0 =	seq.s32 s5, $0x0;
	s5 =	sld [smem:$0x3F8E]  }
0x2b: {  	s6 =	sld [smem:$0x3F8F]  }
0x2c: {  	s7 =	sld [smem:$0x3F90]  }
0x2d: {  	s3 =	simm.s32 $0x108;
	s8 =	sld [smem:$0x3F91]  }
0x2e: {  	s3 =	simm.s32 @!p0 $0x1082;
	s9 =	sld [smem:$0x3F92]  }
0x2f: {  	lr =	sadd.s32 s0, s3;
	s0 =	sld [smem:$0x3F89]  }
0x30: {  	s3 =	sld [smem:$0x3F8C]  }
0x31: {  	[smem:$0x3F95] =	sst s10  }
0x32: {  	s10 =	sld [smem:$0x3F93];
	_ =	sdelay $0x3  }
0x33: {  	p0 =	seq.s32 s10, $0x1;
	s10 =	sld [smem:$0x3F95];
	_ =	sdelay $0x3  }
0x34: {  	[smem:$0x3F95] =	sst s10  }
0x35: {  	s10 =	sld [smem:$0x3F94];
	_ =	sdelay $0x3  }
0x36: {  	p1 =	seq.s32 s10, $0x1;
	s10 =	sld [smem:$0x3F95];
	_ =	sdelay $0x3  }
0x37: {  	[smem:$0x3F95] =	sst s10  }
0x38: {  	s10 =	sld [smem:$0x3F96]  }
0x39: {  	_ = 	snop;
	(pc) =	sbr.ind lr, $3  }
0x3a: {  	_ = 	snop  }
0x3b: {  	_ = 	snop  }
0x3c: {  	p2 =	seq.s32 s10, $0x1;
	s10 =	sld [smem:$0x3F95]  }
0x3d: {  	_ =	shalt  }
0x3e: {  	_ =	shalt  }
0x3f: {  	_ =	shalt  }
0x40: {  	_ =	shalt  }
0x41: {  	_ =	shalt  }
0x42: {  	_ =	shalt  }
0x43: {  	_ =	shalt  }
0x44: {  	_ =	shalt  }
0x45: {  	_ =	shalt  }
0x46: {  	_ =	shalt  }
0x47: {  	_ =	shalt  }
0x48: {  	_ =	shalt  }
0x49: {  	_ =	shalt  }
0x4a: {  	_ =	shalt  }
0x4b: {  	_ =	shalt  }
0x4c: {  	_ =	shalt  }
0x4d: {  	_ =	shalt  }
0x4e: {  	_ =	shalt  }
0x4f: {  	_ =	shalt  }
0x50: {  	_ =	shalt  }
0x51: {  	_ =	shalt  }
0x52: {  	_ =	shalt  }
0x53: {  	_ =	shalt  }
0x54: {  	_ =	shalt  }
0x55: {  	_ =	shalt  }
0x56: {  	_ =	shalt  }
0x57: {  	_ =	shalt  }
0x58: {  	_ =	shalt  }
0x59: {  	_ =	shalt  }
0x5a: {  	_ =	shalt  }
0x5b: {  	_ =	shalt  }
0x5c: {  	_ =	shalt  }
0x5d: {  	_ =	shalt  }
0x5e: {  	_ =	shalt  }
0x5f: {  	_ =	shalt  }
0x60: {  	_ =	shalt  }
0x61: {  	_ =	shalt  }
0x62: {  	_ =	shalt  }
0x63: {  	_ =	shalt  }
0x64: {  	_ =	shalt  }
0x65: {  	_ =	shalt  }
0x66: {  	_ =	shalt  }
0x67: {  	_ =	shalt  }
0x68: {  	_ =	shalt  }
0x69: {  	_ =	shalt  }
0x6a: {  	_ =	shalt  }
0x6b: {  	_ =	shalt  }
0x6c: {  	_ =	shalt  }
0x6d: {  	_ =	shalt  }
0x6e: {  	_ =	shalt  }
0x6f: {  	_ =	shalt  }
0x70: {  	_ =	shalt  }
0x71: {  	_ =	shalt  }
0x72: {  	_ =	shalt  }
0x73: {  	_ =	shalt  }
0x74: {  	_ =	shalt  }
0x75: {  	_ =	shalt  }
0x76: {  	_ =	shalt  }
0x77: {  	_ =	shalt  }
0x78: {  	_ =	shalt  }
0x79: {  	_ =	shalt  }
0x7a: {  	_ =	shalt  }
0x7b: {  	_ =	shalt  }
0x7c: {  	_ =	shalt  }
0x7d: {  	_ =	shalt  }
0x7e: {  	_ =	shalt  }
0x7f: {  	_ =	shalt  }
0x80: {  	_ =	shalt  }
0x81: {  	_ =	shalt  }
0x82: {  	_ =	shalt  }
0x83: {  	_ =	shalt  }
0x84: {  	_ =	shalt  }
0x85: {  	_ =	shalt  }
0x86: {  	_ =	shalt  }
0x87: {  	_ =	shalt  }
.Lfunc_end0:
.L_simem_size_0:
called_computation.2_lowered:
.L_overlay_start_0:
0x88: {  	s2 =	sld [smem:$0x3FD9]  }
0x89: {  	s3 =	sld [smem:$0x3FFE];
	_ =	sdelay $0x1  }
0x8a: {  	s1 =	srdreg.scid  }
0x8b: {  	s0 =	sand.u32 $0x1, s1  }
0x8c: {  	s15 =	sshll.u32 s0, $0xA;
	s2 =	sadd.s32 s3, s2  }
0x8d: {  	s2 =	sadd.s32 s2, s15  }
0x8e: {  	[smem:$0x3FA1] =	sst s2  }
0x8f: {  	_ = 	snop  }
0x90: {  	(tm) =	ssettm $0x1  }
0x91: {  	s16 =	sld [smem:$0x3FFB];
	_ =	sdelay $0x3  }
0x92: {  	_ =	strace s16  }
0x93: {  	s2 =	sld [smem:$0x3FFC];
	_ =	sdelay $0x3  }
0x94: {  	_ =	strace s2  }
0x95: {  	s2 =	sld [smem:$0x3FFD];
	_ =	sdelay $0x3  }
0x96: {  	_ =	strace s2  }
0x97: {  	_ =	strace $0x8FFFFFFF  }
0x98: {  	s17 =	sld [smem:$0x3FDB];
	_ =	sdelay $0x1  }
0x99: {  	s18 =	simm.s32 $_scs_section_size  }
0x9a: {  	s4 =	simm.s32 $_size__tile_overlayer_lowered;
	s5 =	simm.s32 $_tile_overlayer_lowered  }
0x9b: {  	s21 =	simm.s32 $0x1BFF;
	s20 =	sshll.u32 s5, $0x1;
	s2 =	sadd.s32 s18, s17  }
0x9c: {  	s6 =	simm.s32 $0x0;
	s19 =	sshll.u32 s4, $0x1;
	s4 =	sadd.s32 s20, s2  }
0x9d: {  	[timem:s6], [sflag:s21] =	dma.local [hbm:s4], s19  }
0x9e: {  	_ =	swait.ge [sflag:s21], s19  }
0x9f: {  	s3 =	ssub.s32 $0x0, s19;
	[sflag:s21] =	ssyncset.done $0x0  }
0xa0: {  	[sflag:s21] =	ssyncadd.s32 s3;
	_ =	sdelay $0x1  }
0xa1: {  	s22 =	simm.s32 $0x1B8B  }
0xa2: {  	_ =	swait.ge [sflag:s22], $0x1  }
0xa3: {  	[sflag:s22] =	ssyncset.done $0x0  }
0xa4: {  	s23 =	sld [smem:$0x3FFE];
	[sflag:s22] =	ssyncadd.s32 $0xFFFFFFFF  }
0xa5: {  	s25 =	simm.s32 $0x1B8E;
	s24 =	sld [smem:$0x0]  }
0xa6: {  	s26 =	simm.s32 $execute0_lowered;
	[smem:$0x3FD2] =	sst s25  }
0xa7: {  	s5 =	sshll.u32 s26, $0x1;
	_ =	strace $0x8000004C;
	[dreg:$0x1] =	wrdreg $0xFFFFFFFF  }
0xa8: {  	s28 =	simm.s32 $_size_execute0_lowered;
	s2 =	sadd.s32 s2, s5;
	[dreg:$0x0] =	wrdreg $0x0  }
0xa9: {  	s5 =	sshll.u32 s28, $0x1;
	[dreg:$0x2] =	wrdreg s2  }
0xaa: {  	[dreg:$0x3] =	wrdreg s5  }
0xab: {  	[dreg:$0x4] =	wrdreg $0xC0  }
0xac: {  	_ =	task [dreg:s6], $0x5FFFF  }
0xad: {  	[dreg:$0x1] =	wrdreg $0xFFFFFFFF  }
0xae: {  	[dreg:$0x0] =	wrdreg $0x60  }
0xaf: {  	[dreg:$0x2] =	wrdreg s23  }
0xb0: {  	[dreg:$0x3] =	wrdreg s1  }
0xb1: {  	[dreg:$0x4] =	wrdreg s24  }
0xb2: {  	[dreg:$0x5] =	wrdreg $0x9  }
0xb3: {  	_ =	task.clear_ibuf [dreg:s6], $0x6FFFF;
	_ =	strace $0x9000004C  }
0xb4: {  	s29 =	simm.s32 $0x9;
	_ =	strace $0x8000004E  }
0xb5: {  	_ =	swait.ge [sflag:s29], $0x1  }
0xb6: {  	[sflag:s29] =	ssyncadd.s32 $0xFFFFFFFF  }
0xb7: {  	_ =	strace $0x9000004E  }
0xb8: {  	_ =	sfence  }
0xb9: {  	s30 =	sld [smem:$0x0];
	_ =	sdelay $0x2  }
0xba: {  	s31 =	sshll.u32 s1, $0xD;
	s1 =	sshrl.u32 s1, $0x2  }
0xbb: {  	s3 =	sand.u32 $0x4000, s31;
	s1 =	sadd.s32 s1, s30  }
0xbc: {  	s0 =	sor.u32 s3, s0;
	s1 =	sshll.u32 s1, $0x11  }
0xbd: {  	s0 =	sor.u32 s1, s0  }
0xbe: {  	s0 =	sadd.s32 $0x8F2B, s0  }
0xbf: {  	[sflag:s0] =	ssyncadd.remote.s32 $0x1  }
0xc0: {  	_ =	sfence.sel $0xFFFF  }
0xc1: {  	[dreg:$0x0] =	wrdreg $0xFFFFFFFF;
	(pc) =	sbr.abs _section_cstart, $3  }
0xc2: {  	[dreg:$0x1] =	wrdreg $0xFFFFFFFF  }
0xc3: {  	_ =	task.clear_ibuf [dreg:s6], $0x2FFFF;
	_ =	strace $0x9FFFFFFF  }
0xc4: {  	(tm) =	ssettm $0x7FFFFFFF  }
0xc5: {  	_ =	shalt  }
tec
execute0_lowered:
.L_overlay_start_1:
0x0: {  	(tag) =	ssettag $0x1  }
0x1: {  	s2 =	rddreg [dreg:$0x0]  }
0x2: {  	s3 =	rddreg [dreg:$0x1];
	_ =	strace $0x8000004D;
	s0 =	simm.s32 $0x1  }
0x3: {  	s5 =	simm.s32 $0x208;
	v0 =	vimm.s32 $0x0;
	[sflag:s0] =	ssyncpa.u1 $0x0  }
0x4: {  	[tilespmem:s5+$0x70] =	vst v0  }
0x5: {  	[tilespmem:s5+$0x60] =	vst v0  }
0x6: {  	[tilespmem:s5+$0x50] =	vst v0  }
0x7: {  	[tilespmem:s5+$0x40] =	vst v0  }
0x8: {  	[tilespmem:s5+$0x30] =	vst v0  }
0x9: {  	s1 =	sadd.s32 $0x4A00, s2;
	s0 =	sadd.s32 $0x52C00, s2;
	s6 =	sadd.s32 $0x5E000, s2;
	[tilespmem:s5+$0x20] =	vst v0  }
0xa: {  	s4 =	sadd.s32 $0x540000, s2;
	s10 =	sand.u32 $0x1, s3;
	s2 =	simm.s32 $0x40;
	[tilespmem:s5+$0x10] =	vst v0  }
.LBB2_1:
0xb: {  	s2 =	sadd.s32 $0x40, s2;
	[tilespmem:s5+$0x0] =	vst v0;
	s5 =	sadd.s32 $0x80, s5  }
0xc: {  	p0 =	slt.u32 s2, $0x3880;
	[tilespmem:s5+$0x70] =	vst v0  }
0xd: {  	[tilespmem:s5+$0x60] =	vst v0  }
.Ltmp0:
0xe: {  	[tilespmem:s5+$0x50] =	vst v0;
	(pc) =	sbr.rel @p0 .LBB2_1-.Ltmp0, $4  }
0xf: {  	[tilespmem:s5+$0x40] =	vst v0  }
0x10: {  	[tilespmem:s5+$0x30] =	vst v0  }
0x11: {  	[tilespmem:s5+$0x20] =	vst v0  }
0x12: {  	[tilespmem:s5+$0x10] =	vst v0  }
0x13: {  	s11 =	stileid.u32  }
0x14: {  	s2 =	smul.u32 $0x2C, s11  }
0x15: {  	s3 =	smin.u32 s11, $0xB  }
0x16: {  	s2 =	sadd.s32 s3, s2  }
0x17: {  	p0 =	slt.u32 s11, $0xB;
	s20 =	smul.u32 $0x70, s2;
	s2 =	simm.s32 $0x13B0  }
0x18: {  	s2 =	simm.s32 @!p0 $0x1340  }
0x19: {  	s2 =	sadd.s32 s2, s20  }
0x1a: {  	s8 =	smin.u32 s2, $0x13880  }
0x1b: {  	s26 =	simm.s32 $0x2;
	s2 =	ssub.s32 s8, s20  }
0x1c: {  	s9 =	simm.s32 $0x9;
	s29 =	simm.s32 $0xA;
	p0 =	sgt.s32 s2, $0x0  }
0x1d: {  	s30 =	simm.s32 $0xB;
	s31 =	smul.u32 $0x2710, s10;
	s2 =	simm.s32 @!p0 $0x0  }
0x1e: {  	[dreg:$0x4] =	wrdreg s10;
	s12 =	simm.s32 $0x1;
	s25 =	smulhi.u32 $0x92492493, s2  }
0x1f: {  	s24 =	simm.s32 $0x0;
	p1 =	por $0x0, $0x0;
	s18 =	simm.s32 $0x80  }
0x20: {  	s19 =	simm.s32 $0x400;
	s17 =	simm.s32 $0xC;
	s3 =	sshrl.u32 s25, $0x6  }
0x21: {  	s21 =	simm.s32 $0x0;
	s23 =	simm.s32 $0x0;
	s28 =	smul.u32 $0x70, s3  }
.Ltmp1:
0x22: {  	[tilespmem:s5+$0x0] =	vst v0;
	v0 =	vimm.s32 $0xFFFFFFFF;
	[sflag:s26] =	ssyncpa.u1 $0x0;
	s16 =	sshll.u32 s11, $0x9;
	(pc) =	sbr.rel .LBB2_3-.Ltmp1, $4  }
0x23: {  	[tilespmem:$0xE408] =	vst v0;
	[sflag:s9] =	ssyncpa.u1 $0x0;
	p0 =	sne.s32 s2, s28;
	s2 =	simm.s32 $0x1  }
0x24: {  	s14 =	sadd.s32 s31, s4;
	[sflag:s29] =	ssyncpa.u1 $0x0;
	s2 =	simm.s32 @!p0 $0x0  }
0x25: {  	s15 =	sadd.s32 s31, s0;
	[sflag:s30] =	ssyncpa.u1 $0x0;
	s13 =	sadd.s32 s2, s3  }
0x26: {  	v0 =	vlaneseq.u32;
	s22 =	smov.u32 s20;
	p0 =	por $0x1, $0x1;
	s11 =	sadd.s32 $0x1, s13  }
.LBB2_24:
0x27: {  	s2 =	sshrl.u32 s4, $0x2  }
.LBB2_26:
0x28: {  	_ =	swait.ge [sflag:s17], s2  }
0x29: {  	s31 =	ssub.s32 $0x0, s2;
	v1 =	vmov s26;
	vm0 =	veq.s32 v0, $0x0;
	[sflag:s17] =	ssyncset.done $0x0  }
0x2a: {  	vm15 =	veq.s32 v0, $0x2;
	v1 =	vsel vm0, s0, v1;
	[sflag:s17] =	ssyncadd.s32 s31  }
0x2b: {  	v1 =	vsel vm15, s24, v1;
	[sflag:s17] =	ssyncpa.u1 $0x1  }
0x2c: {  	[tilespmem:$0xE408] =	vst v1  }
.LBB2_27:
0x2d: {  	s0 =	sadd.s32 $0x70, s22  }
0x2e: {  	s2 =	smov.u32 s20;
	p2 =	slt.s32 s0, s8  }
0x2f: {  	s2 =	smov.u32 @p2 s0;
	p2 =	sne.s32 s23, s11  }
.Ltmp2:
0x30: {  	_ = 	snop;
	(pc) =	sbr.rel @!p2 .LBB2_28-.Ltmp2, $4  }
0x31: {  	_ = 	snop  }
0x32: {  	s24 =	smov.u32 s21  }
0x33: {  	s31 =	sadd.s32 $0x1, s23;
	s21 =	smov.u32 s22;
	p0 =	por !p0, !p0  }
0x34: {  	p1 =	por !p1, !p1;
	s23 =	smov.u32 s31;
	s22 =	smov.u32 s2  }
.LBB2_3:
0x35: {  	p2 =	sge.u32 s23, s13  }
0x36: {  	s0 =	smulhi.u32 @!p2 $0xAAAAAAAB, s23  }
0x37: {  	s2 =	smov.u32 s22;
	p3 =	sgt.s32 @!p2 s22, $0x13810  }
0x38: {  	s3 =	sshra.s32 @!p2 s22, $0x1F;
	p3 =	por !p3, p2;
	s0 =	sshrl.u32 @!p2 s0, $0x1  }
0x39: {  	s3 =	sand.u32 @!p2 s3, s22;
	s2 =	simm.s32 @p3 $0x13810;
	s0 =	smul.u32 @!p2 $0x3, s0  }
0x3a: {  	s2 =	ssub.s32 @!p2 s2, s3  }
0x3b: {  	s2 =	sadd.s32 @!p2 $0xFFFEC7F0, s2;
	s0 =	ssub.s32 @!p2 s23, s0  }
0x3c: {  	s3 =	sshll.u32 @!p2 s2, $0x2;
	p3 =	sgt.s32 @!p2 s2, $0x6F;
	s0 =	smul.u32 @!p2 $0x1C0, s0  }
0x3d: {  	s4 =	sand.u32 @!p2 $0x7, s22;
	s2 =	ssub.s32 @!p2 $0x1C0, s3;
	p3 =	por !p3, p2  }
0x3e: {  	s3 =	sshrl.u32 @!p2 s22, $0x3;
	s2 =	sshrl.u32 @!p2 s2, $0x2;
	s0 =	sshrl.u32 @!p2 s0, $0x2  }
0x3f: {  	s3 =	sadd.s32 @!p2 s3, s14;
	s2 =	simm.s32 @!p3 $0x0;
	s0 =	sadd.s32 @!p2 $0x10448, s0  }
0x40: {  	[tilespmem:s0], [sflag:$0xA] =	stream.linear.gather @!p2 [hbm4b:s3+s4], s2, $0x38;
	[tilespmem:$0x1E678] =	vst v63  }
0x41: {  	s2 =	sadd.s32 $0xFFFFFFFF, s23  }
0x42: {  	p2 =	sge.u32 s2, s13  }
0x43: {  	p3 =	sgt.s32 @!p2 s21, $0x13810  }
0x44: {  	s0 =	smov.u32 s21;
	s3 =	sshra.s32 @!p2 s21, $0x1F;
	p3 =	por !p3, p2  }
0x45: {  	s3 =	sand.u32 @!p2 s3, s21;
	s0 =	simm.s32 @p3 $0x13810  }
0x46: {  	s0 =	ssub.s32 @!p2 s0, s3  }
0x47: {  	s0 =	sadd.s32 @!p2 $0xFFFEC7F0, s0  }
0x48: {  	s3 =	sshll.u32 @!p2 s0, $0x2  }
0x49: {  	p3 =	sgt.s32 @!p2 s0, $0x6F;
	s0 =	ssub.s32 @!p2 $0x1C0, s3  }
0x4a: {  	p3 =	por !p3, p2;
	s0 =	sshrl.u32 @!p2 s0, $0x2  }
0x4b: {  	s4 =	simm.s32 @!p2 $0xA;
	s3 =	sand.u32 @!p2 $0x1, s2;
	s0 =	simm.s32 @!p3 $0x0  }
0x4c: {  	s3 =	smul.u32 @!p2 $0x1C0, s3;
	_ =	swait.ge @!p2 [sflag:s4], s0  }
0x4d: {  	s5 =	ssub.s32 @!p2 $0x0, s0;
	[sflag:s4] =	ssyncset.done @!p2 $0x0  }
0x4e: {  	s3 =	sshrl.u32 @!p2 s3, $0x2;
	[sflag:s4] =	ssyncadd.s32 @!p2 s5;
	s4 =	sshrl.u32 @!p2 s21, $0x3  }
0x4f: {  	s3 =	sadd.s32 @!p2 $0x10598, s3;
	s5 =	sand.u32 @!p2 $0x7, s21;
	s4 =	sadd.s32 @!p2 s4, s15  }
0x50: {  	[tilespmem:s3], [sflag:$0xB] =	stream.linear.gather @!p2 [hbm4b:s4+s5], s0, $0x38;
	[tilespmem:$0x1E678] =	vst v63  }
0x51: {  	s0 =	ssub.s32 @!p2 $0x13880, s21  }
0x52: {  	p3 =	slt.s32 @!p2 s0, $0x1  }
0x53: {  	p3 =	por p2, p3  }
.Ltmp3:
0x54: {  	_ = 	snop;
	(pc) =	sbr.rel @p3 .LBB2_9-.Ltmp3, $1  }
0x55: {  	_ =	sdelay $0x3  }
0x56: {  	s3 =	smulhi.u32 $0xAAAAAAAB, s2;
	_ =	sdelay $0x1  }
0x57: {  	s3 =	sshrl.u32 s3, $0x1  }
0x58: {  	s3 =	smul.u32 $0x3, s3;
	_ =	sdelay $0x1  }
0x59: {  	s30 =	ssub.s32 s2, s3  }
0x5a: {  	s4 =	simm.s32 $0x1;
	s2 =	smul.u32 $0x1C0, s30  }
.Ltmp4:
0x5b: {  	s4 =	simm.s32 @!p0 $0x0;
	(pc) =	sbr.rel .LBB2_6-.Ltmp4, $4  }
0x5c: {  	s31 =	smul.u32 $0x1C000, s4  }
0x5d: {  	p3 =	slt.s32 @!p2 s0, $0x70;
	s2 =	sshrl.u32 s2, $0x2  }
0x5e: {  	p2 =	por !p3, p2;
	s3 =	sshrl.u32 s31, $0x2;
	s5 =	sadd.s32 $0x10448, s2  }
0x5f: {  	s0 =	simm.s32 @p2 $0x70;
	s4 =	sor.u32 $0x10678, s3;
	s2 =	simm.s32 $0x0;
	v1 =	vmov s5  }
.LBB2_5:
0x60: {  	p2 =	sge.s32 s2, s0  }
.Ltmp5:
0x61: {  	_ = 	snop;
	(pc) =	sbr.rel @p2 .LBB2_9-.Ltmp5, $2  }
0x62: {  	_ =	sdelay $0x2  }
0x63: {  	s4 =	sadd.s32 $0x1000, s4  }
.LBB2_6:
0x64: {  	p2 =	sle.s32 s0, s2  }
.Ltmp6:
0x65: {  	_ = 	snop;
	(pc) =	sbr.rel @p2 .LBB2_5-.Ltmp6, $2  }
0x66: {  	_ =	sdelay $0x2  }
0x67: {  	s5 =	smov.u32 s2;
	s2 =	sadd.s32 $0x10, s2  }
0x68: {  	s3 =	ssub.s32 s0, s5  }
0x69: {  	p2 =	slt.s32 s3, $0x10  }
0x6a: {  	s3 =	simm.s32 @!p2 $0x10  }
0x6b: {  	v2 =	vmov s3  }
0x6c: {  	vm0 =	vgt.s32 v2, v0;
	_ =	sdelay $0x5  }
0x6d: {  	v2 =	vld.idx.msk [tilespmem:v1+s5+$0x0 ss:$0x1], vm0;
	_ =	sdelay $0x2  }
0x6e: {  	p2 =	slt.s32 s2, s0;
	s3 =	smov.u32 s0  }
0x6f: {  	s9 =	smov.u32 s4;
	s25 =	simm.s32 $0x0;
	s3 =	smov.u32 @p2 s2  }
.LBB2_8:
0x70: {  	(v2sf) =	vpush v2, s25;
	_ =	sdelay $0xe  }
0x71: {  	s25 =	sadd.s32 $0x1, s25;
	s10 =	spop (v2sf)  }
0x72: {  	s31 =	sadd.s32 s25, s5;
	s26 =	sshll.u32 s10, $0x8;
	s10 =	sshll.u32 s10, $0x7  }
0x73: {  	p2 =	slt.s32 s31, s3;
	s26 =	sand.u32 $0xFFFFF800, s26;
	s10 =	sand.u32 $0x380, s10  }
.Ltmp7:
0x74: {  	s10 =	sor.u32 s10, s26;
	(pc) =	sbr.rel @p2 .LBB2_8-.Ltmp7, $4  }
0x75: {  	s10 =	sshrl.u32 s10, $0x3  }
0x76: {  	s10 =	sadd.s32 s6, s10  }
0x77: {  	[tilespmem:s9], [sflag:$0x9] =	stream.strided.gather [hbm4b:s10+s18], $0x100, s19, s18, $0x38;
	[tilespmem:$0x1E678] =	vst v63  }
0x78: {  	s9 =	sadd.s32 $0x100, s9  }
.Ltmp8:
0x79: {  	_ = 	snop;
	(pc) =	sbr.rel .LBB2_5-.Ltmp8, $1  }
0x7a: {  	_ =	sdelay $0x3  }
.LBB2_9:
0x7b: {  	p2 =	slt.u32 s23, $0x2  }
.Ltmp9:
0x7c: {  	_ = 	snop;
	(pc) =	sbr.rel @p2 .LBB2_27-.Ltmp9, $1  }
0x7d: {  	_ =	sdelay $0x3  }
0x7e: {  	p2 =	sgt.s32 s24, $0x13810  }
0x7f: {  	s0 =	smov.u32 s24;
	s2 =	sshra.s32 s24, $0x1F;
	s3 =	ssub.s32 $0x13880, s24  }
0x80: {  	s0 =	simm.s32 @!p2 $0x13810;
	s2 =	sand.u32 s2, s24;
	p2 =	slt.s32 s3, $0x70  }
0x81: {  	s0 =	ssub.s32 s0, s2;
	s3 =	simm.s32 @!p2 $0x70  }
0x82: {  	s0 =	sadd.s32 $0xFFFEC7F0, s0;
	s9 =	sshll.u32 s3, $0x8  }
0x83: {  	s26 =	simm.s32 $0x9;
	s10 =	sshll.u32 s0, $0x2;
	s2 =	sand.u32 $0x3FFFFF00, s9  }
0x84: {  	p2 =	sgt.s32 s0, $0x6F;
	s25 =	ssub.s32 $0x1C0, s10;
	_ =	swait.ge [sflag:s26], s2  }
0x85: {  	s2 =	ssub.s32 $0x0, s2;
	[sflag:s26] =	ssyncset.done $0x0;
	s0 =	sshrl.u32 s25, $0x2  }
0x86: {  	s29 =	simm.s32 $0xB;
	[sflag:s26] =	ssyncadd.s32 s2;
	s0 =	simm.s32 @p2 $0x0  }
0x87: {  	_ =	swait.ge [sflag:s29], s0  }
0x88: {  	s0 =	ssub.s32 $0x0, s0;
	[sflag:s29] =	ssyncset.done $0x0  }
0x89: {  	[sflag:s29] =	ssyncadd.s32 s0  }
0x8a: {  	v1 =	vld [tilespmem:$0xE408];
	_ =	sdelay $0x4  }
0x8b: {  	(v2sf) =	vpush v1, $0x0  }
0x8c: {  	(v2sf) =	vpush v1, $0x1  }
0x8d: {  	(v2sf) =	vpush v1, $0x2;
	_ =	sdelay $0x3  }
0x8e: {  	s0 =	sadd.s32 $0x70, s24  }
0x8f: {  	s2 =	ssub.s32 $0x27100, s24;
	p2 =	slt.s32 s8, s0  }
0x90: {  	s0 =	smov.u32 @p2 s8;
	p2 =	sgt.s32 s2, $0x0  }
0x91: {  	s0 =	ssub.s32 s0, s24;
	s2 =	simm.s32 @!p2 $0x0  }
0x92: {  	p2 =	slt.s32 s2, s0  }
0x93: {  	s0 =	smov.u32 @p2 s2  }
0x94: {  	s4 =	simm.s32 $0x1;
	p2 =	slt.s32 s0, $0x1  }
.Ltmp10:
0x95: {  	s4 =	simm.s32 @!p1 $0x0;
	(pc) =	sbr.rel @p2 .LBB2_14-.Ltmp10, $4  }
0x96: {  	s30 =	smul.u32 $0x1C0, s4  }
0x97: {  	s5 =	spop (v2sf)  }
0x98: {  	s31 =	sshrl.u32 s30, $0x2;
	s28 =	spop (v2sf)  }
0x99: {  	s25 =	sadd.s32 $0x10598, s31;
	s24 =	spop (v2sf)  }
0x9a: {  	s2 =	smin.u32 s0, $0x10  }
0x9b: {  	v1 =	vmov s2  }
0x9c: {  	vm1 =	vgt.u32 v1, v0  }
0x9d: {  	p3 =	sgt.s32 s0, $0x10  }
.Ltmp11:
0x9e: {  	_ = 	snop;
	(pc) =	sbr.rel @!p3 .LBB2_13-.Ltmp11, $2  }
0x9f: {  	_ =	sdelay $0x2  }
0xa0: {  	s26 =	simm.s32 $0x10;
	s29 =	sadd.s32 $0xFFFFFFF0, s0;
	s2 =	smov.u32 s25;
	vm0 =	vmmov vm1;
	v1 =	vld.msk [tilespmem:s25+$0x0 ss:$0x1], vm1  }
.LBB2_12:
0xa1: {  	s3 =	smin.u32 s29, $0x10;
	s26 =	sadd.s32 $0x10, s26  }
0xa2: {  	v2 =	vmov s3;
	p3 =	slt.s32 s26, s0  }
0xa3: {  	vm1 =	vgt.u32 v2, v0;
	_ =	sdelay $0x1  }
0xa4: {  	v2 =	vshll.u32 v1, $0x5;
	v1 =	vshll.u32 v1, $0x4  }
.Ltmp12:
0xa5: {  	v2 =	vand.u32 $0xFFFFFF00, v2;
	v1 =	vand.u32 $0x70, v1;
	(pc) =	sbr.rel @p3 .LBB2_12-.Ltmp12, $4  }
0xa6: {  	v1 =	vor.u32 v1, v2  }
0xa7: {  	[tilespmem:s2+$0x0] =	vst.msk vm0, v1;
	s2 =	sadd.s32 $0x10, s2;
	vm0 =	vmmov vm1  }
0xa8: {  	v1 =	vld.msk [tilespmem:s2+$0x0 ss:$0x1], vm1  }
0xa9: {  	s29 =	sadd.s32 $0xFFFFFFF0, s29  }
.LBB2_13:
0xaa: {  	_ =	sdelay $0x3  }
0xab: {  	v2 =	vshll.u32 v1, $0x5;
	v1 =	vshll.u32 v1, $0x4  }
0xac: {  	v2 =	vand.u32 $0xFFFFFF00, v2;
	v1 =	vand.u32 $0x70, v1  }
0xad: {  	v1 =	vor.u32 v1, v2  }
0xae: {  	[tilespmem:s2+$0x0] =	vst.msk vm0, v1  }
.LBB2_14:
0xaf: {  	s2 =	sand.u32 $0x1, s23  }
0xb0: {  	s2 =	smul.u32 $0x70, s2  }
0xb1: {  	p3 =	sne.s32 s28, $0xFFFFFFFF  }
0xb2: {  	v1 =	vld.msk @!p3 [tilespmem:s2+$0x10598], $0x1;
	_ =	sdelay $0x4  }
0xb3: {  	(v2sf) =	vpush @!p3 v1, $0x0;
	_ =	sdelay $0xc  }
.Ltmp13:
0xb4: {  	_ = 	snop;
	(pc) =	sbr.rel @p2 .LBB2_25-.Ltmp13, $4  }
0xb5: {  	_ = 	snop  }
0xb6: {  	s31 =	spop @!p3 (v2sf)  }
0xb7: {  	s24 =	simm.s32 @!p3 $0x0;
	s26 =	smov.u32 s31  }
0xb8: {  	[sflag:s17] =	ssyncpa.u1 $0x0;
	s31 =	smov.u32 @p3 s5;
	s26 =	smov.u32 @p3 s28  }
0xb9: {  	v1 =	vld.msk [tilespmem:s25+$0x0], $0x1;
	_ =	sdelay $0x4  }
0xba: {  	(v2sf) =	vpush v1, $0x0;
	_ =	sdelay $0xe  }
0xbb: {  	s7 =	smov.u32 s11;
	s5 =	spop (v2sf)  }
0xbc: {  	s17 =	smov.u32 s15;
	s2 =	smul.u32 $0x1C000, s4;
	p2 =	seq.s32 s31, s5  }
0xbd: {  	s3 =	smov.u32 s31;
	s29 =	ssub.s32 $0x0, s0;
	p3 =	sgt.s32 @!p2 s31, $0x0  }
0xbe: {  	s30 =	simm.s32 $0x0;
	s2 =	sshrl.u32 s2, $0x2;
	p3 =	por !p3, p2  }
0xbf: {  	s0 =	sadd.s32 $0x1, s29;
	s28 =	sor.u32 $0x106F8, s2;
	s3 =	simm.s32 @p3 $0x0  }
0xc0: {  	s2 =	simm.s32 @!p2 $0x1;
	p3 =	seq.s32 s0, $0x0;
	s3 =	smin.u32 @!p2 s3, $0x4E170  }
.Ltmp14:
0xc1: {  	s4 =	simm.s32 @!p2 $0x7308;
	s9 =	sand.u32 @!p2 $0x7FFF8, s3;
	(pc) =	sbr.rel @p3 .LBB2_17-.Ltmp14, $4  }
0xc2: {  	s10 =	sadd.s32 @!p2 $0x80, s3;
	s11 =	sadd.s32 @!p2 s1, s9;
	s9 =	sand.u32 @!p2 $0x7, s3  }
0xc3: {  	[tilespmem:s4], [sflag:$0x2] =	stream.linear.gather @!p2 [hbm4b:s11+s9], $0x80, $0x38;
	[tilespmem:$0x1E678] =	vst v63  }
0xc4: {  	s15 =	smov.u32 s14;
	s2 =	smov.u32 @p2 s30;
	s4 =	sand.u32 @!p2 $0xFFFF8, s10  }
0xc5: {  	s3 =	simm.s32 @!p2 $0x7388;
	s10 =	sadd.s32 @!p2 s1, s4;
	s4 =	sadd.s32 $0x1, s25  }
.LBB2_16:
0xc6: {  	s11 =	smov.u32 s2  }
0xc7: {  	[tilespmem:s3], [sflag:$0x2] =	stream.linear.gather @!p2 [hbm4b:s10+s9], $0x80, $0x38;
	[tilespmem:$0x1E678] =	vst v63  }
0xc8: {  	s0 =	sadd.s32 $0x1, s0;
	s9 =	smov.u32 s5;
	v1 =	vld.msk [tilespmem:s4+$0x0], $0x1  }
0xc9: {  	p3 =	seq.s32 s0, $0x0;
	_ =	sdelay $0x3  }
0xca: {  	(v2sf) =	vpush v1, $0x0;
	_ =	sdelay $0xe  }
0xcb: {  	s5 =	spop (v2sf)  }
0xcc: {  	p2 =	seq.s32 s9, s5  }
0xcd: {  	p4 =	sgt.s32 @!p2 s9, $0x0;
	s3 =	sshll.u32 @!p2 s2, $0xA;
	s2 =	sadd.s32 @!p2 $0x1, s2  }
0xce: {  	p4 =	por !p4, p2;
	s3 =	sshra.s32 @!p2 s3, $0x2;
	s2 =	smov.u32 @p2 s11  }
0xcf: {  	s9 =	simm.s32 @p4 $0x0;
	s10 =	sadd.s32 @!p2 $0x7308, s3;
	s3 =	sadd.s32 @!p2 $0x7388, s3  }
.Ltmp15:
0xd0: {  	s9 =	smin.u32 @!p2 s9, $0x4E170;
	(pc) =	sbr.rel @!p3 .LBB2_16-.Ltmp15, $4  }
0xd1: {  	s11 =	sand.u32 @!p2 $0x7FFF8, s9;
	s14 =	sadd.s32 @!p2 $0x80, s9  }
0xd2: {  	s9 =	sand.u32 @!p2 $0x7, s9;
	s11 =	sadd.s32 @!p2 s1, s11;
	s14 =	sand.u32 @!p2 $0xFFFF8, s14  }
0xd3: {  	[tilespmem:s10], [sflag:$0x2] =	stream.linear.gather @!p2 [hbm4b:s11+s9], $0x80, $0x38;
	[tilespmem:$0x1E678] =	vst v63  }
0xd4: {  	s4 =	sadd.s32 $0x1, s4;
	s10 =	sadd.s32 @!p2 s1, s14  }
.LBB2_17:
0xd5: {  	[tilespmem:s3], [sflag:$0x2] =	stream.linear.gather @!p2 [hbm4b:s10+s9], $0x80, $0x38;
	[tilespmem:$0x1E678] =	vst v63  }
0xd6: {  	s0 =	sshll.u32 s2, $0x8  }
.Ltmp16:
0xd7: {  	s14 =	simm.s32 $0x2;
	s0 =	sand.u32 $0x3FFFFF00, s0;
	(pc) =	sbr.rel .LBB2_18-.Ltmp16, $4  }
0xd8: {  	_ =	swait.ge [sflag:s14], s0  }
0xd9: {  	s0 =	ssub.s32 $0x0, s0;
	[sflag:s14] =	ssyncset.done $0x0  }
0xda: {  	s4 =	simm.s32 $0x0;
	s11 =	smov.u32 s7;
	[sflag:s14] =	ssyncadd.s32 s0  }
0xdb: {  	s14 =	smov.u32 s15;
	s15 =	smov.u32 s17;
	s17 =	simm.s32 $0xC  }
.LBB2_19:
0xdc: {  	v1 =	vld [tilespmem:s28+$0xFFFFFF80];
	_ =	sdelay $0x4  }
0xdd: {  	[tilespmem:s5+$0x208] =	vst.add.f32.msk $0xffff, v1  }
0xde: {  	v1 =	vld [tilespmem:s28+$0xFFFFFF90];
	_ =	sdelay $0x4  }
0xdf: {  	[tilespmem:s5+$0x218] =	vst.add.f32.msk $0xffff, v1  }
0xe0: {  	v1 =	vld [tilespmem:s28+$0xFFFFFFA0];
	_ =	sdelay $0x4  }
0xe1: {  	[tilespmem:s5+$0x228] =	vst.add.f32.msk $0xffff, v1  }
0xe2: {  	v1 =	vld [tilespmem:s28+$0xFFFFFFB0];
	_ =	sdelay $0x4  }
0xe3: {  	[tilespmem:s5+$0x238] =	vst.add.f32.msk $0xffff, v1  }
0xe4: {  	v1 =	vld [tilespmem:s28+$0xFFFFFFC0];
	_ =	sdelay $0x4  }
0xe5: {  	[tilespmem:s5+$0x248] =	vst.add.f32.msk $0xffff, v1  }
0xe6: {  	v1 =	vld [tilespmem:s28+$0xFFFFFFD0];
	_ =	sdelay $0x4  }
0xe7: {  	[tilespmem:s5+$0x258] =	vst.add.f32.msk $0xffff, v1  }
0xe8: {  	v1 =	vld [tilespmem:s28+$0xFFFFFFE0];
	_ =	sdelay $0x4  }
0xe9: {  	[tilespmem:s5+$0x268] =	vst.add.f32.msk $0xffff, v1  }
0xea: {  	v1 =	vld [tilespmem:s28+$0xFFFFFFF0];
	_ =	sdelay $0x4  }
0xeb: {  	[tilespmem:s5+$0x278] =	vst.add.f32.msk $0xffff, v1  }
0xec: {  	v1 =	vld [tilespmem:s28+$0x0];
	_ =	sdelay $0x4  }
0xed: {  	[tilespmem:s5+$0x288] =	vst.add.f32.msk $0xffff, v1  }
0xee: {  	v1 =	vld [tilespmem:s28+$0x10];
	_ =	sdelay $0x4  }
0xef: {  	[tilespmem:s5+$0x298] =	vst.add.f32.msk $0xffff, v1  }
0xf0: {  	v1 =	vld [tilespmem:s28+$0x20];
	_ =	sdelay $0x4  }
0xf1: {  	[tilespmem:s5+$0x2A8] =	vst.add.f32.msk $0xffff, v1  }
0xf2: {  	v1 =	vld [tilespmem:s28+$0x30];
	_ =	sdelay $0x4  }
0xf3: {  	[tilespmem:s5+$0x2B8] =	vst.add.f32.msk $0xffff, v1  }
0xf4: {  	v1 =	vld [tilespmem:s28+$0x40];
	_ =	sdelay $0x4  }
0xf5: {  	[tilespmem:s5+$0x2C8] =	vst.add.f32.msk $0xffff, v1  }
0xf6: {  	v1 =	vld [tilespmem:s28+$0x50];
	_ =	sdelay $0x4  }
0xf7: {  	[tilespmem:s5+$0x2D8] =	vst.add.f32.msk $0xffff, v1  }
0xf8: {  	v1 =	vld [tilespmem:s28+$0x60];
	_ =	sdelay $0x4  }
0xf9: {  	[tilespmem:s5+$0x2E8] =	vst.add.f32.msk $0xffff, v1  }
0xfa: {  	v1 =	vld [tilespmem:s28+$0x70];
	_ =	sdelay $0x4  }
0xfb: {  	[tilespmem:s5+$0x2F8] =	vst.add.f32.msk $0xffff, v1  }
.LBB2_23:
0xfc: {  	s29 =	sadd.s32 $0x1, s29  }
0xfd: {  	p2 =	seq.s32 s29, $0x0  }
.Ltmp17:
0xfe: {  	_ = 	snop;
	(pc) =	sbr.rel @p2 .LBB2_24-.Ltmp17, $2  }
0xff: {  	_ =	sdelay $0x2  }
0x100: {  	s25 =	sadd.s32 $0x1, s25;
	s28 =	sadd.s32 $0x100, s28;
	s31 =	smov.u32 s0  }
.LBB2_18:
0x101: {  	v1 =	vld.msk [tilespmem:s25+$0x0], $0x1;
	_ =	sdelay $0x4  }
0x102: {  	(v2sf) =	vpush v1, $0x0;
	_ =	sdelay $0xe  }
0x103: {  	s0 =	spop (v2sf)  }
0x104: {  	p2 =	sne.s32 s31, s0  }
.Ltmp18:
0x105: {  	_ = 	snop;
	(pc) =	sbr.rel @!p2 .LBB2_19-.Ltmp18, $3  }
0x106: {  	_ =	sdelay $0x1  }
0x107: {  	s2 =	sshll.u32 s24, $0xA  }
0x108: {  	s5 =	sshra.s32 s2, $0x2  }
0x109: {  	p2 =	seq.s32 s31, s26  }
.Ltmp19:
0x10a: {  	_ = 	snop;
	(pc) =	sbr.rel @!p2 .LBB2_21-.Ltmp19, $1  }
0x10b: {  	_ =	sdelay $0x3  }
.Ltmp20:
0x10c: {  	s2 =	sadd.s32 $0x208, s5;
	(pc) =	sbr.rel .LBB2_22-.Ltmp20, $4  }
0x10d: {  	[spmem:s16] =	stream.linear.scatter [tilespmem:s2], [sflag:$0x1], $0x100, $0x38;
	[tilespmem:$0x1E678] =	vst v63  }
0x10e: {  	_ =	swait.ge [sflag:s12], $0x100  }
0x10f: {  	[sflag:s12] =	ssyncset.done $0x0  }
0x110: {  	[sflag:s12] =	ssyncadd.s32 $0xFFFFFF00  }
.LBB2_21:
0x111: {  	s2 =	sshll.u32 s30, $0xA  }
0x112: {  	s2 =	sshra.s32 s2, $0x2  }
0x113: {  	v1 =	vld [tilespmem:s2+$0x7308];
	_ =	sdelay $0x4  }
0x114: {  	[tilespmem:s5+$0x208] =	vst.add.f32.msk $0xffff, v1  }
0x115: {  	v1 =	vld [tilespmem:s2+$0x7318];
	_ =	sdelay $0x4  }
0x116: {  	[tilespmem:s5+$0x218] =	vst.add.f32.msk $0xffff, v1  }
0x117: {  	v1 =	vld [tilespmem:s2+$0x7328];
	_ =	sdelay $0x4  }
0x118: {  	[tilespmem:s5+$0x228] =	vst.add.f32.msk $0xffff, v1  }
0x119: {  	v1 =	vld [tilespmem:s2+$0x7338];
	_ =	sdelay $0x4  }
0x11a: {  	[tilespmem:s5+$0x238] =	vst.add.f32.msk $0xffff, v1  }
0x11b: {  	v1 =	vld [tilespmem:s2+$0x7348];
	_ =	sdelay $0x4  }
0x11c: {  	[tilespmem:s5+$0x248] =	vst.add.f32.msk $0xffff, v1  }
0x11d: {  	v1 =	vld [tilespmem:s2+$0x7358];
	_ =	sdelay $0x4  }
0x11e: {  	[tilespmem:s5+$0x258] =	vst.add.f32.msk $0xffff, v1  }
0x11f: {  	v1 =	vld [tilespmem:s2+$0x7368];
	_ =	sdelay $0x4  }
0x120: {  	[tilespmem:s5+$0x268] =	vst.add.f32.msk $0xffff, v1  }
0x121: {  	v1 =	vld [tilespmem:s2+$0x7378];
	_ =	sdelay $0x4  }
0x122: {  	[tilespmem:s5+$0x278] =	vst.add.f32.msk $0xffff, v1  }
0x123: {  	v1 =	vld [tilespmem:s2+$0x7388];
	_ =	sdelay $0x4  }
0x124: {  	[tilespmem:s5+$0x288] =	vst.add.f32.msk $0xffff, v1  }
0x125: {  	v1 =	vld [tilespmem:s2+$0x7398];
	_ =	sdelay $0x4  }
0x126: {  	[tilespmem:s5+$0x298] =	vst.add.f32.msk $0xffff, v1  }
0x127: {  	v1 =	vld [tilespmem:s2+$0x73A8];
	_ =	sdelay $0x4  }
0x128: {  	[tilespmem:s5+$0x2A8] =	vst.add.f32.msk $0xffff, v1  }
0x129: {  	v1 =	vld [tilespmem:s2+$0x73B8];
	_ =	sdelay $0x4  }
0x12a: {  	[tilespmem:s5+$0x2B8] =	vst.add.f32.msk $0xffff, v1  }
0x12b: {  	v1 =	vld [tilespmem:s2+$0x73C8];
	_ =	sdelay $0x4  }
0x12c: {  	[tilespmem:s5+$0x2C8] =	vst.add.f32.msk $0xffff, v1  }
0x12d: {  	v1 =	vld [tilespmem:s2+$0x73D8];
	_ =	sdelay $0x4  }
0x12e: {  	[tilespmem:s5+$0x2D8] =	vst.add.f32.msk $0xffff, v1  }
0x12f: {  	v1 =	vld [tilespmem:s2+$0x73E8];
	_ =	sdelay $0x4  }
0x130: {  	[tilespmem:s5+$0x2E8] =	vst.add.f32.msk $0xffff, v1  }
0x131: {  	v1 =	vld [tilespmem:s2+$0x73F8];
	_ =	sdelay $0x2  }
0x132: {  	p2 =	sgt.u32 s31, $0x4E170  }
0x133: {  	s2 =	sand.u32 @!p2 $0x7FFF8, s31  }
0x134: {  	s3 =	sadd.s32 $0x208, s5;
	s9 =	sand.u32 @!p2 $0x7, s31;
	s2 =	sadd.s32 @!p2 s1, s2;
	[tilespmem:s5+$0x2F8] =	vst.add.f32.msk $0xffff, v1  }
0x135: {  	[hbm4b:s2+s9] =	stream.linear.scatter @!p2 [tilespmem:s3], [sflag:$0xC], $0x80, $0x38;
	[tilespmem:$0x1E678] =	vst v63  }
0x136: {  	s2 =	sadd.s32 @!p2 $0x80, s31  }
0x137: {  	s2 =	sand.u32 @!p2 $0xFFFF8, s2  }
0x138: {  	s3 =	sadd.s32 $0x288, s5;
	s2 =	sadd.s32 @!p2 s1, s2  }
0x139: {  	[hbm4b:s2+s9] =	stream.linear.scatter @!p2 [tilespmem:s3], [sflag:$0xC], $0x80, $0x38;
	[tilespmem:$0x1E678] =	vst v63  }
0x13a: {  	s2 =	simm.s32 $0x0  }
0x13b: {  	s2 =	simm.s32 @!p2 $0x400  }
0x13c: {  	s4 =	sadd.s32 s2, s4  }
.LBB2_22:
0x13d: {  	s2 =	sadd.s32 $0x1, s24  }
0x13e: {  	s3 =	sshrl.u32 s2, $0x4  }
0x13f: {  	s3 =	smulhi.u32 $0x24924925, s3  }
0x140: {  	v1 =	vld [tilespmem:s28+$0xFFFFFF80]  }
0x141: {  	s3 =	smul.u32 $0x70, s3;
	_ =	sdelay $0x1  }
0x142: {  	s24 =	ssub.s32 s2, s3  }
0x143: {  	s2 =	sshll.u32 s24, $0x8  }
0x144: {  	[tilespmem:s2+$0x208] =	vst v1  }
0x145: {  	v1 =	vld [tilespmem:s28+$0xFFFFFF90];
	_ =	sdelay $0x4  }
0x146: {  	[tilespmem:s2+$0x218] =	vst v1  }
0x147: {  	v1 =	vld [tilespmem:s28+$0xFFFFFFA0];
	_ =	sdelay $0x4  }
0x148: {  	[tilespmem:s2+$0x228] =	vst v1  }
0x149: {  	v1 =	vld [tilespmem:s28+$0xFFFFFFB0];
	_ =	sdelay $0x4  }
0x14a: {  	[tilespmem:s2+$0x238] =	vst v1  }
0x14b: {  	v1 =	vld [tilespmem:s28+$0xFFFFFFC0];
	_ =	sdelay $0x4  }
0x14c: {  	[tilespmem:s2+$0x248] =	vst v1  }
0x14d: {  	v1 =	vld [tilespmem:s28+$0xFFFFFFD0];
	_ =	sdelay $0x4  }
0x14e: {  	[tilespmem:s2+$0x258] =	vst v1  }
0x14f: {  	v1 =	vld [tilespmem:s28+$0xFFFFFFE0];
	_ =	sdelay $0x4  }
0x150: {  	[tilespmem:s2+$0x268] =	vst v1  }
0x151: {  	v1 =	vld [tilespmem:s28+$0xFFFFFFF0];
	_ =	sdelay $0x4  }
0x152: {  	[tilespmem:s2+$0x278] =	vst v1  }
0x153: {  	v1 =	vld [tilespmem:s28+$0x0];
	_ =	sdelay $0x4  }
0x154: {  	[tilespmem:s2+$0x288] =	vst v1  }
0x155: {  	v1 =	vld [tilespmem:s28+$0x10];
	_ =	sdelay $0x4  }
0x156: {  	[tilespmem:s2+$0x298] =	vst v1  }
0x157: {  	v1 =	vld [tilespmem:s28+$0x20];
	_ =	sdelay $0x4  }
0x158: {  	[tilespmem:s2+$0x2A8] =	vst v1  }
0x159: {  	v1 =	vld [tilespmem:s28+$0x30];
	_ =	sdelay $0x4  }
0x15a: {  	[tilespmem:s2+$0x2B8] =	vst v1  }
0x15b: {  	v1 =	vld [tilespmem:s28+$0x40];
	_ =	sdelay $0x4  }
0x15c: {  	[tilespmem:s2+$0x2C8] =	vst v1  }
0x15d: {  	v1 =	vld [tilespmem:s28+$0x50];
	_ =	sdelay $0x4  }
0x15e: {  	[tilespmem:s2+$0x2D8] =	vst v1  }
0x15f: {  	v1 =	vld [tilespmem:s28+$0x60];
	_ =	sdelay $0x4  }
0x160: {  	[tilespmem:s2+$0x2E8] =	vst v1  }
0x161: {  	v1 =	vld [tilespmem:s28+$0x70]  }
.Ltmp21:
0x162: {  	_ = 	snop;
	(pc) =	sbr.rel .LBB2_23-.Ltmp21, $2  }
0x163: {  	_ =	sdelay $0x2  }
0x164: {  	s30 =	sadd.s32 $0x1, s30;
	[tilespmem:s2+$0x2F8] =	vst v1  }
.LBB2_25:
.Ltmp22:
0x165: {  	(pc) =	sbr.rel .LBB2_26-.Ltmp22, $4  }
0x166: {  	_ = 	snop  }
0x167: {  	s0 =	simm.s32 $0x2  }
0x168: {  	_ =	swait.ge [sflag:s0], $0x0  }
0x169: {  	s2 =	simm.s32 $0x0;
	[sflag:s0] =	ssyncset.done $0x0;
	s0 =	smov.u32 s31  }
.LBB2_28:
0x16a: {  	_ =	sfence.sel $0x180000  }
0x16b: {  	s0 =	simm.s32 $0x9;
	[bflag:$0x0] =	sbarrier.arrive $0xFFFF  }
0x16c: {  	s24 =	simm.s32 $0xA;
	[sflag:s0] =	ssyncpa.u1 $0x1  }
0x16d: {  	s25 =	simm.s32 $0xB;
	[sflag:s24] =	ssyncpa.u1 $0x1  }
0x16e: {  	s26 =	simm.s32 $0x2;
	[sflag:s25] =	ssyncpa.u1 $0x1  }
0x16f: {  	[sflag:s26] =	ssyncpa.u1 $0x1  }
0x170: {  	v0 =	vld [tilespmem:$0xE408];
	_ =	sdelay $0x4  }
0x171: {  	(v2sf) =	vpush v0, $0x0  }
0x172: {  	(v2sf) =	vpush v0, $0x1;
	_ =	sdelay $0x1  }
0x173: {  	(v2sf) =	vpush v0, $0x2;
	_ =	sdelay $0xb  }
0x174: {  	s0 =	spop (v2sf)  }
0x175: {  	s2 =	spop (v2sf)  }
0x176: {  	s3 =	smov.u32 s0;
	p0 =	sne.s32 s0, s2  }
0x177: {  	s4 =	spop (v2sf);
	s3 =	simm.s32 @!p0 $0xFFFFFFFF  }
0x178: {  	v2 =	vimm.s32 $0x1;
	v3 =	vlaneseq.u32;
	p0 =	seq.s32 s4, $0xFFFFFFFF;
	v1 =	vmov s3  }
0x179: {  	s15 =	stileid.u32;
	v0 =	vperm.xlane v0, v2;
	p1 =	sne.s32 @!p0 s0, s2;
	v1 =	vperm.xlane v1, v3  }
0x17a: {  	vm0 =	vcmask $0x3F04;
	s6 =	simm.s32 $0xE408;
	s0 =	simm.s32 @!p0 $0x1;
	p1 =	por !p1, p0  }
0x17b: {  	s3 =	sshll.u32 s15, $0x1;
	s2 =	sshll.u32 @!p0 s4, $0xA;
	s0 =	simm.s32 @p1 $0x0;
	v0 =	vsel vm0, v1, v0  }
0x17c: {  	s5 =	sor.u32 $0x2000, s3;
	s2 =	sshra.s32 @!p0 s2, $0x2;
	s0 =	sor.u32 @!p0 s0, s3;
	[tilespmem:$0xE408] =	vst v0  }
0x17d: {  	[spmem:s5] =	stream.linear.scatter [tilespmem:s6], [sflag:$0x1], $0x2, $0x38;
	[tilespmem:$0x1E678] =	vst v63  }
0x17e: {  	s2 =	sadd.s32 @!p0 $0x208, s2;
	s0 =	sshll.u32 @!p0 s0, $0x8  }
0x17f: {  	[spmem:s0] =	stream.linear.scatter @!p0 [tilespmem:s2], [sflag:$0x1], $0x100, $0x38;
	[tilespmem:$0x1E678] =	vst v63  }
0x180: {  	s0 =	simm.s32 @!p0 $0x102  }
0x181: {  	s28 =	simm.s32 $0x1;
	s0 =	simm.s32 @p0 $0x2  }
0x182: {  	_ =	swait.ge [sflag:s28], s0  }
0x183: {  	s0 =	ssub.s32 $0x0, s0;
	[sflag:s28] =	ssyncset.done $0x0  }
0x184: {  	p0 =	sne.s32 s15, $0x0;
	[sflag:s28] =	ssyncadd.s32 s0  }
.Ltmp23:
0x185: {  	_ =	sfence.stream.spmem;
	(pc) =	sbr.rel @p0 .LBB2_45-.Ltmp23, $4  }
0x186: {  	s29 =	simm.s32 $0x3;
	[bflag:$0x0] =	sbarrier.arrive $0xFFFF  }
0x187: {  	s30 =	simm.s32 $0x4;
	[sflag:s29] =	ssyncpa.u1 $0x1  }
0x188: {  	s31 =	simm.s32 $0x3C;
	[sflag:s30] =	ssyncpa.u1 $0x1  }
0x189: {  	s14 =	rddreg [dreg:$0x4];
	[sflag:s31] =	ssyncpa.u1 $0x1  }
0x18a: {  	_ =	sfence.stream.spmem;
	s0 =	simm.s32 $0x5  }
0x18b: {  	s2 =	simm.s32 $0x2000;
	s3 =	simm.s32 $0xE418;
	[sflag:s0] =	ssyncpa.u1 $0x0  }
0x18c: {  	[tilespmem:s3], [sflag:$0x5] =	stream.linear.gather [spmem:s2], $0x20, $0x38;
	[tilespmem:$0x1E678] =	vst v63  }
0x18d: {  	s26 =	simm.s32 $0x0;
	s28 =	simm.s32 $0xE438  }
0x18e: {  	[tilespmem:s28], [sflag:$0x5] =	stream.linear.gather [spmem:s26], $0x2000, $0x38;
	[tilespmem:$0x1E678] =	vst v63  }
0x18f: {  	_ =	swait.ge [sflag:s0], $0x2020  }
0x190: {  	[sflag:s0] =	ssyncset.done $0x0  }
0x191: {  	s29 =	simm.s32 $0x0;
	[sflag:s0] =	ssyncadd.s32 $0xFFFFDFE0  }
0x192: {  	v0 =	vld.msk [tilespmem:s29+$0xE418], $0x1;
	_ =	sdelay $0x1  }
0x193: {  	s30 =	simm.s32 $0x1  }
0x194: {  	v1 =	vld.msk [tilespmem:s30+$0xE418], $0x1;
	_ =	sdelay $0x1  }
0x195: {  	(v2sf) =	vpush v0, $0x0;
	_ =	sdelay $0x2  }
0x196: {  	(v2sf) =	vpush v1, $0x0;
	_ =	sdelay $0x2  }
0x197: {  	s31 =	simm.s32 $0x2  }
0x198: {  	v0 =	vld.msk [tilespmem:s31+$0xE418], $0x1;
	_ =	sdelay $0x2  }
0x199: {  	s2 =	simm.s32 $0xFFFFFFFF;
	s3 =	simm.s32 $0xFFFFFFFF;
	s0 =	simm.s32 $0xC  }
.LBB2_30:
0x19a: {  	s4 =	smov.u32 s3;
	s5 =	smov.u32 s2  }
0x19b: {  	s2 =	sshra.s32 s0, $0x2;
	p1 =	sne.s32 s0, $0x7C;
	s0 =	sadd.s32 $0x4, s0;
	(v2sf) =	vpush v0, $0x0  }
0x19c: {  	v0 =	vld.msk [tilespmem:s2+$0xE418], $0x1  }
.Ltmp24:
0x19d: {  	(pc) =	sbr.rel @p1 .LBB2_30-.Ltmp24, $4  }
0x19e: {  	s3 =	spop (v2sf)  }
0x19f: {  	p2 =	sne.s32 s5, $0xFFFFFFFF;
	s2 =	smov.u32 s3  }
0x1a0: {  	p3 =	seq.s32 s3, $0xFFFFFFFF;
	s2 =	smov.u32 @p2 s5  }
0x1a1: {  	s3 =	smov.u32 @p3 s4;
	s2 =	smov.u32 @p3 s5  }
0x1a2: {  	(v2sf) =	vpush v0, $0x0;
	_ =	sdelay $0x8  }
0x1a3: {  	s0 =	spop (v2sf)  }
0x1a4: {  	p1 =	sne.s32 s2, $0xFFFFFFFF;
	s9 =	simm.s32 $0x6;
	s4 =	smov.u32 s0  }
0x1a5: {  	s6 =	simm.s32 $0x0;
	p2 =	seq.s32 s0, $0xFFFFFFFF;
	s4 =	smov.u32 @p1 s2  }
0x1a6: {  	s10 =	simm.s32 $0xE308;
	s4 =	smov.u32 @p2 s2;
	s2 =	spop (v2sf)  }
0x1a7: {  	s0 =	smov.u32 @p2 s3;
	p1 =	sne.s32 s4, $0xFFFFFFFF;
	s5 =	smov.u32 s2  }
.Ltmp25:
0x1a8: {  	p2 =	seq.s32 s2, $0xFFFFFFFF;
	s5 =	smov.u32 @p1 s4;
	(pc) =	sbr.rel .LBB2_32-.Ltmp25, $4  }
0x1a9: {  	s11 =	simm.s32 $0xE388;
	s5 =	smov.u32 @p2 s4;
	s7 =	spop (v2sf)  }
0x1aa: {  	s12 =	simm.s32 $0x0;
	p1 =	sne.s32 s5, $0xFFFFFFFF;
	s8 =	smov.u32 s7  }
0x1ab: {  	s2 =	smov.u32 @p2 s0;
	p2 =	seq.s32 s7, $0xFFFFFFFF;
	s8 =	smov.u32 @p1 s5  }
0x1ac: {  	[sflag:s9] =	ssyncpa.u1 $0x0;
	s7 =	smov.u32 @p2 s2;
	s8 =	smov.u32 @p2 s5  }
.LBB2_38:
0x1ad: {  	p1 =	sgt.u32 s0, $0x4E170  }
0x1ae: {  	p2 =	seq.s32 @!p1 s0, s8  }
0x1af: {  	p1 =	por p1, p2  }
0x1b0: {  	p2 =	sne.s32 @!p1 s0, s7  }
0x1b1: {  	p1 =	por p1, !p2  }
0x1b2: {  	s0 =	sshll.u32 @p1 s12, $0xA  }
0x1b3: {  	s2 =	sand.u32 @!p1 $0x7FFF8, s0;
	s3 =	sand.u32 @!p1 $0x7, s0;
	s0 =	sadd.s32 @!p1 $0x80, s0  }
0x1b4: {  	s2 =	sadd.s32 @!p1 s1, s2;
	s0 =	sand.u32 @!p1 $0xFFFF8, s0  }
0x1b5: {  	[tilespmem:s10], [sflag:$0x6] =	stream.linear.gather @!p1 [hbm4b:s2+s3], $0x80, $0x38;
	[tilespmem:$0x1E678] =	vst v63  }
0x1b6: {  	s0 =	sadd.s32 @!p1 s1, s0  }
0x1b7: {  	[tilespmem:s11], [sflag:$0x6] =	stream.linear.gather @!p1 [hbm4b:s0+s3], $0x80, $0x38;
	[tilespmem:$0x1E678] =	vst v63  }
0x1b8: {  	_ =	swait.ge @!p1 [sflag:s9], $0x100  }
0x1b9: {  	[sflag:s9] =	ssyncset.done @!p1 $0x0  }
0x1ba: {  	[sflag:s9] =	ssyncadd.s32 @!p1 $0xFFFFFF00  }
0x1bb: {  	v1 =	vld @!p1 [tilespmem:$0xE308];
	_ =	sdelay $0x2  }
0x1bc: {  	s0 =	sshll.u32 @!p1 s12, $0xA  }
0x1bd: {  	s2 =	sshrl.u32 @!p1 s0, $0x2  }
0x1be: {  	[tilespmem:s2+$0xE438] =	vst.add.f32.msk @!p1 $0xffff, v1  }
0x1bf: {  	v1 =	vld @!p1 [tilespmem:$0xE318];
	_ =	sdelay $0x4  }
0x1c0: {  	[tilespmem:s2+$0xE448] =	vst.add.f32.msk @!p1 $0xffff, v1  }
0x1c1: {  	v1 =	vld @!p1 [tilespmem:$0xE328];
	_ =	sdelay $0x4  }
0x1c2: {  	[tilespmem:s2+$0xE458] =	vst.add.f32.msk @!p1 $0xffff, v1  }
0x1c3: {  	v1 =	vld @!p1 [tilespmem:$0xE338];
	_ =	sdelay $0x4  }
0x1c4: {  	[tilespmem:s2+$0xE468] =	vst.add.f32.msk @!p1 $0xffff, v1  }
0x1c5: {  	v1 =	vld @!p1 [tilespmem:$0xE348];
	_ =	sdelay $0x4  }
0x1c6: {  	[tilespmem:s2+$0xE478] =	vst.add.f32.msk @!p1 $0xffff, v1  }
0x1c7: {  	v1 =	vld @!p1 [tilespmem:$0xE358];
	_ =	sdelay $0x4  }
0x1c8: {  	[tilespmem:s2+$0xE488] =	vst.add.f32.msk @!p1 $0xffff, v1  }
0x1c9: {  	v1 =	vld @!p1 [tilespmem:$0xE368];
	_ =	sdelay $0x4  }
0x1ca: {  	[tilespmem:s2+$0xE498] =	vst.add.f32.msk @!p1 $0xffff, v1  }
0x1cb: {  	v1 =	vld @!p1 [tilespmem:$0xE378];
	_ =	sdelay $0x4  }
0x1cc: {  	[tilespmem:s2+$0xE4A8] =	vst.add.f32.msk @!p1 $0xffff, v1  }
0x1cd: {  	v1 =	vld @!p1 [tilespmem:$0xE388];
	_ =	sdelay $0x4  }
0x1ce: {  	[tilespmem:s2+$0xE4B8] =	vst.add.f32.msk @!p1 $0xffff, v1  }
0x1cf: {  	v1 =	vld @!p1 [tilespmem:$0xE398];
	_ =	sdelay $0x4  }
0x1d0: {  	[tilespmem:s2+$0xE4C8] =	vst.add.f32.msk @!p1 $0xffff, v1  }
0x1d1: {  	v1 =	vld @!p1 [tilespmem:$0xE3A8];
	_ =	sdelay $0x4  }
0x1d2: {  	[tilespmem:s2+$0xE4D8] =	vst.add.f32.msk @!p1 $0xffff, v1  }
0x1d3: {  	v1 =	vld @!p1 [tilespmem:$0xE3B8];
	_ =	sdelay $0x4  }
0x1d4: {  	[tilespmem:s2+$0xE4E8] =	vst.add.f32.msk @!p1 $0xffff, v1  }
0x1d5: {  	v1 =	vld @!p1 [tilespmem:$0xE3C8];
	_ =	sdelay $0x4  }
0x1d6: {  	[tilespmem:s2+$0xE4F8] =	vst.add.f32.msk @!p1 $0xffff, v1  }
0x1d7: {  	v1 =	vld @!p1 [tilespmem:$0xE3D8];
	_ =	sdelay $0x4  }
0x1d8: {  	[tilespmem:s2+$0xE508] =	vst.add.f32.msk @!p1 $0xffff, v1  }
0x1d9: {  	v1 =	vld @!p1 [tilespmem:$0xE3E8];
	_ =	sdelay $0x4  }
0x1da: {  	[tilespmem:s2+$0xE518] =	vst.add.f32.msk @!p1 $0xffff, v1  }
0x1db: {  	v1 =	vld @!p1 [tilespmem:$0xE3F8];
	_ =	sdelay $0x4  }
0x1dc: {  	[tilespmem:s2+$0xE528] =	vst.add.f32.msk @!p1 $0xffff, v1  }
0x1dd: {  	s0 =	sshrl.u32 s0, $0x2;
	[tilespmem:s6+$0xE418] =	vst.msk $0x1, v0  }
0x1de: {  	v0 =	vld [tilespmem:s0+$0xE438];
	_ =	sdelay $0x2  }
0x1df: {  	s31 =	sshll.u32 s6, $0xA  }
0x1e0: {  	s2 =	sshra.s32 s31, $0x2  }
0x1e1: {  	[tilespmem:s2+$0xE438] =	vst v0  }
0x1e2: {  	v0 =	vld [tilespmem:s0+$0xE448];
	_ =	sdelay $0x4  }
0x1e3: {  	[tilespmem:s2+$0xE448] =	vst v0  }
0x1e4: {  	v0 =	vld [tilespmem:s0+$0xE458];
	_ =	sdelay $0x4  }
0x1e5: {  	[tilespmem:s2+$0xE458] =	vst v0  }
0x1e6: {  	v0 =	vld [tilespmem:s0+$0xE468];
	_ =	sdelay $0x4  }
0x1e7: {  	[tilespmem:s2+$0xE468] =	vst v0  }
0x1e8: {  	v0 =	vld [tilespmem:s0+$0xE478];
	_ =	sdelay $0x4  }
0x1e9: {  	[tilespmem:s2+$0xE478] =	vst v0  }
0x1ea: {  	v0 =	vld [tilespmem:s0+$0xE488];
	_ =	sdelay $0x4  }
0x1eb: {  	[tilespmem:s2+$0xE488] =	vst v0  }
0x1ec: {  	v0 =	vld [tilespmem:s0+$0xE498];
	_ =	sdelay $0x4  }
0x1ed: {  	[tilespmem:s2+$0xE498] =	vst v0  }
0x1ee: {  	v0 =	vld [tilespmem:s0+$0xE4A8];
	_ =	sdelay $0x4  }
0x1ef: {  	[tilespmem:s2+$0xE4A8] =	vst v0  }
0x1f0: {  	v0 =	vld [tilespmem:s0+$0xE4B8];
	_ =	sdelay $0x4  }
0x1f1: {  	[tilespmem:s2+$0xE4B8] =	vst v0  }
0x1f2: {  	v0 =	vld [tilespmem:s0+$0xE4C8];
	_ =	sdelay $0x4  }
0x1f3: {  	[tilespmem:s2+$0xE4C8] =	vst v0  }
0x1f4: {  	v0 =	vld [tilespmem:s0+$0xE4D8];
	_ =	sdelay $0x4  }
0x1f5: {  	[tilespmem:s2+$0xE4D8] =	vst v0  }
0x1f6: {  	v0 =	vld [tilespmem:s0+$0xE4E8];
	_ =	sdelay $0x4  }
0x1f7: {  	[tilespmem:s2+$0xE4E8] =	vst v0  }
0x1f8: {  	v0 =	vld [tilespmem:s0+$0xE4F8];
	_ =	sdelay $0x4  }
0x1f9: {  	[tilespmem:s2+$0xE4F8] =	vst v0  }
0x1fa: {  	v0 =	vld [tilespmem:s0+$0xE508];
	_ =	sdelay $0x4  }
0x1fb: {  	[tilespmem:s2+$0xE508] =	vst v0  }
0x1fc: {  	v0 =	vld [tilespmem:s0+$0xE518];
	_ =	sdelay $0x4  }
0x1fd: {  	[tilespmem:s2+$0xE518] =	vst v0  }
0x1fe: {  	v0 =	vld [tilespmem:s0+$0xE528];
	_ =	sdelay $0x4  }
0x1ff: {  	s6 =	sadd.s32 $0x1, s6;
	[tilespmem:s2+$0xE528] =	vst v0  }
.LBB2_39:
0x200: {  	s12 =	sadd.s32 $0x1, s12  }
0x201: {  	p1 =	sne.s32 s12, $0x20  }
.Ltmp26:
0x202: {  	_ = 	snop;
	(pc) =	sbr.rel @!p1 .LBB2_40-.Ltmp26, $1  }
0x203: {  	_ =	sdelay $0x3  }
.LBB2_32:
0x204: {  	v0 =	vld.msk [tilespmem:s12+$0xE418], $0x1;
	_ =	sdelay $0x4  }
0x205: {  	(v2sf) =	vpush v0, $0x0;
	_ =	sdelay $0xe  }
0x206: {  	s0 =	spop (v2sf)  }
0x207: {  	p1 =	seq.s32 s0, $0xFFFFFFFF  }
.Ltmp27:
0x208: {  	_ = 	snop;
	(pc) =	sbr.rel @p1 .LBB2_39-.Ltmp27, $1  }
0x209: {  	_ =	sdelay $0x3  }
0x20a: {  	p1 =	slt.s32 s6, $0x1  }
.Ltmp28:
0x20b: {  	_ = 	snop;
	(pc) =	sbr.rel @p1 .LBB2_38-.Ltmp28, $1  }
0x20c: {  	_ =	sdelay $0x3  }
0x20d: {  	s4 =	simm.s32 $0xE418;
	p1 =	por $0x0, $0x0  }
0x20e: {  	v1 =	vld.msk @!p1 [tilespmem:s4+$0x0], $0x1;
	_ =	sdelay $0x4  }
0x20f: {  	(v2sf) =	vpush @!p1 v1, $0x0;
	_ =	sdelay $0xd  }
0x210: {  	p3 =	sne.s32 s6, $0x1  }
.Ltmp29:
0x211: {  	s2 =	spop @!p1 (v2sf);
	(pc) =	sbr.rel @!p3 .LBB2_36-.Ltmp29, $4  }
0x212: {  	p2 =	seq.s32 @!p1 s0, s2  }
0x213: {  	s5 =	simm.s32 $0x0;
	p2 =	por !p2, p1  }
0x214: {  	s2 =	simm.s32 $0xFFFFFFFF;
	s5 =	simm.s32 @p2 $0xFFFFFFFF  }
0x215: {  	s13 =	simm.s32 $0x1;
	s5 =	smov.u32 @p1 s2  }
.LBB2_35:
0x216: {  	s2 =	smov.u32 s5;
	p1 =	sne.s32 s5, $0xFFFFFFFF  }
0x217: {  	s4 =	sadd.s32 $0x1, s4;
	s5 =	smov.u32 s13;
	s13 =	sadd.s32 $0x1, s13  }
0x218: {  	p2 =	sne.s32 s6, s13;
	v1 =	vld.msk @!p1 [tilespmem:s4+$0x0], $0x1;
	_ =	sdelay $0x4  }
0x219: {  	(v2sf) =	vpush @!p1 v1, $0x0;
	_ =	sdelay $0xe  }
.Ltmp30:
0x21a: {  	s3 =	spop @!p1 (v2sf);
	(pc) =	sbr.rel @p2 .LBB2_35-.Ltmp30, $4  }
0x21b: {  	p3 =	seq.s32 @!p1 s0, s3  }
0x21c: {  	p3 =	por !p3, p1  }
0x21d: {  	s5 =	simm.s32 @p3 $0xFFFFFFFF  }
0x21e: {  	s5 =	smov.u32 @p1 s2  }
.LBB2_36:
0x21f: {  	p1 =	seq.s32 s5, $0xFFFFFFFF  }
.Ltmp31:
0x220: {  	_ = 	snop;
	(pc) =	sbr.rel @p1 .LBB2_38-.Ltmp31, $1  }
0x221: {  	_ =	sdelay $0x3  }
0x222: {  	s0 =	sshll.u32 s12, $0x8  }
0x223: {  	s0 =	sand.u32 $0x3FFFFF00, s0  }
0x224: {  	v0 =	vld [tilespmem:s0+$0xE438];
	_ =	sdelay $0x2  }
0x225: {  	s2 =	sshll.u32 s5, $0xA  }
0x226: {  	s2 =	sshra.s32 s2, $0x2  }
0x227: {  	[tilespmem:s2+$0xE438] =	vst.add.f32.msk $0xffff, v0  }
0x228: {  	v0 =	vld [tilespmem:s0+$0xE448];
	_ =	sdelay $0x4  }
0x229: {  	[tilespmem:s2+$0xE448] =	vst.add.f32.msk $0xffff, v0  }
0x22a: {  	v0 =	vld [tilespmem:s0+$0xE458];
	_ =	sdelay $0x4  }
0x22b: {  	[tilespmem:s2+$0xE458] =	vst.add.f32.msk $0xffff, v0  }
0x22c: {  	v0 =	vld [tilespmem:s0+$0xE468];
	_ =	sdelay $0x4  }
0x22d: {  	[tilespmem:s2+$0xE468] =	vst.add.f32.msk $0xffff, v0  }
0x22e: {  	v0 =	vld [tilespmem:s0+$0xE478];
	_ =	sdelay $0x4  }
0x22f: {  	[tilespmem:s2+$0xE478] =	vst.add.f32.msk $0xffff, v0  }
0x230: {  	v0 =	vld [tilespmem:s0+$0xE488];
	_ =	sdelay $0x4  }
0x231: {  	[tilespmem:s2+$0xE488] =	vst.add.f32.msk $0xffff, v0  }
0x232: {  	v0 =	vld [tilespmem:s0+$0xE498];
	_ =	sdelay $0x4  }
0x233: {  	[tilespmem:s2+$0xE498] =	vst.add.f32.msk $0xffff, v0  }
0x234: {  	v0 =	vld [tilespmem:s0+$0xE4A8];
	_ =	sdelay $0x4  }
0x235: {  	[tilespmem:s2+$0xE4A8] =	vst.add.f32.msk $0xffff, v0  }
0x236: {  	v0 =	vld [tilespmem:s0+$0xE4B8];
	_ =	sdelay $0x4  }
0x237: {  	[tilespmem:s2+$0xE4B8] =	vst.add.f32.msk $0xffff, v0  }
0x238: {  	v0 =	vld [tilespmem:s0+$0xE4C8];
	_ =	sdelay $0x4  }
0x239: {  	[tilespmem:s2+$0xE4C8] =	vst.add.f32.msk $0xffff, v0  }
0x23a: {  	v0 =	vld [tilespmem:s0+$0xE4D8];
	_ =	sdelay $0x4  }
0x23b: {  	[tilespmem:s2+$0xE4D8] =	vst.add.f32.msk $0xffff, v0  }
0x23c: {  	v0 =	vld [tilespmem:s0+$0xE4E8];
	_ =	sdelay $0x4  }
0x23d: {  	[tilespmem:s2+$0xE4E8] =	vst.add.f32.msk $0xffff, v0  }
0x23e: {  	v0 =	vld [tilespmem:s0+$0xE4F8];
	_ =	sdelay $0x4  }
0x23f: {  	[tilespmem:s2+$0xE4F8] =	vst.add.f32.msk $0xffff, v0  }
0x240: {  	v0 =	vld [tilespmem:s0+$0xE508];
	_ =	sdelay $0x4  }
0x241: {  	[tilespmem:s2+$0xE508] =	vst.add.f32.msk $0xffff, v0  }
0x242: {  	v0 =	vld [tilespmem:s0+$0xE518];
	_ =	sdelay $0x4  }
0x243: {  	[tilespmem:s2+$0xE518] =	vst.add.f32.msk $0xffff, v0  }
0x244: {  	v0 =	vld [tilespmem:s0+$0xE528]  }
.Ltmp32:
0x245: {  	_ = 	snop;
	(pc) =	sbr.rel .LBB2_39-.Ltmp32, $2  }
0x246: {  	_ =	sdelay $0x2  }
0x247: {  	[tilespmem:s2+$0xE528] =	vst.add.f32.msk $0xffff, v0  }
.LBB2_40:
0x248: {  	s0 =	simm.s32 $0x6;
	p1 =	seq.s32 s6, $0x0  }
0x249: {  	[sflag:s0] =	ssyncpa.u1 $0x1;
	v0 =	vimm.s32 @p1 $0xFFFFFFFF  }
0x24a: {  	s0 =	sadd.s32 $0xFFFFFFFF, s6;
	[tilespmem:$0x10438] =	vst @p1 v0  }
0x24b: {  	v0 =	vld.msk @!p1 [tilespmem:s0+$0xE418], $0x1;
	_ =	sdelay $0x1  }
0x24c: {  	v1 =	vld.msk @!p1 [tilespmem:$0xE418], $0x1;
	_ =	sdelay $0x2  }
0x24d: {  	p2 =	seq.s32 @!p1 s0, $0x0;
	v0 =	vbroadcast @!p1 v0, $0x0  }
0x24e: {  	vm0 =	vmmov @!p1 $0x1;
	p2 =	por !p2, p1  }
0x24f: {  	v1 =	vnsel @!p1 vm0, $0xFFFFFFFF, v1;
	vm0 =	vcmask @!p1 $0x308;
	v0 =	vpsel !p2, $0xFFFFFFFF, v0  }
0x250: {  	p2 =	sne.s32 @!p1 s8, s7;
	v0 =	vsel @!p1 vm0, v1, v0  }
0x251: {  	s2 =	simm.s32 @!p1 $0xE438;
	s3 =	simm.s32 @!p1 $0x0;
	p3 =	por !p2, p1;
	[tilespmem:$0x10438] =	vst @!p1 v0  }
0x252: {  	[spmem:s3] =	stream.linear.scatter @!p1 [tilespmem:s2], [sflag:$0x1], $0x100, $0x38;
	[tilespmem:$0x1E678] =	vst v63  }
0x253: {  	s2 =	sshll.u32 @!p3 s0, $0xA  }
0x254: {  	s2 =	sshra.s32 @!p3 s2, $0x2  }
0x255: {  	s3 =	simm.s32 @!p3 $0x100;
	s2 =	sadd.s32 @!p3 $0xE438, s2  }
0x256: {  	[spmem:s3] =	stream.linear.scatter @!p3 [tilespmem:s2], [sflag:$0x1], $0x100, $0x38;
	[tilespmem:$0x1E678] =	vst v63  }
0x257: {  	s2 =	simm.s32 @!p3 $0x1  }
0x258: {  	_ =	swait.ge @!p3 [sflag:s2], $0x200  }
0x259: {  	p1 =	por p2, p1;
	[sflag:s2] =	ssyncset.done @!p3 $0x0  }
0x25a: {  	[sflag:s2] =	ssyncadd.s32 @!p3 $0xFFFFFE00;
	s2 =	simm.s32 @!p1 $0x1  }
0x25b: {  	_ =	swait.ge @!p1 [sflag:s2], $0x100  }
0x25c: {  	s29 =	simm.s32 $0x10438;
	[sflag:s2] =	ssyncset.done @!p1 $0x0  }
0x25d: {  	s30 =	simm.s32 $0x2000;
	s31 =	simm.s32 $0x1;
	[sflag:s2] =	ssyncadd.s32 @!p1 $0xFFFFFF00  }
0x25e: {  	[spmem:s30] =	stream.linear.scatter [tilespmem:s29], [sflag:$0x1], $0x10, $0x38;
	[tilespmem:$0x1E678] =	vst v63  }
0x25f: {  	_ =	swait.ge [sflag:s31], $0x10  }
0x260: {  	[sflag:s31] =	ssyncset.done $0x0  }
0x261: {  	p1 =	seq.s32 s14, $0x0;
	s9 =	rddreg [dreg:$0x1];
	[sflag:s31] =	ssyncadd.s32 $0xFFFFFFF0  }
0x262: {  	s3 =	sshll.u32 @p1 s9, $0xE;
	s8 =	rddreg [dreg:$0x2]  }
0x263: {  	s2 =	sadd.s32 @p1 $0x15C3C, s3;
	s3 =	sshll.u32 @p1 s8, $0x11  }
0x264: {  	_ =	sfence.stream.spmem;
	s2 =	sor.u32 @p1 s3, s2  }
0x265: {  	[sflag:s2] =	ssyncadd.remote.s32 @p1 $0x1;
	s2 =	simm.s32 @p1 $0x4  }
0x266: {  	s4 =	simm.s32 @!p1 $0x3C;
	s3 =	sand.u32 $0xFFFFFFFE, s9;
	_ =	swait.ge @p1 [sflag:s2], $0x42  }
0x267: {  	s5 =	simm.s32 @!p1 $0x0;
	s3 =	sadd.s32 @!p1 $0x4, s3;
	[sflag:s2] =	ssyncset.done @p1 $0x0  }
0x268: {  	s7 =	simm.s32 @!p1 $0x200;
	[sflag:s2] =	ssyncadd.s32 @p1 $0xFFFFFFBE;
	s2 =	sshll.u32 @!p1 s3, $0x1A  }
0x269: {  	s3 =	sshll.u32 @!p1 s3, $0xD;
	s2 =	sor.u32 @!p1 s2, s8;
	_ =	swait.eq @!p1 [sflag:s4], $0x1  }
0x26a: {  	s3 =	sor.u32 @!p1 $0x1C04, s3;
	s4 =	simm.s32 @!p1 $0x1C03;
	s2 =	sor.u32 @!p1 $0x80004000, s2  }
0x26b: {  	[spmem:s7], [sflag:s3] =	dma.general @!p1 [spmem:s5], [sflag:s4], length:$0x40, [dreg:$0x0], stride_count:$0x0, ici_dest:s2, dma_misc:DstOpCode:WRITE  }
0x26c: {  	p2 =	slt.s32 s0, $0x2;
	s5 =	simm.s32 @!p1 $0x400;
	s7 =	simm.s32 @!p1 $0x402  }
0x26d: {  	[spmem:s7], [sflag:s3] =	dma.general @!p1 [spmem:s5], [sflag:s4], length:$0x2, [dreg:$0x0], stride_count:$0x0, ici_dest:s2, dma_misc:DstOpCode:WRITE  }
.Ltmp33:
0x26e: {  	s2 =	simm.s32 @!p1 $0x3;
	(pc) =	sbr.rel @p2 .LBB2_44-.Ltmp33, $4  }
0x26f: {  	s3 =	sshll.u32 @!p1 s9, $0xE;
	_ =	swait.ge @!p1 [sflag:s2], $0x42  }
0x270: {  	s4 =	sshll.u32 @!p1 s8, $0x11;
	s3 =	sadd.s32 @!p1 $0x11C3C, s3;
	[sflag:s2] =	ssyncset.done @!p1 $0x0  }
0x271: {  	[sflag:s2] =	ssyncadd.s32 @!p1 $0xFFFFFFBE;
	s2 =	sor.u32 @!p1 s4, s3  }
0x272: {  	s0 =	simm.s32 $0x0;
	[sflag:s2] =	ssyncadd.remote.s32 @!p1 $0xFFFFFFFF  }
0x273: {  	s0 =	simm.s32 $0xE419  }
0x274: {  	v0 =	vld.msk [tilespmem:s0+$0x0], $0x1;
	_ =	sdelay $0x4  }
0x275: {  	(v2sf) =	vpush v0, $0x0;
	_ =	sdelay $0xd  }
0x276: {  	s31 =	sadd.s32 $0xFFFFFFFE, s6  }
0x277: {  	s6 =	simm.s32 $0x0;
	s0 =	sadd.s32 $0xFFFFFFFF, s31;
	s2 =	spop (v2sf)  }
0x278: {  	s3 =	simm.s32 $0xE538;
	p1 =	sne.s32 s0, $0x0;
	p2 =	sgt.u32 s2, $0x4E170  }
.Ltmp34:
0x279: {  	s4 =	simm.s32 $0xE638;
	s5 =	sand.u32 @!p2 $0x7FFF8, s2;
	(pc) =	sbr.rel @!p1 .LBB2_43-.Ltmp34, $4  }
0x27a: {  	s7 =	sadd.s32 @!p2 $0x80, s2;
	s2 =	sand.u32 @!p2 $0x7, s2;
	s6 =	simm.s32 @!p2 $0x400  }
0x27b: {  	s5 =	sadd.s32 @!p2 s1, s5;
	s7 =	sand.u32 @!p2 $0xFFFF8, s7;
	s6 =	sadd.s32 $0x0, s6  }
0x27c: {  	[hbm4b:s5+s2] =	stream.linear.scatter @!p2 [tilespmem:s3], [sflag:$0x5], $0x80, $0x38;
	[tilespmem:$0x1E678] =	vst v63  }
0x27d: {  	s5 =	simm.s32 $0xE41A;
	s3 =	simm.s32 @!p2 $0xE5B8;
	s7 =	sadd.s32 @!p2 s1, s7  }
.LBB2_42:
0x27e: {  	[hbm4b:s7+s2] =	stream.linear.scatter @!p2 [tilespmem:s3], [sflag:$0x5], $0x80, $0x38;
	[tilespmem:$0x1E678] =	vst v63  }
0x27f: {  	s0 =	sadd.s32 $0xFFFFFFFF, s0;
	s3 =	smov.u32 s4;
	v0 =	vld.msk [tilespmem:s5+$0x0], $0x1  }
0x280: {  	p1 =	sne.s32 s0, $0x0;
	_ =	sdelay $0x3  }
0x281: {  	(v2sf) =	vpush v0, $0x0;
	_ =	sdelay $0xe  }
0x282: {  	s4 =	sadd.s32 $0x100, s4;
	s8 =	simm.s32 $0x0;
	s2 =	spop (v2sf)  }
.Ltmp35:
0x283: {  	s5 =	sadd.s32 $0x1, s5;
	p2 =	sgt.u32 s2, $0x4E170;
	(pc) =	sbr.rel @p1 .LBB2_42-.Ltmp35, $4  }
0x284: {  	s8 =	simm.s32 @!p2 $0x400;
	s7 =	sand.u32 @!p2 $0x7FFF8, s2;
	s9 =	sadd.s32 @!p2 $0x80, s2  }
0x285: {  	s2 =	sand.u32 @!p2 $0x7, s2;
	s7 =	sadd.s32 @!p2 s1, s7;
	s9 =	sand.u32 @!p2 $0xFFFF8, s9  }
0x286: {  	[hbm4b:s7+s2] =	stream.linear.scatter @!p2 [tilespmem:s3], [sflag:$0x5], $0x80, $0x38;
	[tilespmem:$0x1E678] =	vst v63  }
0x287: {  	s6 =	sadd.s32 s6, s8;
	s3 =	sadd.s32 @!p2 $0x80, s3;
	s7 =	sadd.s32 @!p2 s1, s9  }
.LBB2_43:
0x288: {  	[hbm4b:s7+s2] =	stream.linear.scatter @!p2 [tilespmem:s3], [sflag:$0x5], $0x80, $0x38;
	[tilespmem:$0x1E678] =	vst v63  }
0x289: {  	s0 =	sshrl.u32 s6, $0x2  }
.LBB2_44:
0x28a: {  	s2 =	simm.s32 $0x5  }
0x28b: {  	_ =	swait.ge [sflag:s2], s0  }
0x28c: {  	s31 =	ssub.s32 $0x0, s0;
	[sflag:s2] =	ssyncset.done $0x0  }
0x28d: {  	[sflag:s2] =	ssyncadd.s32 s31  }
0x28e: {  	[sflag:s2] =	ssyncpa.u1 $0x1  }
.LBB2_45:
0x28f: {  	s0 =	sor.u32 s14, s15  }
0x290: {  	p1 =	sne.s32 s0, $0x0  }
.Ltmp36:
0x291: {  	_ = 	snop;
	(pc) =	sbr.rel @p1 .LBB2_60-.Ltmp36, $3  }
0x292: {  	_ =	sdelay $0x1  }
0x293: {  	[bflag:$0x0] =	sbarrier.arrive $0xFFFF  }
0x294: {  	_ =	sfence  }
0x295: {  	s0 =	simm.s32 $0x7  }
0x296: {  	s2 =	simm.s32 $0x2000;
	s3 =	simm.s32 $0xE418;
	[sflag:s0] =	ssyncpa.u1 $0x0  }
0x297: {  	[tilespmem:s3], [sflag:$0x7] =	stream.linear.gather [spmem:s2], $0x20, $0x38;
	[tilespmem:$0x1E678] =	vst v63  }
0x298: {  	s30 =	simm.s32 $0xE438;
	s2 =	simm.s32 $0x0  }
0x299: {  	[tilespmem:s30], [sflag:$0x7] =	stream.linear.gather [spmem:s2], $0x2000, $0x38;
	[tilespmem:$0x1E678] =	vst v63  }
.Ltmp37:
0x29a: {  	_ = 	snop;
	(pc) =	sbr.rel .LBB2_47-.Ltmp37, $4  }
0x29b: {  	_ =	swait.ge [sflag:s0], $0x2020  }
0x29c: {  	[sflag:s0] =	ssyncset.done $0x0  }
0x29d: {  	s31 =	simm.s32 $0x8;
	[sflag:s0] =	ssyncadd.s32 $0xFFFFDFE0  }
0x29e: {  	s3 =	simm.s32 $0x0;
	[sflag:s31] =	ssyncpa.u1 $0x0  }
.LBB2_53:
0x29f: {  	p1 =	slt.u32 s0, $0x4E171  }
0x2a0: {  	s4 =	sand.u32 @p1 $0x7FFF8, s0;
	s5 =	sand.u32 @p1 $0x7, s0;
	s0 =	sadd.s32 @p1 $0x80, s0  }
0x2a1: {  	s6 =	simm.s32 @p1 $0xE308;
	s4 =	sadd.s32 @p1 s1, s4;
	s0 =	sand.u32 @p1 $0xFFFF8, s0  }
0x2a2: {  	[tilespmem:s6], [sflag:$0x8] =	stream.linear.gather @p1 [hbm4b:s4+s5], $0x80, $0x38;
	[tilespmem:$0x1E678] =	vst v63  }
0x2a3: {  	s0 =	sadd.s32 @p1 s1, s0;
	s4 =	simm.s32 @p1 $0xE388  }
0x2a4: {  	[tilespmem:s4], [sflag:$0x8] =	stream.linear.gather @p1 [hbm4b:s0+s5], $0x80, $0x38;
	[tilespmem:$0x1E678] =	vst v63  }
0x2a5: {  	s0 =	simm.s32 @p1 $0x8  }
0x2a6: {  	_ =	swait.ge @p1 [sflag:s0], $0x100  }
0x2a7: {  	[sflag:s0] =	ssyncset.done @p1 $0x0  }
0x2a8: {  	[sflag:s0] =	ssyncadd.s32 @p1 $0xFFFFFF00  }
0x2a9: {  	v1 =	vld @p1 [tilespmem:$0xE308];
	_ =	sdelay $0x2  }
0x2aa: {  	s0 =	sshll.u32 @p1 s3, $0xA  }
0x2ab: {  	s4 =	sshrl.u32 @p1 s0, $0x2  }
0x2ac: {  	[tilespmem:s4+$0xE438] =	vst.add.f32.msk @p1 $0xffff, v1  }
0x2ad: {  	v1 =	vld @p1 [tilespmem:$0xE318];
	_ =	sdelay $0x4  }
0x2ae: {  	[tilespmem:s4+$0xE448] =	vst.add.f32.msk @p1 $0xffff, v1  }
0x2af: {  	v1 =	vld @p1 [tilespmem:$0xE328];
	_ =	sdelay $0x4  }
0x2b0: {  	[tilespmem:s4+$0xE458] =	vst.add.f32.msk @p1 $0xffff, v1  }
0x2b1: {  	v1 =	vld @p1 [tilespmem:$0xE338];
	_ =	sdelay $0x4  }
0x2b2: {  	[tilespmem:s4+$0xE468] =	vst.add.f32.msk @p1 $0xffff, v1  }
0x2b3: {  	v1 =	vld @p1 [tilespmem:$0xE348];
	_ =	sdelay $0x4  }
0x2b4: {  	[tilespmem:s4+$0xE478] =	vst.add.f32.msk @p1 $0xffff, v1  }
0x2b5: {  	v1 =	vld @p1 [tilespmem:$0xE358];
	_ =	sdelay $0x4  }
0x2b6: {  	[tilespmem:s4+$0xE488] =	vst.add.f32.msk @p1 $0xffff, v1  }
0x2b7: {  	v1 =	vld @p1 [tilespmem:$0xE368];
	_ =	sdelay $0x4  }
0x2b8: {  	[tilespmem:s4+$0xE498] =	vst.add.f32.msk @p1 $0xffff, v1  }
0x2b9: {  	v1 =	vld @p1 [tilespmem:$0xE378];
	_ =	sdelay $0x4  }
0x2ba: {  	[tilespmem:s4+$0xE4A8] =	vst.add.f32.msk @p1 $0xffff, v1  }
0x2bb: {  	v1 =	vld @p1 [tilespmem:$0xE388];
	_ =	sdelay $0x4  }
0x2bc: {  	[tilespmem:s4+$0xE4B8] =	vst.add.f32.msk @p1 $0xffff, v1  }
0x2bd: {  	v1 =	vld @p1 [tilespmem:$0xE398];
	_ =	sdelay $0x4  }
0x2be: {  	[tilespmem:s4+$0xE4C8] =	vst.add.f32.msk @p1 $0xffff, v1  }
0x2bf: {  	v1 =	vld @p1 [tilespmem:$0xE3A8];
	_ =	sdelay $0x4  }
0x2c0: {  	[tilespmem:s4+$0xE4D8] =	vst.add.f32.msk @p1 $0xffff, v1  }
0x2c1: {  	v1 =	vld @p1 [tilespmem:$0xE3B8];
	_ =	sdelay $0x4  }
0x2c2: {  	[tilespmem:s4+$0xE4E8] =	vst.add.f32.msk @p1 $0xffff, v1  }
0x2c3: {  	v1 =	vld @p1 [tilespmem:$0xE3C8];
	_ =	sdelay $0x4  }
0x2c4: {  	[tilespmem:s4+$0xE4F8] =	vst.add.f32.msk @p1 $0xffff, v1  }
0x2c5: {  	v1 =	vld @p1 [tilespmem:$0xE3D8];
	_ =	sdelay $0x4  }
0x2c6: {  	[tilespmem:s4+$0xE508] =	vst.add.f32.msk @p1 $0xffff, v1  }
0x2c7: {  	v1 =	vld @p1 [tilespmem:$0xE3E8];
	_ =	sdelay $0x4  }
0x2c8: {  	[tilespmem:s4+$0xE518] =	vst.add.f32.msk @p1 $0xffff, v1  }
0x2c9: {  	v1 =	vld @p1 [tilespmem:$0xE3F8];
	_ =	sdelay $0x3  }
0x2ca: {  	s5 =	sshll.u32 @!p1 s3, $0xA  }
0x2cb: {  	s5 =	smov.u32 @p1 s0;
	[tilespmem:s4+$0xE528] =	vst.add.f32.msk @p1 $0xffff, v1  }
0x2cc: {  	s0 =	sshrl.u32 s5, $0x2;
	[tilespmem:s2+$0xE418] =	vst.msk $0x1, v0  }
0x2cd: {  	v0 =	vld [tilespmem:s0+$0xE438];
	_ =	sdelay $0x2  }
0x2ce: {  	s31 =	sshll.u32 s2, $0xA  }
0x2cf: {  	s4 =	sshra.s32 s31, $0x2  }
0x2d0: {  	[tilespmem:s4+$0xE438] =	vst v0  }
0x2d1: {  	v0 =	vld [tilespmem:s0+$0xE448];
	_ =	sdelay $0x4  }
0x2d2: {  	[tilespmem:s4+$0xE448] =	vst v0  }
0x2d3: {  	v0 =	vld [tilespmem:s0+$0xE458];
	_ =	sdelay $0x4  }
0x2d4: {  	[tilespmem:s4+$0xE458] =	vst v0  }
0x2d5: {  	v0 =	vld [tilespmem:s0+$0xE468];
	_ =	sdelay $0x4  }
0x2d6: {  	[tilespmem:s4+$0xE468] =	vst v0  }
0x2d7: {  	v0 =	vld [tilespmem:s0+$0xE478];
	_ =	sdelay $0x4  }
0x2d8: {  	[tilespmem:s4+$0xE478] =	vst v0  }
0x2d9: {  	v0 =	vld [tilespmem:s0+$0xE488];
	_ =	sdelay $0x4  }
0x2da: {  	[tilespmem:s4+$0xE488] =	vst v0  }
0x2db: {  	v0 =	vld [tilespmem:s0+$0xE498];
	_ =	sdelay $0x4  }
0x2dc: {  	[tilespmem:s4+$0xE498] =	vst v0  }
0x2dd: {  	v0 =	vld [tilespmem:s0+$0xE4A8];
	_ =	sdelay $0x4  }
0x2de: {  	[tilespmem:s4+$0xE4A8] =	vst v0  }
0x2df: {  	v0 =	vld [tilespmem:s0+$0xE4B8];
	_ =	sdelay $0x4  }
0x2e0: {  	[tilespmem:s4+$0xE4B8] =	vst v0  }
0x2e1: {  	v0 =	vld [tilespmem:s0+$0xE4C8];
	_ =	sdelay $0x4  }
0x2e2: {  	[tilespmem:s4+$0xE4C8] =	vst v0  }
0x2e3: {  	v0 =	vld [tilespmem:s0+$0xE4D8];
	_ =	sdelay $0x4  }
0x2e4: {  	[tilespmem:s4+$0xE4D8] =	vst v0  }
0x2e5: {  	v0 =	vld [tilespmem:s0+$0xE4E8];
	_ =	sdelay $0x4  }
0x2e6: {  	[tilespmem:s4+$0xE4E8] =	vst v0  }
0x2e7: {  	v0 =	vld [tilespmem:s0+$0xE4F8];
	_ =	sdelay $0x4  }
0x2e8: {  	[tilespmem:s4+$0xE4F8] =	vst v0  }
0x2e9: {  	v0 =	vld [tilespmem:s0+$0xE508];
	_ =	sdelay $0x4  }
0x2ea: {  	[tilespmem:s4+$0xE508] =	vst v0  }
0x2eb: {  	v0 =	vld [tilespmem:s0+$0xE518];
	_ =	sdelay $0x4  }
0x2ec: {  	[tilespmem:s4+$0xE518] =	vst v0  }
0x2ed: {  	v0 =	vld [tilespmem:s0+$0xE528];
	_ =	sdelay $0x4  }
0x2ee: {  	s2 =	sadd.s32 $0x1, s2;
	[tilespmem:s4+$0xE528] =	vst v0  }
.LBB2_54:
0x2ef: {  	s3 =	sadd.s32 $0x1, s3  }
0x2f0: {  	p1 =	sne.s32 s3, $0x20  }
.Ltmp38:
0x2f1: {  	_ = 	snop;
	(pc) =	sbr.rel @!p1 .LBB2_55-.Ltmp38, $1  }
0x2f2: {  	_ =	sdelay $0x3  }
.LBB2_47:
0x2f3: {  	v0 =	vld.msk [tilespmem:s3+$0xE418], $0x1;
	_ =	sdelay $0x4  }
0x2f4: {  	(v2sf) =	vpush v0, $0x0;
	_ =	sdelay $0xe  }
0x2f5: {  	s0 =	spop (v2sf)  }
0x2f6: {  	p1 =	seq.s32 s0, $0xFFFFFFFF  }
.Ltmp39:
0x2f7: {  	_ = 	snop;
	(pc) =	sbr.rel @p1 .LBB2_54-.Ltmp39, $1  }
0x2f8: {  	_ =	sdelay $0x3  }
0x2f9: {  	p1 =	slt.s32 s2, $0x1  }
.Ltmp40:
0x2fa: {  	_ = 	snop;
	(pc) =	sbr.rel @p1 .LBB2_53-.Ltmp40, $1  }
0x2fb: {  	_ =	sdelay $0x3  }
0x2fc: {  	s4 =	simm.s32 $0xE418;
	p1 =	por $0x0, $0x0  }
0x2fd: {  	v1 =	vld.msk @!p1 [tilespmem:s4+$0x0], $0x1;
	_ =	sdelay $0x4  }
0x2fe: {  	(v2sf) =	vpush @!p1 v1, $0x0;
	_ =	sdelay $0xd  }
0x2ff: {  	p3 =	sne.s32 s2, $0x1  }
.Ltmp41:
0x300: {  	s5 =	spop @!p1 (v2sf);
	(pc) =	sbr.rel @!p3 .LBB2_51-.Ltmp41, $4  }
0x301: {  	p2 =	seq.s32 @!p1 s0, s5  }
0x302: {  	s5 =	simm.s32 $0x0;
	p2 =	por !p2, p1  }
0x303: {  	s7 =	simm.s32 $0xFFFFFFFF;
	s5 =	simm.s32 @p2 $0xFFFFFFFF  }
0x304: {  	s6 =	simm.s32 $0x1;
	s5 =	smov.u32 @p1 s7  }
.LBB2_50:
0x305: {  	s7 =	smov.u32 s5;
	p1 =	sne.s32 s5, $0xFFFFFFFF  }
0x306: {  	s4 =	sadd.s32 $0x1, s4;
	s5 =	smov.u32 s6;
	s6 =	sadd.s32 $0x1, s6  }
0x307: {  	p2 =	sne.s32 s2, s6;
	v1 =	vld.msk @!p1 [tilespmem:s4+$0x0], $0x1;
	_ =	sdelay $0x4  }
0x308: {  	(v2sf) =	vpush @!p1 v1, $0x0;
	_ =	sdelay $0xe  }
.Ltmp42:
0x309: {  	s8 =	spop @!p1 (v2sf);
	(pc) =	sbr.rel @p2 .LBB2_50-.Ltmp42, $4  }
0x30a: {  	p3 =	seq.s32 @!p1 s0, s8  }
0x30b: {  	p3 =	por !p3, p1  }
0x30c: {  	s5 =	simm.s32 @p3 $0xFFFFFFFF  }
0x30d: {  	s5 =	smov.u32 @p1 s7  }
.LBB2_51:
0x30e: {  	p1 =	seq.s32 s5, $0xFFFFFFFF  }
.Ltmp43:
0x30f: {  	_ = 	snop;
	(pc) =	sbr.rel @p1 .LBB2_53-.Ltmp43, $1  }
0x310: {  	_ =	sdelay $0x3  }
0x311: {  	s0 =	sshll.u32 s3, $0x8  }
0x312: {  	s0 =	sand.u32 $0x3FFFFF00, s0  }
0x313: {  	v0 =	vld [tilespmem:s0+$0xE438];
	_ =	sdelay $0x2  }
0x314: {  	s4 =	sshll.u32 s5, $0xA  }
0x315: {  	s4 =	sshra.s32 s4, $0x2  }
0x316: {  	[tilespmem:s4+$0xE438] =	vst.add.f32.msk $0xffff, v0  }
0x317: {  	v0 =	vld [tilespmem:s0+$0xE448];
	_ =	sdelay $0x4  }
0x318: {  	[tilespmem:s4+$0xE448] =	vst.add.f32.msk $0xffff, v0  }
0x319: {  	v0 =	vld [tilespmem:s0+$0xE458];
	_ =	sdelay $0x4  }
0x31a: {  	[tilespmem:s4+$0xE458] =	vst.add.f32.msk $0xffff, v0  }
0x31b: {  	v0 =	vld [tilespmem:s0+$0xE468];
	_ =	sdelay $0x4  }
0x31c: {  	[tilespmem:s4+$0xE468] =	vst.add.f32.msk $0xffff, v0  }
0x31d: {  	v0 =	vld [tilespmem:s0+$0xE478];
	_ =	sdelay $0x4  }
0x31e: {  	[tilespmem:s4+$0xE478] =	vst.add.f32.msk $0xffff, v0  }
0x31f: {  	v0 =	vld [tilespmem:s0+$0xE488];
	_ =	sdelay $0x4  }
0x320: {  	[tilespmem:s4+$0xE488] =	vst.add.f32.msk $0xffff, v0  }
0x321: {  	v0 =	vld [tilespmem:s0+$0xE498];
	_ =	sdelay $0x4  }
0x322: {  	[tilespmem:s4+$0xE498] =	vst.add.f32.msk $0xffff, v0  }
0x323: {  	v0 =	vld [tilespmem:s0+$0xE4A8];
	_ =	sdelay $0x4  }
0x324: {  	[tilespmem:s4+$0xE4A8] =	vst.add.f32.msk $0xffff, v0  }
0x325: {  	v0 =	vld [tilespmem:s0+$0xE4B8];
	_ =	sdelay $0x4  }
0x326: {  	[tilespmem:s4+$0xE4B8] =	vst.add.f32.msk $0xffff, v0  }
0x327: {  	v0 =	vld [tilespmem:s0+$0xE4C8];
	_ =	sdelay $0x4  }
0x328: {  	[tilespmem:s4+$0xE4C8] =	vst.add.f32.msk $0xffff, v0  }
0x329: {  	v0 =	vld [tilespmem:s0+$0xE4D8];
	_ =	sdelay $0x4  }
0x32a: {  	[tilespmem:s4+$0xE4D8] =	vst.add.f32.msk $0xffff, v0  }
0x32b: {  	v0 =	vld [tilespmem:s0+$0xE4E8];
	_ =	sdelay $0x4  }
0x32c: {  	[tilespmem:s4+$0xE4E8] =	vst.add.f32.msk $0xffff, v0  }
0x32d: {  	v0 =	vld [tilespmem:s0+$0xE4F8];
	_ =	sdelay $0x4  }
0x32e: {  	[tilespmem:s4+$0xE4F8] =	vst.add.f32.msk $0xffff, v0  }
0x32f: {  	v0 =	vld [tilespmem:s0+$0xE508];
	_ =	sdelay $0x4  }
0x330: {  	[tilespmem:s4+$0xE508] =	vst.add.f32.msk $0xffff, v0  }
0x331: {  	v0 =	vld [tilespmem:s0+$0xE518];
	_ =	sdelay $0x4  }
0x332: {  	[tilespmem:s4+$0xE518] =	vst.add.f32.msk $0xffff, v0  }
0x333: {  	v0 =	vld [tilespmem:s0+$0xE528]  }
.Ltmp44:
0x334: {  	_ = 	snop;
	(pc) =	sbr.rel .LBB2_54-.Ltmp44, $2  }
0x335: {  	_ =	sdelay $0x2  }
0x336: {  	[tilespmem:s4+$0xE528] =	vst.add.f32.msk $0xffff, v0  }
.LBB2_55:
0x337: {  	p1 =	slt.s32 s2, $0x1  }
.Ltmp45:
0x338: {  	_ = 	snop;
	(pc) =	sbr.rel @p1 .LBB2_59-.Ltmp45, $3  }
0x339: {  	_ =	sdelay $0x1  }
0x33a: {  	s0 =	simm.s32 $0x8  }
0x33b: {  	s4 =	simm.s32 $0x0;
	[sflag:s0] =	ssyncpa.u1 $0x1  }
0x33c: {  	s0 =	simm.s32 $0xE418  }
0x33d: {  	v0 =	vld.msk [tilespmem:s0+$0x0], $0x1;
	_ =	sdelay $0x4  }
0x33e: {  	(v2sf) =	vpush v0, $0x0;
	_ =	sdelay $0xe  }
0x33f: {  	s0 =	sadd.s32 $0xFFFFFFFF, s2;
	s3 =	spop (v2sf)  }
0x340: {  	s6 =	simm.s32 $0xE438;
	p1 =	sne.s32 s0, $0x0;
	p2 =	sgt.u32 s3, $0x4E170  }
.Ltmp46:
0x341: {  	s2 =	simm.s32 $0xE538;
	s5 =	sand.u32 @!p2 $0x7FFF8, s3;
	(pc) =	sbr.rel @!p1 .LBB2_58-.Ltmp46, $4  }
0x342: {  	s7 =	sadd.s32 @!p2 $0x80, s3;
	s4 =	simm.s32 @!p2 $0x400;
	s8 =	sadd.s32 @!p2 s1, s5  }
0x343: {  	s5 =	sand.u32 @!p2 $0x7, s3;
	s3 =	simm.s32 $0xE419;
	s7 =	sand.u32 @!p2 $0xFFFF8, s7  }
0x344: {  	[hbm4b:s8+s5] =	stream.linear.scatter @!p2 [tilespmem:s6], [sflag:$0x7], $0x80, $0x38;
	[tilespmem:$0x1E678] =	vst v63  }
0x345: {  	s4 =	sadd.s32 $0x0, s4;
	s6 =	simm.s32 @!p2 $0xE4B8;
	s7 =	sadd.s32 @!p2 s1, s7  }
.LBB2_57:
0x346: {  	[hbm4b:s7+s5] =	stream.linear.scatter @!p2 [tilespmem:s6], [sflag:$0x7], $0x80, $0x38;
	[tilespmem:$0x1E678] =	vst v63  }
0x347: {  	s0 =	sadd.s32 $0xFFFFFFFF, s0;
	s6 =	smov.u32 s2;
	v0 =	vld.msk [tilespmem:s3+$0x0], $0x1  }
0x348: {  	p1 =	sne.s32 s0, $0x0;
	_ =	sdelay $0x3  }
0x349: {  	(v2sf) =	vpush v0, $0x0;
	_ =	sdelay $0xe  }
0x34a: {  	s2 =	sadd.s32 $0x100, s2;
	s8 =	simm.s32 $0x0;
	s5 =	spop (v2sf)  }
.Ltmp47:
0x34b: {  	s3 =	sadd.s32 $0x1, s3;
	p2 =	sgt.u32 s5, $0x4E170;
	(pc) =	sbr.rel @p1 .LBB2_57-.Ltmp47, $4  }
0x34c: {  	s8 =	simm.s32 @!p2 $0x400;
	s7 =	sand.u32 @!p2 $0x7FFF8, s5;
	s9 =	sadd.s32 @!p2 $0x80, s5  }
0x34d: {  	s5 =	sand.u32 @!p2 $0x7, s5;
	s7 =	sadd.s32 @!p2 s1, s7;
	s9 =	sand.u32 @!p2 $0xFFFF8, s9  }
0x34e: {  	[hbm4b:s7+s5] =	stream.linear.scatter @!p2 [tilespmem:s6], [sflag:$0x7], $0x80, $0x38;
	[tilespmem:$0x1E678] =	vst v63  }
0x34f: {  	s4 =	sadd.s32 s4, s8;
	s6 =	sadd.s32 @!p2 $0x80, s6;
	s7 =	sadd.s32 @!p2 s1, s9  }
.LBB2_58:
0x350: {  	[hbm4b:s7+s5] =	stream.linear.scatter @!p2 [tilespmem:s6], [sflag:$0x7], $0x80, $0x38;
	[tilespmem:$0x1E678] =	vst v63  }
0x351: {  	s4 =	sshrl.u32 s4, $0x2  }
.LBB2_59:
0x352: {  	s0 =	simm.s32 $0x7  }
0x353: {  	_ =	swait.ge [sflag:s0], s4  }
0x354: {  	s1 =	ssub.s32 $0x0, s4;
	[sflag:s0] =	ssyncset.done $0x0  }
0x355: {  	[sflag:s0] =	ssyncadd.s32 s1  }
0x356: {  	[sflag:s0] =	ssyncpa.u1 $0x1  }
.LBB2_60:
0x357: {  	_ =	sfence;
	s0 =	simm.s32 $0x1  }
0x358: {  	[sflag:s0] =	ssyncpa.u1 $0x1  }
0x359: {  	_ =	strace $0x9000004D  }
0x35a: {  	[bflag:$0x2] =	sbarrier.arrive $0xFFFF  }
0x35b: {  	s0 =	rddreg [dreg:$0x3]  }
0x35c: {  	s0 =	sadd.s32 @!p0 $0x100000, s0  }
0x35d: {  	[sflag:s0] =	ssyncadd.tile.s32 @!p0 $0x1;
	_ =	shalt  }
.Lfunc_end2:
_tile_overlayer_lowered:
.L_overlay_start_2:
0x35e: {  	(tag) =	ssettag $0x2  }
0x35f: {  	s0 =	rddreg [dreg:$0x0];
	s2 =	stileid.u32  }
0x360: {  	s1 =	rddreg [dreg:$0x1];
	p0 =	sne.s32 s2, $0x0  }
0x361: {  	s3 =	rddreg [dreg:$0x2];
	[bflag:$0x3] =	sbarrier.arrive $0xFFFF;
	s2 =	simm.s32 @!p0 $0x1C01  }
0x362: {  	[timem:s3], [sflag:s2] =	dma.local @!p0 [hbm:s0], s1  }
0x363: {  	s0 =	simm.s32 @!p0 $0x1  }
0x364: {  	_ =	swait.ge @!p0 [sflag:s0], s1  }
0x365: {  	s1 =	ssub.s32 @!p0 $0x0, s1;
	[sflag:s0] =	ssyncset.done @!p0 $0x0  }
0x366: {  	[sflag:s0] =	ssyncadd.s32 @!p0 s1  }
0x367: {  	[bflag:$0x3] =	sbarrier.arrive $0xFFFF  }
0x368: {  	_ =	shalt  }

// kernel: scatter_offload_async_start.3
scs
__scs_entry_jumppad:
0x0: {  	(pc) =	sbr.rel $0x88, $3  }
0x1: {  	(tag) =	ssettag $0x0;
	lr =	simm.s32 $0x1  }
0x2: {  	[smem:$0x3F7A] =	sst lr;
	_ =	strace $0xD0000000  }
0x3: {  	_ = 	snop  }
0x4: {  	_ = 	snop  }
0x5: {  	_ = 	snop  }
0x6: {  	_ = 	snop  }
0x7: {  	_ = 	snop  }
__scs_overlays_trampoline_lowered:
0x8: {  	[smem:$0x3F89] =	sst s0  }
0x9: {  	[smem:$0x3F8A] =	sst s1  }
0xa: {  	[smem:$0x3F8B] =	sst s2  }
0xb: {  	[smem:$0x3F8C] =	sst s3  }
0xc: {  	[smem:$0x3F8D] =	sst s4  }
0xd: {  	[smem:$0x3F8E] =	sst s5  }
0xe: {  	[smem:$0x3F8F] =	sst s6  }
0xf: {  	[smem:$0x3F90] =	sst s7  }
0x10: {  	[smem:$0x3F91] =	sst s8  }
0x11: {  	[smem:$0x3F92] =	sst s9;
	s0 =	simm.s32 @!p0 $0x0  }
0x12: {  	s1 =	sld [smem:$0x3F78];
	s0 =	simm.s32 @p0 $0x1  }
0x13: {  	[smem:$0x3F93] =	sst s0;
	s0 =	simm.s32 @!p1 $0x0  }
0x14: {  	s2 =	sld [smem:$0x3F77];
	s0 =	simm.s32 @p1 $0x1  }
0x15: {  	[smem:$0x3F94] =	sst s0;
	s0 =	simm.s32 @!p2 $0x0  }
0x16: {  	s3 =	sld [smem:$0x3FDB];
	s0 =	simm.s32 @p2 $0x1  }
0x17: {  	s4 =	simm.s32 $0x1BF5;
	[smem:$0x3F96] =	sst s0  }
0x18: {  	s0 =	sld [smem:$0x3F79];
	_ =	swait.ge [sflag:s4], $0x0  }
0x19: {  	s7 =	sld [smem:$0x3F7A]  }
0x1a: {  	s8 =	sadd.s32 $0xFFFFE003, lr  }
0x1b: {  	s9 =	sadd.s32 $0xFFFFFEF7, lr;
	s5 =	simm.s32 $0xFFFFFFFF;
	p2 =	slt.u32 s8, $0xFFFFF086  }
0x1c: {  	p1 =	slt.u32 s9, $0xF7A;
	s5 =	simm.s32 @!p2 $0x0  }
0x1d: {  	s5 =	simm.s32 @p1 $0x1;
	p0 =	seq.s32 s7, s2  }
0x1e: {  	s7 =	smul.u32 @!p0 $0xF7A, s2;
	p2 =	seq.s32 @!p0 s5, $0x0  }
0x1f: {  	s9 =	smul.u32 $0xF7A, s1;
	s8 =	simm.s32 @!p0 $0x1BF5;
	p2 =	por !p2, p0  }
0x20: {  	[sflag:s8] =	ssyncset.s32 @!p0 $0xFFFFF086;
	s6 =	sadd.s32 @!p0 s3, s7;
	s7 =	simm.s32 @!p0 $0x108  }
0x21: {  	s3 =	sadd.s32 s3, s9;
	s6 =	sadd.s32 @!p0 $0x88, s6;
	s7 =	simm.s32 @p2 $0x1082  }
0x22: {  	[simem:s7], [sflag:s8] =	dma.local @!p0 [hbm:s6], $0xF7A  }
0x23: {  	s9 =	sor.u32 $0xD0000000, s2;
	s6 =	simm.s32 $0x108;
	_ =	swait.ge @!p0 [sflag:s8], $0x0  }
0x24: {  	s3 =	sadd.s32 $0x88, s3;
	s6 =	simm.s32 @!p1 $0x1082;
	[sflag:s4] =	ssyncset.s32 $0xFFFFF086  }
0x25: {  	[simem:s6], [sflag:s4] =	dma.local [hbm:s3], $0xF7A  }
0x26: {  	[smem:$0x3F7A] =	sst s1;
	(tag) =	ssettag s2;
	_ =	strace s9  }
0x27: {  	s1 =	sld [smem:$0x3F8A]  }
0x28: {  	s2 =	sld [smem:$0x3F8B]  }
0x29: {  	s4 =	sld [smem:$0x3F8D]  }
0x2a: {  	p0 =	seq.s32 s5, $0x0;
	s5 =	sld [smem:$0x3F8E]  }
0x2b: {  	s6 =	sld [smem:$0x3F8F]  }
0x2c: {  	s7 =	sld [smem:$0x3F90]  }
0x2d: {  	s3 =	simm.s32 $0x108;
	s8 =	sld [smem:$0x3F91]  }
0x2e: {  	s3 =	simm.s32 @!p0 $0x1082;
	s9 =	sld [smem:$0x3F92]  }
0x2f: {  	lr =	sadd.s32 s0, s3;
	s0 =	sld [smem:$0x3F89]  }
0x30: {  	s3 =	sld [smem:$0x3F8C]  }
0x31: {  	[smem:$0x3F95] =	sst s10  }
0x32: {  	s10 =	sld [smem:$0x3F93];
	_ =	sdelay $0x3  }
0x33: {  	p0 =	seq.s32 s10, $0x1;
	s10 =	sld [smem:$0x3F95];
	_ =	sdelay $0x3  }
0x34: {  	[smem:$0x3F95] =	sst s10  }
0x35: {  	s10 =	sld [smem:$0x3F94];
	_ =	sdelay $0x3  }
0x36: {  	p1 =	seq.s32 s10, $0x1;
	s10 =	sld [smem:$0x3F95];
	_ =	sdelay $0x3  }
0x37: {  	[smem:$0x3F95] =	sst s10  }
0x38: {  	s10 =	sld [smem:$0x3F96]  }
0x39: {  	_ = 	snop;
	(pc) =	sbr.ind lr, $3  }
0x3a: {  	_ = 	snop  }
0x3b: {  	_ = 	snop  }
0x3c: {  	p2 =	seq.s32 s10, $0x1;
	s10 =	sld [smem:$0x3F95]  }
0x3d: {  	_ =	shalt  }
0x3e: {  	_ =	shalt  }
0x3f: {  	_ =	shalt  }
0x40: {  	_ =	shalt  }
0x41: {  	_ =	shalt  }
0x42: {  	_ =	shalt  }
0x43: {  	_ =	shalt  }
0x44: {  	_ =	shalt  }
0x45: {  	_ =	shalt  }
0x46: {  	_ =	shalt  }
0x47: {  	_ =	shalt  }
0x48: {  	_ =	shalt  }
0x49: {  	_ =	shalt  }
0x4a: {  	_ =	shalt  }
0x4b: {  	_ =	shalt  }
0x4c: {  	_ =	shalt  }
0x4d: {  	_ =	shalt  }
0x4e: {  	_ =	shalt  }
0x4f: {  	_ =	shalt  }
0x50: {  	_ =	shalt  }
0x51: {  	_ =	shalt  }
0x52: {  	_ =	shalt  }
0x53: {  	_ =	shalt  }
0x54: {  	_ =	shalt  }
0x55: {  	_ =	shalt  }
0x56: {  	_ =	shalt  }
0x57: {  	_ =	shalt  }
0x58: {  	_ =	shalt  }
0x59: {  	_ =	shalt  }
0x5a: {  	_ =	shalt  }
0x5b: {  	_ =	shalt  }
0x5c: {  	_ =	shalt  }
0x5d: {  	_ =	shalt  }
0x5e: {  	_ =	shalt  }
0x5f: {  	_ =	shalt  }
0x60: {  	_ =	shalt  }
0x61: {  	_ =	shalt  }
0x62: {  	_ =	shalt  }
0x63: {  	_ =	shalt  }
0x64: {  	_ =	shalt  }
0x65: {  	_ =	shalt  }
0x66: {  	_ =	shalt  }
0x67: {  	_ =	shalt  }
0x68: {  	_ =	shalt  }
0x69: {  	_ =	shalt  }
0x6a: {  	_ =	shalt  }
0x6b: {  	_ =	shalt  }
0x6c: {  	_ =	shalt  }
0x6d: {  	_ =	shalt  }
0x6e: {  	_ =	shalt  }
0x6f: {  	_ =	shalt  }
0x70: {  	_ =	shalt  }
0x71: {  	_ =	shalt  }
0x72: {  	_ =	shalt  }
0x73: {  	_ =	shalt  }
0x74: {  	_ =	shalt  }
0x75: {  	_ =	shalt  }
0x76: {  	_ =	shalt  }
0x77: {  	_ =	shalt  }
0x78: {  	_ =	shalt  }
0x79: {  	_ =	shalt  }
0x7a: {  	_ =	shalt  }
0x7b: {  	_ =	shalt  }
0x7c: {  	_ =	shalt  }
0x7d: {  	_ =	shalt  }
0x7e: {  	_ =	shalt  }
0x7f: {  	_ =	shalt  }
0x80: {  	_ =	shalt  }
0x81: {  	_ =	shalt  }
0x82: {  	_ =	shalt  }
0x83: {  	_ =	shalt  }
0x84: {  	_ =	shalt  }
0x85: {  	_ =	shalt  }
0x86: {  	_ =	shalt  }
0x87: {  	_ =	shalt  }
.Lfunc_end0:
.L_simem_size_0:
called_computation.3_lowered:
.L_overlay_start_0:
0x88: {  	s2 =	sld [smem:$0x3FD9]  }
0x89: {  	s3 =	sld [smem:$0x3FFE];
	_ =	sdelay $0x1  }
0x8a: {  	s1 =	srdreg.scid  }
0x8b: {  	s0 =	sand.u32 $0x1, s1  }
0x8c: {  	s15 =	sshll.u32 s0, $0xA;
	s2 =	sadd.s32 s3, s2  }
0x8d: {  	s2 =	sadd.s32 s2, s15  }
0x8e: {  	[smem:$0x3FA1] =	sst s2  }
0x8f: {  	_ = 	snop  }
0x90: {  	(tm) =	ssettm $0x1  }
0x91: {  	s16 =	sld [smem:$0x3FFB];
	_ =	sdelay $0x3  }
0x92: {  	_ =	strace s16  }
0x93: {  	s2 =	sld [smem:$0x3FFC];
	_ =	sdelay $0x3  }
0x94: {  	_ =	strace s2  }
0x95: {  	s2 =	sld [smem:$0x3FFD];
	_ =	sdelay $0x3  }
0x96: {  	_ =	strace s2  }
0x97: {  	_ =	strace $0x8FFFFFFF  }
0x98: {  	s17 =	sld [smem:$0x3FDB];
	_ =	sdelay $0x1  }
0x99: {  	s18 =	simm.s32 $_scs_section_size  }
0x9a: {  	s4 =	simm.s32 $_size__tile_overlayer_lowered;
	s5 =	simm.s32 $_tile_overlayer_lowered  }
0x9b: {  	s21 =	simm.s32 $0x1BFF;
	s20 =	sshll.u32 s5, $0x1;
	s2 =	sadd.s32 s18, s17  }
0x9c: {  	s6 =	simm.s32 $0x0;
	s19 =	sshll.u32 s4, $0x1;
	s4 =	sadd.s32 s20, s2  }
0x9d: {  	[timem:s6], [sflag:s21] =	dma.local [hbm:s4], s19  }
0x9e: {  	_ =	swait.ge [sflag:s21], s19  }
0x9f: {  	s3 =	ssub.s32 $0x0, s19;
	[sflag:s21] =	ssyncset.done $0x0  }
0xa0: {  	[sflag:s21] =	ssyncadd.s32 s3;
	_ =	sdelay $0x1  }
0xa1: {  	s22 =	simm.s32 $0x1B8B  }
0xa2: {  	_ =	swait.ge [sflag:s22], $0x1  }
0xa3: {  	[sflag:s22] =	ssyncset.done $0x0  }
0xa4: {  	s23 =	sld [smem:$0x3FFE];
	[sflag:s22] =	ssyncadd.s32 $0xFFFFFFFF  }
0xa5: {  	s25 =	simm.s32 $0x1B8E;
	s24 =	sld [smem:$0x0]  }
0xa6: {  	s26 =	simm.s32 $execute0_lowered;
	[smem:$0x3FD2] =	sst s25  }
0xa7: {  	s5 =	sshll.u32 s26, $0x1;
	_ =	strace $0x8000004F;
	[dreg:$0x1] =	wrdreg $0xFFFFFFFF  }
0xa8: {  	s28 =	simm.s32 $_size_execute0_lowered;
	s2 =	sadd.s32 s2, s5;
	[dreg:$0x0] =	wrdreg $0x0  }
0xa9: {  	s5 =	sshll.u32 s28, $0x1;
	[dreg:$0x2] =	wrdreg s2  }
0xaa: {  	[dreg:$0x3] =	wrdreg s5  }
0xab: {  	[dreg:$0x4] =	wrdreg $0xC0  }
0xac: {  	_ =	task [dreg:s6], $0x5FFFF  }
0xad: {  	[dreg:$0x1] =	wrdreg $0xFFFFFFFF  }
0xae: {  	[dreg:$0x0] =	wrdreg $0x60  }
0xaf: {  	[dreg:$0x2] =	wrdreg s23  }
0xb0: {  	[dreg:$0x3] =	wrdreg s1  }
0xb1: {  	[dreg:$0x4] =	wrdreg s24  }
0xb2: {  	[dreg:$0x5] =	wrdreg $0x9  }
0xb3: {  	_ =	task.clear_ibuf [dreg:s6], $0x6FFFF;
	_ =	strace $0x9000004F  }
0xb4: {  	s29 =	simm.s32 $0x9;
	_ =	strace $0x80000051  }
0xb5: {  	_ =	swait.ge [sflag:s29], $0x1  }
0xb6: {  	[sflag:s29] =	ssyncadd.s32 $0xFFFFFFFF  }
0xb7: {  	_ =	strace $0x90000051  }
0xb8: {  	_ =	sfence  }
0xb9: {  	s30 =	sld [smem:$0x0];
	_ =	sdelay $0x2  }
0xba: {  	s31 =	sshll.u32 s1, $0xD;
	s1 =	sshrl.u32 s1, $0x2  }
0xbb: {  	s3 =	sand.u32 $0x4000, s31;
	s1 =	sadd.s32 s1, s30  }
0xbc: {  	s0 =	sor.u32 s3, s0;
	s1 =	sshll.u32 s1, $0x11  }
0xbd: {  	s0 =	sor.u32 s1, s0  }
0xbe: {  	s0 =	sadd.s32 $0x8F2B, s0  }
0xbf: {  	[sflag:s0] =	ssyncadd.remote.s32 $0x1  }
0xc0: {  	_ =	sfence.sel $0xFFFF  }
0xc1: {  	[dreg:$0x0] =	wrdreg $0xFFFFFFFF;
	(pc) =	sbr.abs _section_cstart, $3  }
0xc2: {  	[dreg:$0x1] =	wrdreg $0xFFFFFFFF  }
0xc3: {  	_ =	task.clear_ibuf [dreg:s6], $0x2FFFF;
	_ =	strace $0x9FFFFFFF  }
0xc4: {  	(tm) =	ssettm $0x7FFFFFFF  }
0xc5: {  	_ =	shalt  }
tec
execute0_lowered:
.L_overlay_start_1:
0x0: {  	(tag) =	ssettag $0x1  }
0x1: {  	s2 =	rddreg [dreg:$0x0]  }
0x2: {  	s3 =	rddreg [dreg:$0x1];
	_ =	strace $0x80000050;
	s0 =	simm.s32 $0x1  }
0x3: {  	s5 =	simm.s32 $0x208;
	v0 =	vimm.s32 $0x0;
	[sflag:s0] =	ssyncpa.u1 $0x0  }
0x4: {  	[tilespmem:s5+$0x70] =	vst v0  }
0x5: {  	[tilespmem:s5+$0x60] =	vst v0  }
0x6: {  	[tilespmem:s5+$0x50] =	vst v0  }
0x7: {  	[tilespmem:s5+$0x40] =	vst v0  }
0x8: {  	[tilespmem:s5+$0x30] =	vst v0  }
0x9: {  	s1 =	sadd.s32 $0x4A00, s2;
	s0 =	sadd.s32 $0x52C00, s2;
	s6 =	sadd.s32 $0x59000, s2;
	[tilespmem:s5+$0x20] =	vst v0  }
0xa: {  	s4 =	sadd.s32 $0x540000, s2;
	s10 =	sand.u32 $0x1, s3;
	s2 =	simm.s32 $0x40;
	[tilespmem:s5+$0x10] =	vst v0  }
.LBB2_1:
0xb: {  	s2 =	sadd.s32 $0x40, s2;
	[tilespmem:s5+$0x0] =	vst v0;
	s5 =	sadd.s32 $0x80, s5  }
0xc: {  	p0 =	slt.u32 s2, $0x3880;
	[tilespmem:s5+$0x70] =	vst v0  }
0xd: {  	[tilespmem:s5+$0x60] =	vst v0  }
.Ltmp0:
0xe: {  	[tilespmem:s5+$0x50] =	vst v0;
	(pc) =	sbr.rel @p0 .LBB2_1-.Ltmp0, $4  }
0xf: {  	[tilespmem:s5+$0x40] =	vst v0  }
0x10: {  	[tilespmem:s5+$0x30] =	vst v0  }
0x11: {  	[tilespmem:s5+$0x20] =	vst v0  }
0x12: {  	[tilespmem:s5+$0x10] =	vst v0  }
0x13: {  	s11 =	stileid.u32  }
0x14: {  	s2 =	smul.u32 $0x2C, s11  }
0x15: {  	s3 =	smin.u32 s11, $0xB  }
0x16: {  	s2 =	sadd.s32 s3, s2  }
0x17: {  	p0 =	slt.u32 s11, $0xB;
	s20 =	smul.u32 $0x70, s2;
	s2 =	simm.s32 $0x13B0  }
0x18: {  	s2 =	simm.s32 @!p0 $0x1340  }
0x19: {  	s2 =	sadd.s32 s2, s20  }
0x1a: {  	s8 =	smin.u32 s2, $0x13880  }
0x1b: {  	s26 =	simm.s32 $0x2;
	s2 =	ssub.s32 s8, s20  }
0x1c: {  	s9 =	simm.s32 $0x9;
	s29 =	simm.s32 $0xA;
	p0 =	sgt.s32 s2, $0x0  }
0x1d: {  	s30 =	simm.s32 $0xB;
	s31 =	smul.u32 $0x2710, s10;
	s2 =	simm.s32 @!p0 $0x0  }
0x1e: {  	[dreg:$0x4] =	wrdreg s10;
	s12 =	simm.s32 $0x1;
	s25 =	smulhi.u32 $0x92492493, s2  }
0x1f: {  	s24 =	simm.s32 $0x0;
	p1 =	por $0x0, $0x0;
	s18 =	simm.s32 $0x80  }
0x20: {  	s19 =	simm.s32 $0x400;
	s17 =	simm.s32 $0xC;
	s3 =	sshrl.u32 s25, $0x6  }
0x21: {  	s21 =	simm.s32 $0x0;
	s23 =	simm.s32 $0x0;
	s28 =	smul.u32 $0x70, s3  }
.Ltmp1:
0x22: {  	[tilespmem:s5+$0x0] =	vst v0;
	v0 =	vimm.s32 $0xFFFFFFFF;
	[sflag:s26] =	ssyncpa.u1 $0x0;
	s16 =	sshll.u32 s11, $0x9;
	(pc) =	sbr.rel .LBB2_3-.Ltmp1, $4  }
0x23: {  	[tilespmem:$0xE408] =	vst v0;
	[sflag:s9] =	ssyncpa.u1 $0x0;
	p0 =	sne.s32 s2, s28;
	s2 =	simm.s32 $0x1  }
0x24: {  	s14 =	sadd.s32 s31, s4;
	[sflag:s29] =	ssyncpa.u1 $0x0;
	s2 =	simm.s32 @!p0 $0x0  }
0x25: {  	s15 =	sadd.s32 s31, s0;
	[sflag:s30] =	ssyncpa.u1 $0x0;
	s13 =	sadd.s32 s2, s3  }
0x26: {  	v0 =	vlaneseq.u32;
	s22 =	smov.u32 s20;
	p0 =	por $0x1, $0x1;
	s11 =	sadd.s32 $0x1, s13  }
.LBB2_24:
0x27: {  	s2 =	sshrl.u32 s4, $0x2  }
.LBB2_26:
0x28: {  	_ =	swait.ge [sflag:s17], s2  }
0x29: {  	s31 =	ssub.s32 $0x0, s2;
	v1 =	vmov s26;
	vm0 =	veq.s32 v0, $0x0;
	[sflag:s17] =	ssyncset.done $0x0  }
0x2a: {  	vm15 =	veq.s32 v0, $0x2;
	v1 =	vsel vm0, s0, v1;
	[sflag:s17] =	ssyncadd.s32 s31  }
0x2b: {  	v1 =	vsel vm15, s24, v1;
	[sflag:s17] =	ssyncpa.u1 $0x1  }
0x2c: {  	[tilespmem:$0xE408] =	vst v1  }
.LBB2_27:
0x2d: {  	s0 =	sadd.s32 $0x70, s22  }
0x2e: {  	s2 =	smov.u32 s20;
	p2 =	slt.s32 s0, s8  }
0x2f: {  	s2 =	smov.u32 @p2 s0;
	p2 =	sne.s32 s23, s11  }
.Ltmp2:
0x30: {  	_ = 	snop;
	(pc) =	sbr.rel @!p2 .LBB2_28-.Ltmp2, $4  }
0x31: {  	_ = 	snop  }
0x32: {  	s24 =	smov.u32 s21  }
0x33: {  	s31 =	sadd.s32 $0x1, s23;
	s21 =	smov.u32 s22;
	p0 =	por !p0, !p0  }
0x34: {  	p1 =	por !p1, !p1;
	s23 =	smov.u32 s31;
	s22 =	smov.u32 s2  }
.LBB2_3:
0x35: {  	p2 =	sge.u32 s23, s13  }
0x36: {  	s0 =	smulhi.u32 @!p2 $0xAAAAAAAB, s23  }
0x37: {  	s2 =	smov.u32 s22;
	p3 =	sgt.s32 @!p2 s22, $0x13810  }
0x38: {  	s3 =	sshra.s32 @!p2 s22, $0x1F;
	p3 =	por !p3, p2;
	s0 =	sshrl.u32 @!p2 s0, $0x1  }
0x39: {  	s3 =	sand.u32 @!p2 s3, s22;
	s2 =	simm.s32 @p3 $0x13810;
	s0 =	smul.u32 @!p2 $0x3, s0  }
0x3a: {  	s2 =	ssub.s32 @!p2 s2, s3  }
0x3b: {  	s2 =	sadd.s32 @!p2 $0xFFFEC7F0, s2;
	s0 =	ssub.s32 @!p2 s23, s0  }
0x3c: {  	s3 =	sshll.u32 @!p2 s2, $0x2;
	p3 =	sgt.s32 @!p2 s2, $0x6F;
	s0 =	smul.u32 @!p2 $0x1C0, s0  }
0x3d: {  	s4 =	sand.u32 @!p2 $0x7, s22;
	s2 =	ssub.s32 @!p2 $0x1C0, s3;
	p3 =	por !p3, p2  }
0x3e: {  	s3 =	sshrl.u32 @!p2 s22, $0x3;
	s2 =	sshrl.u32 @!p2 s2, $0x2;
	s0 =	sshrl.u32 @!p2 s0, $0x2  }
0x3f: {  	s3 =	sadd.s32 @!p2 s3, s14;
	s2 =	simm.s32 @!p3 $0x0;
	s0 =	sadd.s32 @!p2 $0x10448, s0  }
0x40: {  	[tilespmem:s0], [sflag:$0xA] =	stream.linear.gather @!p2 [hbm4b:s3+s4], s2, $0x38;
	[tilespmem:$0x1E678] =	vst v63  }
0x41: {  	s2 =	sadd.s32 $0xFFFFFFFF, s23  }
0x42: {  	p2 =	sge.u32 s2, s13  }
0x43: {  	p3 =	sgt.s32 @!p2 s21, $0x13810  }
0x44: {  	s0 =	smov.u32 s21;
	s3 =	sshra.s32 @!p2 s21, $0x1F;
	p3 =	por !p3, p2  }
0x45: {  	s3 =	sand.u32 @!p2 s3, s21;
	s0 =	simm.s32 @p3 $0x13810  }
0x46: {  	s0 =	ssub.s32 @!p2 s0, s3  }
0x47: {  	s0 =	sadd.s32 @!p2 $0xFFFEC7F0, s0  }
0x48: {  	s3 =	sshll.u32 @!p2 s0, $0x2  }
0x49: {  	p3 =	sgt.s32 @!p2 s0, $0x6F;
	s0 =	ssub.s32 @!p2 $0x1C0, s3  }
0x4a: {  	p3 =	por !p3, p2;
	s0 =	sshrl.u32 @!p2 s0, $0x2  }
0x4b: {  	s4 =	simm.s32 @!p2 $0xA;
	s3 =	sand.u32 @!p2 $0x1, s2;
	s0 =	simm.s32 @!p3 $0x0  }
0x4c: {  	s3 =	smul.u32 @!p2 $0x1C0, s3;
	_ =	swait.ge @!p2 [sflag:s4], s0  }
0x4d: {  	s5 =	ssub.s32 @!p2 $0x0, s0;
	[sflag:s4] =	ssyncset.done @!p2 $0x0  }
0x4e: {  	s3 =	sshrl.u32 @!p2 s3, $0x2;
	[sflag:s4] =	ssyncadd.s32 @!p2 s5;
	s4 =	sshrl.u32 @!p2 s21, $0x3  }
0x4f: {  	s3 =	sadd.s32 @!p2 $0x10598, s3;
	s5 =	sand.u32 @!p2 $0x7, s21;
	s4 =	sadd.s32 @!p2 s4, s15  }
0x50: {  	[tilespmem:s3], [sflag:$0xB] =	stream.linear.gather @!p2 [hbm4b:s4+s5], s0, $0x38;
	[tilespmem:$0x1E678] =	vst v63  }
0x51: {  	s0 =	ssub.s32 @!p2 $0x13880, s21  }
0x52: {  	p3 =	slt.s32 @!p2 s0, $0x1  }
0x53: {  	p3 =	por p2, p3  }
.Ltmp3:
0x54: {  	_ = 	snop;
	(pc) =	sbr.rel @p3 .LBB2_9-.Ltmp3, $1  }
0x55: {  	_ =	sdelay $0x3  }
0x56: {  	s3 =	smulhi.u32 $0xAAAAAAAB, s2;
	_ =	sdelay $0x1  }
0x57: {  	s3 =	sshrl.u32 s3, $0x1  }
0x58: {  	s3 =	smul.u32 $0x3, s3;
	_ =	sdelay $0x1  }
0x59: {  	s30 =	ssub.s32 s2, s3  }
0x5a: {  	s4 =	simm.s32 $0x1;
	s2 =	smul.u32 $0x1C0, s30  }
.Ltmp4:
0x5b: {  	s4 =	simm.s32 @!p0 $0x0;
	(pc) =	sbr.rel .LBB2_6-.Ltmp4, $4  }
0x5c: {  	s31 =	smul.u32 $0x1C000, s4  }
0x5d: {  	p3 =	slt.s32 @!p2 s0, $0x70;
	s2 =	sshrl.u32 s2, $0x2  }
0x5e: {  	p2 =	por !p3, p2;
	s3 =	sshrl.u32 s31, $0x2;
	s5 =	sadd.s32 $0x10448, s2  }
0x5f: {  	s0 =	simm.s32 @p2 $0x70;
	s4 =	sor.u32 $0x10678, s3;
	s2 =	simm.s32 $0x0;
	v1 =	vmov s5  }
.LBB2_5:
0x60: {  	p2 =	sge.s32 s2, s0  }
.Ltmp5:
0x61: {  	_ = 	snop;
	(pc) =	sbr.rel @p2 .LBB2_9-.Ltmp5, $2  }
0x62: {  	_ =	sdelay $0x2  }
0x63: {  	s4 =	sadd.s32 $0x1000, s4  }
.LBB2_6:
0x64: {  	p2 =	sle.s32 s0, s2  }
.Ltmp6:
0x65: {  	_ = 	snop;
	(pc) =	sbr.rel @p2 .LBB2_5-.Ltmp6, $2  }
0x66: {  	_ =	sdelay $0x2  }
0x67: {  	s5 =	smov.u32 s2;
	s2 =	sadd.s32 $0x10, s2  }
0x68: {  	s3 =	ssub.s32 s0, s5  }
0x69: {  	p2 =	slt.s32 s3, $0x10  }
0x6a: {  	s3 =	simm.s32 @!p2 $0x10  }
0x6b: {  	v2 =	vmov s3  }
0x6c: {  	vm0 =	vgt.s32 v2, v0;
	_ =	sdelay $0x5  }
0x6d: {  	v2 =	vld.idx.msk [tilespmem:v1+s5+$0x0 ss:$0x1], vm0;
	_ =	sdelay $0x2  }
0x6e: {  	p2 =	slt.s32 s2, s0;
	s3 =	smov.u32 s0  }
0x6f: {  	s9 =	smov.u32 s4;
	s25 =	simm.s32 $0x0;
	s3 =	smov.u32 @p2 s2  }
.LBB2_8:
0x70: {  	(v2sf) =	vpush v2, s25;
	_ =	sdelay $0xe  }
0x71: {  	s25 =	sadd.s32 $0x1, s25;
	s10 =	spop (v2sf)  }
0x72: {  	s31 =	sadd.s32 s25, s5;
	s26 =	sshll.u32 s10, $0x8;
	s10 =	sshll.u32 s10, $0x7  }
0x73: {  	p2 =	slt.s32 s31, s3;
	s26 =	sand.u32 $0xFFFFF800, s26;
	s10 =	sand.u32 $0x380, s10  }
.Ltmp7:
0x74: {  	s10 =	sor.u32 s10, s26;
	(pc) =	sbr.rel @p2 .LBB2_8-.Ltmp7, $4  }
0x75: {  	s10 =	sshrl.u32 s10, $0x3  }
0x76: {  	s10 =	sadd.s32 s6, s10  }
0x77: {  	[tilespmem:s9], [sflag:$0x9] =	stream.strided.gather [hbm4b:s10+s18], $0x100, s19, s18, $0x38;
	[tilespmem:$0x1E678] =	vst v63  }
0x78: {  	s9 =	sadd.s32 $0x100, s9  }
.Ltmp8:
0x79: {  	_ = 	snop;
	(pc) =	sbr.rel .LBB2_5-.Ltmp8, $1  }
0x7a: {  	_ =	sdelay $0x3  }
.LBB2_9:
0x7b: {  	p2 =	slt.u32 s23, $0x2  }
.Ltmp9:
0x7c: {  	_ = 	snop;
	(pc) =	sbr.rel @p2 .LBB2_27-.Ltmp9, $1  }
0x7d: {  	_ =	sdelay $0x3  }
0x7e: {  	p2 =	sgt.s32 s24, $0x13810  }
0x7f: {  	s0 =	smov.u32 s24;
	s2 =	sshra.s32 s24, $0x1F;
	s3 =	ssub.s32 $0x13880, s24  }
0x80: {  	s0 =	simm.s32 @!p2 $0x13810;
	s2 =	sand.u32 s2, s24;
	p2 =	slt.s32 s3, $0x70  }
0x81: {  	s0 =	ssub.s32 s0, s2;
	s3 =	simm.s32 @!p2 $0x70  }
0x82: {  	s0 =	sadd.s32 $0xFFFEC7F0, s0;
	s9 =	sshll.u32 s3, $0x8  }
0x83: {  	s26 =	simm.s32 $0x9;
	s10 =	sshll.u32 s0, $0x2;
	s2 =	sand.u32 $0x3FFFFF00, s9  }
0x84: {  	p2 =	sgt.s32 s0, $0x6F;
	s25 =	ssub.s32 $0x1C0, s10;
	_ =	swait.ge [sflag:s26], s2  }
0x85: {  	s2 =	ssub.s32 $0x0, s2;
	[sflag:s26] =	ssyncset.done $0x0;
	s0 =	sshrl.u32 s25, $0x2  }
0x86: {  	s29 =	simm.s32 $0xB;
	[sflag:s26] =	ssyncadd.s32 s2;
	s0 =	simm.s32 @p2 $0x0  }
0x87: {  	_ =	swait.ge [sflag:s29], s0  }
0x88: {  	s0 =	ssub.s32 $0x0, s0;
	[sflag:s29] =	ssyncset.done $0x0  }
0x89: {  	[sflag:s29] =	ssyncadd.s32 s0  }
0x8a: {  	v1 =	vld [tilespmem:$0xE408];
	_ =	sdelay $0x4  }
0x8b: {  	(v2sf) =	vpush v1, $0x0  }
0x8c: {  	(v2sf) =	vpush v1, $0x1  }
0x8d: {  	(v2sf) =	vpush v1, $0x2;
	_ =	sdelay $0x3  }
0x8e: {  	s0 =	sadd.s32 $0x70, s24  }
0x8f: {  	s2 =	ssub.s32 $0x27100, s24;
	p2 =	slt.s32 s8, s0  }
0x90: {  	s0 =	smov.u32 @p2 s8;
	p2 =	sgt.s32 s2, $0x0  }
0x91: {  	s0 =	ssub.s32 s0, s24;
	s2 =	simm.s32 @!p2 $0x0  }
0x92: {  	p2 =	slt.s32 s2, s0  }
0x93: {  	s0 =	smov.u32 @p2 s2  }
0x94: {  	s4 =	simm.s32 $0x1;
	p2 =	slt.s32 s0, $0x1  }
.Ltmp10:
0x95: {  	s4 =	simm.s32 @!p1 $0x0;
	(pc) =	sbr.rel @p2 .LBB2_14-.Ltmp10, $4  }
0x96: {  	s30 =	smul.u32 $0x1C0, s4  }
0x97: {  	s5 =	spop (v2sf)  }
0x98: {  	s31 =	sshrl.u32 s30, $0x2;
	s28 =	spop (v2sf)  }
0x99: {  	s25 =	sadd.s32 $0x10598, s31;
	s24 =	spop (v2sf)  }
0x9a: {  	s2 =	smin.u32 s0, $0x10  }
0x9b: {  	v1 =	vmov s2  }
0x9c: {  	vm1 =	vgt.u32 v1, v0  }
0x9d: {  	p3 =	sgt.s32 s0, $0x10  }
.Ltmp11:
0x9e: {  	_ = 	snop;
	(pc) =	sbr.rel @!p3 .LBB2_13-.Ltmp11, $2  }
0x9f: {  	_ =	sdelay $0x2  }
0xa0: {  	s26 =	simm.s32 $0x10;
	s29 =	sadd.s32 $0xFFFFFFF0, s0;
	s2 =	smov.u32 s25;
	vm0 =	vmmov vm1;
	v1 =	vld.msk [tilespmem:s25+$0x0 ss:$0x1], vm1  }
.LBB2_12:
0xa1: {  	s3 =	smin.u32 s29, $0x10;
	s26 =	sadd.s32 $0x10, s26  }
0xa2: {  	v2 =	vmov s3;
	p3 =	slt.s32 s26, s0  }
0xa3: {  	vm1 =	vgt.u32 v2, v0;
	_ =	sdelay $0x1  }
0xa4: {  	v2 =	vshll.u32 v1, $0x5;
	v1 =	vshll.u32 v1, $0x4  }
.Ltmp12:
0xa5: {  	v2 =	vand.u32 $0xFFFFFF00, v2;
	v1 =	vand.u32 $0x70, v1;
	(pc) =	sbr.rel @p3 .LBB2_12-.Ltmp12, $4  }
0xa6: {  	v1 =	vor.u32 v1, v2  }
0xa7: {  	[tilespmem:s2+$0x0] =	vst.msk vm0, v1;
	s2 =	sadd.s32 $0x10, s2;
	vm0 =	vmmov vm1  }
0xa8: {  	v1 =	vld.msk [tilespmem:s2+$0x0 ss:$0x1], vm1  }
0xa9: {  	s29 =	sadd.s32 $0xFFFFFFF0, s29  }
.LBB2_13:
0xaa: {  	_ =	sdelay $0x3  }
0xab: {  	v2 =	vshll.u32 v1, $0x5;
	v1 =	vshll.u32 v1, $0x4  }
0xac: {  	v2 =	vand.u32 $0xFFFFFF00, v2;
	v1 =	vand.u32 $0x70, v1  }
0xad: {  	v1 =	vor.u32 v1, v2  }
0xae: {  	[tilespmem:s2+$0x0] =	vst.msk vm0, v1  }
.LBB2_14:
0xaf: {  	s2 =	sand.u32 $0x1, s23  }
0xb0: {  	s2 =	smul.u32 $0x70, s2  }
0xb1: {  	p3 =	sne.s32 s28, $0xFFFFFFFF  }
0xb2: {  	v1 =	vld.msk @!p3 [tilespmem:s2+$0x10598], $0x1;
	_ =	sdelay $0x4  }
0xb3: {  	(v2sf) =	vpush @!p3 v1, $0x0;
	_ =	sdelay $0xc  }
.Ltmp13:
0xb4: {  	_ = 	snop;
	(pc) =	sbr.rel @p2 .LBB2_25-.Ltmp13, $4  }
0xb5: {  	_ = 	snop  }
0xb6: {  	s31 =	spop @!p3 (v2sf)  }
0xb7: {  	s24 =	simm.s32 @!p3 $0x0;
	s26 =	smov.u32 s31  }
0xb8: {  	[sflag:s17] =	ssyncpa.u1 $0x0;
	s31 =	smov.u32 @p3 s5;
	s26 =	smov.u32 @p3 s28  }
0xb9: {  	v1 =	vld.msk [tilespmem:s25+$0x0], $0x1;
	_ =	sdelay $0x4  }
0xba: {  	(v2sf) =	vpush v1, $0x0;
	_ =	sdelay $0xe  }
0xbb: {  	s7 =	smov.u32 s11;
	s5 =	spop (v2sf)  }
0xbc: {  	s17 =	smov.u32 s15;
	s2 =	smul.u32 $0x1C000, s4;
	p2 =	seq.s32 s31, s5  }
0xbd: {  	s3 =	smov.u32 s31;
	s29 =	ssub.s32 $0x0, s0;
	p3 =	sgt.s32 @!p2 s31, $0x0  }
0xbe: {  	s30 =	simm.s32 $0x0;
	s2 =	sshrl.u32 s2, $0x2;
	p3 =	por !p3, p2  }
0xbf: {  	s0 =	sadd.s32 $0x1, s29;
	s28 =	sor.u32 $0x106F8, s2;
	s3 =	simm.s32 @p3 $0x0  }
0xc0: {  	s2 =	simm.s32 @!p2 $0x1;
	p3 =	seq.s32 s0, $0x0;
	s3 =	smin.u32 @!p2 s3, $0x4E170  }
.Ltmp14:
0xc1: {  	s4 =	simm.s32 @!p2 $0x7308;
	s9 =	sand.u32 @!p2 $0x7FFF8, s3;
	(pc) =	sbr.rel @p3 .LBB2_17-.Ltmp14, $4  }
0xc2: {  	s10 =	sadd.s32 @!p2 $0x80, s3;
	s11 =	sadd.s32 @!p2 s1, s9;
	s9 =	sand.u32 @!p2 $0x7, s3  }
0xc3: {  	[tilespmem:s4], [sflag:$0x2] =	stream.linear.gather @!p2 [hbm4b:s11+s9], $0x80, $0x38;
	[tilespmem:$0x1E678] =	vst v63  }
0xc4: {  	s15 =	smov.u32 s14;
	s2 =	smov.u32 @p2 s30;
	s4 =	sand.u32 @!p2 $0xFFFF8, s10  }
0xc5: {  	s3 =	simm.s32 @!p2 $0x7388;
	s10 =	sadd.s32 @!p2 s1, s4;
	s4 =	sadd.s32 $0x1, s25  }
.LBB2_16:
0xc6: {  	s11 =	smov.u32 s2  }
0xc7: {  	[tilespmem:s3], [sflag:$0x2] =	stream.linear.gather @!p2 [hbm4b:s10+s9], $0x80, $0x38;
	[tilespmem:$0x1E678] =	vst v63  }
0xc8: {  	s0 =	sadd.s32 $0x1, s0;
	s9 =	smov.u32 s5;
	v1 =	vld.msk [tilespmem:s4+$0x0], $0x1  }
0xc9: {  	p3 =	seq.s32 s0, $0x0;
	_ =	sdelay $0x3  }
0xca: {  	(v2sf) =	vpush v1, $0x0;
	_ =	sdelay $0xe  }
0xcb: {  	s5 =	spop (v2sf)  }
0xcc: {  	p2 =	seq.s32 s9, s5  }
0xcd: {  	p4 =	sgt.s32 @!p2 s9, $0x0;
	s3 =	sshll.u32 @!p2 s2, $0xA;
	s2 =	sadd.s32 @!p2 $0x1, s2  }
0xce: {  	p4 =	por !p4, p2;
	s3 =	sshra.s32 @!p2 s3, $0x2;
	s2 =	smov.u32 @p2 s11  }
0xcf: {  	s9 =	simm.s32 @p4 $0x0;
	s10 =	sadd.s32 @!p2 $0x7308, s3;
	s3 =	sadd.s32 @!p2 $0x7388, s3  }
.Ltmp15:
0xd0: {  	s9 =	smin.u32 @!p2 s9, $0x4E170;
	(pc) =	sbr.rel @!p3 .LBB2_16-.Ltmp15, $4  }
0xd1: {  	s11 =	sand.u32 @!p2 $0x7FFF8, s9;
	s14 =	sadd.s32 @!p2 $0x80, s9  }
0xd2: {  	s9 =	sand.u32 @!p2 $0x7, s9;
	s11 =	sadd.s32 @!p2 s1, s11;
	s14 =	sand.u32 @!p2 $0xFFFF8, s14  }
0xd3: {  	[tilespmem:s10], [sflag:$0x2] =	stream.linear.gather @!p2 [hbm4b:s11+s9], $0x80, $0x38;
	[tilespmem:$0x1E678] =	vst v63  }
0xd4: {  	s4 =	sadd.s32 $0x1, s4;
	s10 =	sadd.s32 @!p2 s1, s14  }
.LBB2_17:
0xd5: {  	[tilespmem:s3], [sflag:$0x2] =	stream.linear.gather @!p2 [hbm4b:s10+s9], $0x80, $0x38;
	[tilespmem:$0x1E678] =	vst v63  }
0xd6: {  	s0 =	sshll.u32 s2, $0x8  }
.Ltmp16:
0xd7: {  	s14 =	simm.s32 $0x2;
	s0 =	sand.u32 $0x3FFFFF00, s0;
	(pc) =	sbr.rel .LBB2_18-.Ltmp16, $4  }
0xd8: {  	_ =	swait.ge [sflag:s14], s0  }
0xd9: {  	s0 =	ssub.s32 $0x0, s0;
	[sflag:s14] =	ssyncset.done $0x0  }
0xda: {  	s4 =	simm.s32 $0x0;
	s11 =	smov.u32 s7;
	[sflag:s14] =	ssyncadd.s32 s0  }
0xdb: {  	s14 =	smov.u32 s15;
	s15 =	smov.u32 s17;
	s17 =	simm.s32 $0xC  }
.LBB2_19:
0xdc: {  	v1 =	vld [tilespmem:s28+$0xFFFFFF80];
	_ =	sdelay $0x4  }
0xdd: {  	[tilespmem:s5+$0x208] =	vst.add.f32.msk $0xffff, v1  }
0xde: {  	v1 =	vld [tilespmem:s28+$0xFFFFFF90];
	_ =	sdelay $0x4  }
0xdf: {  	[tilespmem:s5+$0x218] =	vst.add.f32.msk $0xffff, v1  }
0xe0: {  	v1 =	vld [tilespmem:s28+$0xFFFFFFA0];
	_ =	sdelay $0x4  }
0xe1: {  	[tilespmem:s5+$0x228] =	vst.add.f32.msk $0xffff, v1  }
0xe2: {  	v1 =	vld [tilespmem:s28+$0xFFFFFFB0];
	_ =	sdelay $0x4  }
0xe3: {  	[tilespmem:s5+$0x238] =	vst.add.f32.msk $0xffff, v1  }
0xe4: {  	v1 =	vld [tilespmem:s28+$0xFFFFFFC0];
	_ =	sdelay $0x4  }
0xe5: {  	[tilespmem:s5+$0x248] =	vst.add.f32.msk $0xffff, v1  }
0xe6: {  	v1 =	vld [tilespmem:s28+$0xFFFFFFD0];
	_ =	sdelay $0x4  }
0xe7: {  	[tilespmem:s5+$0x258] =	vst.add.f32.msk $0xffff, v1  }
0xe8: {  	v1 =	vld [tilespmem:s28+$0xFFFFFFE0];
	_ =	sdelay $0x4  }
0xe9: {  	[tilespmem:s5+$0x268] =	vst.add.f32.msk $0xffff, v1  }
0xea: {  	v1 =	vld [tilespmem:s28+$0xFFFFFFF0];
	_ =	sdelay $0x4  }
0xeb: {  	[tilespmem:s5+$0x278] =	vst.add.f32.msk $0xffff, v1  }
0xec: {  	v1 =	vld [tilespmem:s28+$0x0];
	_ =	sdelay $0x4  }
0xed: {  	[tilespmem:s5+$0x288] =	vst.add.f32.msk $0xffff, v1  }
0xee: {  	v1 =	vld [tilespmem:s28+$0x10];
	_ =	sdelay $0x4  }
0xef: {  	[tilespmem:s5+$0x298] =	vst.add.f32.msk $0xffff, v1  }
0xf0: {  	v1 =	vld [tilespmem:s28+$0x20];
	_ =	sdelay $0x4  }
0xf1: {  	[tilespmem:s5+$0x2A8] =	vst.add.f32.msk $0xffff, v1  }
0xf2: {  	v1 =	vld [tilespmem:s28+$0x30];
	_ =	sdelay $0x4  }
0xf3: {  	[tilespmem:s5+$0x2B8] =	vst.add.f32.msk $0xffff, v1  }
0xf4: {  	v1 =	vld [tilespmem:s28+$0x40];
	_ =	sdelay $0x4  }
0xf5: {  	[tilespmem:s5+$0x2C8] =	vst.add.f32.msk $0xffff, v1  }
0xf6: {  	v1 =	vld [tilespmem:s28+$0x50];
	_ =	sdelay $0x4  }
0xf7: {  	[tilespmem:s5+$0x2D8] =	vst.add.f32.msk $0xffff, v1  }
0xf8: {  	v1 =	vld [tilespmem:s28+$0x60];
	_ =	sdelay $0x4  }
0xf9: {  	[tilespmem:s5+$0x2E8] =	vst.add.f32.msk $0xffff, v1  }
0xfa: {  	v1 =	vld [tilespmem:s28+$0x70];
	_ =	sdelay $0x4  }
0xfb: {  	[tilespmem:s5+$0x2F8] =	vst.add.f32.msk $0xffff, v1  }
.LBB2_23:
0xfc: {  	s29 =	sadd.s32 $0x1, s29  }
0xfd: {  	p2 =	seq.s32 s29, $0x0  }
.Ltmp17:
0xfe: {  	_ = 	snop;
	(pc) =	sbr.rel @p2 .LBB2_24-.Ltmp17, $2  }
0xff: {  	_ =	sdelay $0x2  }
0x100: {  	s25 =	sadd.s32 $0x1, s25;
	s28 =	sadd.s32 $0x100, s28;
	s31 =	smov.u32 s0  }
.LBB2_18:
0x101: {  	v1 =	vld.msk [tilespmem:s25+$0x0], $0x1;
	_ =	sdelay $0x4  }
0x102: {  	(v2sf) =	vpush v1, $0x0;
	_ =	sdelay $0xe  }
0x103: {  	s0 =	spop (v2sf)  }
0x104: {  	p2 =	sne.s32 s31, s0  }
.Ltmp18:
0x105: {  	_ = 	snop;
	(pc) =	sbr.rel @!p2 .LBB2_19-.Ltmp18, $3  }
0x106: {  	_ =	sdelay $0x1  }
0x107: {  	s2 =	sshll.u32 s24, $0xA  }
0x108: {  	s5 =	sshra.s32 s2, $0x2  }
0x109: {  	p2 =	seq.s32 s31, s26  }
.Ltmp19:
0x10a: {  	_ = 	snop;
	(pc) =	sbr.rel @!p2 .LBB2_21-.Ltmp19, $1  }
0x10b: {  	_ =	sdelay $0x3  }
.Ltmp20:
0x10c: {  	s2 =	sadd.s32 $0x208, s5;
	(pc) =	sbr.rel .LBB2_22-.Ltmp20, $4  }
0x10d: {  	[spmem:s16] =	stream.linear.scatter [tilespmem:s2], [sflag:$0x1], $0x100, $0x38;
	[tilespmem:$0x1E678] =	vst v63  }
0x10e: {  	_ =	swait.ge [sflag:s12], $0x100  }
0x10f: {  	[sflag:s12] =	ssyncset.done $0x0  }
0x110: {  	[sflag:s12] =	ssyncadd.s32 $0xFFFFFF00  }
.LBB2_21:
0x111: {  	s2 =	sshll.u32 s30, $0xA  }
0x112: {  	s2 =	sshra.s32 s2, $0x2  }
0x113: {  	v1 =	vld [tilespmem:s2+$0x7308];
	_ =	sdelay $0x4  }
0x114: {  	[tilespmem:s5+$0x208] =	vst.add.f32.msk $0xffff, v1  }
0x115: {  	v1 =	vld [tilespmem:s2+$0x7318];
	_ =	sdelay $0x4  }
0x116: {  	[tilespmem:s5+$0x218] =	vst.add.f32.msk $0xffff, v1  }
0x117: {  	v1 =	vld [tilespmem:s2+$0x7328];
	_ =	sdelay $0x4  }
0x118: {  	[tilespmem:s5+$0x228] =	vst.add.f32.msk $0xffff, v1  }
0x119: {  	v1 =	vld [tilespmem:s2+$0x7338];
	_ =	sdelay $0x4  }
0x11a: {  	[tilespmem:s5+$0x238] =	vst.add.f32.msk $0xffff, v1  }
0x11b: {  	v1 =	vld [tilespmem:s2+$0x7348];
	_ =	sdelay $0x4  }
0x11c: {  	[tilespmem:s5+$0x248] =	vst.add.f32.msk $0xffff, v1  }
0x11d: {  	v1 =	vld [tilespmem:s2+$0x7358];
	_ =	sdelay $0x4  }
0x11e: {  	[tilespmem:s5+$0x258] =	vst.add.f32.msk $0xffff, v1  }
0x11f: {  	v1 =	vld [tilespmem:s2+$0x7368];
	_ =	sdelay $0x4  }
0x120: {  	[tilespmem:s5+$0x268] =	vst.add.f32.msk $0xffff, v1  }
0x121: {  	v1 =	vld [tilespmem:s2+$0x7378];
	_ =	sdelay $0x4  }
0x122: {  	[tilespmem:s5+$0x278] =	vst.add.f32.msk $0xffff, v1  }
0x123: {  	v1 =	vld [tilespmem:s2+$0x7388];
	_ =	sdelay $0x4  }
0x124: {  	[tilespmem:s5+$0x288] =	vst.add.f32.msk $0xffff, v1  }
0x125: {  	v1 =	vld [tilespmem:s2+$0x7398];
	_ =	sdelay $0x4  }
0x126: {  	[tilespmem:s5+$0x298] =	vst.add.f32.msk $0xffff, v1  }
0x127: {  	v1 =	vld [tilespmem:s2+$0x73A8];
	_ =	sdelay $0x4  }
0x128: {  	[tilespmem:s5+$0x2A8] =	vst.add.f32.msk $0xffff, v1  }
0x129: {  	v1 =	vld [tilespmem:s2+$0x73B8];
	_ =	sdelay $0x4  }
0x12a: {  	[tilespmem:s5+$0x2B8] =	vst.add.f32.msk $0xffff, v1  }
0x12b: {  	v1 =	vld [tilespmem:s2+$0x73C8];
	_ =	sdelay $0x4  }
0x12c: {  	[tilespmem:s5+$0x2C8] =	vst.add.f32.msk $0xffff, v1  }
0x12d: {  	v1 =	vld [tilespmem:s2+$0x73D8];
	_ =	sdelay $0x4  }
0x12e: {  	[tilespmem:s5+$0x2D8] =	vst.add.f32.msk $0xffff, v1  }
0x12f: {  	v1 =	vld [tilespmem:s2+$0x73E8];
	_ =	sdelay $0x4  }
0x130: {  	[tilespmem:s5+$0x2E8] =	vst.add.f32.msk $0xffff, v1  }
0x131: {  	v1 =	vld [tilespmem:s2+$0x73F8];
	_ =	sdelay $0x2  }
0x132: {  	p2 =	sgt.u32 s31, $0x4E170  }
0x133: {  	s2 =	sand.u32 @!p2 $0x7FFF8, s31  }
0x134: {  	s3 =	sadd.s32 $0x208, s5;
	s9 =	sand.u32 @!p2 $0x7, s31;
	s2 =	sadd.s32 @!p2 s1, s2;
	[tilespmem:s5+$0x2F8] =	vst.add.f32.msk $0xffff, v1  }
0x135: {  	[hbm4b:s2+s9] =	stream.linear.scatter @!p2 [tilespmem:s3], [sflag:$0xC], $0x80, $0x38;
	[tilespmem:$0x1E678] =	vst v63  }
0x136: {  	s2 =	sadd.s32 @!p2 $0x80, s31  }
0x137: {  	s2 =	sand.u32 @!p2 $0xFFFF8, s2  }
0x138: {  	s3 =	sadd.s32 $0x288, s5;
	s2 =	sadd.s32 @!p2 s1, s2  }
0x139: {  	[hbm4b:s2+s9] =	stream.linear.scatter @!p2 [tilespmem:s3], [sflag:$0xC], $0x80, $0x38;
	[tilespmem:$0x1E678] =	vst v63  }
0x13a: {  	s2 =	simm.s32 $0x0  }
0x13b: {  	s2 =	simm.s32 @!p2 $0x400  }
0x13c: {  	s4 =	sadd.s32 s2, s4  }
.LBB2_22:
0x13d: {  	s2 =	sadd.s32 $0x1, s24  }
0x13e: {  	s3 =	sshrl.u32 s2, $0x4  }
0x13f: {  	s3 =	smulhi.u32 $0x24924925, s3  }
0x140: {  	v1 =	vld [tilespmem:s28+$0xFFFFFF80]  }
0x141: {  	s3 =	smul.u32 $0x70, s3;
	_ =	sdelay $0x1  }
0x142: {  	s24 =	ssub.s32 s2, s3  }
0x143: {  	s2 =	sshll.u32 s24, $0x8  }
0x144: {  	[tilespmem:s2+$0x208] =	vst v1  }
0x145: {  	v1 =	vld [tilespmem:s28+$0xFFFFFF90];
	_ =	sdelay $0x4  }
0x146: {  	[tilespmem:s2+$0x218] =	vst v1  }
0x147: {  	v1 =	vld [tilespmem:s28+$0xFFFFFFA0];
	_ =	sdelay $0x4  }
0x148: {  	[tilespmem:s2+$0x228] =	vst v1  }
0x149: {  	v1 =	vld [tilespmem:s28+$0xFFFFFFB0];
	_ =	sdelay $0x4  }
0x14a: {  	[tilespmem:s2+$0x238] =	vst v1  }
0x14b: {  	v1 =	vld [tilespmem:s28+$0xFFFFFFC0];
	_ =	sdelay $0x4  }
0x14c: {  	[tilespmem:s2+$0x248] =	vst v1  }
0x14d: {  	v1 =	vld [tilespmem:s28+$0xFFFFFFD0];
	_ =	sdelay $0x4  }
0x14e: {  	[tilespmem:s2+$0x258] =	vst v1  }
0x14f: {  	v1 =	vld [tilespmem:s28+$0xFFFFFFE0];
	_ =	sdelay $0x4  }
0x150: {  	[tilespmem:s2+$0x268] =	vst v1  }
0x151: {  	v1 =	vld [tilespmem:s28+$0xFFFFFFF0];
	_ =	sdelay $0x4  }
0x152: {  	[tilespmem:s2+$0x278] =	vst v1  }
0x153: {  	v1 =	vld [tilespmem:s28+$0x0];
	_ =	sdelay $0x4  }
0x154: {  	[tilespmem:s2+$0x288] =	vst v1  }
0x155: {  	v1 =	vld [tilespmem:s28+$0x10];
	_ =	sdelay $0x4  }
0x156: {  	[tilespmem:s2+$0x298] =	vst v1  }
0x157: {  	v1 =	vld [tilespmem:s28+$0x20];
	_ =	sdelay $0x4  }
0x158: {  	[tilespmem:s2+$0x2A8] =	vst v1  }
0x159: {  	v1 =	vld [tilespmem:s28+$0x30];
	_ =	sdelay $0x4  }
0x15a: {  	[tilespmem:s2+$0x2B8] =	vst v1  }
0x15b: {  	v1 =	vld [tilespmem:s28+$0x40];
	_ =	sdelay $0x4  }
0x15c: {  	[tilespmem:s2+$0x2C8] =	vst v1  }
0x15d: {  	v1 =	vld [tilespmem:s28+$0x50];
	_ =	sdelay $0x4  }
0x15e: {  	[tilespmem:s2+$0x2D8] =	vst v1  }
0x15f: {  	v1 =	vld [tilespmem:s28+$0x60];
	_ =	sdelay $0x4  }
0x160: {  	[tilespmem:s2+$0x2E8] =	vst v1  }
0x161: {  	v1 =	vld [tilespmem:s28+$0x70]  }
.Ltmp21:
0x162: {  	_ = 	snop;
	(pc) =	sbr.rel .LBB2_23-.Ltmp21, $2  }
0x163: {  	_ =	sdelay $0x2  }
0x164: {  	s30 =	sadd.s32 $0x1, s30;
	[tilespmem:s2+$0x2F8] =	vst v1  }
.LBB2_25:
.Ltmp22:
0x165: {  	(pc) =	sbr.rel .LBB2_26-.Ltmp22, $4  }
0x166: {  	_ = 	snop  }
0x167: {  	s0 =	simm.s32 $0x2  }
0x168: {  	_ =	swait.ge [sflag:s0], $0x0  }
0x169: {  	s2 =	simm.s32 $0x0;
	[sflag:s0] =	ssyncset.done $0x0;
	s0 =	smov.u32 s31  }
.LBB2_28:
0x16a: {  	_ =	sfence.sel $0x180000  }
0x16b: {  	s0 =	simm.s32 $0x9;
	[bflag:$0x0] =	sbarrier.arrive $0xFFFF  }
0x16c: {  	s24 =	simm.s32 $0xA;
	[sflag:s0] =	ssyncpa.u1 $0x1  }
0x16d: {  	s25 =	simm.s32 $0xB;
	[sflag:s24] =	ssyncpa.u1 $0x1  }
0x16e: {  	s26 =	simm.s32 $0x2;
	[sflag:s25] =	ssyncpa.u1 $0x1  }
0x16f: {  	[sflag:s26] =	ssyncpa.u1 $0x1  }
0x170: {  	v0 =	vld [tilespmem:$0xE408];
	_ =	sdelay $0x4  }
0x171: {  	(v2sf) =	vpush v0, $0x0  }
0x172: {  	(v2sf) =	vpush v0, $0x1;
	_ =	sdelay $0x1  }
0x173: {  	(v2sf) =	vpush v0, $0x2;
	_ =	sdelay $0xb  }
0x174: {  	s0 =	spop (v2sf)  }
0x175: {  	s2 =	spop (v2sf)  }
0x176: {  	s3 =	smov.u32 s0;
	p0 =	sne.s32 s0, s2  }
0x177: {  	s4 =	spop (v2sf);
	s3 =	simm.s32 @!p0 $0xFFFFFFFF  }
0x178: {  	v2 =	vimm.s32 $0x1;
	v3 =	vlaneseq.u32;
	p0 =	seq.s32 s4, $0xFFFFFFFF;
	v1 =	vmov s3  }
0x179: {  	s15 =	stileid.u32;
	v0 =	vperm.xlane v0, v2;
	p1 =	sne.s32 @!p0 s0, s2;
	v1 =	vperm.xlane v1, v3  }
0x17a: {  	vm0 =	vcmask $0x3F04;
	s6 =	simm.s32 $0xE408;
	s0 =	simm.s32 @!p0 $0x1;
	p1 =	por !p1, p0  }
0x17b: {  	s3 =	sshll.u32 s15, $0x1;
	s2 =	sshll.u32 @!p0 s4, $0xA;
	s0 =	simm.s32 @p1 $0x0;
	v0 =	vsel vm0, v1, v0  }
0x17c: {  	s5 =	sor.u32 $0x2000, s3;
	s2 =	sshra.s32 @!p0 s2, $0x2;
	s0 =	sor.u32 @!p0 s0, s3;
	[tilespmem:$0xE408] =	vst v0  }
0x17d: {  	[spmem:s5] =	stream.linear.scatter [tilespmem:s6], [sflag:$0x1], $0x2, $0x38;
	[tilespmem:$0x1E678] =	vst v63  }
0x17e: {  	s2 =	sadd.s32 @!p0 $0x208, s2;
	s0 =	sshll.u32 @!p0 s0, $0x8  }
0x17f: {  	[spmem:s0] =	stream.linear.scatter @!p0 [tilespmem:s2], [sflag:$0x1], $0x100, $0x38;
	[tilespmem:$0x1E678] =	vst v63  }
0x180: {  	s0 =	simm.s32 @!p0 $0x102  }
0x181: {  	s28 =	simm.s32 $0x1;
	s0 =	simm.s32 @p0 $0x2  }
0x182: {  	_ =	swait.ge [sflag:s28], s0  }
0x183: {  	s0 =	ssub.s32 $0x0, s0;
	[sflag:s28] =	ssyncset.done $0x0  }
0x184: {  	p0 =	sne.s32 s15, $0x0;
	[sflag:s28] =	ssyncadd.s32 s0  }
.Ltmp23:
0x185: {  	_ =	sfence.stream.spmem;
	(pc) =	sbr.rel @p0 .LBB2_45-.Ltmp23, $4  }
0x186: {  	s29 =	simm.s32 $0x3;
	[bflag:$0x0] =	sbarrier.arrive $0xFFFF  }
0x187: {  	s30 =	simm.s32 $0x4;
	[sflag:s29] =	ssyncpa.u1 $0x1  }
0x188: {  	s31 =	simm.s32 $0x3C;
	[sflag:s30] =	ssyncpa.u1 $0x1  }
0x189: {  	s14 =	rddreg [dreg:$0x4];
	[sflag:s31] =	ssyncpa.u1 $0x1  }
0x18a: {  	_ =	sfence.stream.spmem;
	s0 =	simm.s32 $0x5  }
0x18b: {  	s2 =	simm.s32 $0x2000;
	s3 =	simm.s32 $0xE418;
	[sflag:s0] =	ssyncpa.u1 $0x0  }
0x18c: {  	[tilespmem:s3], [sflag:$0x5] =	stream.linear.gather [spmem:s2], $0x20, $0x38;
	[tilespmem:$0x1E678] =	vst v63  }
0x18d: {  	s26 =	simm.s32 $0x0;
	s28 =	simm.s32 $0xE438  }
0x18e: {  	[tilespmem:s28], [sflag:$0x5] =	stream.linear.gather [spmem:s26], $0x2000, $0x38;
	[tilespmem:$0x1E678] =	vst v63  }
0x18f: {  	_ =	swait.ge [sflag:s0], $0x2020  }
0x190: {  	[sflag:s0] =	ssyncset.done $0x0  }
0x191: {  	s29 =	simm.s32 $0x0;
	[sflag:s0] =	ssyncadd.s32 $0xFFFFDFE0  }
0x192: {  	v0 =	vld.msk [tilespmem:s29+$0xE418], $0x1;
	_ =	sdelay $0x1  }
0x193: {  	s30 =	simm.s32 $0x1  }
0x194: {  	v1 =	vld.msk [tilespmem:s30+$0xE418], $0x1;
	_ =	sdelay $0x1  }
0x195: {  	(v2sf) =	vpush v0, $0x0;
	_ =	sdelay $0x2  }
0x196: {  	(v2sf) =	vpush v1, $0x0;
	_ =	sdelay $0x2  }
0x197: {  	s31 =	simm.s32 $0x2  }
0x198: {  	v0 =	vld.msk [tilespmem:s31+$0xE418], $0x1;
	_ =	sdelay $0x2  }
0x199: {  	s2 =	simm.s32 $0xFFFFFFFF;
	s3 =	simm.s32 $0xFFFFFFFF;
	s0 =	simm.s32 $0xC  }
.LBB2_30:
0x19a: {  	s4 =	smov.u32 s3;
	s5 =	smov.u32 s2  }
0x19b: {  	s2 =	sshra.s32 s0, $0x2;
	p1 =	sne.s32 s0, $0x7C;
	s0 =	sadd.s32 $0x4, s0;
	(v2sf) =	vpush v0, $0x0  }
0x19c: {  	v0 =	vld.msk [tilespmem:s2+$0xE418], $0x1  }
.Ltmp24:
0x19d: {  	(pc) =	sbr.rel @p1 .LBB2_30-.Ltmp24, $4  }
0x19e: {  	s3 =	spop (v2sf)  }
0x19f: {  	p2 =	sne.s32 s5, $0xFFFFFFFF;
	s2 =	smov.u32 s3  }
0x1a0: {  	p3 =	seq.s32 s3, $0xFFFFFFFF;
	s2 =	smov.u32 @p2 s5  }
0x1a1: {  	s3 =	smov.u32 @p3 s4;
	s2 =	smov.u32 @p3 s5  }
0x1a2: {  	(v2sf) =	vpush v0, $0x0;
	_ =	sdelay $0x8  }
0x1a3: {  	s0 =	spop (v2sf)  }
0x1a4: {  	p1 =	sne.s32 s2, $0xFFFFFFFF;
	s9 =	simm.s32 $0x6;
	s4 =	smov.u32 s0  }
0x1a5: {  	s6 =	simm.s32 $0x0;
	p2 =	seq.s32 s0, $0xFFFFFFFF;
	s4 =	smov.u32 @p1 s2  }
0x1a6: {  	s10 =	simm.s32 $0xE308;
	s4 =	smov.u32 @p2 s2;
	s2 =	spop (v2sf)  }
0x1a7: {  	s0 =	smov.u32 @p2 s3;
	p1 =	sne.s32 s4, $0xFFFFFFFF;
	s5 =	smov.u32 s2  }
.Ltmp25:
0x1a8: {  	p2 =	seq.s32 s2, $0xFFFFFFFF;
	s5 =	smov.u32 @p1 s4;
	(pc) =	sbr.rel .LBB2_32-.Ltmp25, $4  }
0x1a9: {  	s11 =	simm.s32 $0xE388;
	s5 =	smov.u32 @p2 s4;
	s7 =	spop (v2sf)  }
0x1aa: {  	s12 =	simm.s32 $0x0;
	p1 =	sne.s32 s5, $0xFFFFFFFF;
	s8 =	smov.u32 s7  }
0x1ab: {  	s2 =	smov.u32 @p2 s0;
	p2 =	seq.s32 s7, $0xFFFFFFFF;
	s8 =	smov.u32 @p1 s5  }
0x1ac: {  	[sflag:s9] =	ssyncpa.u1 $0x0;
	s7 =	smov.u32 @p2 s2;
	s8 =	smov.u32 @p2 s5  }
.LBB2_38:
0x1ad: {  	p1 =	sgt.u32 s0, $0x4E170  }
0x1ae: {  	p2 =	seq.s32 @!p1 s0, s8  }
0x1af: {  	p1 =	por p1, p2  }
0x1b0: {  	p2 =	sne.s32 @!p1 s0, s7  }
0x1b1: {  	p1 =	por p1, !p2  }
0x1b2: {  	s0 =	sshll.u32 @p1 s12, $0xA  }
0x1b3: {  	s2 =	sand.u32 @!p1 $0x7FFF8, s0;
	s3 =	sand.u32 @!p1 $0x7, s0;
	s0 =	sadd.s32 @!p1 $0x80, s0  }
0x1b4: {  	s2 =	sadd.s32 @!p1 s1, s2;
	s0 =	sand.u32 @!p1 $0xFFFF8, s0  }
0x1b5: {  	[tilespmem:s10], [sflag:$0x6] =	stream.linear.gather @!p1 [hbm4b:s2+s3], $0x80, $0x38;
	[tilespmem:$0x1E678] =	vst v63  }
0x1b6: {  	s0 =	sadd.s32 @!p1 s1, s0  }
0x1b7: {  	[tilespmem:s11], [sflag:$0x6] =	stream.linear.gather @!p1 [hbm4b:s0+s3], $0x80, $0x38;
	[tilespmem:$0x1E678] =	vst v63  }
0x1b8: {  	_ =	swait.ge @!p1 [sflag:s9], $0x100  }
0x1b9: {  	[sflag:s9] =	ssyncset.done @!p1 $0x0  }
0x1ba: {  	[sflag:s9] =	ssyncadd.s32 @!p1 $0xFFFFFF00  }
0x1bb: {  	v1 =	vld @!p1 [tilespmem:$0xE308];
	_ =	sdelay $0x2  }
0x1bc: {  	s0 =	sshll.u32 @!p1 s12, $0xA  }
0x1bd: {  	s2 =	sshrl.u32 @!p1 s0, $0x2  }
0x1be: {  	[tilespmem:s2+$0xE438] =	vst.add.f32.msk @!p1 $0xffff, v1  }
0x1bf: {  	v1 =	vld @!p1 [tilespmem:$0xE318];
	_ =	sdelay $0x4  }
0x1c0: {  	[tilespmem:s2+$0xE448] =	vst.add.f32.msk @!p1 $0xffff, v1  }
0x1c1: {  	v1 =	vld @!p1 [tilespmem:$0xE328];
	_ =	sdelay $0x4  }
0x1c2: {  	[tilespmem:s2+$0xE458] =	vst.add.f32.msk @!p1 $0xffff, v1  }
0x1c3: {  	v1 =	vld @!p1 [tilespmem:$0xE338];
	_ =	sdelay $0x4  }
0x1c4: {  	[tilespmem:s2+$0xE468] =	vst.add.f32.msk @!p1 $0xffff, v1  }
0x1c5: {  	v1 =	vld @!p1 [tilespmem:$0xE348];
	_ =	sdelay $0x4  }
0x1c6: {  	[tilespmem:s2+$0xE478] =	vst.add.f32.msk @!p1 $0xffff, v1  }
0x1c7: {  	v1 =	vld @!p1 [tilespmem:$0xE358];
	_ =	sdelay $0x4  }
0x1c8: {  	[tilespmem:s2+$0xE488] =	vst.add.f32.msk @!p1 $0xffff, v1  }
0x1c9: {  	v1 =	vld @!p1 [tilespmem:$0xE368];
	_ =	sdelay $0x4  }
0x1ca: {  	[tilespmem:s2+$0xE498] =	vst.add.f32.msk @!p1 $0xffff, v1  }
0x1cb: {  	v1 =	vld @!p1 [tilespmem:$0xE378];
	_ =	sdelay $0x4  }
0x1cc: {  	[tilespmem:s2+$0xE4A8] =	vst.add.f32.msk @!p1 $0xffff, v1  }
0x1cd: {  	v1 =	vld @!p1 [tilespmem:$0xE388];
	_ =	sdelay $0x4  }
0x1ce: {  	[tilespmem:s2+$0xE4B8] =	vst.add.f32.msk @!p1 $0xffff, v1  }
0x1cf: {  	v1 =	vld @!p1 [tilespmem:$0xE398];
	_ =	sdelay $0x4  }
0x1d0: {  	[tilespmem:s2+$0xE4C8] =	vst.add.f32.msk @!p1 $0xffff, v1  }
0x1d1: {  	v1 =	vld @!p1 [tilespmem:$0xE3A8];
	_ =	sdelay $0x4  }
0x1d2: {  	[tilespmem:s2+$0xE4D8] =	vst.add.f32.msk @!p1 $0xffff, v1  }
0x1d3: {  	v1 =	vld @!p1 [tilespmem:$0xE3B8];
	_ =	sdelay $0x4  }
0x1d4: {  	[tilespmem:s2+$0xE4E8] =	vst.add.f32.msk @!p1 $0xffff, v1  }
0x1d5: {  	v1 =	vld @!p1 [tilespmem:$0xE3C8];
	_ =	sdelay $0x4  }
0x1d6: {  	[tilespmem:s2+$0xE4F8] =	vst.add.f32.msk @!p1 $0xffff, v1  }
0x1d7: {  	v1 =	vld @!p1 [tilespmem:$0xE3D8];
	_ =	sdelay $0x4  }
0x1d8: {  	[tilespmem:s2+$0xE508] =	vst.add.f32.msk @!p1 $0xffff, v1  }
0x1d9: {  	v1 =	vld @!p1 [tilespmem:$0xE3E8];
	_ =	sdelay $0x4  }
0x1da: {  	[tilespmem:s2+$0xE518] =	vst.add.f32.msk @!p1 $0xffff, v1  }
0x1db: {  	v1 =	vld @!p1 [tilespmem:$0xE3F8];
	_ =	sdelay $0x4  }
0x1dc: {  	[tilespmem:s2+$0xE528] =	vst.add.f32.msk @!p1 $0xffff, v1  }
0x1dd: {  	s0 =	sshrl.u32 s0, $0x2;
	[tilespmem:s6+$0xE418] =	vst.msk $0x1, v0  }
0x1de: {  	v0 =	vld [tilespmem:s0+$0xE438];
	_ =	sdelay $0x2  }
0x1df: {  	s31 =	sshll.u32 s6, $0xA  }
0x1e0: {  	s2 =	sshra.s32 s31, $0x2  }
0x1e1: {  	[tilespmem:s2+$0xE438] =	vst v0  }
0x1e2: {  	v0 =	vld [tilespmem:s0+$0xE448];
	_ =	sdelay $0x4  }
0x1e3: {  	[tilespmem:s2+$0xE448] =	vst v0  }
0x1e4: {  	v0 =	vld [tilespmem:s0+$0xE458];
	_ =	sdelay $0x4  }
0x1e5: {  	[tilespmem:s2+$0xE458] =	vst v0  }
0x1e6: {  	v0 =	vld [tilespmem:s0+$0xE468];
	_ =	sdelay $0x4  }
0x1e7: {  	[tilespmem:s2+$0xE468] =	vst v0  }
0x1e8: {  	v0 =	vld [tilespmem:s0+$0xE478];
	_ =	sdelay $0x4  }
0x1e9: {  	[tilespmem:s2+$0xE478] =	vst v0  }
0x1ea: {  	v0 =	vld [tilespmem:s0+$0xE488];
	_ =	sdelay $0x4  }
0x1eb: {  	[tilespmem:s2+$0xE488] =	vst v0  }
0x1ec: {  	v0 =	vld [tilespmem:s0+$0xE498];
	_ =	sdelay $0x4  }
0x1ed: {  	[tilespmem:s2+$0xE498] =	vst v0  }
0x1ee: {  	v0 =	vld [tilespmem:s0+$0xE4A8];
	_ =	sdelay $0x4  }
0x1ef: {  	[tilespmem:s2+$0xE4A8] =	vst v0  }
0x1f0: {  	v0 =	vld [tilespmem:s0+$0xE4B8];
	_ =	sdelay $0x4  }
0x1f1: {  	[tilespmem:s2+$0xE4B8] =	vst v0  }
0x1f2: {  	v0 =	vld [tilespmem:s0+$0xE4C8];
	_ =	sdelay $0x4  }
0x1f3: {  	[tilespmem:s2+$0xE4C8] =	vst v0  }
0x1f4: {  	v0 =	vld [tilespmem:s0+$0xE4D8];
	_ =	sdelay $0x4  }
0x1f5: {  	[tilespmem:s2+$0xE4D8] =	vst v0  }
0x1f6: {  	v0 =	vld [tilespmem:s0+$0xE4E8];
	_ =	sdelay $0x4  }
0x1f7: {  	[tilespmem:s2+$0xE4E8] =	vst v0  }
0x1f8: {  	v0 =	vld [tilespmem:s0+$0xE4F8];
	_ =	sdelay $0x4  }
0x1f9: {  	[tilespmem:s2+$0xE4F8] =	vst v0  }
0x1fa: {  	v0 =	vld [tilespmem:s0+$0xE508];
	_ =	sdelay $0x4  }
0x1fb: {  	[tilespmem:s2+$0xE508] =	vst v0  }
0x1fc: {  	v0 =	vld [tilespmem:s0+$0xE518];
	_ =	sdelay $0x4  }
0x1fd: {  	[tilespmem:s2+$0xE518] =	vst v0  }
0x1fe: {  	v0 =	vld [tilespmem:s0+$0xE528];
	_ =	sdelay $0x4  }
0x1ff: {  	s6 =	sadd.s32 $0x1, s6;
	[tilespmem:s2+$0xE528] =	vst v0  }
.LBB2_39:
0x200: {  	s12 =	sadd.s32 $0x1, s12  }
0x201: {  	p1 =	sne.s32 s12, $0x20  }
.Ltmp26:
0x202: {  	_ = 	snop;
	(pc) =	sbr.rel @!p1 .LBB2_40-.Ltmp26, $1  }
0x203: {  	_ =	sdelay $0x3  }
.LBB2_32:
0x204: {  	v0 =	vld.msk [tilespmem:s12+$0xE418], $0x1;
	_ =	sdelay $0x4  }
0x205: {  	(v2sf) =	vpush v0, $0x0;
	_ =	sdelay $0xe  }
0x206: {  	s0 =	spop (v2sf)  }
0x207: {  	p1 =	seq.s32 s0, $0xFFFFFFFF  }
.Ltmp27:
0x208: {  	_ = 	snop;
	(pc) =	sbr.rel @p1 .LBB2_39-.Ltmp27, $1  }
0x209: {  	_ =	sdelay $0x3  }
0x20a: {  	p1 =	slt.s32 s6, $0x1  }
.Ltmp28:
0x20b: {  	_ = 	snop;
	(pc) =	sbr.rel @p1 .LBB2_38-.Ltmp28, $1  }
0x20c: {  	_ =	sdelay $0x3  }
0x20d: {  	s4 =	simm.s32 $0xE418;
	p1 =	por $0x0, $0x0  }
0x20e: {  	v1 =	vld.msk @!p1 [tilespmem:s4+$0x0], $0x1;
	_ =	sdelay $0x4  }
0x20f: {  	(v2sf) =	vpush @!p1 v1, $0x0;
	_ =	sdelay $0xd  }
0x210: {  	p3 =	sne.s32 s6, $0x1  }
.Ltmp29:
0x211: {  	s2 =	spop @!p1 (v2sf);
	(pc) =	sbr.rel @!p3 .LBB2_36-.Ltmp29, $4  }
0x212: {  	p2 =	seq.s32 @!p1 s0, s2  }
0x213: {  	s5 =	simm.s32 $0x0;
	p2 =	por !p2, p1  }
0x214: {  	s2 =	simm.s32 $0xFFFFFFFF;
	s5 =	simm.s32 @p2 $0xFFFFFFFF  }
0x215: {  	s13 =	simm.s32 $0x1;
	s5 =	smov.u32 @p1 s2  }
.LBB2_35:
0x216: {  	s2 =	smov.u32 s5;
	p1 =	sne.s32 s5, $0xFFFFFFFF  }
0x217: {  	s4 =	sadd.s32 $0x1, s4;
	s5 =	smov.u32 s13;
	s13 =	sadd.s32 $0x1, s13  }
0x218: {  	p2 =	sne.s32 s6, s13;
	v1 =	vld.msk @!p1 [tilespmem:s4+$0x0], $0x1;
	_ =	sdelay $0x4  }
0x219: {  	(v2sf) =	vpush @!p1 v1, $0x0;
	_ =	sdelay $0xe  }
.Ltmp30:
0x21a: {  	s3 =	spop @!p1 (v2sf);
	(pc) =	sbr.rel @p2 .LBB2_35-.Ltmp30, $4  }
0x21b: {  	p3 =	seq.s32 @!p1 s0, s3  }
0x21c: {  	p3 =	por !p3, p1  }
0x21d: {  	s5 =	simm.s32 @p3 $0xFFFFFFFF  }
0x21e: {  	s5 =	smov.u32 @p1 s2  }
.LBB2_36:
0x21f: {  	p1 =	seq.s32 s5, $0xFFFFFFFF  }
.Ltmp31:
0x220: {  	_ = 	snop;
	(pc) =	sbr.rel @p1 .LBB2_38-.Ltmp31, $1  }
0x221: {  	_ =	sdelay $0x3  }
0x222: {  	s0 =	sshll.u32 s12, $0x8  }
0x223: {  	s0 =	sand.u32 $0x3FFFFF00, s0  }
0x224: {  	v0 =	vld [tilespmem:s0+$0xE438];
	_ =	sdelay $0x2  }
0x225: {  	s2 =	sshll.u32 s5, $0xA  }
0x226: {  	s2 =	sshra.s32 s2, $0x2  }
0x227: {  	[tilespmem:s2+$0xE438] =	vst.add.f32.msk $0xffff, v0  }
0x228: {  	v0 =	vld [tilespmem:s0+$0xE448];
	_ =	sdelay $0x4  }
0x229: {  	[tilespmem:s2+$0xE448] =	vst.add.f32.msk $0xffff, v0  }
0x22a: {  	v0 =	vld [tilespmem:s0+$0xE458];
	_ =	sdelay $0x4  }
0x22b: {  	[tilespmem:s2+$0xE458] =	vst.add.f32.msk $0xffff, v0  }
0x22c: {  	v0 =	vld [tilespmem:s0+$0xE468];
	_ =	sdelay $0x4  }
0x22d: {  	[tilespmem:s2+$0xE468] =	vst.add.f32.msk $0xffff, v0  }
0x22e: {  	v0 =	vld [tilespmem:s0+$0xE478];
	_ =	sdelay $0x4  }
0x22f: {  	[tilespmem:s2+$0xE478] =	vst.add.f32.msk $0xffff, v0  }
0x230: {  	v0 =	vld [tilespmem:s0+$0xE488];
	_ =	sdelay $0x4  }
0x231: {  	[tilespmem:s2+$0xE488] =	vst.add.f32.msk $0xffff, v0  }
0x232: {  	v0 =	vld [tilespmem:s0+$0xE498];
	_ =	sdelay $0x4  }
0x233: {  	[tilespmem:s2+$0xE498] =	vst.add.f32.msk $0xffff, v0  }
0x234: {  	v0 =	vld [tilespmem:s0+$0xE4A8];
	_ =	sdelay $0x4  }
0x235: {  	[tilespmem:s2+$0xE4A8] =	vst.add.f32.msk $0xffff, v0  }
0x236: {  	v0 =	vld [tilespmem:s0+$0xE4B8];
	_ =	sdelay $0x4  }
0x237: {  	[tilespmem:s2+$0xE4B8] =	vst.add.f32.msk $0xffff, v0  }
0x238: {  	v0 =	vld [tilespmem:s0+$0xE4C8];
	_ =	sdelay $0x4  }
0x239: {  	[tilespmem:s2+$0xE4C8] =	vst.add.f32.msk $0xffff, v0  }
0x23a: {  	v0 =	vld [tilespmem:s0+$0xE4D8];
	_ =	sdelay $0x4  }
0x23b: {  	[tilespmem:s2+$0xE4D8] =	vst.add.f32.msk $0xffff, v0  }
0x23c: {  	v0 =	vld [tilespmem:s0+$0xE4E8];
	_ =	sdelay $0x4  }
0x23d: {  	[tilespmem:s2+$0xE4E8] =	vst.add.f32.msk $0xffff, v0  }
0x23e: {  	v0 =	vld [tilespmem:s0+$0xE4F8];
	_ =	sdelay $0x4  }
0x23f: {  	[tilespmem:s2+$0xE4F8] =	vst.add.f32.msk $0xffff, v0  }
0x240: {  	v0 =	vld [tilespmem:s0+$0xE508];
	_ =	sdelay $0x4  }
0x241: {  	[tilespmem:s2+$0xE508] =	vst.add.f32.msk $0xffff, v0  }
0x242: {  	v0 =	vld [tilespmem:s0+$0xE518];
	_ =	sdelay $0x4  }
0x243: {  	[tilespmem:s2+$0xE518] =	vst.add.f32.msk $0xffff, v0  }
0x244: {  	v0 =	vld [tilespmem:s0+$0xE528]  }
.Ltmp32:
0x245: {  	_ = 	snop;
	(pc) =	sbr.rel .LBB2_39-.Ltmp32, $2  }
0x246: {  	_ =	sdelay $0x2  }
0x247: {  	[tilespmem:s2+$0xE528] =	vst.add.f32.msk $0xffff, v0  }
.LBB2_40:
0x248: {  	s0 =	simm.s32 $0x6;
	p1 =	seq.s32 s6, $0x0  }
0x249: {  	[sflag:s0] =	ssyncpa.u1 $0x1;
	v0 =	vimm.s32 @p1 $0xFFFFFFFF  }
0x24a: {  	s0 =	sadd.s32 $0xFFFFFFFF, s6;
	[tilespmem:$0x10438] =	vst @p1 v0  }
0x24b: {  	v0 =	vld.msk @!p1 [tilespmem:s0+$0xE418], $0x1;
	_ =	sdelay $0x1  }
0x24c: {  	v1 =	vld.msk @!p1 [tilespmem:$0xE418], $0x1;
	_ =	sdelay $0x2  }
0x24d: {  	p2 =	seq.s32 @!p1 s0, $0x0;
	v0 =	vbroadcast @!p1 v0, $0x0  }
0x24e: {  	vm0 =	vmmov @!p1 $0x1;
	p2 =	por !p2, p1  }
0x24f: {  	v1 =	vnsel @!p1 vm0, $0xFFFFFFFF, v1;
	vm0 =	vcmask @!p1 $0x308;
	v0 =	vpsel !p2, $0xFFFFFFFF, v0  }
0x250: {  	p2 =	sne.s32 @!p1 s8, s7;
	v0 =	vsel @!p1 vm0, v1, v0  }
0x251: {  	s2 =	simm.s32 @!p1 $0xE438;
	s3 =	simm.s32 @!p1 $0x0;
	p3 =	por !p2, p1;
	[tilespmem:$0x10438] =	vst @!p1 v0  }
0x252: {  	[spmem:s3] =	stream.linear.scatter @!p1 [tilespmem:s2], [sflag:$0x1], $0x100, $0x38;
	[tilespmem:$0x1E678] =	vst v63  }
0x253: {  	s2 =	sshll.u32 @!p3 s0, $0xA  }
0x254: {  	s2 =	sshra.s32 @!p3 s2, $0x2  }
0x255: {  	s3 =	simm.s32 @!p3 $0x100;
	s2 =	sadd.s32 @!p3 $0xE438, s2  }
0x256: {  	[spmem:s3] =	stream.linear.scatter @!p3 [tilespmem:s2], [sflag:$0x1], $0x100, $0x38;
	[tilespmem:$0x1E678] =	vst v63  }
0x257: {  	s2 =	simm.s32 @!p3 $0x1  }
0x258: {  	_ =	swait.ge @!p3 [sflag:s2], $0x200  }
0x259: {  	p1 =	por p2, p1;
	[sflag:s2] =	ssyncset.done @!p3 $0x0  }
0x25a: {  	[sflag:s2] =	ssyncadd.s32 @!p3 $0xFFFFFE00;
	s2 =	simm.s32 @!p1 $0x1  }
0x25b: {  	_ =	swait.ge @!p1 [sflag:s2], $0x100  }
0x25c: {  	s29 =	simm.s32 $0x10438;
	[sflag:s2] =	ssyncset.done @!p1 $0x0  }
0x25d: {  	s30 =	simm.s32 $0x2000;
	s31 =	simm.s32 $0x1;
	[sflag:s2] =	ssyncadd.s32 @!p1 $0xFFFFFF00  }
0x25e: {  	[spmem:s30] =	stream.linear.scatter [tilespmem:s29], [sflag:$0x1], $0x10, $0x38;
	[tilespmem:$0x1E678] =	vst v63  }
0x25f: {  	_ =	swait.ge [sflag:s31], $0x10  }
0x260: {  	[sflag:s31] =	ssyncset.done $0x0  }
0x261: {  	p1 =	seq.s32 s14, $0x0;
	s9 =	rddreg [dreg:$0x1];
	[sflag:s31] =	ssyncadd.s32 $0xFFFFFFF0  }
0x262: {  	s3 =	sshll.u32 @p1 s9, $0xE;
	s8 =	rddreg [dreg:$0x2]  }
0x263: {  	s2 =	sadd.s32 @p1 $0x15C3C, s3;
	s3 =	sshll.u32 @p1 s8, $0x11  }
0x264: {  	_ =	sfence.stream.spmem;
	s2 =	sor.u32 @p1 s3, s2  }
0x265: {  	[sflag:s2] =	ssyncadd.remote.s32 @p1 $0x1;
	s2 =	simm.s32 @p1 $0x4  }
0x266: {  	s4 =	simm.s32 @!p1 $0x3C;
	s3 =	sand.u32 $0xFFFFFFFE, s9;
	_ =	swait.ge @p1 [sflag:s2], $0x42  }
0x267: {  	s5 =	simm.s32 @!p1 $0x0;
	s3 =	sadd.s32 @!p1 $0x4, s3;
	[sflag:s2] =	ssyncset.done @p1 $0x0  }
0x268: {  	s7 =	simm.s32 @!p1 $0x200;
	[sflag:s2] =	ssyncadd.s32 @p1 $0xFFFFFFBE;
	s2 =	sshll.u32 @!p1 s3, $0x1A  }
0x269: {  	s3 =	sshll.u32 @!p1 s3, $0xD;
	s2 =	sor.u32 @!p1 s2, s8;
	_ =	swait.eq @!p1 [sflag:s4], $0x1  }
0x26a: {  	s3 =	sor.u32 @!p1 $0x1C04, s3;
	s4 =	simm.s32 @!p1 $0x1C03;
	s2 =	sor.u32 @!p1 $0x80004000, s2  }
0x26b: {  	[spmem:s7], [sflag:s3] =	dma.general @!p1 [spmem:s5], [sflag:s4], length:$0x40, [dreg:$0x0], stride_count:$0x0, ici_dest:s2, dma_misc:DstOpCode:WRITE  }
0x26c: {  	p2 =	slt.s32 s0, $0x2;
	s5 =	simm.s32 @!p1 $0x400;
	s7 =	simm.s32 @!p1 $0x402  }
0x26d: {  	[spmem:s7], [sflag:s3] =	dma.general @!p1 [spmem:s5], [sflag:s4], length:$0x2, [dreg:$0x0], stride_count:$0x0, ici_dest:s2, dma_misc:DstOpCode:WRITE  }
.Ltmp33:
0x26e: {  	s2 =	simm.s32 @!p1 $0x3;
	(pc) =	sbr.rel @p2 .LBB2_44-.Ltmp33, $4  }
0x26f: {  	s3 =	sshll.u32 @!p1 s9, $0xE;
	_ =	swait.ge @!p1 [sflag:s2], $0x42  }
0x270: {  	s4 =	sshll.u32 @!p1 s8, $0x11;
	s3 =	sadd.s32 @!p1 $0x11C3C, s3;
	[sflag:s2] =	ssyncset.done @!p1 $0x0  }
0x271: {  	[sflag:s2] =	ssyncadd.s32 @!p1 $0xFFFFFFBE;
	s2 =	sor.u32 @!p1 s4, s3  }
0x272: {  	s0 =	simm.s32 $0x0;
	[sflag:s2] =	ssyncadd.remote.s32 @!p1 $0xFFFFFFFF  }
0x273: {  	s0 =	simm.s32 $0xE419  }
0x274: {  	v0 =	vld.msk [tilespmem:s0+$0x0], $0x1;
	_ =	sdelay $0x4  }
0x275: {  	(v2sf) =	vpush v0, $0x0;
	_ =	sdelay $0xd  }
0x276: {  	s31 =	sadd.s32 $0xFFFFFFFE, s6  }
0x277: {  	s6 =	simm.s32 $0x0;
	s0 =	sadd.s32 $0xFFFFFFFF, s31;
	s2 =	spop (v2sf)  }
0x278: {  	s3 =	simm.s32 $0xE538;
	p1 =	sne.s32 s0, $0x0;
	p2 =	sgt.u32 s2, $0x4E170  }
.Ltmp34:
0x279: {  	s4 =	simm.s32 $0xE638;
	s5 =	sand.u32 @!p2 $0x7FFF8, s2;
	(pc) =	sbr.rel @!p1 .LBB2_43-.Ltmp34, $4  }
0x27a: {  	s7 =	sadd.s32 @!p2 $0x80, s2;
	s2 =	sand.u32 @!p2 $0x7, s2;
	s6 =	simm.s32 @!p2 $0x400  }
0x27b: {  	s5 =	sadd.s32 @!p2 s1, s5;
	s7 =	sand.u32 @!p2 $0xFFFF8, s7;
	s6 =	sadd.s32 $0x0, s6  }
0x27c: {  	[hbm4b:s5+s2] =	stream.linear.scatter @!p2 [tilespmem:s3], [sflag:$0x5], $0x80, $0x38;
	[tilespmem:$0x1E678] =	vst v63  }
0x27d: {  	s5 =	simm.s32 $0xE41A;
	s3 =	simm.s32 @!p2 $0xE5B8;
	s7 =	sadd.s32 @!p2 s1, s7  }
.LBB2_42:
0x27e: {  	[hbm4b:s7+s2] =	stream.linear.scatter @!p2 [tilespmem:s3], [sflag:$0x5], $0x80, $0x38;
	[tilespmem:$0x1E678] =	vst v63  }
0x27f: {  	s0 =	sadd.s32 $0xFFFFFFFF, s0;
	s3 =	smov.u32 s4;
	v0 =	vld.msk [tilespmem:s5+$0x0], $0x1  }
0x280: {  	p1 =	sne.s32 s0, $0x0;
	_ =	sdelay $0x3  }
0x281: {  	(v2sf) =	vpush v0, $0x0;
	_ =	sdelay $0xe  }
0x282: {  	s4 =	sadd.s32 $0x100, s4;
	s8 =	simm.s32 $0x0;
	s2 =	spop (v2sf)  }
.Ltmp35:
0x283: {  	s5 =	sadd.s32 $0x1, s5;
	p2 =	sgt.u32 s2, $0x4E170;
	(pc) =	sbr.rel @p1 .LBB2_42-.Ltmp35, $4  }
0x284: {  	s8 =	simm.s32 @!p2 $0x400;
	s7 =	sand.u32 @!p2 $0x7FFF8, s2;
	s9 =	sadd.s32 @!p2 $0x80, s2  }
0x285: {  	s2 =	sand.u32 @!p2 $0x7, s2;
	s7 =	sadd.s32 @!p2 s1, s7;
	s9 =	sand.u32 @!p2 $0xFFFF8, s9  }
0x286: {  	[hbm4b:s7+s2] =	stream.linear.scatter @!p2 [tilespmem:s3], [sflag:$0x5], $0x80, $0x38;
	[tilespmem:$0x1E678] =	vst v63  }
0x287: {  	s6 =	sadd.s32 s6, s8;
	s3 =	sadd.s32 @!p2 $0x80, s3;
	s7 =	sadd.s32 @!p2 s1, s9  }
.LBB2_43:
0x288: {  	[hbm4b:s7+s2] =	stream.linear.scatter @!p2 [tilespmem:s3], [sflag:$0x5], $0x80, $0x38;
	[tilespmem:$0x1E678] =	vst v63  }
0x289: {  	s0 =	sshrl.u32 s6, $0x2  }
.LBB2_44:
0x28a: {  	s2 =	simm.s32 $0x5  }
0x28b: {  	_ =	swait.ge [sflag:s2], s0  }
0x28c: {  	s31 =	ssub.s32 $0x0, s0;
	[sflag:s2] =	ssyncset.done $0x0  }
0x28d: {  	[sflag:s2] =	ssyncadd.s32 s31  }
0x28e: {  	[sflag:s2] =	ssyncpa.u1 $0x1  }
.LBB2_45:
0x28f: {  	s0 =	sor.u32 s14, s15  }
0x290: {  	p1 =	sne.s32 s0, $0x0  }
.Ltmp36:
0x291: {  	_ = 	snop;
	(pc) =	sbr.rel @p1 .LBB2_60-.Ltmp36, $3  }
0x292: {  	_ =	sdelay $0x1  }
0x293: {  	[bflag:$0x0] =	sbarrier.arrive $0xFFFF  }
0x294: {  	_ =	sfence  }
0x295: {  	s0 =	simm.s32 $0x7  }
0x296: {  	s2 =	simm.s32 $0x2000;
	s3 =	simm.s32 $0xE418;
	[sflag:s0] =	ssyncpa.u1 $0x0  }
0x297: {  	[tilespmem:s3], [sflag:$0x7] =	stream.linear.gather [spmem:s2], $0x20, $0x38;
	[tilespmem:$0x1E678] =	vst v63  }
0x298: {  	s30 =	simm.s32 $0xE438;
	s2 =	simm.s32 $0x0  }
0x299: {  	[tilespmem:s30], [sflag:$0x7] =	stream.linear.gather [spmem:s2], $0x2000, $0x38;
	[tilespmem:$0x1E678] =	vst v63  }
.Ltmp37:
0x29a: {  	_ = 	snop;
	(pc) =	sbr.rel .LBB2_47-.Ltmp37, $4  }
0x29b: {  	_ =	swait.ge [sflag:s0], $0x2020  }
0x29c: {  	[sflag:s0] =	ssyncset.done $0x0  }
0x29d: {  	s31 =	simm.s32 $0x8;
	[sflag:s0] =	ssyncadd.s32 $0xFFFFDFE0  }
0x29e: {  	s3 =	simm.s32 $0x0;
	[sflag:s31] =	ssyncpa.u1 $0x0  }
.LBB2_53:
0x29f: {  	p1 =	slt.u32 s0, $0x4E171  }
0x2a0: {  	s4 =	sand.u32 @p1 $0x7FFF8, s0;
	s5 =	sand.u32 @p1 $0x7, s0;
	s0 =	sadd.s32 @p1 $0x80, s0  }
0x2a1: {  	s6 =	simm.s32 @p1 $0xE308;
	s4 =	sadd.s32 @p1 s1, s4;
	s0 =	sand.u32 @p1 $0xFFFF8, s0  }
0x2a2: {  	[tilespmem:s6], [sflag:$0x8] =	stream.linear.gather @p1 [hbm4b:s4+s5], $0x80, $0x38;
	[tilespmem:$0x1E678] =	vst v63  }
0x2a3: {  	s0 =	sadd.s32 @p1 s1, s0;
	s4 =	simm.s32 @p1 $0xE388  }
0x2a4: {  	[tilespmem:s4], [sflag:$0x8] =	stream.linear.gather @p1 [hbm4b:s0+s5], $0x80, $0x38;
	[tilespmem:$0x1E678] =	vst v63  }
0x2a5: {  	s0 =	simm.s32 @p1 $0x8  }
0x2a6: {  	_ =	swait.ge @p1 [sflag:s0], $0x100  }
0x2a7: {  	[sflag:s0] =	ssyncset.done @p1 $0x0  }
0x2a8: {  	[sflag:s0] =	ssyncadd.s32 @p1 $0xFFFFFF00  }
0x2a9: {  	v1 =	vld @p1 [tilespmem:$0xE308];
	_ =	sdelay $0x2  }
0x2aa: {  	s0 =	sshll.u32 @p1 s3, $0xA  }
0x2ab: {  	s4 =	sshrl.u32 @p1 s0, $0x2  }
0x2ac: {  	[tilespmem:s4+$0xE438] =	vst.add.f32.msk @p1 $0xffff, v1  }
0x2ad: {  	v1 =	vld @p1 [tilespmem:$0xE318];
	_ =	sdelay $0x4  }
0x2ae: {  	[tilespmem:s4+$0xE448] =	vst.add.f32.msk @p1 $0xffff, v1  }
0x2af: {  	v1 =	vld @p1 [tilespmem:$0xE328];
	_ =	sdelay $0x4  }
0x2b0: {  	[tilespmem:s4+$0xE458] =	vst.add.f32.msk @p1 $0xffff, v1  }
0x2b1: {  	v1 =	vld @p1 [tilespmem:$0xE338];
	_ =	sdelay $0x4  }
0x2b2: {  	[tilespmem:s4+$0xE468] =	vst.add.f32.msk @p1 $0xffff, v1  }
0x2b3: {  	v1 =	vld @p1 [tilespmem:$0xE348];
	_ =	sdelay $0x4  }
0x2b4: {  	[tilespmem:s4+$0xE478] =	vst.add.f32.msk @p1 $0xffff, v1  }
0x2b5: {  	v1 =	vld @p1 [tilespmem:$0xE358];
	_ =	sdelay $0x4  }
0x2b6: {  	[tilespmem:s4+$0xE488] =	vst.add.f32.msk @p1 $0xffff, v1  }
0x2b7: {  	v1 =	vld @p1 [tilespmem:$0xE368];
	_ =	sdelay $0x4  }
0x2b8: {  	[tilespmem:s4+$0xE498] =	vst.add.f32.msk @p1 $0xffff, v1  }
0x2b9: {  	v1 =	vld @p1 [tilespmem:$0xE378];
	_ =	sdelay $0x4  }
0x2ba: {  	[tilespmem:s4+$0xE4A8] =	vst.add.f32.msk @p1 $0xffff, v1  }
0x2bb: {  	v1 =	vld @p1 [tilespmem:$0xE388];
	_ =	sdelay $0x4  }
0x2bc: {  	[tilespmem:s4+$0xE4B8] =	vst.add.f32.msk @p1 $0xffff, v1  }
0x2bd: {  	v1 =	vld @p1 [tilespmem:$0xE398];
	_ =	sdelay $0x4  }
0x2be: {  	[tilespmem:s4+$0xE4C8] =	vst.add.f32.msk @p1 $0xffff, v1  }
0x2bf: {  	v1 =	vld @p1 [tilespmem:$0xE3A8];
	_ =	sdelay $0x4  }
0x2c0: {  	[tilespmem:s4+$0xE4D8] =	vst.add.f32.msk @p1 $0xffff, v1  }
0x2c1: {  	v1 =	vld @p1 [tilespmem:$0xE3B8];
	_ =	sdelay $0x4  }
0x2c2: {  	[tilespmem:s4+$0xE4E8] =	vst.add.f32.msk @p1 $0xffff, v1  }
0x2c3: {  	v1 =	vld @p1 [tilespmem:$0xE3C8];
	_ =	sdelay $0x4  }
0x2c4: {  	[tilespmem:s4+$0xE4F8] =	vst.add.f32.msk @p1 $0xffff, v1  }
0x2c5: {  	v1 =	vld @p1 [tilespmem:$0xE3D8];
	_ =	sdelay $0x4  }
0x2c6: {  	[tilespmem:s4+$0xE508] =	vst.add.f32.msk @p1 $0xffff, v1  }
0x2c7: {  	v1 =	vld @p1 [tilespmem:$0xE3E8];
	_ =	sdelay $0x4  }
0x2c8: {  	[tilespmem:s4+$0xE518] =	vst.add.f32.msk @p1 $0xffff, v1  }
0x2c9: {  	v1 =	vld @p1 [tilespmem:$0xE3F8];
	_ =	sdelay $0x3  }
0x2ca: {  	s5 =	sshll.u32 @!p1 s3, $0xA  }
0x2cb: {  	s5 =	smov.u32 @p1 s0;
	[tilespmem:s4+$0xE528] =	vst.add.f32.msk @p1 $0xffff, v1  }
0x2cc: {  	s0 =	sshrl.u32 s5, $0x2;
	[tilespmem:s2+$0xE418] =	vst.msk $0x1, v0  }
0x2cd: {  	v0 =	vld [tilespmem:s0+$0xE438];
	_ =	sdelay $0x2  }
0x2ce: {  	s31 =	sshll.u32 s2, $0xA  }
0x2cf: {  	s4 =	sshra.s32 s31, $0x2  }
0x2d0: {  	[tilespmem:s4+$0xE438] =	vst v0  }
0x2d1: {  	v0 =	vld [tilespmem:s0+$0xE448];
	_ =	sdelay $0x4  }
0x2d2: {  	[tilespmem:s4+$0xE448] =	vst v0  }
0x2d3: {  	v0 =	vld [tilespmem:s0+$0xE458];
	_ =	sdelay $0x4  }
0x2d4: {  	[tilespmem:s4+$0xE458] =	vst v0  }
0x2d5: {  	v0 =	vld [tilespmem:s0+$0xE468];
	_ =	sdelay $0x4  }
0x2d6: {  	[tilespmem:s4+$0xE468] =	vst v0  }
0x2d7: {  	v0 =	vld [tilespmem:s0+$0xE478];
	_ =	sdelay $0x4  }
0x2d8: {  	[tilespmem:s4+$0xE478] =	vst v0  }
0x2d9: {  	v0 =	vld [tilespmem:s0+$0xE488];
	_ =	sdelay $0x4  }
0x2da: {  	[tilespmem:s4+$0xE488] =	vst v0  }
0x2db: {  	v0 =	vld [tilespmem:s0+$0xE498];
	_ =	sdelay $0x4  }
0x2dc: {  	[tilespmem:s4+$0xE498] =	vst v0  }
0x2dd: {  	v0 =	vld [tilespmem:s0+$0xE4A8];
	_ =	sdelay $0x4  }
0x2de: {  	[tilespmem:s4+$0xE4A8] =	vst v0  }
0x2df: {  	v0 =	vld [tilespmem:s0+$0xE4B8];
	_ =	sdelay $0x4  }
0x2e0: {  	[tilespmem:s4+$0xE4B8] =	vst v0  }
0x2e1: {  	v0 =	vld [tilespmem:s0+$0xE4C8];
	_ =	sdelay $0x4  }
0x2e2: {  	[tilespmem:s4+$0xE4C8] =	vst v0  }
0x2e3: {  	v0 =	vld [tilespmem:s0+$0xE4D8];
	_ =	sdelay $0x4  }
0x2e4: {  	[tilespmem:s4+$0xE4D8] =	vst v0  }
0x2e5: {  	v0 =	vld [tilespmem:s0+$0xE4E8];
	_ =	sdelay $0x4  }
0x2e6: {  	[tilespmem:s4+$0xE4E8] =	vst v0  }
0x2e7: {  	v0 =	vld [tilespmem:s0+$0xE4F8];
	_ =	sdelay $0x4  }
0x2e8: {  	[tilespmem:s4+$0xE4F8] =	vst v0  }
0x2e9: {  	v0 =	vld [tilespmem:s0+$0xE508];
	_ =	sdelay $0x4  }
0x2ea: {  	[tilespmem:s4+$0xE508] =	vst v0  }
0x2eb: {  	v0 =	vld [tilespmem:s0+$0xE518];
	_ =	sdelay $0x4  }
0x2ec: {  	[tilespmem:s4+$0xE518] =	vst v0  }
0x2ed: {  	v0 =	vld [tilespmem:s0+$0xE528];
	_ =	sdelay $0x4  }
0x2ee: {  	s2 =	sadd.s32 $0x1, s2;
	[tilespmem:s4+$0xE528] =	vst v0  }
.LBB2_54:
0x2ef: {  	s3 =	sadd.s32 $0x1, s3  }
0x2f0: {  	p1 =	sne.s32 s3, $0x20  }
.Ltmp38:
0x2f1: {  	_ = 	snop;
	(pc) =	sbr.rel @!p1 .LBB2_55-.Ltmp38, $1  }
0x2f2: {  	_ =	sdelay $0x3  }
.LBB2_47:
0x2f3: {  	v0 =	vld.msk [tilespmem:s3+$0xE418], $0x1;
	_ =	sdelay $0x4  }
0x2f4: {  	(v2sf) =	vpush v0, $0x0;
	_ =	sdelay $0xe  }
0x2f5: {  	s0 =	spop (v2sf)  }
0x2f6: {  	p1 =	seq.s32 s0, $0xFFFFFFFF  }
.Ltmp39:
0x2f7: {  	_ = 	snop;
	(pc) =	sbr.rel @p1 .LBB2_54-.Ltmp39, $1  }
0x2f8: {  	_ =	sdelay $0x3  }
0x2f9: {  	p1 =	slt.s32 s2, $0x1  }
.Ltmp40:
0x2fa: {  	_ = 	snop;
	(pc) =	sbr.rel @p1 .LBB2_53-.Ltmp40, $1  }
0x2fb: {  	_ =	sdelay $0x3  }
0x2fc: {  	s4 =	simm.s32 $0xE418;
	p1 =	por $0x0, $0x0  }
0x2fd: {  	v1 =	vld.msk @!p1 [tilespmem:s4+$0x0], $0x1;
	_ =	sdelay $0x4  }
0x2fe: {  	(v2sf) =	vpush @!p1 v1, $0x0;
	_ =	sdelay $0xd  }
0x2ff: {  	p3 =	sne.s32 s2, $0x1  }
.Ltmp41:
0x300: {  	s5 =	spop @!p1 (v2sf);
	(pc) =	sbr.rel @!p3 .LBB2_51-.Ltmp41, $4  }
0x301: {  	p2 =	seq.s32 @!p1 s0, s5  }
0x302: {  	s5 =	simm.s32 $0x0;
	p2 =	por !p2, p1  }
0x303: {  	s7 =	simm.s32 $0xFFFFFFFF;
	s5 =	simm.s32 @p2 $0xFFFFFFFF  }
0x304: {  	s6 =	simm.s32 $0x1;
	s5 =	smov.u32 @p1 s7  }
.LBB2_50:
0x305: {  	s7 =	smov.u32 s5;
	p1 =	sne.s32 s5, $0xFFFFFFFF  }
0x306: {  	s4 =	sadd.s32 $0x1, s4;
	s5 =	smov.u32 s6;
	s6 =	sadd.s32 $0x1, s6  }
0x307: {  	p2 =	sne.s32 s2, s6;
	v1 =	vld.msk @!p1 [tilespmem:s4+$0x0], $0x1;
	_ =	sdelay $0x4  }
0x308: {  	(v2sf) =	vpush @!p1 v1, $0x0;
	_ =	sdelay $0xe  }
.Ltmp42:
0x309: {  	s8 =	spop @!p1 (v2sf);
	(pc) =	sbr.rel @p2 .LBB2_50-.Ltmp42, $4  }
0x30a: {  	p3 =	seq.s32 @!p1 s0, s8  }
0x30b: {  	p3 =	por !p3, p1  }
0x30c: {  	s5 =	simm.s32 @p3 $0xFFFFFFFF  }
0x30d: {  	s5 =	smov.u32 @p1 s7  }
.LBB2_51:
0x30e: {  	p1 =	seq.s32 s5, $0xFFFFFFFF  }
.Ltmp43:
0x30f: {  	_ = 	snop;
	(pc) =	sbr.rel @p1 .LBB2_53-.Ltmp43, $1  }
0x310: {  	_ =	sdelay $0x3  }
0x311: {  	s0 =	sshll.u32 s3, $0x8  }
0x312: {  	s0 =	sand.u32 $0x3FFFFF00, s0  }
0x313: {  	v0 =	vld [tilespmem:s0+$0xE438];
	_ =	sdelay $0x2  }
0x314: {  	s4 =	sshll.u32 s5, $0xA  }
0x315: {  	s4 =	sshra.s32 s4, $0x2  }
0x316: {  	[tilespmem:s4+$0xE438] =	vst.add.f32.msk $0xffff, v0  }
0x317: {  	v0 =	vld [tilespmem:s0+$0xE448];
	_ =	sdelay $0x4  }
0x318: {  	[tilespmem:s4+$0xE448] =	vst.add.f32.msk $0xffff, v0  }
0x319: {  	v0 =	vld [tilespmem:s0+$0xE458];
	_ =	sdelay $0x4  }
0x31a: {  	[tilespmem:s4+$0xE458] =	vst.add.f32.msk $0xffff, v0  }
0x31b: {  	v0 =	vld [tilespmem:s0+$0xE468];
	_ =	sdelay $0x4  }
0x31c: {  	[tilespmem:s4+$0xE468] =	vst.add.f32.msk $0xffff, v0  }
0x31d: {  	v0 =	vld [tilespmem:s0+$0xE478];
	_ =	sdelay $0x4  }
0x31e: {  	[tilespmem:s4+$0xE478] =	vst.add.f32.msk $0xffff, v0  }
0x31f: {  	v0 =	vld [tilespmem:s0+$0xE488];
	_ =	sdelay $0x4  }
0x320: {  	[tilespmem:s4+$0xE488] =	vst.add.f32.msk $0xffff, v0  }
0x321: {  	v0 =	vld [tilespmem:s0+$0xE498];
	_ =	sdelay $0x4  }
0x322: {  	[tilespmem:s4+$0xE498] =	vst.add.f32.msk $0xffff, v0  }
0x323: {  	v0 =	vld [tilespmem:s0+$0xE4A8];
	_ =	sdelay $0x4  }
0x324: {  	[tilespmem:s4+$0xE4A8] =	vst.add.f32.msk $0xffff, v0  }
0x325: {  	v0 =	vld [tilespmem:s0+$0xE4B8];
	_ =	sdelay $0x4  }
0x326: {  	[tilespmem:s4+$0xE4B8] =	vst.add.f32.msk $0xffff, v0  }
0x327: {  	v0 =	vld [tilespmem:s0+$0xE4C8];
	_ =	sdelay $0x4  }
0x328: {  	[tilespmem:s4+$0xE4C8] =	vst.add.f32.msk $0xffff, v0  }
0x329: {  	v0 =	vld [tilespmem:s0+$0xE4D8];
	_ =	sdelay $0x4  }
0x32a: {  	[tilespmem:s4+$0xE4D8] =	vst.add.f32.msk $0xffff, v0  }
0x32b: {  	v0 =	vld [tilespmem:s0+$0xE4E8];
	_ =	sdelay $0x4  }
0x32c: {  	[tilespmem:s4+$0xE4E8] =	vst.add.f32.msk $0xffff, v0  }
0x32d: {  	v0 =	vld [tilespmem:s0+$0xE4F8];
	_ =	sdelay $0x4  }
0x32e: {  	[tilespmem:s4+$0xE4F8] =	vst.add.f32.msk $0xffff, v0  }
0x32f: {  	v0 =	vld [tilespmem:s0+$0xE508];
	_ =	sdelay $0x4  }
0x330: {  	[tilespmem:s4+$0xE508] =	vst.add.f32.msk $0xffff, v0  }
0x331: {  	v0 =	vld [tilespmem:s0+$0xE518];
	_ =	sdelay $0x4  }
0x332: {  	[tilespmem:s4+$0xE518] =	vst.add.f32.msk $0xffff, v0  }
0x333: {  	v0 =	vld [tilespmem:s0+$0xE528]  }
.Ltmp44:
0x334: {  	_ = 	snop;
	(pc) =	sbr.rel .LBB2_54-.Ltmp44, $2  }
0x335: {  	_ =	sdelay $0x2  }
0x336: {  	[tilespmem:s4+$0xE528] =	vst.add.f32.msk $0xffff, v0  }
.LBB2_55:
0x337: {  	p1 =	slt.s32 s2, $0x1  }
.Ltmp45:
0x338: {  	_ = 	snop;
	(pc) =	sbr.rel @p1 .LBB2_59-.Ltmp45, $3  }
0x339: {  	_ =	sdelay $0x1  }
0x33a: {  	s0 =	simm.s32 $0x8  }
0x33b: {  	s4 =	simm.s32 $0x0;
	[sflag:s0] =	ssyncpa.u1 $0x1  }
0x33c: {  	s0 =	simm.s32 $0xE418  }
0x33d: {  	v0 =	vld.msk [tilespmem:s0+$0x0], $0x1;
	_ =	sdelay $0x4  }
0x33e: {  	(v2sf) =	vpush v0, $0x0;
	_ =	sdelay $0xe  }
0x33f: {  	s0 =	sadd.s32 $0xFFFFFFFF, s2;
	s3 =	spop (v2sf)  }
0x340: {  	s6 =	simm.s32 $0xE438;
	p1 =	sne.s32 s0, $0x0;
	p2 =	sgt.u32 s3, $0x4E170  }
.Ltmp46:
0x341: {  	s2 =	simm.s32 $0xE538;
	s5 =	sand.u32 @!p2 $0x7FFF8, s3;
	(pc) =	sbr.rel @!p1 .LBB2_58-.Ltmp46, $4  }
0x342: {  	s7 =	sadd.s32 @!p2 $0x80, s3;
	s4 =	simm.s32 @!p2 $0x400;
	s8 =	sadd.s32 @!p2 s1, s5  }
0x343: {  	s5 =	sand.u32 @!p2 $0x7, s3;
	s3 =	simm.s32 $0xE419;
	s7 =	sand.u32 @!p2 $0xFFFF8, s7  }
0x344: {  	[hbm4b:s8+s5] =	stream.linear.scatter @!p2 [tilespmem:s6], [sflag:$0x7], $0x80, $0x38;
	[tilespmem:$0x1E678] =	vst v63  }
0x345: {  	s4 =	sadd.s32 $0x0, s4;
	s6 =	simm.s32 @!p2 $0xE4B8;
	s7 =	sadd.s32 @!p2 s1, s7  }
.LBB2_57:
0x346: {  	[hbm4b:s7+s5] =	stream.linear.scatter @!p2 [tilespmem:s6], [sflag:$0x7], $0x80, $0x38;
	[tilespmem:$0x1E678] =	vst v63  }
0x347: {  	s0 =	sadd.s32 $0xFFFFFFFF, s0;
	s6 =	smov.u32 s2;
	v0 =	vld.msk [tilespmem:s3+$0x0], $0x1  }
0x348: {  	p1 =	sne.s32 s0, $0x0;
	_ =	sdelay $0x3  }
0x349: {  	(v2sf) =	vpush v0, $0x0;
	_ =	sdelay $0xe  }
0x34a: {  	s2 =	sadd.s32 $0x100, s2;
	s8 =	simm.s32 $0x0;
	s5 =	spop (v2sf)  }
.Ltmp47:
0x34b: {  	s3 =	sadd.s32 $0x1, s3;
	p2 =	sgt.u32 s5, $0x4E170;
	(pc) =	sbr.rel @p1 .LBB2_57-.Ltmp47, $4  }
0x34c: {  	s8 =	simm.s32 @!p2 $0x400;
	s7 =	sand.u32 @!p2 $0x7FFF8, s5;
	s9 =	sadd.s32 @!p2 $0x80, s5  }
0x34d: {  	s5 =	sand.u32 @!p2 $0x7, s5;
	s7 =	sadd.s32 @!p2 s1, s7;
	s9 =	sand.u32 @!p2 $0xFFFF8, s9  }
0x34e: {  	[hbm4b:s7+s5] =	stream.linear.scatter @!p2 [tilespmem:s6], [sflag:$0x7], $0x80, $0x38;
	[tilespmem:$0x1E678] =	vst v63  }
0x34f: {  	s4 =	sadd.s32 s4, s8;
	s6 =	sadd.s32 @!p2 $0x80, s6;
	s7 =	sadd.s32 @!p2 s1, s9  }
.LBB2_58:
0x350: {  	[hbm4b:s7+s5] =	stream.linear.scatter @!p2 [tilespmem:s6], [sflag:$0x7], $0x80, $0x38;
	[tilespmem:$0x1E678] =	vst v63  }
0x351: {  	s4 =	sshrl.u32 s4, $0x2  }
.LBB2_59:
0x352: {  	s0 =	simm.s32 $0x7  }
0x353: {  	_ =	swait.ge [sflag:s0], s4  }
0x354: {  	s1 =	ssub.s32 $0x0, s4;
	[sflag:s0] =	ssyncset.done $0x0  }
0x355: {  	[sflag:s0] =	ssyncadd.s32 s1  }
0x356: {  	[sflag:s0] =	ssyncpa.u1 $0x1  }
.LBB2_60:
0x357: {  	_ =	sfence;
	s0 =	simm.s32 $0x1  }
0x358: {  	[sflag:s0] =	ssyncpa.u1 $0x1  }
0x359: {  	_ =	strace $0x90000050  }
0x35a: {  	[bflag:$0x2] =	sbarrier.arrive $0xFFFF  }
0x35b: {  	s0 =	rddreg [dreg:$0x3]  }
0x35c: {  	s0 =	sadd.s32 @!p0 $0x100000, s0  }
0x35d: {  	[sflag:s0] =	ssyncadd.tile.s32 @!p0 $0x1;
	_ =	shalt  }
.Lfunc_end2:
_tile_overlayer_lowered:
.L_overlay_start_2:
0x35e: {  	(tag) =	ssettag $0x2  }
0x35f: {  	s0 =	rddreg [dreg:$0x0];
	s2 =	stileid.u32  }
0x360: {  	s1 =	rddreg [dreg:$0x1];
	p0 =	sne.s32 s2, $0x0  }
0x361: {  	s3 =	rddreg [dreg:$0x2];
	[bflag:$0x3] =	sbarrier.arrive $0xFFFF;
	s2 =	simm.s32 @!p0 $0x1C01  }
0x362: {  	[timem:s3], [sflag:s2] =	dma.local @!p0 [hbm:s0], s1  }
0x363: {  	s0 =	simm.s32 @!p0 $0x1  }
0x364: {  	_ =	swait.ge @!p0 [sflag:s0], s1  }
0x365: {  	s1 =	ssub.s32 @!p0 $0x0, s1;
	[sflag:s0] =	ssyncset.done @!p0 $0x0  }
0x366: {  	[sflag:s0] =	ssyncadd.s32 @!p0 s1  }
0x367: {  	[bflag:$0x3] =	sbarrier.arrive $0xFFFF  }
0x368: {  	_ =	shalt  }

// kernel: scatter_offload_async_start.4
scs
__scs_entry_jumppad:
0x0: {  	(pc) =	sbr.rel $0x88, $3  }
0x1: {  	(tag) =	ssettag $0x0;
	lr =	simm.s32 $0x1  }
0x2: {  	[smem:$0x3F7A] =	sst lr;
	_ =	strace $0xD0000000  }
0x3: {  	_ = 	snop  }
0x4: {  	_ = 	snop  }
0x5: {  	_ = 	snop  }
0x6: {  	_ = 	snop  }
0x7: {  	_ = 	snop  }
__scs_overlays_trampoline_lowered:
0x8: {  	[smem:$0x3F89] =	sst s0  }
0x9: {  	[smem:$0x3F8A] =	sst s1  }
0xa: {  	[smem:$0x3F8B] =	sst s2  }
0xb: {  	[smem:$0x3F8C] =	sst s3  }
0xc: {  	[smem:$0x3F8D] =	sst s4  }
0xd: {  	[smem:$0x3F8E] =	sst s5  }
0xe: {  	[smem:$0x3F8F] =	sst s6  }
0xf: {  	[smem:$0x3F90] =	sst s7  }
0x10: {  	[smem:$0x3F91] =	sst s8  }
0x11: {  	[smem:$0x3F92] =	sst s9;
	s0 =	simm.s32 @!p0 $0x0  }
0x12: {  	s1 =	sld [smem:$0x3F78];
	s0 =	simm.s32 @p0 $0x1  }
0x13: {  	[smem:$0x3F93] =	sst s0;
	s0 =	simm.s32 @!p1 $0x0  }
0x14: {  	s2 =	sld [smem:$0x3F77];
	s0 =	simm.s32 @p1 $0x1  }
0x15: {  	[smem:$0x3F94] =	sst s0;
	s0 =	simm.s32 @!p2 $0x0  }
0x16: {  	s3 =	sld [smem:$0x3FDB];
	s0 =	simm.s32 @p2 $0x1  }
0x17: {  	s4 =	simm.s32 $0x1BF5;
	[smem:$0x3F96] =	sst s0  }
0x18: {  	s0 =	sld [smem:$0x3F79];
	_ =	swait.ge [sflag:s4], $0x0  }
0x19: {  	s7 =	sld [smem:$0x3F7A]  }
0x1a: {  	s8 =	sadd.s32 $0xFFFFE003, lr  }
0x1b: {  	s9 =	sadd.s32 $0xFFFFFEF7, lr;
	s5 =	simm.s32 $0xFFFFFFFF;
	p2 =	slt.u32 s8, $0xFFFFF086  }
0x1c: {  	p1 =	slt.u32 s9, $0xF7A;
	s5 =	simm.s32 @!p2 $0x0  }
0x1d: {  	s5 =	simm.s32 @p1 $0x1;
	p0 =	seq.s32 s7, s2  }
0x1e: {  	s7 =	smul.u32 @!p0 $0xF7A, s2;
	p2 =	seq.s32 @!p0 s5, $0x0  }
0x1f: {  	s9 =	smul.u32 $0xF7A, s1;
	s8 =	simm.s32 @!p0 $0x1BF5;
	p2 =	por !p2, p0  }
0x20: {  	[sflag:s8] =	ssyncset.s32 @!p0 $0xFFFFF086;
	s6 =	sadd.s32 @!p0 s3, s7;
	s7 =	simm.s32 @!p0 $0x108  }
0x21: {  	s3 =	sadd.s32 s3, s9;
	s6 =	sadd.s32 @!p0 $0x88, s6;
	s7 =	simm.s32 @p2 $0x1082  }
0x22: {  	[simem:s7], [sflag:s8] =	dma.local @!p0 [hbm:s6], $0xF7A  }
0x23: {  	s9 =	sor.u32 $0xD0000000, s2;
	s6 =	simm.s32 $0x108;
	_ =	swait.ge @!p0 [sflag:s8], $0x0  }
0x24: {  	s3 =	sadd.s32 $0x88, s3;
	s6 =	simm.s32 @!p1 $0x1082;
	[sflag:s4] =	ssyncset.s32 $0xFFFFF086  }
0x25: {  	[simem:s6], [sflag:s4] =	dma.local [hbm:s3], $0xF7A  }
0x26: {  	[smem:$0x3F7A] =	sst s1;
	(tag) =	ssettag s2;
	_ =	strace s9  }
0x27: {  	s1 =	sld [smem:$0x3F8A]  }
0x28: {  	s2 =	sld [smem:$0x3F8B]  }
0x29: {  	s4 =	sld [smem:$0x3F8D]  }
0x2a: {  	p0 =	seq.s32 s5, $0x0;
	s5 =	sld [smem:$0x3F8E]  }
0x2b: {  	s6 =	sld [smem:$0x3F8F]  }
0x2c: {  	s7 =	sld [smem:$0x3F90]  }
0x2d: {  	s3 =	simm.s32 $0x108;
	s8 =	sld [smem:$0x3F91]  }
0x2e: {  	s3 =	simm.s32 @!p0 $0x1082;
	s9 =	sld [smem:$0x3F92]  }
0x2f: {  	lr =	sadd.s32 s0, s3;
	s0 =	sld [smem:$0x3F89]  }
0x30: {  	s3 =	sld [smem:$0x3F8C]  }
0x31: {  	[smem:$0x3F95] =	sst s10  }
0x32: {  	s10 =	sld [smem:$0x3F93];
	_ =	sdelay $0x3  }
0x33: {  	p0 =	seq.s32 s10, $0x1;
	s10 =	sld [smem:$0x3F95];
	_ =	sdelay $0x3  }
0x34: {  	[smem:$0x3F95] =	sst s10  }
0x35: {  	s10 =	sld [smem:$0x3F94];
	_ =	sdelay $0x3  }
0x36: {  	p1 =	seq.s32 s10, $0x1;
	s10 =	sld [smem:$0x3F95];
	_ =	sdelay $0x3  }
0x37: {  	[smem:$0x3F95] =	sst s10  }
0x38: {  	s10 =	sld [smem:$0x3F96]  }
0x39: {  	_ = 	snop;
	(pc) =	sbr.ind lr, $3  }
0x3a: {  	_ = 	snop  }
0x3b: {  	_ = 	snop  }
0x3c: {  	p2 =	seq.s32 s10, $0x1;
	s10 =	sld [smem:$0x3F95]  }
0x3d: {  	_ =	shalt  }
0x3e: {  	_ =	shalt  }
0x3f: {  	_ =	shalt  }
0x40: {  	_ =	shalt  }
0x41: {  	_ =	shalt  }
0x42: {  	_ =	shalt  }
0x43: {  	_ =	shalt  }
0x44: {  	_ =	shalt  }
0x45: {  	_ =	shalt  }
0x46: {  	_ =	shalt  }
0x47: {  	_ =	shalt  }
0x48: {  	_ =	shalt  }
0x49: {  	_ =	shalt  }
0x4a: {  	_ =	shalt  }
0x4b: {  	_ =	shalt  }
0x4c: {  	_ =	shalt  }
0x4d: {  	_ =	shalt  }
0x4e: {  	_ =	shalt  }
0x4f: {  	_ =	shalt  }
0x50: {  	_ =	shalt  }
0x51: {  	_ =	shalt  }
0x52: {  	_ =	shalt  }
0x53: {  	_ =	shalt  }
0x54: {  	_ =	shalt  }
0x55: {  	_ =	shalt  }
0x56: {  	_ =	shalt  }
0x57: {  	_ =	shalt  }
0x58: {  	_ =	shalt  }
0x59: {  	_ =	shalt  }
0x5a: {  	_ =	shalt  }
0x5b: {  	_ =	shalt  }
0x5c: {  	_ =	shalt  }
0x5d: {  	_ =	shalt  }
0x5e: {  	_ =	shalt  }
0x5f: {  	_ =	shalt  }
0x60: {  	_ =	shalt  }
0x61: {  	_ =	shalt  }
0x62: {  	_ =	shalt  }
0x63: {  	_ =	shalt  }
0x64: {  	_ =	shalt  }
0x65: {  	_ =	shalt  }
0x66: {  	_ =	shalt  }
0x67: {  	_ =	shalt  }
0x68: {  	_ =	shalt  }
0x69: {  	_ =	shalt  }
0x6a: {  	_ =	shalt  }
0x6b: {  	_ =	shalt  }
0x6c: {  	_ =	shalt  }
0x6d: {  	_ =	shalt  }
0x6e: {  	_ =	shalt  }
0x6f: {  	_ =	shalt  }
0x70: {  	_ =	shalt  }
0x71: {  	_ =	shalt  }
0x72: {  	_ =	shalt  }
0x73: {  	_ =	shalt  }
0x74: {  	_ =	shalt  }
0x75: {  	_ =	shalt  }
0x76: {  	_ =	shalt  }
0x77: {  	_ =	shalt  }
0x78: {  	_ =	shalt  }
0x79: {  	_ =	shalt  }
0x7a: {  	_ =	shalt  }
0x7b: {  	_ =	shalt  }
0x7c: {  	_ =	shalt  }
0x7d: {  	_ =	shalt  }
0x7e: {  	_ =	shalt  }
0x7f: {  	_ =	shalt  }
0x80: {  	_ =	shalt  }
0x81: {  	_ =	shalt  }
0x82: {  	_ =	shalt  }
0x83: {  	_ =	shalt  }
0x84: {  	_ =	shalt  }
0x85: {  	_ =	shalt  }
0x86: {  	_ =	shalt  }
0x87: {  	_ =	shalt  }
.Lfunc_end0:
.L_simem_size_0:
called_computation.4_lowered:
.L_overlay_start_0:
0x88: {  	s0 =	sld [smem:$0x3FD9]  }
0x89: {  	s1 =	sld [smem:$0x3FFE];
	_ =	sdelay $0x3  }
0x8a: {  	s0 =	sadd.s32 s1, s0  }
0x8b: {  	[smem:$0x3FA1] =	sst s0  }
0x8c: {  	_ = 	snop  }
0x8d: {  	(tm) =	ssettm $0x1  }
0x8e: {  	s15 =	sld [smem:$0x3FFB];
	_ =	sdelay $0x3  }
0x8f: {  	_ =	strace s15  }
0x90: {  	s0 =	sld [smem:$0x3FFC];
	_ =	sdelay $0x3  }
0x91: {  	_ =	strace s0  }
0x92: {  	s0 =	sld [smem:$0x3FFD];
	_ =	sdelay $0x3  }
0x93: {  	_ =	strace s0  }
0x94: {  	_ =	strace $0x8FFFFFFF  }
0x95: {  	s16 =	sld [smem:$0x3FDB];
	_ =	sdelay $0x1  }
0x96: {  	s17 =	simm.s32 $_scs_section_size  }
0x97: {  	s2 =	simm.s32 $_size__tile_overlayer_lowered;
	s3 =	simm.s32 $_tile_overlayer_lowered  }
0x98: {  	s20 =	simm.s32 $0x1BFF;
	s19 =	sshll.u32 s3, $0x1;
	s0 =	sadd.s32 s17, s16  }
0x99: {  	s4 =	simm.s32 $0x0;
	s18 =	sshll.u32 s2, $0x1;
	s2 =	sadd.s32 s19, s0  }
0x9a: {  	[timem:s4], [sflag:s20] =	dma.local [hbm:s2], s18  }
0x9b: {  	_ =	swait.ge [sflag:s20], s18  }
0x9c: {  	s1 =	ssub.s32 $0x0, s18;
	[sflag:s20] =	ssyncset.done $0x0  }
0x9d: {  	[sflag:s20] =	ssyncadd.s32 s1;
	_ =	sdelay $0x1  }
0x9e: {  	s21 =	simm.s32 $0x1B8B  }
0x9f: {  	_ =	swait.ge [sflag:s21], $0x1  }
0xa0: {  	[sflag:s21] =	ssyncset.done $0x0  }
0xa1: {  	s23 =	simm.s32 $0x1B8E;
	s22 =	sld [smem:$0x3FFE];
	[sflag:s21] =	ssyncadd.s32 $0xFFFFFFFF  }
0xa2: {  	s24 =	simm.s32 $execute0_lowered;
	[smem:$0x3FD2] =	sst s23  }
0xa3: {  	s2 =	sshll.u32 s24, $0x1;
	_ =	strace $0x80000052;
	[dreg:$0x1] =	wrdreg $0xFFFFFFFF  }
0xa4: {  	s25 =	simm.s32 $_size_execute0_lowered;
	s0 =	sadd.s32 s0, s2;
	[dreg:$0x0] =	wrdreg $0x0  }
0xa5: {  	s2 =	sshll.u32 s25, $0x1;
	[dreg:$0x2] =	wrdreg s0  }
0xa6: {  	[dreg:$0x3] =	wrdreg s2  }
0xa7: {  	[dreg:$0x4] =	wrdreg $0xC0  }
0xa8: {  	_ =	task [dreg:s4], $0x5FFFF  }
0xa9: {  	[dreg:$0x1] =	wrdreg $0xFFFFFFFF  }
0xaa: {  	[dreg:$0x0] =	wrdreg $0x60  }
0xab: {  	[dreg:$0x2] =	wrdreg s22  }
0xac: {  	[dreg:$0x3] =	wrdreg $0x9  }
0xad: {  	_ =	task.clear_ibuf [dreg:s4], $0x4FFFF;
	_ =	strace $0x90000052  }
0xae: {  	s26 =	simm.s32 $0x9;
	_ =	strace $0x80000054  }
0xaf: {  	_ =	swait.ge [sflag:s26], $0x1  }
0xb0: {  	[sflag:s26] =	ssyncadd.s32 $0xFFFFFFFF  }
0xb1: {  	_ =	strace $0x90000054  }
0xb2: {  	_ =	sfence  }
0xb3: {  	s28 =	sld [smem:$0x0];
	_ =	sdelay $0x1  }
0xb4: {  	s29 =	srdreg.scid  }
0xb5: {  	s30 =	sshll.u32 s29, $0xD;
	s31 =	sshrl.u32 s29, $0x2  }
0xb6: {  	s1 =	sand.u32 $0x1, s29;
	s2 =	sand.u32 $0x4000, s30;
	s0 =	sadd.s32 s31, s28  }
0xb7: {  	s1 =	sor.u32 s2, s1;
	s0 =	sshll.u32 s0, $0x11  }
0xb8: {  	s0 =	sor.u32 s0, s1  }
0xb9: {  	s0 =	sadd.s32 $0x8F2B, s0  }
0xba: {  	[sflag:s0] =	ssyncadd.remote.s32 $0x1  }
0xbb: {  	_ =	sfence.sel $0xFFFF  }
0xbc: {  	[dreg:$0x0] =	wrdreg $0xFFFFFFFF;
	(pc) =	sbr.abs _section_cstart, $3  }
0xbd: {  	[dreg:$0x1] =	wrdreg $0xFFFFFFFF  }
0xbe: {  	_ =	task.clear_ibuf [dreg:s4], $0x2FFFF;
	_ =	strace $0x9FFFFFFF  }
0xbf: {  	(tm) =	ssettm $0x7FFFFFFF  }
tec
execute0_lowered:
.L_overlay_start_1:
0x0: {  	(tag) =	ssettag $0x1  }
0x1: {  	s0 =	rddreg [dreg:$0x0];
	_ =	strace $0x80000053;
	s1 =	simm.s32 $0x1  }
0x2: {  	s8 =	simm.s32 $0x208;
	v0 =	vimm.s32 $0x0;
	[sflag:s1] =	ssyncpa.u1 $0x0  }
0x3: {  	[tilespmem:s8+$0x70] =	vst v0  }
0x4: {  	[tilespmem:s8+$0x60] =	vst v0  }
0x5: {  	[tilespmem:s8+$0x50] =	vst v0  }
0x6: {  	[tilespmem:s8+$0x40] =	vst v0  }
0x7: {  	[tilespmem:s8+$0x30] =	vst v0  }
0x8: {  	s1 =	sadd.s32 $0x52C00, s0;
	s10 =	sadd.s32 $0x57C00, s0;
	[tilespmem:s8+$0x20] =	vst v0  }
0x9: {  	s4 =	sadd.s32 $0x4A00, s0;
	s5 =	sadd.s32 $0x58200, s0;
	s0 =	simm.s32 $0x40;
	[tilespmem:s8+$0x10] =	vst v0  }
.LBB2_1:
0xa: {  	s0 =	sadd.s32 $0x40, s0;
	[tilespmem:s8+$0x0] =	vst v0;
	s8 =	sadd.s32 $0x80, s8  }
0xb: {  	p0 =	slt.u32 s0, $0x3880;
	[tilespmem:s8+$0x70] =	vst v0  }
0xc: {  	[tilespmem:s8+$0x60] =	vst v0  }
.Ltmp0:
0xd: {  	[tilespmem:s8+$0x50] =	vst v0;
	(pc) =	sbr.rel @p0 .LBB2_1-.Ltmp0, $4  }
0xe: {  	[tilespmem:s8+$0x40] =	vst v0  }
0xf: {  	[tilespmem:s8+$0x30] =	vst v0  }
0x10: {  	[tilespmem:s8+$0x20] =	vst v0  }
0x11: {  	[tilespmem:s8+$0x10] =	vst v0  }
0x12: {  	s3 =	stileid.u32  }
0x13: {  	s0 =	smul.u32 $0x5, s3  }
0x14: {  	s2 =	smin.u32 s3, $0xA  }
0x15: {  	s0 =	sadd.s32 s2, s0  }
0x16: {  	p0 =	slt.u32 s3, $0xA;
	s6 =	smul.u32 $0x70, s0;
	s0 =	simm.s32 $0x2A0  }
0x17: {  	s0 =	simm.s32 @!p0 $0x230  }
0x18: {  	s0 =	sadd.s32 s0, s6  }
0x19: {  	s7 =	smin.u32 s0, $0x2710  }
0x1a: {  	s0 =	ssub.s32 s7, s6  }
0x1b: {  	p0 =	sgt.s32 s0, $0x0  }
0x1c: {  	s0 =	simm.s32 @!p0 $0x0  }
0x1d: {  	s26 =	sand.u32 $0xFFF0, s0  }
0x1e: {  	s28 =	simm.s32 $0x2;
	s2 =	sshrl.u32 s26, $0x4  }
0x1f: {  	s29 =	simm.s32 $0x7;
	s30 =	simm.s32 $0x8;
	s2 =	smul.u32 $0x2493, s2  }
0x20: {  	s31 =	simm.s32 $0x9;
	s11 =	simm.s32 $0x1;
	s21 =	simm.s32 $0x0  }
0x21: {  	p1 =	por $0x0, $0x0;
	s15 =	simm.s32 $0x80;
	s2 =	sshrl.u32 s2, $0x10  }
0x22: {  	s16 =	simm.s32 $0x400;
	s17 =	simm.s32 $0xA;
	s9 =	smul.u32 $0x70, s2  }
.Ltmp1:
0x23: {  	[tilespmem:s8+$0x0] =	vst v0;
	v0 =	vimm.s32 $0xFFFFFFFF;
	s18 =	simm.s32 $0x0;
	[sflag:s28] =	ssyncpa.u1 $0x0;
	(pc) =	sbr.rel .LBB2_3-.Ltmp1, $4  }
0x24: {  	[tilespmem:$0xE408] =	vst v0;
	[sflag:s29] =	ssyncpa.u1 $0x0;
	p0 =	sne.s32 s0, s9;
	s0 =	simm.s32 $0x1  }
0x25: {  	s20 =	simm.s32 $0x0;
	[sflag:s30] =	ssyncpa.u1 $0x0;
	s0 =	simm.s32 @!p0 $0x0  }
0x26: {  	s13 =	sshll.u32 s3, $0x9;
	[sflag:s31] =	ssyncpa.u1 $0x0;
	s12 =	sadd.s32 s2, s0  }
0x27: {  	v0 =	vlaneseq.u32;
	s19 =	smov.u32 s6;
	p0 =	por $0x1, $0x1;
	s14 =	sadd.s32 $0x1, s12  }
.LBB2_24:
0x28: {  	s0 =	sshrl.u32 s29, $0x2  }
.LBB2_26:
0x29: {  	_ =	swait.ge [sflag:s17], s0  }
0x2a: {  	s31 =	ssub.s32 $0x0, s0;
	v1 =	vmov s23;
	vm0 =	veq.s32 v0, $0x0;
	[sflag:s17] =	ssyncset.done $0x0  }
0x2b: {  	vm15 =	veq.s32 v0, $0x2;
	v1 =	vsel vm0, s28, v1;
	[sflag:s17] =	ssyncadd.s32 s31  }
0x2c: {  	v1 =	vsel vm15, s21, v1;
	[sflag:s17] =	ssyncpa.u1 $0x1  }
0x2d: {  	[tilespmem:$0xE408] =	vst v1  }
.LBB2_27:
0x2e: {  	s0 =	sadd.s32 $0x70, s19  }
0x2f: {  	s2 =	smov.u32 s6;
	p2 =	slt.s32 s0, s7  }
0x30: {  	s2 =	smov.u32 @p2 s0;
	p2 =	sne.s32 s20, s14  }
.Ltmp2:
0x31: {  	_ = 	snop;
	(pc) =	sbr.rel @!p2 .LBB2_28-.Ltmp2, $4  }
0x32: {  	_ = 	snop  }
0x33: {  	s21 =	smov.u32 s18  }
0x34: {  	s31 =	sadd.s32 $0x1, s20;
	s18 =	smov.u32 s19;
	p0 =	por !p0, !p0  }
0x35: {  	p1 =	por !p1, !p1;
	s20 =	smov.u32 s31;
	s19 =	smov.u32 s2  }
.LBB2_3:
0x36: {  	p2 =	sge.u32 s20, s12  }
0x37: {  	s0 =	smulhi.u32 @!p2 $0xAAAAAAAB, s20  }
0x38: {  	s2 =	smov.u32 s19;
	p3 =	sgt.s32 @!p2 s19, $0x26A0  }
0x39: {  	s8 =	sshra.s32 @!p2 s19, $0x1F;
	p3 =	por !p3, p2;
	s0 =	sshrl.u32 @!p2 s0, $0x1  }
0x3a: {  	s8 =	sand.u32 @!p2 s8, s19;
	s2 =	simm.s32 @p3 $0x26A0;
	s0 =	smul.u32 @!p2 $0x3, s0  }
0x3b: {  	s2 =	ssub.s32 @!p2 s2, s8  }
0x3c: {  	s2 =	sadd.s32 @!p2 $0xFFFFD960, s2;
	s0 =	ssub.s32 @!p2 s20, s0  }
0x3d: {  	s8 =	sshll.u32 @!p2 s2, $0x2;
	p3 =	sgt.s32 @!p2 s2, $0x6F;
	s0 =	smul.u32 @!p2 $0x1C0, s0  }
0x3e: {  	s9 =	sand.u32 @!p2 $0x7, s19;
	s2 =	ssub.s32 @!p2 $0x1C0, s8;
	p3 =	por !p3, p2  }
0x3f: {  	s8 =	sshrl.u32 @!p2 s19, $0x3;
	s2 =	sshrl.u32 @!p2 s2, $0x2;
	s0 =	sshrl.u32 @!p2 s0, $0x2  }
0x40: {  	s8 =	sadd.s32 @!p2 s5, s8;
	s2 =	simm.s32 @!p3 $0x0;
	s0 =	sadd.s32 @!p2 $0x10438, s0  }
0x41: {  	[tilespmem:s0], [sflag:$0x8] =	stream.linear.gather @!p2 [hbm4b:s8+s9], s2, $0x38;
	[tilespmem:$0x1E668] =	vst v63  }
0x42: {  	s0 =	sadd.s32 $0xFFFFFFFF, s20  }
0x43: {  	p2 =	sge.u32 s0, s12  }
0x44: {  	p3 =	sgt.s32 @!p2 s18, $0x26A0  }
0x45: {  	s2 =	smov.u32 s18;
	s8 =	sshra.s32 @!p2 s18, $0x1F;
	p3 =	por !p3, p2  }
0x46: {  	s8 =	sand.u32 @!p2 s8, s18;
	s2 =	simm.s32 @p3 $0x26A0  }
0x47: {  	s2 =	ssub.s32 @!p2 s2, s8  }
0x48: {  	s2 =	sadd.s32 @!p2 $0xFFFFD960, s2  }
0x49: {  	s8 =	sshll.u32 @!p2 s2, $0x2  }
0x4a: {  	p3 =	sgt.s32 @!p2 s2, $0x6F;
	s2 =	ssub.s32 @!p2 $0x1C0, s8  }
0x4b: {  	p3 =	por !p3, p2;
	s2 =	sshrl.u32 @!p2 s2, $0x2  }
0x4c: {  	s9 =	simm.s32 @!p2 $0x8;
	s8 =	sand.u32 @!p2 $0x1, s0;
	s2 =	simm.s32 @!p3 $0x0  }
0x4d: {  	s8 =	smul.u32 @!p2 $0x1C0, s8;
	_ =	swait.ge @!p2 [sflag:s9], s2  }
0x4e: {  	s22 =	ssub.s32 @!p2 $0x0, s2;
	[sflag:s9] =	ssyncset.done @!p2 $0x0  }
0x4f: {  	s8 =	sshrl.u32 @!p2 s8, $0x2;
	[sflag:s9] =	ssyncadd.s32 @!p2 s22;
	s9 =	sshrl.u32 @!p2 s18, $0x3  }
0x50: {  	s8 =	sor.u32 @!p2 $0x10588, s8;
	s22 =	sand.u32 @!p2 $0x7, s18;
	s9 =	sadd.s32 @!p2 s10, s9  }
0x51: {  	[tilespmem:s8], [sflag:$0x9] =	stream.linear.gather @!p2 [hbm4b:s9+s22], s2, $0x38;
	[tilespmem:$0x1E668] =	vst v63  }
0x52: {  	s22 =	ssub.s32 @!p2 $0x2710, s18  }
0x53: {  	p3 =	slt.s32 @!p2 s22, $0x1  }
0x54: {  	p3 =	por p2, p3  }
.Ltmp3:
0x55: {  	_ = 	snop;
	(pc) =	sbr.rel @p3 .LBB2_9-.Ltmp3, $1  }
0x56: {  	_ =	sdelay $0x3  }
0x57: {  	s2 =	smulhi.u32 $0xAAAAAAAB, s0;
	_ =	sdelay $0x1  }
0x58: {  	s2 =	sshrl.u32 s2, $0x1  }
0x59: {  	s2 =	smul.u32 $0x3, s2;
	_ =	sdelay $0x1  }
0x5a: {  	s29 =	ssub.s32 s0, s2  }
0x5b: {  	s8 =	simm.s32 $0x1;
	s0 =	smul.u32 $0x1C0, s29  }
.Ltmp4:
0x5c: {  	s8 =	simm.s32 @!p0 $0x0;
	(pc) =	sbr.rel .LBB2_6-.Ltmp4, $4  }
0x5d: {  	s30 =	smul.u32 $0x1C000, s8  }
0x5e: {  	p3 =	slt.s32 @!p2 s22, $0x70;
	s0 =	sshrl.u32 s0, $0x2  }
0x5f: {  	p2 =	por !p3, p2;
	s2 =	sshrl.u32 s30, $0x2;
	s31 =	sadd.s32 $0x10438, s0  }
0x60: {  	s22 =	simm.s32 @p2 $0x70;
	s23 =	sor.u32 $0x10668, s2;
	s0 =	simm.s32 $0x0;
	v1 =	vmov s31  }
.LBB2_5:
0x61: {  	p2 =	sge.s32 s0, s22  }
.Ltmp5:
0x62: {  	_ = 	snop;
	(pc) =	sbr.rel @p2 .LBB2_9-.Ltmp5, $2  }
0x63: {  	_ =	sdelay $0x2  }
0x64: {  	s23 =	sadd.s32 $0x1000, s23  }
.LBB2_6:
0x65: {  	p2 =	sle.s32 s22, s0  }
.Ltmp6:
0x66: {  	_ = 	snop;
	(pc) =	sbr.rel @p2 .LBB2_5-.Ltmp6, $2  }
0x67: {  	_ =	sdelay $0x2  }
0x68: {  	s24 =	smov.u32 s0;
	s0 =	sadd.s32 $0x10, s0  }
0x69: {  	s2 =	ssub.s32 s22, s24  }
0x6a: {  	p2 =	slt.s32 s2, $0x10  }
0x6b: {  	s2 =	simm.s32 @!p2 $0x10  }
0x6c: {  	v2 =	vmov s2  }
0x6d: {  	vm0 =	vgt.s32 v2, v0;
	_ =	sdelay $0x5  }
0x6e: {  	v2 =	vld.idx.msk [tilespmem:v1+s24+$0x0 ss:$0x1], vm0;
	_ =	sdelay $0x2  }
0x6f: {  	p2 =	slt.s32 s0, s22;
	s2 =	smov.u32 s22  }
0x70: {  	s8 =	smov.u32 s23;
	s25 =	simm.s32 $0x0;
	s2 =	smov.u32 @p2 s0  }
.LBB2_8:
0x71: {  	(v2sf) =	vpush v2, s25;
	_ =	sdelay $0xe  }
0x72: {  	s25 =	sadd.s32 $0x1, s25;
	s9 =	spop (v2sf)  }
0x73: {  	s31 =	sadd.s32 s25, s24;
	s26 =	sshll.u32 s9, $0x8;
	s9 =	sshll.u32 s9, $0x7  }
0x74: {  	p2 =	slt.s32 s31, s2;
	s26 =	sand.u32 $0xFFFFF800, s26;
	s9 =	sand.u32 $0x380, s9  }
.Ltmp7:
0x75: {  	s9 =	sor.u32 s9, s26;
	(pc) =	sbr.rel @p2 .LBB2_8-.Ltmp7, $4  }
0x76: {  	s9 =	sshrl.u32 s9, $0x3  }
0x77: {  	s9 =	sadd.s32 s4, s9  }
0x78: {  	[tilespmem:s8], [sflag:$0x7] =	stream.strided.gather [hbm4b:s9+s15], $0x100, s16, s15, $0x38;
	[tilespmem:$0x1E668] =	vst v63  }
0x79: {  	s8 =	sadd.s32 $0x100, s8  }
.Ltmp8:
0x7a: {  	_ = 	snop;
	(pc) =	sbr.rel .LBB2_5-.Ltmp8, $1  }
0x7b: {  	_ =	sdelay $0x3  }
.LBB2_9:
0x7c: {  	p2 =	slt.u32 s20, $0x2  }
.Ltmp9:
0x7d: {  	_ = 	snop;
	(pc) =	sbr.rel @p2 .LBB2_27-.Ltmp9, $1  }
0x7e: {  	_ =	sdelay $0x3  }
0x7f: {  	p2 =	sgt.s32 s21, $0x26A0;
	s0 =	smov.u32 s21  }
0x80: {  	s2 =	sshra.s32 s21, $0x1F;
	s8 =	ssub.s32 $0x2710, s21;
	s0 =	simm.s32 @!p2 $0x26A0  }
0x81: {  	s2 =	sand.u32 s2, s21;
	p2 =	slt.s32 s8, $0x70;
	s9 =	smov.u32 s8  }
0x82: {  	s0 =	ssub.s32 s0, s2;
	s9 =	simm.s32 @!p2 $0x70  }
0x83: {  	s0 =	sadd.s32 $0xFFFFD960, s0;
	s25 =	sshll.u32 s9, $0x8  }
0x84: {  	s3 =	simm.s32 $0x7;
	s26 =	sshll.u32 s0, $0x2;
	s2 =	sand.u32 $0x3FFFFF00, s25  }
0x85: {  	p2 =	sgt.s32 s0, $0x6F;
	s29 =	ssub.s32 $0x1C0, s26;
	_ =	swait.ge [sflag:s3], s2  }
0x86: {  	s2 =	ssub.s32 $0x0, s2;
	[sflag:s3] =	ssyncset.done $0x0;
	s0 =	sshrl.u32 s29, $0x2  }
0x87: {  	s30 =	simm.s32 $0x9;
	[sflag:s3] =	ssyncadd.s32 s2;
	s0 =	simm.s32 @p2 $0x0  }
0x88: {  	_ =	swait.ge [sflag:s30], s0  }
0x89: {  	s0 =	ssub.s32 $0x0, s0;
	[sflag:s30] =	ssyncset.done $0x0  }
0x8a: {  	[sflag:s30] =	ssyncadd.s32 s0  }
0x8b: {  	v1 =	vld [tilespmem:$0xE408];
	_ =	sdelay $0x4  }
0x8c: {  	(v2sf) =	vpush v1, $0x0  }
0x8d: {  	(v2sf) =	vpush v1, $0x1  }
0x8e: {  	(v2sf) =	vpush v1, $0x2;
	_ =	sdelay $0x3  }
0x8f: {  	s0 =	sadd.s32 $0x70, s21  }
0x90: {  	p2 =	slt.s32 s7, s0  }
0x91: {  	s0 =	smov.u32 @p2 s7;
	p2 =	sgt.s32 s8, $0x0  }
0x92: {  	s25 =	ssub.s32 s0, s21;
	s8 =	simm.s32 @!p2 $0x0  }
0x93: {  	p2 =	slt.s32 s8, s25  }
0x94: {  	s25 =	smov.u32 @p2 s8  }
0x95: {  	s24 =	simm.s32 $0x1;
	p2 =	slt.s32 s25, $0x1  }
.Ltmp10:
0x96: {  	s24 =	simm.s32 @!p1 $0x0;
	(pc) =	sbr.rel @p2 .LBB2_14-.Ltmp10, $4  }
0x97: {  	s31 =	smul.u32 $0x1C0, s24  }
0x98: {  	s26 =	spop (v2sf)  }
0x99: {  	s0 =	sshrl.u32 s31, $0x2;
	s28 =	spop (v2sf)  }
0x9a: {  	s22 =	sor.u32 $0x10588, s0;
	s21 =	spop (v2sf)  }
0x9b: {  	s0 =	smin.u32 s25, $0x10  }
0x9c: {  	v1 =	vmov s0  }
0x9d: {  	vm1 =	vgt.u32 v1, v0  }
0x9e: {  	p3 =	sgt.s32 s25, $0x10  }
.Ltmp11:
0x9f: {  	_ = 	snop;
	(pc) =	sbr.rel @!p3 .LBB2_13-.Ltmp11, $2  }
0xa0: {  	_ =	sdelay $0x2  }
0xa1: {  	s23 =	simm.s32 $0x10;
	s29 =	sadd.s32 $0xFFFFFFF0, s25;
	s0 =	smov.u32 s22;
	vm0 =	vmmov vm1;
	v1 =	vld.msk [tilespmem:s22+$0x0 ss:$0x1], vm1  }
.LBB2_12:
0xa2: {  	s2 =	smin.u32 s29, $0x10;
	s23 =	sadd.s32 $0x10, s23  }
0xa3: {  	v2 =	vmov s2;
	p3 =	slt.s32 s23, s25  }
0xa4: {  	vm1 =	vgt.u32 v2, v0;
	_ =	sdelay $0x1  }
0xa5: {  	v2 =	vshll.u32 v1, $0x5;
	v1 =	vshll.u32 v1, $0x4  }
.Ltmp12:
0xa6: {  	v2 =	vand.u32 $0xFFFFFF00, v2;
	v1 =	vand.u32 $0x70, v1;
	(pc) =	sbr.rel @p3 .LBB2_12-.Ltmp12, $4  }
0xa7: {  	v1 =	vor.u32 v1, v2  }
0xa8: {  	[tilespmem:s0+$0x0] =	vst.msk vm0, v1;
	s0 =	sadd.s32 $0x10, s0;
	vm0 =	vmmov vm1  }
0xa9: {  	v1 =	vld.msk [tilespmem:s0+$0x0 ss:$0x1], vm1  }
0xaa: {  	s29 =	sadd.s32 $0xFFFFFFF0, s29  }
.LBB2_13:
0xab: {  	_ =	sdelay $0x3  }
0xac: {  	v2 =	vshll.u32 v1, $0x5;
	v1 =	vshll.u32 v1, $0x4  }
0xad: {  	v2 =	vand.u32 $0xFFFFFF00, v2;
	v1 =	vand.u32 $0x70, v1  }
0xae: {  	v1 =	vor.u32 v1, v2  }
0xaf: {  	[tilespmem:s0+$0x0] =	vst.msk vm0, v1  }
.LBB2_14:
0xb0: {  	s0 =	sand.u32 $0x1, s20  }
0xb1: {  	s2 =	smul.u32 $0x7000, s0  }
0xb2: {  	p3 =	sne.s32 s28, $0xFFFFFFFF  }
0xb3: {  	v1 =	vld @!p3 [tilespmem:s2+$0x10668];
	_ =	sdelay $0x2  }
0xb4: {  	s0 =	smul.u32 $0x70, s0;
	_ =	sdelay $0x1  }
0xb5: {  	v2 =	vld.msk @!p3 [tilespmem:s0+$0x10588], $0x1;
	[tilespmem:$0x208] =	vst @!p3 v1  }
0xb6: {  	v1 =	vld @!p3 [tilespmem:s2+$0x10678];
	_ =	sdelay $0x4  }
0xb7: {  	[tilespmem:$0x218] =	vst @!p3 v1  }
0xb8: {  	v1 =	vld @!p3 [tilespmem:s2+$0x10688];
	_ =	sdelay $0x4  }
0xb9: {  	[tilespmem:$0x228] =	vst @!p3 v1  }
0xba: {  	v1 =	vld @!p3 [tilespmem:s2+$0x10698];
	_ =	sdelay $0x4  }
0xbb: {  	[tilespmem:$0x238] =	vst @!p3 v1  }
0xbc: {  	v1 =	vld @!p3 [tilespmem:s2+$0x106A8];
	_ =	sdelay $0x4  }
0xbd: {  	[tilespmem:$0x248] =	vst @!p3 v1  }
0xbe: {  	v1 =	vld @!p3 [tilespmem:s2+$0x106B8];
	_ =	sdelay $0x4  }
0xbf: {  	[tilespmem:$0x258] =	vst @!p3 v1  }
0xc0: {  	v1 =	vld @!p3 [tilespmem:s2+$0x106C8];
	_ =	sdelay $0x4  }
0xc1: {  	[tilespmem:$0x268] =	vst @!p3 v1  }
0xc2: {  	v1 =	vld @!p3 [tilespmem:s2+$0x106D8];
	_ =	sdelay $0x4  }
0xc3: {  	[tilespmem:$0x278] =	vst @!p3 v1  }
0xc4: {  	v1 =	vld @!p3 [tilespmem:s2+$0x106E8];
	_ =	sdelay $0x4  }
0xc5: {  	[tilespmem:$0x288] =	vst @!p3 v1  }
0xc6: {  	v1 =	vld @!p3 [tilespmem:s2+$0x106F8];
	_ =	sdelay $0x4  }
0xc7: {  	[tilespmem:$0x298] =	vst @!p3 v1  }
0xc8: {  	v1 =	vld @!p3 [tilespmem:s2+$0x10708];
	_ =	sdelay $0x4  }
0xc9: {  	[tilespmem:$0x2A8] =	vst @!p3 v1  }
0xca: {  	v1 =	vld @!p3 [tilespmem:s2+$0x10718];
	_ =	sdelay $0x4  }
0xcb: {  	[tilespmem:$0x2B8] =	vst @!p3 v1  }
0xcc: {  	v1 =	vld @!p3 [tilespmem:s2+$0x10728];
	_ =	sdelay $0x4  }
0xcd: {  	[tilespmem:$0x2C8] =	vst @!p3 v1  }
0xce: {  	(v2sf) =	vpush @!p3 v2, $0x0;
	v1 =	vld @!p3 [tilespmem:s2+$0x10738];
	_ =	sdelay $0x4  }
0xcf: {  	[tilespmem:$0x2D8] =	vst @!p3 v1  }
0xd0: {  	v1 =	vld @!p3 [tilespmem:s2+$0x10748];
	_ =	sdelay $0x4  }
0xd1: {  	[tilespmem:$0x2E8] =	vst @!p3 v1  }
0xd2: {  	v1 =	vld @!p3 [tilespmem:s2+$0x10758]  }
.Ltmp13:
0xd3: {  	_ = 	snop;
	(pc) =	sbr.rel @p2 .LBB2_25-.Ltmp13, $4  }
0xd4: {  	_ = 	snop  }
0xd5: {  	s30 =	spop @!p3 (v2sf)  }
0xd6: {  	s21 =	simm.s32 @!p3 $0x0;
	s23 =	smov.u32 s30  }
0xd7: {  	s30 =	smov.u32 @p3 s26;
	s23 =	smov.u32 @p3 s28;
	[tilespmem:$0x2F8] =	vst @!p3 v1;
	[sflag:s17] =	ssyncpa.u1 $0x0  }
0xd8: {  	v1 =	vld.msk [tilespmem:s22+$0x0], $0x1;
	_ =	sdelay $0x4  }
0xd9: {  	(v2sf) =	vpush v1, $0x0;
	_ =	sdelay $0xd  }
0xda: {  	s17 =	smov.u32 s6  }
0xdb: {  	s6 =	smov.u32 s14;
	s14 =	smov.u32 s5;
	s29 =	spop (v2sf)  }
0xdc: {  	s5 =	smov.u32 s10;
	s0 =	smul.u32 $0x1C000, s24;
	p2 =	seq.s32 s30, s29  }
0xdd: {  	s2 =	smov.u32 s30;
	s25 =	ssub.s32 $0x0, s25;
	p3 =	sgt.s32 @!p2 s30, $0x0  }
0xde: {  	s26 =	simm.s32 $0x0;
	s0 =	sshrl.u32 s0, $0x2;
	p3 =	por !p3, p2  }
0xdf: {  	s28 =	sadd.s32 $0x1, s25;
	s24 =	sor.u32 $0x106E8, s0;
	s2 =	simm.s32 @p3 $0x0  }
0xe0: {  	s0 =	simm.s32 @!p2 $0x1;
	p3 =	seq.s32 s28, $0x0;
	s2 =	smin.u32 @!p2 s2, $0x770  }
.Ltmp14:
0xe1: {  	s9 =	simm.s32 @!p2 $0x7308;
	s8 =	sand.u32 @!p2 $0x7F8, s2;
	(pc) =	sbr.rel @p3 .LBB2_17-.Ltmp14, $4  }
0xe2: {  	s31 =	sadd.s32 @!p2 $0x80, s2;
	s10 =	sadd.s32 @!p2 s1, s8;
	s8 =	sand.u32 @!p2 $0x7, s2  }
0xe3: {  	[tilespmem:s9], [sflag:$0x2] =	stream.linear.gather @!p2 [hbm4b:s10+s8], $0x80, $0x38;
	[tilespmem:$0x1E668] =	vst v63  }
0xe4: {  	s0 =	smov.u32 @p2 s26;
	s9 =	sand.u32 @!p2 $0xFF8, s31  }
0xe5: {  	s2 =	simm.s32 @!p2 $0x7388;
	s31 =	sadd.s32 $0x1, s22;
	s9 =	sadd.s32 @!p2 s1, s9  }
.LBB2_16:
0xe6: {  	s10 =	smov.u32 s0  }
0xe7: {  	[tilespmem:s2], [sflag:$0x2] =	stream.linear.gather @!p2 [hbm4b:s9+s8], $0x80, $0x38;
	[tilespmem:$0x1E668] =	vst v63  }
0xe8: {  	s28 =	sadd.s32 $0x1, s28;
	s8 =	smov.u32 s29;
	v1 =	vld.msk [tilespmem:s31+$0x0], $0x1  }
0xe9: {  	p3 =	seq.s32 s28, $0x0;
	_ =	sdelay $0x3  }
0xea: {  	(v2sf) =	vpush v1, $0x0;
	_ =	sdelay $0xe  }
0xeb: {  	s29 =	spop (v2sf)  }
0xec: {  	p2 =	seq.s32 s8, s29  }
0xed: {  	p4 =	sgt.s32 @!p2 s8, $0x0;
	s2 =	sshll.u32 @!p2 s0, $0xA;
	s0 =	sadd.s32 @!p2 $0x1, s0  }
0xee: {  	p4 =	por !p4, p2;
	s2 =	sshra.s32 @!p2 s2, $0x2;
	s0 =	smov.u32 @p2 s10  }
0xef: {  	s8 =	simm.s32 @p4 $0x0;
	s9 =	sadd.s32 @!p2 $0x7308, s2;
	s2 =	sadd.s32 @!p2 $0x7388, s2  }
.Ltmp15:
0xf0: {  	s8 =	smin.u32 @!p2 s8, $0x770;
	(pc) =	sbr.rel @!p3 .LBB2_16-.Ltmp15, $4  }
0xf1: {  	s10 =	sand.u32 @!p2 $0x7F8, s8;
	s3 =	sadd.s32 @!p2 $0x80, s8  }
0xf2: {  	s8 =	sand.u32 @!p2 $0x7, s8;
	s10 =	sadd.s32 @!p2 s1, s10;
	s3 =	sand.u32 @!p2 $0xFF8, s3  }
0xf3: {  	[tilespmem:s9], [sflag:$0x2] =	stream.linear.gather @!p2 [hbm4b:s10+s8], $0x80, $0x38;
	[tilespmem:$0x1E668] =	vst v63  }
0xf4: {  	s31 =	sadd.s32 $0x1, s31;
	s9 =	sadd.s32 @!p2 s1, s3  }
.LBB2_17:
0xf5: {  	[tilespmem:s2], [sflag:$0x2] =	stream.linear.gather @!p2 [hbm4b:s9+s8], $0x80, $0x38;
	[tilespmem:$0x1E668] =	vst v63  }
.Ltmp16:
0xf6: {  	s0 =	sshll.u32 s0, $0x8;
	(pc) =	sbr.rel .LBB2_18-.Ltmp16, $4  }
0xf7: {  	s31 =	simm.s32 $0x2;
	s29 =	simm.s32 $0x0;
	s0 =	sand.u32 $0x3FFFFF00, s0  }
0xf8: {  	s10 =	smov.u32 s5;
	s5 =	smov.u32 s14;
	_ =	swait.ge [sflag:s31], s0  }
0xf9: {  	s14 =	smov.u32 s6;
	s0 =	ssub.s32 $0x0, s0;
	[sflag:s31] =	ssyncset.done $0x0  }
0xfa: {  	s6 =	smov.u32 s17;
	s17 =	simm.s32 $0xA;
	[sflag:s31] =	ssyncadd.s32 s0  }
.LBB2_19:
0xfb: {  	v1 =	vld [tilespmem:s24+$0xFFFFFF80]  }
0xfc: {  	v2 =	vld [tilespmem:s31+$0x208];
	_ =	sdelay $0x4  }
0xfd: {  	v1 =	vmax.f32 v1, v2  }
0xfe: {  	v2 =	vld [tilespmem:s31+$0x218];
	[tilespmem:s31+$0x208] =	vst v1  }
0xff: {  	v1 =	vld [tilespmem:s24+$0xFFFFFF90];
	_ =	sdelay $0x4  }
0x100: {  	v1 =	vmax.f32 v1, v2  }
0x101: {  	v2 =	vld [tilespmem:s31+$0x228];
	[tilespmem:s31+$0x218] =	vst v1  }
0x102: {  	v1 =	vld [tilespmem:s24+$0xFFFFFFA0];
	_ =	sdelay $0x4  }
0x103: {  	v1 =	vmax.f32 v1, v2  }
0x104: {  	v2 =	vld [tilespmem:s31+$0x238];
	[tilespmem:s31+$0x228] =	vst v1  }
0x105: {  	v1 =	vld [tilespmem:s24+$0xFFFFFFB0];
	_ =	sdelay $0x4  }
0x106: {  	v1 =	vmax.f32 v1, v2  }
0x107: {  	v2 =	vld [tilespmem:s31+$0x248];
	[tilespmem:s31+$0x238] =	vst v1  }
0x108: {  	v1 =	vld [tilespmem:s24+$0xFFFFFFC0];
	_ =	sdelay $0x4  }
0x109: {  	v1 =	vmax.f32 v1, v2  }
0x10a: {  	v2 =	vld [tilespmem:s31+$0x258];
	[tilespmem:s31+$0x248] =	vst v1  }
0x10b: {  	v1 =	vld [tilespmem:s24+$0xFFFFFFD0];
	_ =	sdelay $0x4  }
0x10c: {  	v1 =	vmax.f32 v1, v2  }
0x10d: {  	v2 =	vld [tilespmem:s31+$0x268];
	[tilespmem:s31+$0x258] =	vst v1  }
0x10e: {  	v1 =	vld [tilespmem:s24+$0xFFFFFFE0];
	_ =	sdelay $0x4  }
0x10f: {  	v1 =	vmax.f32 v1, v2  }
0x110: {  	v2 =	vld [tilespmem:s31+$0x278];
	[tilespmem:s31+$0x268] =	vst v1  }
0x111: {  	v1 =	vld [tilespmem:s24+$0xFFFFFFF0];
	_ =	sdelay $0x4  }
0x112: {  	v1 =	vmax.f32 v1, v2  }
0x113: {  	v2 =	vld [tilespmem:s31+$0x288];
	[tilespmem:s31+$0x278] =	vst v1  }
0x114: {  	v1 =	vld [tilespmem:s24+$0x0];
	_ =	sdelay $0x4  }
0x115: {  	v1 =	vmax.f32 v1, v2  }
0x116: {  	v2 =	vld [tilespmem:s31+$0x298];
	[tilespmem:s31+$0x288] =	vst v1  }
0x117: {  	v1 =	vld [tilespmem:s24+$0x10];
	_ =	sdelay $0x4  }
0x118: {  	v1 =	vmax.f32 v1, v2  }
0x119: {  	v2 =	vld [tilespmem:s31+$0x2A8];
	[tilespmem:s31+$0x298] =	vst v1  }
0x11a: {  	v1 =	vld [tilespmem:s24+$0x20];
	_ =	sdelay $0x4  }
0x11b: {  	v1 =	vmax.f32 v1, v2  }
0x11c: {  	v2 =	vld [tilespmem:s31+$0x2B8];
	[tilespmem:s31+$0x2A8] =	vst v1  }
0x11d: {  	v1 =	vld [tilespmem:s24+$0x30];
	_ =	sdelay $0x4  }
0x11e: {  	v1 =	vmax.f32 v1, v2  }
0x11f: {  	v2 =	vld [tilespmem:s31+$0x2C8];
	[tilespmem:s31+$0x2B8] =	vst v1  }
0x120: {  	v1 =	vld [tilespmem:s24+$0x40];
	_ =	sdelay $0x4  }
0x121: {  	v1 =	vmax.f32 v1, v2  }
0x122: {  	v2 =	vld [tilespmem:s31+$0x2D8];
	[tilespmem:s31+$0x2C8] =	vst v1  }
0x123: {  	v1 =	vld [tilespmem:s24+$0x50];
	_ =	sdelay $0x4  }
0x124: {  	v1 =	vmax.f32 v1, v2  }
0x125: {  	v2 =	vld [tilespmem:s31+$0x2E8];
	[tilespmem:s31+$0x2D8] =	vst v1  }
0x126: {  	v1 =	vld [tilespmem:s24+$0x60];
	_ =	sdelay $0x4  }
0x127: {  	v1 =	vmax.f32 v1, v2  }
0x128: {  	v2 =	vld [tilespmem:s31+$0x2F8];
	[tilespmem:s31+$0x2E8] =	vst v1  }
0x129: {  	v1 =	vld [tilespmem:s24+$0x70];
	_ =	sdelay $0x4  }
0x12a: {  	v1 =	vmax.f32 v1, v2  }
0x12b: {  	[tilespmem:s31+$0x2F8] =	vst v1  }
.LBB2_23:
0x12c: {  	s25 =	sadd.s32 $0x1, s25  }
0x12d: {  	p2 =	seq.s32 s25, $0x0  }
.Ltmp17:
0x12e: {  	_ = 	snop;
	(pc) =	sbr.rel @p2 .LBB2_24-.Ltmp17, $2  }
0x12f: {  	_ =	sdelay $0x2  }
0x130: {  	s22 =	sadd.s32 $0x1, s22;
	s24 =	sadd.s32 $0x100, s24;
	s30 =	smov.u32 s28  }
.LBB2_18:
0x131: {  	v1 =	vld.msk [tilespmem:s22+$0x0], $0x1;
	_ =	sdelay $0x4  }
0x132: {  	(v2sf) =	vpush v1, $0x0;
	_ =	sdelay $0xe  }
0x133: {  	s28 =	spop (v2sf)  }
0x134: {  	p2 =	sne.s32 s30, s28  }
.Ltmp18:
0x135: {  	_ = 	snop;
	(pc) =	sbr.rel @!p2 .LBB2_19-.Ltmp18, $3  }
0x136: {  	_ =	sdelay $0x1  }
0x137: {  	s0 =	sshll.u32 s21, $0xA  }
0x138: {  	s31 =	sshra.s32 s0, $0x2  }
0x139: {  	p2 =	seq.s32 s30, s23  }
.Ltmp19:
0x13a: {  	_ = 	snop;
	(pc) =	sbr.rel @!p2 .LBB2_21-.Ltmp19, $1  }
0x13b: {  	_ =	sdelay $0x3  }
.Ltmp20:
0x13c: {  	s0 =	sadd.s32 $0x208, s31;
	(pc) =	sbr.rel .LBB2_22-.Ltmp20, $4  }
0x13d: {  	[spmem:s13] =	stream.linear.scatter [tilespmem:s0], [sflag:$0x1], $0x100, $0x38;
	[tilespmem:$0x1E668] =	vst v63  }
0x13e: {  	_ =	swait.ge [sflag:s11], $0x100  }
0x13f: {  	[sflag:s11] =	ssyncset.done $0x0  }
0x140: {  	[sflag:s11] =	ssyncadd.s32 $0xFFFFFF00  }
.LBB2_21:
0x141: {  	s0 =	sshll.u32 s26, $0xA  }
0x142: {  	v2 =	vld [tilespmem:s31+$0x208];
	s0 =	sshra.s32 s0, $0x2  }
0x143: {  	v1 =	vld [tilespmem:s0+$0x7308];
	_ =	sdelay $0x4  }
0x144: {  	v1 =	vmax.f32 v1, v2  }
0x145: {  	v2 =	vld [tilespmem:s31+$0x218];
	[tilespmem:s31+$0x208] =	vst v1  }
0x146: {  	v1 =	vld [tilespmem:s0+$0x7318];
	_ =	sdelay $0x4  }
0x147: {  	v1 =	vmax.f32 v1, v2  }
0x148: {  	v2 =	vld [tilespmem:s31+$0x228];
	[tilespmem:s31+$0x218] =	vst v1  }
0x149: {  	v1 =	vld [tilespmem:s0+$0x7328];
	_ =	sdelay $0x4  }
0x14a: {  	v1 =	vmax.f32 v1, v2  }
0x14b: {  	v2 =	vld [tilespmem:s31+$0x238];
	[tilespmem:s31+$0x228] =	vst v1  }
0x14c: {  	v1 =	vld [tilespmem:s0+$0x7338];
	_ =	sdelay $0x4  }
0x14d: {  	v1 =	vmax.f32 v1, v2  }
0x14e: {  	v2 =	vld [tilespmem:s31+$0x248];
	[tilespmem:s31+$0x238] =	vst v1  }
0x14f: {  	v1 =	vld [tilespmem:s0+$0x7348];
	_ =	sdelay $0x4  }
0x150: {  	v1 =	vmax.f32 v1, v2  }
0x151: {  	v2 =	vld [tilespmem:s31+$0x258];
	[tilespmem:s31+$0x248] =	vst v1  }
0x152: {  	v1 =	vld [tilespmem:s0+$0x7358];
	_ =	sdelay $0x4  }
0x153: {  	v1 =	vmax.f32 v1, v2  }
0x154: {  	v2 =	vld [tilespmem:s31+$0x268];
	[tilespmem:s31+$0x258] =	vst v1  }
0x155: {  	v1 =	vld [tilespmem:s0+$0x7368];
	_ =	sdelay $0x4  }
0x156: {  	v1 =	vmax.f32 v1, v2  }
0x157: {  	v2 =	vld [tilespmem:s31+$0x278];
	[tilespmem:s31+$0x268] =	vst v1  }
0x158: {  	v1 =	vld [tilespmem:s0+$0x7378];
	_ =	sdelay $0x4  }
0x159: {  	v1 =	vmax.f32 v1, v2  }
0x15a: {  	v2 =	vld [tilespmem:s31+$0x288];
	[tilespmem:s31+$0x278] =	vst v1  }
0x15b: {  	v1 =	vld [tilespmem:s0+$0x7388];
	_ =	sdelay $0x4  }
0x15c: {  	v1 =	vmax.f32 v1, v2  }
0x15d: {  	v2 =	vld [tilespmem:s31+$0x298];
	[tilespmem:s31+$0x288] =	vst v1  }
0x15e: {  	v1 =	vld [tilespmem:s0+$0x7398];
	_ =	sdelay $0x4  }
0x15f: {  	v1 =	vmax.f32 v1, v2  }
0x160: {  	v2 =	vld [tilespmem:s31+$0x2A8];
	[tilespmem:s31+$0x298] =	vst v1  }
0x161: {  	v1 =	vld [tilespmem:s0+$0x73A8];
	_ =	sdelay $0x4  }
0x162: {  	v1 =	vmax.f32 v1, v2  }
0x163: {  	v2 =	vld [tilespmem:s31+$0x2B8];
	[tilespmem:s31+$0x2A8] =	vst v1  }
0x164: {  	v1 =	vld [tilespmem:s0+$0x73B8];
	_ =	sdelay $0x4  }
0x165: {  	v1 =	vmax.f32 v1, v2  }
0x166: {  	v2 =	vld [tilespmem:s31+$0x2C8];
	[tilespmem:s31+$0x2B8] =	vst v1  }
0x167: {  	v1 =	vld [tilespmem:s0+$0x73C8];
	_ =	sdelay $0x4  }
0x168: {  	v1 =	vmax.f32 v1, v2  }
0x169: {  	v2 =	vld [tilespmem:s31+$0x2D8];
	[tilespmem:s31+$0x2C8] =	vst v1  }
0x16a: {  	v1 =	vld [tilespmem:s0+$0x73D8];
	_ =	sdelay $0x4  }
0x16b: {  	v1 =	vmax.f32 v1, v2  }
0x16c: {  	v2 =	vld [tilespmem:s31+$0x2E8];
	[tilespmem:s31+$0x2D8] =	vst v1  }
0x16d: {  	v1 =	vld [tilespmem:s0+$0x73E8];
	_ =	sdelay $0x4  }
0x16e: {  	v1 =	vmax.f32 v1, v2  }
0x16f: {  	v2 =	vld [tilespmem:s31+$0x2F8];
	[tilespmem:s31+$0x2E8] =	vst v1  }
0x170: {  	v1 =	vld [tilespmem:s0+$0x73F8];
	_ =	sdelay $0x3  }
0x171: {  	p2 =	sgt.u32 s30, $0x770  }
0x172: {  	s0 =	sand.u32 @!p2 $0x7F8, s30;
	v1 =	vmax.f32 v1, v2  }
0x173: {  	s2 =	sadd.s32 $0x208, s31;
	s3 =	sand.u32 @!p2 $0x7, s30;
	s0 =	sadd.s32 @!p2 s1, s0;
	[tilespmem:s31+$0x2F8] =	vst v1  }
0x174: {  	[hbm4b:s0+s3] =	stream.linear.scatter @!p2 [tilespmem:s2], [sflag:$0xA], $0x80, $0x38;
	[tilespmem:$0x1E668] =	vst v63  }
0x175: {  	s0 =	sadd.s32 @!p2 $0x80, s30  }
0x176: {  	s0 =	sand.u32 @!p2 $0xFF8, s0  }
0x177: {  	s2 =	sadd.s32 $0x288, s31;
	s0 =	sadd.s32 @!p2 s1, s0  }
0x178: {  	[hbm4b:s0+s3] =	stream.linear.scatter @!p2 [tilespmem:s2], [sflag:$0xA], $0x80, $0x38;
	[tilespmem:$0x1E668] =	vst v63  }
0x179: {  	s0 =	simm.s32 $0x0  }
0x17a: {  	s0 =	simm.s32 @!p2 $0x400  }
0x17b: {  	s29 =	sadd.s32 s0, s29  }
.LBB2_22:
0x17c: {  	s0 =	sadd.s32 $0x1, s21  }
0x17d: {  	s2 =	sshrl.u32 s0, $0x4  }
0x17e: {  	s2 =	smulhi.u32 $0x24924925, s2  }
0x17f: {  	v1 =	vld [tilespmem:s24+$0xFFFFFF80]  }
0x180: {  	s2 =	smul.u32 $0x70, s2;
	_ =	sdelay $0x1  }
0x181: {  	s21 =	ssub.s32 s0, s2  }
0x182: {  	s0 =	sshll.u32 s21, $0x8  }
0x183: {  	[tilespmem:s0+$0x208] =	vst v1  }
0x184: {  	v1 =	vld [tilespmem:s24+$0xFFFFFF90];
	_ =	sdelay $0x4  }
0x185: {  	[tilespmem:s0+$0x218] =	vst v1  }
0x186: {  	v1 =	vld [tilespmem:s24+$0xFFFFFFA0];
	_ =	sdelay $0x4  }
0x187: {  	[tilespmem:s0+$0x228] =	vst v1  }
0x188: {  	v1 =	vld [tilespmem:s24+$0xFFFFFFB0];
	_ =	sdelay $0x4  }
0x189: {  	[tilespmem:s0+$0x238] =	vst v1  }
0x18a: {  	v1 =	vld [tilespmem:s24+$0xFFFFFFC0];
	_ =	sdelay $0x4  }
0x18b: {  	[tilespmem:s0+$0x248] =	vst v1  }
0x18c: {  	v1 =	vld [tilespmem:s24+$0xFFFFFFD0];
	_ =	sdelay $0x4  }
0x18d: {  	[tilespmem:s0+$0x258] =	vst v1  }
0x18e: {  	v1 =	vld [tilespmem:s24+$0xFFFFFFE0];
	_ =	sdelay $0x4  }
0x18f: {  	[tilespmem:s0+$0x268] =	vst v1  }
0x190: {  	v1 =	vld [tilespmem:s24+$0xFFFFFFF0];
	_ =	sdelay $0x4  }
0x191: {  	[tilespmem:s0+$0x278] =	vst v1  }
0x192: {  	v1 =	vld [tilespmem:s24+$0x0];
	_ =	sdelay $0x4  }
0x193: {  	[tilespmem:s0+$0x288] =	vst v1  }
0x194: {  	v1 =	vld [tilespmem:s24+$0x10];
	_ =	sdelay $0x4  }
0x195: {  	[tilespmem:s0+$0x298] =	vst v1  }
0x196: {  	v1 =	vld [tilespmem:s24+$0x20];
	_ =	sdelay $0x4  }
0x197: {  	[tilespmem:s0+$0x2A8] =	vst v1  }
0x198: {  	v1 =	vld [tilespmem:s24+$0x30];
	_ =	sdelay $0x4  }
0x199: {  	[tilespmem:s0+$0x2B8] =	vst v1  }
0x19a: {  	v1 =	vld [tilespmem:s24+$0x40];
	_ =	sdelay $0x4  }
0x19b: {  	[tilespmem:s0+$0x2C8] =	vst v1  }
0x19c: {  	v1 =	vld [tilespmem:s24+$0x50];
	_ =	sdelay $0x4  }
0x19d: {  	[tilespmem:s0+$0x2D8] =	vst v1  }
0x19e: {  	v1 =	vld [tilespmem:s24+$0x60];
	_ =	sdelay $0x4  }
0x19f: {  	[tilespmem:s0+$0x2E8] =	vst v1  }
0x1a0: {  	v1 =	vld [tilespmem:s24+$0x70]  }
.Ltmp21:
0x1a1: {  	_ = 	snop;
	(pc) =	sbr.rel .LBB2_23-.Ltmp21, $2  }
0x1a2: {  	_ =	sdelay $0x2  }
0x1a3: {  	s26 =	sadd.s32 $0x1, s26;
	[tilespmem:s0+$0x2F8] =	vst v1  }
.LBB2_25:
.Ltmp22:
0x1a4: {  	(pc) =	sbr.rel .LBB2_26-.Ltmp22, $4  }
0x1a5: {  	_ = 	snop  }
0x1a6: {  	s0 =	simm.s32 $0x2  }
0x1a7: {  	_ =	swait.ge [sflag:s0], $0x0  }
0x1a8: {  	s28 =	smov.u32 s30;
	[sflag:s0] =	ssyncset.done $0x0;
	s0 =	simm.s32 $0x0  }
.LBB2_28:
0x1a9: {  	_ =	sfence.sel $0x180000  }
0x1aa: {  	s0 =	simm.s32 $0x7;
	[bflag:$0x0] =	sbarrier.arrive $0xFFFF  }
0x1ab: {  	s25 =	simm.s32 $0x8;
	[sflag:s0] =	ssyncpa.u1 $0x1  }
0x1ac: {  	s26 =	simm.s32 $0x9;
	[sflag:s25] =	ssyncpa.u1 $0x1  }
0x1ad: {  	s28 =	simm.s32 $0x2;
	[sflag:s26] =	ssyncpa.u1 $0x1  }
0x1ae: {  	[sflag:s28] =	ssyncpa.u1 $0x1  }
0x1af: {  	v0 =	vld [tilespmem:$0xE408];
	_ =	sdelay $0x4  }
0x1b0: {  	(v2sf) =	vpush v0, $0x0  }
0x1b1: {  	(v2sf) =	vpush v0, $0x1;
	_ =	sdelay $0x1  }
0x1b2: {  	(v2sf) =	vpush v0, $0x2;
	_ =	sdelay $0xb  }
0x1b3: {  	s0 =	spop (v2sf)  }
0x1b4: {  	s2 =	spop (v2sf)  }
0x1b5: {  	s3 =	smov.u32 s0;
	p0 =	sne.s32 s0, s2  }
0x1b6: {  	s4 =	spop (v2sf);
	s3 =	simm.s32 @!p0 $0xFFFFFFFF  }
0x1b7: {  	v2 =	vimm.s32 $0x1;
	v3 =	vlaneseq.u32;
	p0 =	seq.s32 s4, $0xFFFFFFFF;
	v1 =	vmov s3  }
0x1b8: {  	s7 =	stileid.u32;
	v0 =	vperm.xlane v0, v2;
	p1 =	sne.s32 @!p0 s0, s2;
	v1 =	vperm.xlane v1, v3  }
0x1b9: {  	vm0 =	vcmask $0x3F04;
	s6 =	simm.s32 $0xE408;
	s0 =	simm.s32 @!p0 $0x1;
	p1 =	por !p1, p0  }
0x1ba: {  	s3 =	sshll.u32 s7, $0x1;
	s2 =	sshll.u32 @!p0 s4, $0xA;
	s0 =	simm.s32 @p1 $0x0;
	v0 =	vsel vm0, v1, v0  }
0x1bb: {  	s5 =	sor.u32 $0x2000, s3;
	s2 =	sshra.s32 @!p0 s2, $0x2;
	s0 =	sor.u32 @!p0 s0, s3;
	[tilespmem:$0xE408] =	vst v0  }
0x1bc: {  	[spmem:s5] =	stream.linear.scatter [tilespmem:s6], [sflag:$0x1], $0x2, $0x38;
	[tilespmem:$0x1E668] =	vst v63  }
0x1bd: {  	s2 =	sadd.s32 @!p0 $0x208, s2;
	s0 =	sshll.u32 @!p0 s0, $0x8  }
0x1be: {  	[spmem:s0] =	stream.linear.scatter @!p0 [tilespmem:s2], [sflag:$0x1], $0x100, $0x38;
	[tilespmem:$0x1E668] =	vst v63  }
0x1bf: {  	s2 =	simm.s32 @!p0 $0x102  }
0x1c0: {  	s0 =	simm.s32 $0x1;
	s2 =	simm.s32 @p0 $0x2  }
0x1c1: {  	_ =	swait.ge [sflag:s0], s2  }
0x1c2: {  	s2 =	ssub.s32 $0x0, s2;
	[sflag:s0] =	ssyncset.done $0x0  }
0x1c3: {  	[sflag:s0] =	ssyncadd.s32 s2  }
0x1c4: {  	_ =	sfence.stream.spmem  }
0x1c5: {  	s29 =	simm.s32 $0x3;
	[bflag:$0x0] =	sbarrier.arrive $0xFFFF  }
0x1c6: {  	s30 =	simm.s32 $0x4;
	[sflag:s29] =	ssyncpa.u1 $0x1  }
0x1c7: {  	s31 =	simm.s32 $0x3C;
	[sflag:s30] =	ssyncpa.u1 $0x1  }
0x1c8: {  	p0 =	sne.s32 s7, $0x0;
	[sflag:s31] =	ssyncpa.u1 $0x1  }
0x1c9: {  	_ =	sfence @p0  }
0x1ca: {  	[sflag:s0] =	ssyncpa.u1 @p0 $0x1  }
0x1cb: {  	_ =	strace @p0 $0x90000053  }
0x1cc: {  	[bflag:$0x2] =	sbarrier.arrive @p0 $0xFFFF  }
0x1cd: {  	_ =	shalt @p0  }
.LBB2_29:
0x1ce: {  	_ =	sfence.stream.spmem;
	s0 =	simm.s32 $0x5  }
0x1cf: {  	s2 =	simm.s32 $0x2000;
	s3 =	simm.s32 $0xE418;
	[sflag:s0] =	ssyncpa.u1 $0x0  }
0x1d0: {  	[tilespmem:s3], [sflag:$0x5] =	stream.linear.gather [spmem:s2], $0x20, $0x38;
	[tilespmem:$0x1E668] =	vst v63  }
0x1d1: {  	s31 =	simm.s32 $0xE438;
	s2 =	simm.s32 $0x0  }
0x1d2: {  	[tilespmem:s31], [sflag:$0x5] =	stream.linear.gather [spmem:s2], $0x2000, $0x38;
	[tilespmem:$0x1E668] =	vst v63  }
.Ltmp23:
0x1d3: {  	_ = 	snop;
	(pc) =	sbr.rel .LBB2_30-.Ltmp23, $4  }
0x1d4: {  	_ =	swait.ge [sflag:s0], $0x2020  }
0x1d5: {  	[sflag:s0] =	ssyncset.done $0x0  }
0x1d6: {  	s4 =	simm.s32 $0xE308;
	s3 =	simm.s32 $0x6;
	[sflag:s0] =	ssyncadd.s32 $0xFFFFDFE0  }
0x1d7: {  	s5 =	simm.s32 $0xE388;
	s6 =	simm.s32 $0x0;
	[sflag:s3] =	ssyncpa.u1 $0x0  }
.LBB2_38:
0x1d8: {  	s0 =	sand.u32 $0x7F8, s7  }
0x1d9: {  	s8 =	sand.u32 $0x7, s7;
	s30 =	sadd.s32 $0x80, s7;
	s0 =	sadd.s32 s1, s0  }
0x1da: {  	[tilespmem:s4], [sflag:$0x6] =	stream.linear.gather [hbm4b:s0+s8], $0x80, $0x38;
	[tilespmem:$0x1E668] =	vst v63  }
0x1db: {  	s0 =	sand.u32 $0xFF8, s30  }
0x1dc: {  	s0 =	sadd.s32 s1, s0  }
0x1dd: {  	[tilespmem:s5], [sflag:$0x6] =	stream.linear.gather [hbm4b:s0+s8], $0x80, $0x38;
	[tilespmem:$0x1E668] =	vst v63  }
0x1de: {  	_ =	swait.ge [sflag:s3], $0x100  }
0x1df: {  	[sflag:s3] =	ssyncset.done $0x0  }
0x1e0: {  	s7 =	sshll.u32 s6, $0xA;
	[sflag:s3] =	ssyncadd.s32 $0xFFFFFF00  }
0x1e1: {  	s31 =	sshrl.u32 s7, $0x2;
	v1 =	vld [tilespmem:$0xE308]  }
0x1e2: {  	v2 =	vld [tilespmem:s31+$0xE438];
	_ =	sdelay $0x4  }
0x1e3: {  	v1 =	vmax.f32 v1, v2  }
0x1e4: {  	v2 =	vld [tilespmem:s31+$0xE448];
	[tilespmem:s31+$0xE438] =	vst v1  }
0x1e5: {  	v1 =	vld [tilespmem:$0xE318];
	_ =	sdelay $0x4  }
0x1e6: {  	v1 =	vmax.f32 v1, v2  }
0x1e7: {  	v2 =	vld [tilespmem:s31+$0xE458];
	[tilespmem:s31+$0xE448] =	vst v1  }
0x1e8: {  	v1 =	vld [tilespmem:$0xE328];
	_ =	sdelay $0x4  }
0x1e9: {  	v1 =	vmax.f32 v1, v2  }
0x1ea: {  	v2 =	vld [tilespmem:s31+$0xE468];
	[tilespmem:s31+$0xE458] =	vst v1  }
0x1eb: {  	v1 =	vld [tilespmem:$0xE338];
	_ =	sdelay $0x4  }
0x1ec: {  	v1 =	vmax.f32 v1, v2  }
0x1ed: {  	v2 =	vld [tilespmem:s31+$0xE478];
	[tilespmem:s31+$0xE468] =	vst v1  }
0x1ee: {  	v1 =	vld [tilespmem:$0xE348];
	_ =	sdelay $0x4  }
0x1ef: {  	v1 =	vmax.f32 v1, v2  }
0x1f0: {  	v2 =	vld [tilespmem:s31+$0xE488];
	[tilespmem:s31+$0xE478] =	vst v1  }
0x1f1: {  	v1 =	vld [tilespmem:$0xE358];
	_ =	sdelay $0x4  }
0x1f2: {  	v1 =	vmax.f32 v1, v2  }
0x1f3: {  	v2 =	vld [tilespmem:s31+$0xE498];
	[tilespmem:s31+$0xE488] =	vst v1  }
0x1f4: {  	v1 =	vld [tilespmem:$0xE368];
	_ =	sdelay $0x4  }
0x1f5: {  	v1 =	vmax.f32 v1, v2  }
0x1f6: {  	v2 =	vld [tilespmem:s31+$0xE4A8];
	[tilespmem:s31+$0xE498] =	vst v1  }
0x1f7: {  	v1 =	vld [tilespmem:$0xE378];
	_ =	sdelay $0x4  }
0x1f8: {  	v1 =	vmax.f32 v1, v2  }
0x1f9: {  	v2 =	vld [tilespmem:s31+$0xE4B8];
	[tilespmem:s31+$0xE4A8] =	vst v1  }
0x1fa: {  	v1 =	vld [tilespmem:$0xE388];
	_ =	sdelay $0x4  }
0x1fb: {  	v1 =	vmax.f32 v1, v2  }
0x1fc: {  	v2 =	vld [tilespmem:s31+$0xE4C8];
	[tilespmem:s31+$0xE4B8] =	vst v1  }
0x1fd: {  	v1 =	vld [tilespmem:$0xE398];
	_ =	sdelay $0x4  }
0x1fe: {  	v1 =	vmax.f32 v1, v2  }
0x1ff: {  	v2 =	vld [tilespmem:s31+$0xE4D8];
	[tilespmem:s31+$0xE4C8] =	vst v1  }
0x200: {  	v1 =	vld [tilespmem:$0xE3A8];
	_ =	sdelay $0x4  }
0x201: {  	v1 =	vmax.f32 v1, v2  }
0x202: {  	v2 =	vld [tilespmem:s31+$0xE4E8];
	[tilespmem:s31+$0xE4D8] =	vst v1  }
0x203: {  	v1 =	vld [tilespmem:$0xE3B8];
	_ =	sdelay $0x4  }
0x204: {  	v1 =	vmax.f32 v1, v2  }
0x205: {  	v2 =	vld [tilespmem:s31+$0xE4F8];
	[tilespmem:s31+$0xE4E8] =	vst v1  }
0x206: {  	v1 =	vld [tilespmem:$0xE3C8];
	_ =	sdelay $0x4  }
0x207: {  	v1 =	vmax.f32 v1, v2  }
0x208: {  	v2 =	vld [tilespmem:s31+$0xE508];
	[tilespmem:s31+$0xE4F8] =	vst v1  }
0x209: {  	v1 =	vld [tilespmem:$0xE3D8];
	_ =	sdelay $0x4  }
0x20a: {  	v1 =	vmax.f32 v1, v2  }
0x20b: {  	v2 =	vld [tilespmem:s31+$0xE518];
	[tilespmem:s31+$0xE508] =	vst v1  }
0x20c: {  	v1 =	vld [tilespmem:$0xE3E8];
	_ =	sdelay $0x4  }
0x20d: {  	v1 =	vmax.f32 v1, v2  }
0x20e: {  	v2 =	vld [tilespmem:s31+$0xE528];
	[tilespmem:s31+$0xE518] =	vst v1  }
0x20f: {  	v1 =	vld [tilespmem:$0xE3F8];
	_ =	sdelay $0x4  }
0x210: {  	v1 =	vmax.f32 v1, v2  }
0x211: {  	[tilespmem:s31+$0xE528] =	vst v1  }
.LBB2_39:
0x212: {  	[tilespmem:s2+$0xE418] =	vst.msk $0x1, v0;
	s0 =	sshrl.u32 s7, $0x2  }
0x213: {  	v0 =	vld [tilespmem:s0+$0xE438];
	_ =	sdelay $0x2  }
0x214: {  	s31 =	sshll.u32 s2, $0xA  }
0x215: {  	s7 =	sshra.s32 s31, $0x2  }
0x216: {  	[tilespmem:s7+$0xE438] =	vst v0  }
0x217: {  	v0 =	vld [tilespmem:s0+$0xE448];
	_ =	sdelay $0x4  }
0x218: {  	[tilespmem:s7+$0xE448] =	vst v0  }
0x219: {  	v0 =	vld [tilespmem:s0+$0xE458];
	_ =	sdelay $0x4  }
0x21a: {  	[tilespmem:s7+$0xE458] =	vst v0  }
0x21b: {  	v0 =	vld [tilespmem:s0+$0xE468];
	_ =	sdelay $0x4  }
0x21c: {  	[tilespmem:s7+$0xE468] =	vst v0  }
0x21d: {  	v0 =	vld [tilespmem:s0+$0xE478];
	_ =	sdelay $0x4  }
0x21e: {  	[tilespmem:s7+$0xE478] =	vst v0  }
0x21f: {  	v0 =	vld [tilespmem:s0+$0xE488];
	_ =	sdelay $0x4  }
0x220: {  	[tilespmem:s7+$0xE488] =	vst v0  }
0x221: {  	v0 =	vld [tilespmem:s0+$0xE498];
	_ =	sdelay $0x4  }
0x222: {  	[tilespmem:s7+$0xE498] =	vst v0  }
0x223: {  	v0 =	vld [tilespmem:s0+$0xE4A8];
	_ =	sdelay $0x4  }
0x224: {  	[tilespmem:s7+$0xE4A8] =	vst v0  }
0x225: {  	v0 =	vld [tilespmem:s0+$0xE4B8];
	_ =	sdelay $0x4  }
0x226: {  	[tilespmem:s7+$0xE4B8] =	vst v0  }
0x227: {  	v0 =	vld [tilespmem:s0+$0xE4C8];
	_ =	sdelay $0x4  }
0x228: {  	[tilespmem:s7+$0xE4C8] =	vst v0  }
0x229: {  	v0 =	vld [tilespmem:s0+$0xE4D8];
	_ =	sdelay $0x4  }
0x22a: {  	[tilespmem:s7+$0xE4D8] =	vst v0  }
0x22b: {  	v0 =	vld [tilespmem:s0+$0xE4E8];
	_ =	sdelay $0x4  }
0x22c: {  	[tilespmem:s7+$0xE4E8] =	vst v0  }
0x22d: {  	v0 =	vld [tilespmem:s0+$0xE4F8];
	_ =	sdelay $0x4  }
0x22e: {  	[tilespmem:s7+$0xE4F8] =	vst v0  }
0x22f: {  	v0 =	vld [tilespmem:s0+$0xE508];
	_ =	sdelay $0x4  }
0x230: {  	[tilespmem:s7+$0xE508] =	vst v0  }
0x231: {  	v0 =	vld [tilespmem:s0+$0xE518];
	_ =	sdelay $0x4  }
0x232: {  	[tilespmem:s7+$0xE518] =	vst v0  }
0x233: {  	v0 =	vld [tilespmem:s0+$0xE528];
	_ =	sdelay $0x4  }
0x234: {  	s2 =	sadd.s32 $0x1, s2;
	[tilespmem:s7+$0xE528] =	vst v0  }
.LBB2_40:
0x235: {  	s6 =	sadd.s32 $0x1, s6  }
0x236: {  	p0 =	sne.s32 s6, $0x20  }
.Ltmp24:
0x237: {  	_ = 	snop;
	(pc) =	sbr.rel @!p0 .LBB2_41-.Ltmp24, $1  }
0x238: {  	_ =	sdelay $0x3  }
.LBB2_30:
0x239: {  	v0 =	vld.msk [tilespmem:s6+$0xE418], $0x1;
	_ =	sdelay $0x4  }
0x23a: {  	(v2sf) =	vpush v0, $0x0;
	_ =	sdelay $0xe  }
0x23b: {  	s7 =	spop (v2sf)  }
0x23c: {  	p0 =	seq.s32 s7, $0xFFFFFFFF  }
.Ltmp25:
0x23d: {  	_ = 	snop;
	(pc) =	sbr.rel @p0 .LBB2_40-.Ltmp25, $1  }
0x23e: {  	_ =	sdelay $0x3  }
0x23f: {  	p0 =	slt.s32 s2, $0x1  }
.Ltmp26:
0x240: {  	_ = 	snop;
	(pc) =	sbr.rel @p0 .LBB2_36-.Ltmp26, $1  }
0x241: {  	_ =	sdelay $0x3  }
0x242: {  	s8 =	simm.s32 $0xE418;
	p0 =	por $0x0, $0x0  }
0x243: {  	v1 =	vld.msk @!p0 [tilespmem:s8+$0x0], $0x1;
	_ =	sdelay $0x4  }
0x244: {  	(v2sf) =	vpush @!p0 v1, $0x0;
	_ =	sdelay $0xd  }
0x245: {  	p2 =	sne.s32 s2, $0x1  }
.Ltmp27:
0x246: {  	s0 =	spop @!p0 (v2sf);
	(pc) =	sbr.rel @!p2 .LBB2_34-.Ltmp27, $4  }
0x247: {  	p1 =	seq.s32 @!p0 s7, s0  }
0x248: {  	s9 =	simm.s32 $0x0;
	p1 =	por !p1, p0  }
0x249: {  	s0 =	simm.s32 $0xFFFFFFFF;
	s9 =	simm.s32 @p1 $0xFFFFFFFF  }
0x24a: {  	s10 =	simm.s32 $0x1;
	s9 =	smov.u32 @p0 s0  }
.LBB2_33:
0x24b: {  	s0 =	smov.u32 s9;
	p0 =	sne.s32 s9, $0xFFFFFFFF  }
0x24c: {  	s8 =	sadd.s32 $0x1, s8;
	s9 =	smov.u32 s10;
	s10 =	sadd.s32 $0x1, s10  }
0x24d: {  	p1 =	sne.s32 s2, s10;
	v1 =	vld.msk @!p0 [tilespmem:s8+$0x0], $0x1;
	_ =	sdelay $0x4  }
0x24e: {  	(v2sf) =	vpush @!p0 v1, $0x0;
	_ =	sdelay $0xe  }
.Ltmp28:
0x24f: {  	s11 =	spop @!p0 (v2sf);
	(pc) =	sbr.rel @p1 .LBB2_33-.Ltmp28, $4  }
0x250: {  	p2 =	seq.s32 @!p0 s7, s11  }
0x251: {  	p2 =	por !p2, p0  }
0x252: {  	s9 =	simm.s32 @p2 $0xFFFFFFFF  }
0x253: {  	s9 =	smov.u32 @p0 s0  }
.LBB2_34:
0x254: {  	p0 =	seq.s32 s9, $0xFFFFFFFF  }
.Ltmp29:
0x255: {  	_ = 	snop;
	(pc) =	sbr.rel @p0 .LBB2_36-.Ltmp29, $1  }
0x256: {  	_ =	sdelay $0x3  }
0x257: {  	s0 =	sshll.u32 s6, $0x8  }
0x258: {  	s31 =	sshll.u32 s9, $0xA;
	s8 =	sand.u32 $0x3FFFFF00, s0  }
0x259: {  	s7 =	sshra.s32 s31, $0x2;
	v0 =	vld [tilespmem:s8+$0xE438]  }
0x25a: {  	v1 =	vld [tilespmem:s7+$0xE438];
	_ =	sdelay $0x4  }
0x25b: {  	v0 =	vmax.f32 v0, v1  }
0x25c: {  	v49 =	vld [tilespmem:s7+$0xE448];
	[tilespmem:s7+$0xE438] =	vst v0  }
0x25d: {  	v0 =	vld [tilespmem:s8+$0xE448];
	_ =	sdelay $0x4  }
0x25e: {  	v0 =	vmax.f32 v0, v49  }
0x25f: {  	v50 =	vld [tilespmem:s7+$0xE458];
	[tilespmem:s7+$0xE448] =	vst v0  }
0x260: {  	v0 =	vld [tilespmem:s8+$0xE458];
	_ =	sdelay $0x4  }
0x261: {  	v0 =	vmax.f32 v0, v50  }
0x262: {  	v51 =	vld [tilespmem:s7+$0xE468];
	[tilespmem:s7+$0xE458] =	vst v0  }
0x263: {  	v0 =	vld [tilespmem:s8+$0xE468];
	_ =	sdelay $0x4  }
0x264: {  	v0 =	vmax.f32 v0, v51  }
0x265: {  	v52 =	vld [tilespmem:s7+$0xE478];
	[tilespmem:s7+$0xE468] =	vst v0  }
0x266: {  	v0 =	vld [tilespmem:s8+$0xE478];
	_ =	sdelay $0x4  }
0x267: {  	v0 =	vmax.f32 v0, v52  }
0x268: {  	v53 =	vld [tilespmem:s7+$0xE488];
	[tilespmem:s7+$0xE478] =	vst v0  }
0x269: {  	v0 =	vld [tilespmem:s8+$0xE488];
	_ =	sdelay $0x4  }
0x26a: {  	v0 =	vmax.f32 v0, v53  }
0x26b: {  	v54 =	vld [tilespmem:s7+$0xE498];
	[tilespmem:s7+$0xE488] =	vst v0  }
0x26c: {  	v0 =	vld [tilespmem:s8+$0xE498];
	_ =	sdelay $0x4  }
0x26d: {  	v0 =	vmax.f32 v0, v54  }
0x26e: {  	v55 =	vld [tilespmem:s7+$0xE4A8];
	[tilespmem:s7+$0xE498] =	vst v0  }
0x26f: {  	v0 =	vld [tilespmem:s8+$0xE4A8];
	_ =	sdelay $0x4  }
0x270: {  	v0 =	vmax.f32 v0, v55  }
0x271: {  	v56 =	vld [tilespmem:s7+$0xE4B8];
	[tilespmem:s7+$0xE4A8] =	vst v0  }
0x272: {  	v0 =	vld [tilespmem:s8+$0xE4B8];
	_ =	sdelay $0x4  }
0x273: {  	v0 =	vmax.f32 v0, v56  }
0x274: {  	v57 =	vld [tilespmem:s7+$0xE4C8];
	[tilespmem:s7+$0xE4B8] =	vst v0  }
0x275: {  	v0 =	vld [tilespmem:s8+$0xE4C8];
	_ =	sdelay $0x4  }
0x276: {  	v0 =	vmax.f32 v0, v57  }
0x277: {  	v58 =	vld [tilespmem:s7+$0xE4D8];
	[tilespmem:s7+$0xE4C8] =	vst v0  }
0x278: {  	v0 =	vld [tilespmem:s8+$0xE4D8];
	_ =	sdelay $0x4  }
0x279: {  	v0 =	vmax.f32 v0, v58  }
0x27a: {  	v59 =	vld [tilespmem:s7+$0xE4E8];
	[tilespmem:s7+$0xE4D8] =	vst v0  }
0x27b: {  	v0 =	vld [tilespmem:s8+$0xE4E8];
	_ =	sdelay $0x4  }
0x27c: {  	v0 =	vmax.f32 v0, v59  }
0x27d: {  	v60 =	vld [tilespmem:s7+$0xE4F8];
	[tilespmem:s7+$0xE4E8] =	vst v0  }
0x27e: {  	v0 =	vld [tilespmem:s8+$0xE4F8];
	_ =	sdelay $0x4  }
0x27f: {  	v0 =	vmax.f32 v0, v60  }
0x280: {  	v61 =	vld [tilespmem:s7+$0xE508];
	[tilespmem:s7+$0xE4F8] =	vst v0  }
0x281: {  	v0 =	vld [tilespmem:s8+$0xE508];
	_ =	sdelay $0x4  }
0x282: {  	v0 =	vmax.f32 v0, v61  }
0x283: {  	v62 =	vld [tilespmem:s7+$0xE518];
	[tilespmem:s7+$0xE508] =	vst v0  }
0x284: {  	v0 =	vld [tilespmem:s8+$0xE518];
	_ =	sdelay $0x4  }
0x285: {  	v0 =	vmax.f32 v0, v62  }
0x286: {  	v63 =	vld [tilespmem:s7+$0xE528];
	[tilespmem:s7+$0xE518] =	vst v0  }
0x287: {  	v0 =	vld [tilespmem:s8+$0xE528];
	_ =	sdelay $0x1  }
.Ltmp30:
0x288: {  	_ = 	snop;
	(pc) =	sbr.rel .LBB2_40-.Ltmp30, $3  }
0x289: {  	_ =	sdelay $0x1  }
0x28a: {  	v0 =	vmax.f32 v0, v63  }
0x28b: {  	[tilespmem:s7+$0xE528] =	vst v0  }
.LBB2_36:
0x28c: {  	p0 =	slt.u32 s7, $0x771  }
.Ltmp31:
0x28d: {  	_ = 	snop;
	(pc) =	sbr.rel @p0 .LBB2_38-.Ltmp31, $1  }
0x28e: {  	_ =	sdelay $0x3  }
.Ltmp32:
0x28f: {  	(pc) =	sbr.rel .LBB2_39-.Ltmp32, $2  }
0x290: {  	_ =	sdelay $0x2  }
0x291: {  	s7 =	sshll.u32 s6, $0xA  }
.LBB2_41:
0x292: {  	p0 =	slt.s32 s2, $0x1  }
.Ltmp33:
0x293: {  	_ = 	snop;
	(pc) =	sbr.rel @p0 .LBB2_45-.Ltmp33, $3  }
0x294: {  	_ =	sdelay $0x1  }
0x295: {  	s0 =	simm.s32 $0x6  }
0x296: {  	[sflag:s0] =	ssyncpa.u1 $0x1;
	s0 =	simm.s32 $0x0  }
0x297: {  	s3 =	simm.s32 $0xE418  }
0x298: {  	v0 =	vld.msk [tilespmem:s3+$0x0], $0x1;
	_ =	sdelay $0x4  }
0x299: {  	(v2sf) =	vpush v0, $0x0;
	_ =	sdelay $0xe  }
0x29a: {  	s2 =	sadd.s32 $0xFFFFFFFF, s2;
	s4 =	spop (v2sf)  }
0x29b: {  	s5 =	simm.s32 $0xE438;
	p0 =	sne.s32 s2, $0x0;
	p1 =	sgt.u32 s4, $0x770  }
.Ltmp34:
0x29c: {  	s3 =	simm.s32 $0xE538;
	s6 =	sand.u32 @!p1 $0x7F8, s4;
	(pc) =	sbr.rel @!p0 .LBB2_44-.Ltmp34, $4  }
0x29d: {  	s7 =	sadd.s32 @!p1 $0x80, s4;
	s8 =	sadd.s32 @!p1 s1, s6;
	s6 =	sand.u32 @!p1 $0x7, s4  }
0x29e: {  	[hbm4b:s8+s6] =	stream.linear.scatter @!p1 [tilespmem:s5], [sflag:$0x5], $0x80, $0x38;
	[tilespmem:$0x1E668] =	vst v63  }
0x29f: {  	s0 =	simm.s32 @!p1 $0x400;
	s4 =	simm.s32 $0xE419;
	s5 =	sand.u32 @!p1 $0xFF8, s7  }
0x2a0: {  	s7 =	simm.s32 @!p1 $0xE4B8;
	s8 =	sadd.s32 @!p1 s1, s5;
	s5 =	sadd.s32 $0x0, s0  }
.LBB2_43:
0x2a1: {  	[hbm4b:s8+s6] =	stream.linear.scatter @!p1 [tilespmem:s7], [sflag:$0x5], $0x80, $0x38;
	[tilespmem:$0x1E668] =	vst v63  }
0x2a2: {  	s2 =	sadd.s32 $0xFFFFFFFF, s2;
	s0 =	smov.u32 s3;
	v0 =	vld.msk [tilespmem:s4+$0x0], $0x1  }
0x2a3: {  	p0 =	sne.s32 s2, $0x0;
	_ =	sdelay $0x3  }
0x2a4: {  	(v2sf) =	vpush v0, $0x0;
	_ =	sdelay $0xe  }
0x2a5: {  	s3 =	sadd.s32 $0x100, s3;
	s9 =	simm.s32 $0x0;
	s6 =	spop (v2sf)  }
.Ltmp35:
0x2a6: {  	s4 =	sadd.s32 $0x1, s4;
	p1 =	sgt.u32 s6, $0x770;
	(pc) =	sbr.rel @p0 .LBB2_43-.Ltmp35, $4  }
0x2a7: {  	s9 =	simm.s32 @!p1 $0x400;
	s7 =	sand.u32 @!p1 $0x7F8, s6;
	s8 =	sadd.s32 @!p1 $0x80, s6  }
0x2a8: {  	s6 =	sand.u32 @!p1 $0x7, s6;
	s7 =	sadd.s32 @!p1 s1, s7;
	s8 =	sand.u32 @!p1 $0xFF8, s8  }
0x2a9: {  	[hbm4b:s7+s6] =	stream.linear.scatter @!p1 [tilespmem:s0], [sflag:$0x5], $0x80, $0x38;
	[tilespmem:$0x1E668] =	vst v63  }
0x2aa: {  	s5 =	sadd.s32 s5, s9;
	s7 =	sadd.s32 @!p1 $0x80, s0;
	s8 =	sadd.s32 @!p1 s1, s8  }
.LBB2_44:
0x2ab: {  	[hbm4b:s8+s6] =	stream.linear.scatter @!p1 [tilespmem:s7], [sflag:$0x5], $0x80, $0x38;
	[tilespmem:$0x1E668] =	vst v63  }
0x2ac: {  	s0 =	sshrl.u32 s5, $0x2  }
.LBB2_45:
0x2ad: {  	s1 =	simm.s32 $0x5  }
0x2ae: {  	_ =	swait.ge [sflag:s1], s0  }
0x2af: {  	s29 =	ssub.s32 $0x0, s0;
	[sflag:s1] =	ssyncset.done $0x0  }
0x2b0: {  	[sflag:s1] =	ssyncadd.s32 s29  }
0x2b1: {  	[sflag:s1] =	ssyncpa.u1 $0x1  }
0x2b2: {  	s30 =	simm.s32 $0x1;
	_ =	sfence  }
0x2b3: {  	[sflag:s30] =	ssyncpa.u1 $0x1  }
0x2b4: {  	_ =	strace $0x90000053  }
0x2b5: {  	[bflag:$0x2] =	sbarrier.arrive $0xFFFF  }
0x2b6: {  	s31 =	rddreg [dreg:$0x1]  }
0x2b7: {  	s0 =	sadd.s32 $0x100000, s31  }
0x2b8: {  	[sflag:s0] =	ssyncadd.tile.s32 $0x1;
	_ =	shalt  }
.Lfunc_end2:
_tile_overlayer_lowered:
.L_overlay_start_2:
0x2b9: {  	(tag) =	ssettag $0x2  }
0x2ba: {  	s0 =	rddreg [dreg:$0x0];
	s2 =	stileid.u32  }
0x2bb: {  	s1 =	rddreg [dreg:$0x1];
	p0 =	sne.s32 s2, $0x0  }
0x2bc: {  	s3 =	rddreg [dreg:$0x2];
	[bflag:$0x3] =	sbarrier.arrive $0xFFFF;
	s2 =	simm.s32 @!p0 $0x1C01  }
0x2bd: {  	[timem:s3], [sflag:s2] =	dma.local @!p0 [hbm:s0], s1  }
0x2be: {  	s0 =	simm.s32 @!p0 $0x1  }
0x2bf: {  	_ =	swait.ge @!p0 [sflag:s0], s1  }
0x2c0: {  	s1 =	ssub.s32 @!p0 $0x0, s1;
	[sflag:s0] =	ssyncset.done @!p0 $0x0  }
0x2c1: {  	[sflag:s0] =	ssyncadd.s32 @!p0 s1  }
0x2c2: {  	[bflag:$0x3] =	sbarrier.arrive $0xFFFF  }
0x2c3: {  	_ =	shalt  }

// kernel: scatter_offload_async_start
scs
__scs_entry_jumppad:
0x0: {  	(pc) =	sbr.rel $0x88, $3  }
0x1: {  	(tag) =	ssettag $0x0;
	lr =	simm.s32 $0x1  }
0x2: {  	[smem:$0x3F7A] =	sst lr;
	_ =	strace $0xD0000000  }
0x3: {  	_ = 	snop  }
0x4: {  	_ = 	snop  }
0x5: {  	_ = 	snop  }
0x6: {  	_ = 	snop  }
0x7: {  	_ = 	snop  }
__scs_overlays_trampoline_lowered:
0x8: {  	[smem:$0x3F89] =	sst s0  }
0x9: {  	[smem:$0x3F8A] =	sst s1  }
0xa: {  	[smem:$0x3F8B] =	sst s2  }
0xb: {  	[smem:$0x3F8C] =	sst s3  }
0xc: {  	[smem:$0x3F8D] =	sst s4  }
0xd: {  	[smem:$0x3F8E] =	sst s5  }
0xe: {  	[smem:$0x3F8F] =	sst s6  }
0xf: {  	[smem:$0x3F90] =	sst s7  }
0x10: {  	[smem:$0x3F91] =	sst s8  }
0x11: {  	[smem:$0x3F92] =	sst s9;
	s0 =	simm.s32 @!p0 $0x0  }
0x12: {  	s1 =	sld [smem:$0x3F78];
	s0 =	simm.s32 @p0 $0x1  }
0x13: {  	[smem:$0x3F93] =	sst s0;
	s0 =	simm.s32 @!p1 $0x0  }
0x14: {  	s2 =	sld [smem:$0x3F77];
	s0 =	simm.s32 @p1 $0x1  }
0x15: {  	[smem:$0x3F94] =	sst s0;
	s0 =	simm.s32 @!p2 $0x0  }
0x16: {  	s3 =	sld [smem:$0x3FDB];
	s0 =	simm.s32 @p2 $0x1  }
0x17: {  	s4 =	simm.s32 $0x1BF5;
	[smem:$0x3F96] =	sst s0  }
0x18: {  	s0 =	sld [smem:$0x3F79];
	_ =	swait.ge [sflag:s4], $0x0  }
0x19: {  	s7 =	sld [smem:$0x3F7A]  }
0x1a: {  	s8 =	sadd.s32 $0xFFFFE003, lr  }
0x1b: {  	s9 =	sadd.s32 $0xFFFFFEF7, lr;
	s5 =	simm.s32 $0xFFFFFFFF;
	p2 =	slt.u32 s8, $0xFFFFF086  }
0x1c: {  	p1 =	slt.u32 s9, $0xF7A;
	s5 =	simm.s32 @!p2 $0x0  }
0x1d: {  	s5 =	simm.s32 @p1 $0x1;
	p0 =	seq.s32 s7, s2  }
0x1e: {  	s7 =	smul.u32 @!p0 $0xF7A, s2;
	p2 =	seq.s32 @!p0 s5, $0x0  }
0x1f: {  	s9 =	smul.u32 $0xF7A, s1;
	s8 =	simm.s32 @!p0 $0x1BF5;
	p2 =	por !p2, p0  }
0x20: {  	[sflag:s8] =	ssyncset.s32 @!p0 $0xFFFFF086;
	s6 =	sadd.s32 @!p0 s3, s7;
	s7 =	simm.s32 @!p0 $0x108  }
0x21: {  	s3 =	sadd.s32 s3, s9;
	s6 =	sadd.s32 @!p0 $0x88, s6;
	s7 =	simm.s32 @p2 $0x1082  }
0x22: {  	[simem:s7], [sflag:s8] =	dma.local @!p0 [hbm:s6], $0xF7A  }
0x23: {  	s9 =	sor.u32 $0xD0000000, s2;
	s6 =	simm.s32 $0x108;
	_ =	swait.ge @!p0 [sflag:s8], $0x0  }
0x24: {  	s3 =	sadd.s32 $0x88, s3;
	s6 =	simm.s32 @!p1 $0x1082;
	[sflag:s4] =	ssyncset.s32 $0xFFFFF086  }
0x25: {  	[simem:s6], [sflag:s4] =	dma.local [hbm:s3], $0xF7A  }
0x26: {  	[smem:$0x3F7A] =	sst s1;
	(tag) =	ssettag s2;
	_ =	strace s9  }
0x27: {  	s1 =	sld [smem:$0x3F8A]  }
0x28: {  	s2 =	sld [smem:$0x3F8B]  }
0x29: {  	s4 =	sld [smem:$0x3F8D]  }
0x2a: {  	p0 =	seq.s32 s5, $0x0;
	s5 =	sld [smem:$0x3F8E]  }
0x2b: {  	s6 =	sld [smem:$0x3F8F]  }
0x2c: {  	s7 =	sld [smem:$0x3F90]  }
0x2d: {  	s3 =	simm.s32 $0x108;
	s8 =	sld [smem:$0x3F91]  }
0x2e: {  	s3 =	simm.s32 @!p0 $0x1082;
	s9 =	sld [smem:$0x3F92]  }
0x2f: {  	lr =	sadd.s32 s0, s3;
	s0 =	sld [smem:$0x3F89]  }
0x30: {  	s3 =	sld [smem:$0x3F8C]  }
0x31: {  	[smem:$0x3F95] =	sst s10  }
0x32: {  	s10 =	sld [smem:$0x3F93];
	_ =	sdelay $0x3  }
0x33: {  	p0 =	seq.s32 s10, $0x1;
	s10 =	sld [smem:$0x3F95];
	_ =	sdelay $0x3  }
0x34: {  	[smem:$0x3F95] =	sst s10  }
0x35: {  	s10 =	sld [smem:$0x3F94];
	_ =	sdelay $0x3  }
0x36: {  	p1 =	seq.s32 s10, $0x1;
	s10 =	sld [smem:$0x3F95];
	_ =	sdelay $0x3  }
0x37: {  	[smem:$0x3F95] =	sst s10  }
0x38: {  	s10 =	sld [smem:$0x3F96]  }
0x39: {  	_ = 	snop;
	(pc) =	sbr.ind lr, $3  }
0x3a: {  	_ = 	snop  }
0x3b: {  	_ = 	snop  }
0x3c: {  	p2 =	seq.s32 s10, $0x1;
	s10 =	sld [smem:$0x3F95]  }
0x3d: {  	_ =	shalt  }
0x3e: {  	_ =	shalt  }
0x3f: {  	_ =	shalt  }
0x40: {  	_ =	shalt  }
0x41: {  	_ =	shalt  }
0x42: {  	_ =	shalt  }
0x43: {  	_ =	shalt  }
0x44: {  	_ =	shalt  }
0x45: {  	_ =	shalt  }
0x46: {  	_ =	shalt  }
0x47: {  	_ =	shalt  }
0x48: {  	_ =	shalt  }
0x49: {  	_ =	shalt  }
0x4a: {  	_ =	shalt  }
0x4b: {  	_ =	shalt  }
0x4c: {  	_ =	shalt  }
0x4d: {  	_ =	shalt  }
0x4e: {  	_ =	shalt  }
0x4f: {  	_ =	shalt  }
0x50: {  	_ =	shalt  }
0x51: {  	_ =	shalt  }
0x52: {  	_ =	shalt  }
0x53: {  	_ =	shalt  }
0x54: {  	_ =	shalt  }
0x55: {  	_ =	shalt  }
0x56: {  	_ =	shalt  }
0x57: {  	_ =	shalt  }
0x58: {  	_ =	shalt  }
0x59: {  	_ =	shalt  }
0x5a: {  	_ =	shalt  }
0x5b: {  	_ =	shalt  }
0x5c: {  	_ =	shalt  }
0x5d: {  	_ =	shalt  }
0x5e: {  	_ =	shalt  }
0x5f: {  	_ =	shalt  }
0x60: {  	_ =	shalt  }
0x61: {  	_ =	shalt  }
0x62: {  	_ =	shalt  }
0x63: {  	_ =	shalt  }
0x64: {  	_ =	shalt  }
0x65: {  	_ =	shalt  }
0x66: {  	_ =	shalt  }
0x67: {  	_ =	shalt  }
0x68: {  	_ =	shalt  }
0x69: {  	_ =	shalt  }
0x6a: {  	_ =	shalt  }
0x6b: {  	_ =	shalt  }
0x6c: {  	_ =	shalt  }
0x6d: {  	_ =	shalt  }
0x6e: {  	_ =	shalt  }
0x6f: {  	_ =	shalt  }
0x70: {  	_ =	shalt  }
0x71: {  	_ =	shalt  }
0x72: {  	_ =	shalt  }
0x73: {  	_ =	shalt  }
0x74: {  	_ =	shalt  }
0x75: {  	_ =	shalt  }
0x76: {  	_ =	shalt  }
0x77: {  	_ =	shalt  }
0x78: {  	_ =	shalt  }
0x79: {  	_ =	shalt  }
0x7a: {  	_ =	shalt  }
0x7b: {  	_ =	shalt  }
0x7c: {  	_ =	shalt  }
0x7d: {  	_ =	shalt  }
0x7e: {  	_ =	shalt  }
0x7f: {  	_ =	shalt  }
0x80: {  	_ =	shalt  }
0x81: {  	_ =	shalt  }
0x82: {  	_ =	shalt  }
0x83: {  	_ =	shalt  }
0x84: {  	_ =	shalt  }
0x85: {  	_ =	shalt  }
0x86: {  	_ =	shalt  }
0x87: {  	_ =	shalt  }
.Lfunc_end0:
.L_simem_size_0:
called_computation_lowered:
.L_overlay_start_0:
0x88: {  	s2 =	sld [smem:$0x3FD9]  }
0x89: {  	s3 =	sld [smem:$0x3FFE];
	_ =	sdelay $0x1  }
0x8a: {  	s1 =	srdreg.scid  }
0x8b: {  	s0 =	sand.u32 $0x1, s1  }
0x8c: {  	s15 =	sshll.u32 s0, $0xA;
	s2 =	sadd.s32 s3, s2  }
0x8d: {  	s2 =	sadd.s32 s2, s15  }
0x8e: {  	[smem:$0x3FA1] =	sst s2  }
0x8f: {  	_ = 	snop  }
0x90: {  	(tm) =	ssettm $0x1  }
0x91: {  	s16 =	sld [smem:$0x3FFB];
	_ =	sdelay $0x3  }
0x92: {  	_ =	strace s16  }
0x93: {  	s2 =	sld [smem:$0x3FFC];
	_ =	sdelay $0x3  }
0x94: {  	_ =	strace s2  }
0x95: {  	s2 =	sld [smem:$0x3FFD];
	_ =	sdelay $0x3  }
0x96: {  	_ =	strace s2  }
0x97: {  	_ =	strace $0x8FFFFFFF  }
0x98: {  	s17 =	sld [smem:$0x3FDB];
	_ =	sdelay $0x1  }
0x99: {  	s18 =	simm.s32 $_scs_section_size  }
0x9a: {  	s4 =	simm.s32 $_size__tile_overlayer_lowered;
	s5 =	simm.s32 $_tile_overlayer_lowered  }
0x9b: {  	s21 =	simm.s32 $0x1BFF;
	s20 =	sshll.u32 s5, $0x1;
	s2 =	sadd.s32 s18, s17  }
0x9c: {  	s6 =	simm.s32 $0x0;
	s19 =	sshll.u32 s4, $0x1;
	s4 =	sadd.s32 s20, s2  }
0x9d: {  	[timem:s6], [sflag:s21] =	dma.local [hbm:s4], s19  }
0x9e: {  	_ =	swait.ge [sflag:s21], s19  }
0x9f: {  	s3 =	ssub.s32 $0x0, s19;
	[sflag:s21] =	ssyncset.done $0x0  }
0xa0: {  	[sflag:s21] =	ssyncadd.s32 s3;
	_ =	sdelay $0x1  }
0xa1: {  	s22 =	simm.s32 $0x1B8B  }
0xa2: {  	_ =	swait.ge [sflag:s22], $0x1  }
0xa3: {  	[sflag:s22] =	ssyncset.done $0x0  }
0xa4: {  	s23 =	sld [smem:$0x3FFE];
	[sflag:s22] =	ssyncadd.s32 $0xFFFFFFFF  }
0xa5: {  	s25 =	simm.s32 $0x1B8E;
	s24 =	sld [smem:$0x0]  }
0xa6: {  	s26 =	simm.s32 $execute0_lowered;
	[smem:$0x3FD2] =	sst s25  }
0xa7: {  	s5 =	sshll.u32 s26, $0x1;
	_ =	strace $0x80000046;
	[dreg:$0x1] =	wrdreg $0xFFFFFFFF  }
0xa8: {  	s28 =	simm.s32 $_size_execute0_lowered;
	s2 =	sadd.s32 s2, s5;
	[dreg:$0x0] =	wrdreg $0x0  }
0xa9: {  	s5 =	sshll.u32 s28, $0x1;
	[dreg:$0x2] =	wrdreg s2  }
0xaa: {  	[dreg:$0x3] =	wrdreg s5  }
0xab: {  	[dreg:$0x4] =	wrdreg $0xC0  }
0xac: {  	_ =	task [dreg:s6], $0x5FFFF  }
0xad: {  	[dreg:$0x1] =	wrdreg $0xFFFFFFFF  }
0xae: {  	[dreg:$0x0] =	wrdreg $0x60  }
0xaf: {  	[dreg:$0x2] =	wrdreg s23  }
0xb0: {  	[dreg:$0x3] =	wrdreg s1  }
0xb1: {  	[dreg:$0x4] =	wrdreg s24  }
0xb2: {  	[dreg:$0x5] =	wrdreg $0x9  }
0xb3: {  	_ =	task.clear_ibuf [dreg:s6], $0x6FFFF;
	_ =	strace $0x90000046  }
0xb4: {  	s29 =	simm.s32 $0x9;
	_ =	strace $0x80000048  }
0xb5: {  	_ =	swait.ge [sflag:s29], $0x1  }
0xb6: {  	[sflag:s29] =	ssyncadd.s32 $0xFFFFFFFF  }
0xb7: {  	_ =	strace $0x90000048  }
0xb8: {  	_ =	sfence  }
0xb9: {  	s30 =	sld [smem:$0x0];
	_ =	sdelay $0x2  }
0xba: {  	s31 =	sshll.u32 s1, $0xD;
	s1 =	sshrl.u32 s1, $0x2  }
0xbb: {  	s3 =	sand.u32 $0x4000, s31;
	s1 =	sadd.s32 s1, s30  }
0xbc: {  	s0 =	sor.u32 s3, s0;
	s1 =	sshll.u32 s1, $0x11  }
0xbd: {  	s0 =	sor.u32 s1, s0  }
0xbe: {  	s0 =	sadd.s32 $0x8F2B, s0  }
0xbf: {  	[sflag:s0] =	ssyncadd.remote.s32 $0x1  }
0xc0: {  	_ =	sfence.sel $0xFFFF  }
0xc1: {  	[dreg:$0x0] =	wrdreg $0xFFFFFFFF;
	(pc) =	sbr.abs _section_cstart, $3  }
0xc2: {  	[dreg:$0x1] =	wrdreg $0xFFFFFFFF  }
0xc3: {  	_ =	task.clear_ibuf [dreg:s6], $0x2FFFF;
	_ =	strace $0x9FFFFFFF  }
0xc4: {  	(tm) =	ssettm $0x7FFFFFFF  }
0xc5: {  	_ =	shalt  }
tec
execute0_lowered:
.L_overlay_start_1:
0x0: {  	(tag) =	ssettag $0x1  }
0x1: {  	s2 =	rddreg [dreg:$0x0]  }
0x2: {  	s3 =	rddreg [dreg:$0x1];
	_ =	strace $0x80000047;
	s0 =	simm.s32 $0x1  }
0x3: {  	s5 =	simm.s32 $0x208;
	v0 =	vimm.s32 $0x0;
	[sflag:s0] =	ssyncpa.u1 $0x0  }
0x4: {  	[tilespmem:s5+$0x70] =	vst v0  }
0x5: {  	[tilespmem:s5+$0x60] =	vst v0  }
0x6: {  	[tilespmem:s5+$0x50] =	vst v0  }
0x7: {  	[tilespmem:s5+$0x40] =	vst v0  }
0x8: {  	[tilespmem:s5+$0x30] =	vst v0  }
0x9: {  	s1 =	sadd.s32 $0x4A00, s2;
	s0 =	sadd.s32 $0x52C00, s2;
	s6 =	sadd.s32 $0x5E000, s2;
	[tilespmem:s5+$0x20] =	vst v0  }
0xa: {  	s4 =	sadd.s32 $0x540000, s2;
	s10 =	sand.u32 $0x1, s3;
	s2 =	simm.s32 $0x40;
	[tilespmem:s5+$0x10] =	vst v0  }
.LBB2_1:
0xb: {  	s2 =	sadd.s32 $0x40, s2;
	[tilespmem:s5+$0x0] =	vst v0;
	s5 =	sadd.s32 $0x80, s5  }
0xc: {  	p0 =	slt.u32 s2, $0x3880;
	[tilespmem:s5+$0x70] =	vst v0  }
0xd: {  	[tilespmem:s5+$0x60] =	vst v0  }
.Ltmp0:
0xe: {  	[tilespmem:s5+$0x50] =	vst v0;
	(pc) =	sbr.rel @p0 .LBB2_1-.Ltmp0, $4  }
0xf: {  	[tilespmem:s5+$0x40] =	vst v0  }
0x10: {  	[tilespmem:s5+$0x30] =	vst v0  }
0x11: {  	[tilespmem:s5+$0x20] =	vst v0  }
0x12: {  	[tilespmem:s5+$0x10] =	vst v0  }
0x13: {  	s11 =	stileid.u32  }
0x14: {  	s2 =	smul.u32 $0x2C, s11  }
0x15: {  	s3 =	smin.u32 s11, $0xB  }
0x16: {  	s2 =	sadd.s32 s3, s2  }
0x17: {  	p0 =	slt.u32 s11, $0xB;
	s20 =	smul.u32 $0x70, s2;
	s2 =	simm.s32 $0x13B0  }
0x18: {  	s2 =	simm.s32 @!p0 $0x1340  }
0x19: {  	s2 =	sadd.s32 s2, s20  }
0x1a: {  	s8 =	smin.u32 s2, $0x13880  }
0x1b: {  	s26 =	simm.s32 $0x2;
	s2 =	ssub.s32 s8, s20  }
0x1c: {  	s9 =	simm.s32 $0x9;
	s29 =	simm.s32 $0xA;
	p0 =	sgt.s32 s2, $0x0  }
0x1d: {  	s30 =	simm.s32 $0xB;
	s31 =	smul.u32 $0x2710, s10;
	s2 =	simm.s32 @!p0 $0x0  }
0x1e: {  	[dreg:$0x4] =	wrdreg s10;
	s12 =	simm.s32 $0x1;
	s25 =	smulhi.u32 $0x92492493, s2  }
0x1f: {  	s24 =	simm.s32 $0x0;
	p1 =	por $0x0, $0x0;
	s18 =	simm.s32 $0x80  }
0x20: {  	s19 =	simm.s32 $0x400;
	s17 =	simm.s32 $0xC;
	s3 =	sshrl.u32 s25, $0x6  }
0x21: {  	s21 =	simm.s32 $0x0;
	s23 =	simm.s32 $0x0;
	s28 =	smul.u32 $0x70, s3  }
.Ltmp1:
0x22: {  	[tilespmem:s5+$0x0] =	vst v0;
	v0 =	vimm.s32 $0xFFFFFFFF;
	[sflag:s26] =	ssyncpa.u1 $0x0;
	s16 =	sshll.u32 s11, $0x9;
	(pc) =	sbr.rel .LBB2_3-.Ltmp1, $4  }
0x23: {  	[tilespmem:$0xE408] =	vst v0;
	[sflag:s9] =	ssyncpa.u1 $0x0;
	p0 =	sne.s32 s2, s28;
	s2 =	simm.s32 $0x1  }
0x24: {  	s14 =	sadd.s32 s31, s4;
	[sflag:s29] =	ssyncpa.u1 $0x0;
	s2 =	simm.s32 @!p0 $0x0  }
0x25: {  	s15 =	sadd.s32 s31, s0;
	[sflag:s30] =	ssyncpa.u1 $0x0;
	s13 =	sadd.s32 s2, s3  }
0x26: {  	v0 =	vlaneseq.u32;
	s22 =	smov.u32 s20;
	p0 =	por $0x1, $0x1;
	s11 =	sadd.s32 $0x1, s13  }
.LBB2_24:
0x27: {  	s2 =	sshrl.u32 s4, $0x2  }
.LBB2_26:
0x28: {  	_ =	swait.ge [sflag:s17], s2  }
0x29: {  	s31 =	ssub.s32 $0x0, s2;
	v1 =	vmov s26;
	vm0 =	veq.s32 v0, $0x0;
	[sflag:s17] =	ssyncset.done $0x0  }
0x2a: {  	vm15 =	veq.s32 v0, $0x2;
	v1 =	vsel vm0, s0, v1;
	[sflag:s17] =	ssyncadd.s32 s31  }
0x2b: {  	v1 =	vsel vm15, s24, v1;
	[sflag:s17] =	ssyncpa.u1 $0x1  }
0x2c: {  	[tilespmem:$0xE408] =	vst v1  }
.LBB2_27:
0x2d: {  	s0 =	sadd.s32 $0x70, s22  }
0x2e: {  	s2 =	smov.u32 s20;
	p2 =	slt.s32 s0, s8  }
0x2f: {  	s2 =	smov.u32 @p2 s0;
	p2 =	sne.s32 s23, s11  }
.Ltmp2:
0x30: {  	_ = 	snop;
	(pc) =	sbr.rel @!p2 .LBB2_28-.Ltmp2, $4  }
0x31: {  	_ = 	snop  }
0x32: {  	s24 =	smov.u32 s21  }
0x33: {  	s31 =	sadd.s32 $0x1, s23;
	s21 =	smov.u32 s22;
	p0 =	por !p0, !p0  }
0x34: {  	p1 =	por !p1, !p1;
	s23 =	smov.u32 s31;
	s22 =	smov.u32 s2  }
.LBB2_3:
0x35: {  	p2 =	sge.u32 s23, s13  }
0x36: {  	s0 =	smulhi.u32 @!p2 $0xAAAAAAAB, s23  }
0x37: {  	s2 =	smov.u32 s22;
	p3 =	sgt.s32 @!p2 s22, $0x13810  }
0x38: {  	s3 =	sshra.s32 @!p2 s22, $0x1F;
	p3 =	por !p3, p2;
	s0 =	sshrl.u32 @!p2 s0, $0x1  }
0x39: {  	s3 =	sand.u32 @!p2 s3, s22;
	s2 =	simm.s32 @p3 $0x13810;
	s0 =	smul.u32 @!p2 $0x3, s0  }
0x3a: {  	s2 =	ssub.s32 @!p2 s2, s3  }
0x3b: {  	s2 =	sadd.s32 @!p2 $0xFFFEC7F0, s2;
	s0 =	ssub.s32 @!p2 s23, s0  }
0x3c: {  	s3 =	sshll.u32 @!p2 s2, $0x2;
	p3 =	sgt.s32 @!p2 s2, $0x6F;
	s0 =	smul.u32 @!p2 $0x1C0, s0  }
0x3d: {  	s4 =	sand.u32 @!p2 $0x7, s22;
	s2 =	ssub.s32 @!p2 $0x1C0, s3;
	p3 =	por !p3, p2  }
0x3e: {  	s3 =	sshrl.u32 @!p2 s22, $0x3;
	s2 =	sshrl.u32 @!p2 s2, $0x2;
	s0 =	sshrl.u32 @!p2 s0, $0x2  }
0x3f: {  	s3 =	sadd.s32 @!p2 s3, s14;
	s2 =	simm.s32 @!p3 $0x0;
	s0 =	sadd.s32 @!p2 $0x10448, s0  }
0x40: {  	[tilespmem:s0], [sflag:$0xA] =	stream.linear.gather @!p2 [hbm4b:s3+s4], s2, $0x38;
	[tilespmem:$0x1E678] =	vst v63  }
0x41: {  	s2 =	sadd.s32 $0xFFFFFFFF, s23  }
0x42: {  	p2 =	sge.u32 s2, s13  }
0x43: {  	p3 =	sgt.s32 @!p2 s21, $0x13810  }
0x44: {  	s0 =	smov.u32 s21;
	s3 =	sshra.s32 @!p2 s21, $0x1F;
	p3 =	por !p3, p2  }
0x45: {  	s3 =	sand.u32 @!p2 s3, s21;
	s0 =	simm.s32 @p3 $0x13810  }
0x46: {  	s0 =	ssub.s32 @!p2 s0, s3  }
0x47: {  	s0 =	sadd.s32 @!p2 $0xFFFEC7F0, s0  }
0x48: {  	s3 =	sshll.u32 @!p2 s0, $0x2  }
0x49: {  	p3 =	sgt.s32 @!p2 s0, $0x6F;
	s0 =	ssub.s32 @!p2 $0x1C0, s3  }
0x4a: {  	p3 =	por !p3, p2;
	s0 =	sshrl.u32 @!p2 s0, $0x2  }
0x4b: {  	s4 =	simm.s32 @!p2 $0xA;
	s3 =	sand.u32 @!p2 $0x1, s2;
	s0 =	simm.s32 @!p3 $0x0  }
0x4c: {  	s3 =	smul.u32 @!p2 $0x1C0, s3;
	_ =	swait.ge @!p2 [sflag:s4], s0  }
0x4d: {  	s5 =	ssub.s32 @!p2 $0x0, s0;
	[sflag:s4] =	ssyncset.done @!p2 $0x0  }
0x4e: {  	s3 =	sshrl.u32 @!p2 s3, $0x2;
	[sflag:s4] =	ssyncadd.s32 @!p2 s5;
	s4 =	sshrl.u32 @!p2 s21, $0x3  }
0x4f: {  	s3 =	sadd.s32 @!p2 $0x10598, s3;
	s5 =	sand.u32 @!p2 $0x7, s21;
	s4 =	sadd.s32 @!p2 s4, s15  }
0x50: {  	[tilespmem:s3], [sflag:$0xB] =	stream.linear.gather @!p2 [hbm4b:s4+s5], s0, $0x38;
	[tilespmem:$0x1E678] =	vst v63  }
0x51: {  	s0 =	ssub.s32 @!p2 $0x13880, s21  }
0x52: {  	p3 =	slt.s32 @!p2 s0, $0x1  }
0x53: {  	p3 =	por p2, p3  }
.Ltmp3:
0x54: {  	_ = 	snop;
	(pc) =	sbr.rel @p3 .LBB2_9-.Ltmp3, $1  }
0x55: {  	_ =	sdelay $0x3  }
0x56: {  	s3 =	smulhi.u32 $0xAAAAAAAB, s2;
	_ =	sdelay $0x1  }
0x57: {  	s3 =	sshrl.u32 s3, $0x1  }
0x58: {  	s3 =	smul.u32 $0x3, s3;
	_ =	sdelay $0x1  }
0x59: {  	s30 =	ssub.s32 s2, s3  }
0x5a: {  	s4 =	simm.s32 $0x1;
	s2 =	smul.u32 $0x1C0, s30  }
.Ltmp4:
0x5b: {  	s4 =	simm.s32 @!p0 $0x0;
	(pc) =	sbr.rel .LBB2_6-.Ltmp4, $4  }
0x5c: {  	s31 =	smul.u32 $0x1C000, s4  }
0x5d: {  	p3 =	slt.s32 @!p2 s0, $0x70;
	s2 =	sshrl.u32 s2, $0x2  }
0x5e: {  	p2 =	por !p3, p2;
	s3 =	sshrl.u32 s31, $0x2;
	s5 =	sadd.s32 $0x10448, s2  }
0x5f: {  	s0 =	simm.s32 @p2 $0x70;
	s4 =	sor.u32 $0x10678, s3;
	s2 =	simm.s32 $0x0;
	v1 =	vmov s5  }
.LBB2_5:
0x60: {  	p2 =	sge.s32 s2, s0  }
.Ltmp5:
0x61: {  	_ = 	snop;
	(pc) =	sbr.rel @p2 .LBB2_9-.Ltmp5, $2  }
0x62: {  	_ =	sdelay $0x2  }
0x63: {  	s4 =	sadd.s32 $0x1000, s4  }
.LBB2_6:
0x64: {  	p2 =	sle.s32 s0, s2  }
.Ltmp6:
0x65: {  	_ = 	snop;
	(pc) =	sbr.rel @p2 .LBB2_5-.Ltmp6, $2  }
0x66: {  	_ =	sdelay $0x2  }
0x67: {  	s5 =	smov.u32 s2;
	s2 =	sadd.s32 $0x10, s2  }
0x68: {  	s3 =	ssub.s32 s0, s5  }
0x69: {  	p2 =	slt.s32 s3, $0x10  }
0x6a: {  	s3 =	simm.s32 @!p2 $0x10  }
0x6b: {  	v2 =	vmov s3  }
0x6c: {  	vm0 =	vgt.s32 v2, v0;
	_ =	sdelay $0x5  }
0x6d: {  	v2 =	vld.idx.msk [tilespmem:v1+s5+$0x0 ss:$0x1], vm0;
	_ =	sdelay $0x2  }
0x6e: {  	p2 =	slt.s32 s2, s0;
	s3 =	smov.u32 s0  }
0x6f: {  	s9 =	smov.u32 s4;
	s25 =	simm.s32 $0x0;
	s3 =	smov.u32 @p2 s2  }
.LBB2_8:
0x70: {  	(v2sf) =	vpush v2, s25;
	_ =	sdelay $0xe  }
0x71: {  	s25 =	sadd.s32 $0x1, s25;
	s10 =	spop (v2sf)  }
0x72: {  	s31 =	sadd.s32 s25, s5;
	s26 =	sshll.u32 s10, $0x8;
	s10 =	sshll.u32 s10, $0x7  }
0x73: {  	p2 =	slt.s32 s31, s3;
	s26 =	sand.u32 $0xFFFFF800, s26;
	s10 =	sand.u32 $0x380, s10  }
.Ltmp7:
0x74: {  	s10 =	sor.u32 s10, s26;
	(pc) =	sbr.rel @p2 .LBB2_8-.Ltmp7, $4  }
0x75: {  	s10 =	sshrl.u32 s10, $0x3  }
0x76: {  	s10 =	sadd.s32 s6, s10  }
0x77: {  	[tilespmem:s9], [sflag:$0x9] =	stream.strided.gather [hbm4b:s10+s18], $0x100, s19, s18, $0x38;
	[tilespmem:$0x1E678] =	vst v63  }
0x78: {  	s9 =	sadd.s32 $0x100, s9  }
.Ltmp8:
0x79: {  	_ = 	snop;
	(pc) =	sbr.rel .LBB2_5-.Ltmp8, $1  }
0x7a: {  	_ =	sdelay $0x3  }
.LBB2_9:
0x7b: {  	p2 =	slt.u32 s23, $0x2  }
.Ltmp9:
0x7c: {  	_ = 	snop;
	(pc) =	sbr.rel @p2 .LBB2_27-.Ltmp9, $1  }
0x7d: {  	_ =	sdelay $0x3  }
0x7e: {  	p2 =	sgt.s32 s24, $0x13810  }
0x7f: {  	s0 =	smov.u32 s24;
	s2 =	sshra.s32 s24, $0x1F;
	s3 =	ssub.s32 $0x13880, s24  }
0x80: {  	s0 =	simm.s32 @!p2 $0x13810;
	s2 =	sand.u32 s2, s24;
	p2 =	slt.s32 s3, $0x70  }
0x81: {  	s0 =	ssub.s32 s0, s2;
	s3 =	simm.s32 @!p2 $0x70  }
0x82: {  	s0 =	sadd.s32 $0xFFFEC7F0, s0;
	s9 =	sshll.u32 s3, $0x8  }
0x83: {  	s26 =	simm.s32 $0x9;
	s10 =	sshll.u32 s0, $0x2;
	s2 =	sand.u32 $0x3FFFFF00, s9  }
0x84: {  	p2 =	sgt.s32 s0, $0x6F;
	s25 =	ssub.s32 $0x1C0, s10;
	_ =	swait.ge [sflag:s26], s2  }
0x85: {  	s2 =	ssub.s32 $0x0, s2;
	[sflag:s26] =	ssyncset.done $0x0;
	s0 =	sshrl.u32 s25, $0x2  }
0x86: {  	s29 =	simm.s32 $0xB;
	[sflag:s26] =	ssyncadd.s32 s2;
	s0 =	simm.s32 @p2 $0x0  }
0x87: {  	_ =	swait.ge [sflag:s29], s0  }
0x88: {  	s0 =	ssub.s32 $0x0, s0;
	[sflag:s29] =	ssyncset.done $0x0  }
0x89: {  	[sflag:s29] =	ssyncadd.s32 s0  }
0x8a: {  	v1 =	vld [tilespmem:$0xE408];
	_ =	sdelay $0x4  }
0x8b: {  	(v2sf) =	vpush v1, $0x0  }
0x8c: {  	(v2sf) =	vpush v1, $0x1  }
0x8d: {  	(v2sf) =	vpush v1, $0x2;
	_ =	sdelay $0x3  }
0x8e: {  	s0 =	sadd.s32 $0x70, s24  }
0x8f: {  	s2 =	ssub.s32 $0x27100, s24;
	p2 =	slt.s32 s8, s0  }
0x90: {  	s0 =	smov.u32 @p2 s8;
	p2 =	sgt.s32 s2, $0x0  }
0x91: {  	s0 =	ssub.s32 s0, s24;
	s2 =	simm.s32 @!p2 $0x0  }
0x92: {  	p2 =	slt.s32 s2, s0  }
0x93: {  	s0 =	smov.u32 @p2 s2  }
0x94: {  	s4 =	simm.s32 $0x1;
	p2 =	slt.s32 s0, $0x1  }
.Ltmp10:
0x95: {  	s4 =	simm.s32 @!p1 $0x0;
	(pc) =	sbr.rel @p2 .LBB2_14-.Ltmp10, $4  }
0x96: {  	s30 =	smul.u32 $0x1C0, s4  }
0x97: {  	s5 =	spop (v2sf)  }
0x98: {  	s31 =	sshrl.u32 s30, $0x2;
	s28 =	spop (v2sf)  }
0x99: {  	s25 =	sadd.s32 $0x10598, s31;
	s24 =	spop (v2sf)  }
0x9a: {  	s2 =	smin.u32 s0, $0x10  }
0x9b: {  	v1 =	vmov s2  }
0x9c: {  	vm1 =	vgt.u32 v1, v0  }
0x9d: {  	p3 =	sgt.s32 s0, $0x10  }
.Ltmp11:
0x9e: {  	_ = 	snop;
	(pc) =	sbr.rel @!p3 .LBB2_13-.Ltmp11, $2  }
0x9f: {  	_ =	sdelay $0x2  }
0xa0: {  	s26 =	simm.s32 $0x10;
	s29 =	sadd.s32 $0xFFFFFFF0, s0;
	s2 =	smov.u32 s25;
	vm0 =	vmmov vm1;
	v1 =	vld.msk [tilespmem:s25+$0x0 ss:$0x1], vm1  }
.LBB2_12:
0xa1: {  	s3 =	smin.u32 s29, $0x10;
	s26 =	sadd.s32 $0x10, s26  }
0xa2: {  	v2 =	vmov s3;
	p3 =	slt.s32 s26, s0  }
0xa3: {  	vm1 =	vgt.u32 v2, v0;
	_ =	sdelay $0x1  }
0xa4: {  	v2 =	vshll.u32 v1, $0x5;
	v1 =	vshll.u32 v1, $0x4  }
.Ltmp12:
0xa5: {  	v2 =	vand.u32 $0xFFFFFF00, v2;
	v1 =	vand.u32 $0x70, v1;
	(pc) =	sbr.rel @p3 .LBB2_12-.Ltmp12, $4  }
0xa6: {  	v1 =	vor.u32 v1, v2  }
0xa7: {  	[tilespmem:s2+$0x0] =	vst.msk vm0, v1;
	s2 =	sadd.s32 $0x10, s2;
	vm0 =	vmmov vm1  }
0xa8: {  	v1 =	vld.msk [tilespmem:s2+$0x0 ss:$0x1], vm1  }
0xa9: {  	s29 =	sadd.s32 $0xFFFFFFF0, s29  }
.LBB2_13:
0xaa: {  	_ =	sdelay $0x3  }
0xab: {  	v2 =	vshll.u32 v1, $0x5;
	v1 =	vshll.u32 v1, $0x4  }
0xac: {  	v2 =	vand.u32 $0xFFFFFF00, v2;
	v1 =	vand.u32 $0x70, v1  }
0xad: {  	v1 =	vor.u32 v1, v2  }
0xae: {  	[tilespmem:s2+$0x0] =	vst.msk vm0, v1  }
.LBB2_14:
0xaf: {  	s2 =	sand.u32 $0x1, s23  }
0xb0: {  	s2 =	smul.u32 $0x70, s2  }
0xb1: {  	p3 =	sne.s32 s28, $0xFFFFFFFF  }
0xb2: {  	v1 =	vld.msk @!p3 [tilespmem:s2+$0x10598], $0x1;
	_ =	sdelay $0x4  }
0xb3: {  	(v2sf) =	vpush @!p3 v1, $0x0;
	_ =	sdelay $0xc  }
.Ltmp13:
0xb4: {  	_ = 	snop;
	(pc) =	sbr.rel @p2 .LBB2_25-.Ltmp13, $4  }
0xb5: {  	_ = 	snop  }
0xb6: {  	s31 =	spop @!p3 (v2sf)  }
0xb7: {  	s24 =	simm.s32 @!p3 $0x0;
	s26 =	smov.u32 s31  }
0xb8: {  	[sflag:s17] =	ssyncpa.u1 $0x0;
	s31 =	smov.u32 @p3 s5;
	s26 =	smov.u32 @p3 s28  }
0xb9: {  	v1 =	vld.msk [tilespmem:s25+$0x0], $0x1;
	_ =	sdelay $0x4  }
0xba: {  	(v2sf) =	vpush v1, $0x0;
	_ =	sdelay $0xe  }
0xbb: {  	s7 =	smov.u32 s11;
	s5 =	spop (v2sf)  }
0xbc: {  	s17 =	smov.u32 s15;
	s2 =	smul.u32 $0x1C000, s4;
	p2 =	seq.s32 s31, s5  }
0xbd: {  	s3 =	smov.u32 s31;
	s29 =	ssub.s32 $0x0, s0;
	p3 =	sgt.s32 @!p2 s31, $0x0  }
0xbe: {  	s30 =	simm.s32 $0x0;
	s2 =	sshrl.u32 s2, $0x2;
	p3 =	por !p3, p2  }
0xbf: {  	s0 =	sadd.s32 $0x1, s29;
	s28 =	sor.u32 $0x106F8, s2;
	s3 =	simm.s32 @p3 $0x0  }
0xc0: {  	s2 =	simm.s32 @!p2 $0x1;
	p3 =	seq.s32 s0, $0x0;
	s3 =	smin.u32 @!p2 s3, $0x4E170  }
.Ltmp14:
0xc1: {  	s4 =	simm.s32 @!p2 $0x7308;
	s9 =	sand.u32 @!p2 $0x7FFF8, s3;
	(pc) =	sbr.rel @p3 .LBB2_17-.Ltmp14, $4  }
0xc2: {  	s10 =	sadd.s32 @!p2 $0x80, s3;
	s11 =	sadd.s32 @!p2 s1, s9;
	s9 =	sand.u32 @!p2 $0x7, s3  }
0xc3: {  	[tilespmem:s4], [sflag:$0x2] =	stream.linear.gather @!p2 [hbm4b:s11+s9], $0x80, $0x38;
	[tilespmem:$0x1E678] =	vst v63  }
0xc4: {  	s15 =	smov.u32 s14;
	s2 =	smov.u32 @p2 s30;
	s4 =	sand.u32 @!p2 $0xFFFF8, s10  }
0xc5: {  	s3 =	simm.s32 @!p2 $0x7388;
	s10 =	sadd.s32 @!p2 s1, s4;
	s4 =	sadd.s32 $0x1, s25  }
.LBB2_16:
0xc6: {  	s11 =	smov.u32 s2  }
0xc7: {  	[tilespmem:s3], [sflag:$0x2] =	stream.linear.gather @!p2 [hbm4b:s10+s9], $0x80, $0x38;
	[tilespmem:$0x1E678] =	vst v63  }
0xc8: {  	s0 =	sadd.s32 $0x1, s0;
	s9 =	smov.u32 s5;
	v1 =	vld.msk [tilespmem:s4+$0x0], $0x1  }
0xc9: {  	p3 =	seq.s32 s0, $0x0;
	_ =	sdelay $0x3  }
0xca: {  	(v2sf) =	vpush v1, $0x0;
	_ =	sdelay $0xe  }
0xcb: {  	s5 =	spop (v2sf)  }
0xcc: {  	p2 =	seq.s32 s9, s5  }
0xcd: {  	p4 =	sgt.s32 @!p2 s9, $0x0;
	s3 =	sshll.u32 @!p2 s2, $0xA;
	s2 =	sadd.s32 @!p2 $0x1, s2  }
0xce: {  	p4 =	por !p4, p2;
	s3 =	sshra.s32 @!p2 s3, $0x2;
	s2 =	smov.u32 @p2 s11  }
0xcf: {  	s9 =	simm.s32 @p4 $0x0;
	s10 =	sadd.s32 @!p2 $0x7308, s3;
	s3 =	sadd.s32 @!p2 $0x7388, s3  }
.Ltmp15:
0xd0: {  	s9 =	smin.u32 @!p2 s9, $0x4E170;
	(pc) =	sbr.rel @!p3 .LBB2_16-.Ltmp15, $4  }
0xd1: {  	s11 =	sand.u32 @!p2 $0x7FFF8, s9;
	s14 =	sadd.s32 @!p2 $0x80, s9  }
0xd2: {  	s9 =	sand.u32 @!p2 $0x7, s9;
	s11 =	sadd.s32 @!p2 s1, s11;
	s14 =	sand.u32 @!p2 $0xFFFF8, s14  }
0xd3: {  	[tilespmem:s10], [sflag:$0x2] =	stream.linear.gather @!p2 [hbm4b:s11+s9], $0x80, $0x38;
	[tilespmem:$0x1E678] =	vst v63  }
0xd4: {  	s4 =	sadd.s32 $0x1, s4;
	s10 =	sadd.s32 @!p2 s1, s14  }
.LBB2_17:
0xd5: {  	[tilespmem:s3], [sflag:$0x2] =	stream.linear.gather @!p2 [hbm4b:s10+s9], $0x80, $0x38;
	[tilespmem:$0x1E678] =	vst v63  }
0xd6: {  	s0 =	sshll.u32 s2, $0x8  }
.Ltmp16:
0xd7: {  	s14 =	simm.s32 $0x2;
	s0 =	sand.u32 $0x3FFFFF00, s0;
	(pc) =	sbr.rel .LBB2_18-.Ltmp16, $4  }
0xd8: {  	_ =	swait.ge [sflag:s14], s0  }
0xd9: {  	s0 =	ssub.s32 $0x0, s0;
	[sflag:s14] =	ssyncset.done $0x0  }
0xda: {  	s4 =	simm.s32 $0x0;
	s11 =	smov.u32 s7;
	[sflag:s14] =	ssyncadd.s32 s0  }
0xdb: {  	s14 =	smov.u32 s15;
	s15 =	smov.u32 s17;
	s17 =	simm.s32 $0xC  }
.LBB2_19:
0xdc: {  	v1 =	vld [tilespmem:s28+$0xFFFFFF80];
	_ =	sdelay $0x4  }
0xdd: {  	[tilespmem:s5+$0x208] =	vst.add.f32.msk $0xffff, v1  }
0xde: {  	v1 =	vld [tilespmem:s28+$0xFFFFFF90];
	_ =	sdelay $0x4  }
0xdf: {  	[tilespmem:s5+$0x218] =	vst.add.f32.msk $0xffff, v1  }
0xe0: {  	v1 =	vld [tilespmem:s28+$0xFFFFFFA0];
	_ =	sdelay $0x4  }
0xe1: {  	[tilespmem:s5+$0x228] =	vst.add.f32.msk $0xffff, v1  }
0xe2: {  	v1 =	vld [tilespmem:s28+$0xFFFFFFB0];
	_ =	sdelay $0x4  }
0xe3: {  	[tilespmem:s5+$0x238] =	vst.add.f32.msk $0xffff, v1  }
0xe4: {  	v1 =	vld [tilespmem:s28+$0xFFFFFFC0];
	_ =	sdelay $0x4  }
0xe5: {  	[tilespmem:s5+$0x248] =	vst.add.f32.msk $0xffff, v1  }
0xe6: {  	v1 =	vld [tilespmem:s28+$0xFFFFFFD0];
	_ =	sdelay $0x4  }
0xe7: {  	[tilespmem:s5+$0x258] =	vst.add.f32.msk $0xffff, v1  }
0xe8: {  	v1 =	vld [tilespmem:s28+$0xFFFFFFE0];
	_ =	sdelay $0x4  }
0xe9: {  	[tilespmem:s5+$0x268] =	vst.add.f32.msk $0xffff, v1  }
0xea: {  	v1 =	vld [tilespmem:s28+$0xFFFFFFF0];
	_ =	sdelay $0x4  }
0xeb: {  	[tilespmem:s5+$0x278] =	vst.add.f32.msk $0xffff, v1  }
0xec: {  	v1 =	vld [tilespmem:s28+$0x0];
	_ =	sdelay $0x4  }
0xed: {  	[tilespmem:s5+$0x288] =	vst.add.f32.msk $0xffff, v1  }
0xee: {  	v1 =	vld [tilespmem:s28+$0x10];
	_ =	sdelay $0x4  }
0xef: {  	[tilespmem:s5+$0x298] =	vst.add.f32.msk $0xffff, v1  }
0xf0: {  	v1 =	vld [tilespmem:s28+$0x20];
	_ =	sdelay $0x4  }
0xf1: {  	[tilespmem:s5+$0x2A8] =	vst.add.f32.msk $0xffff, v1  }
0xf2: {  	v1 =	vld [tilespmem:s28+$0x30];
	_ =	sdelay $0x4  }
0xf3: {  	[tilespmem:s5+$0x2B8] =	vst.add.f32.msk $0xffff, v1  }
0xf4: {  	v1 =	vld [tilespmem:s28+$0x40];
	_ =	sdelay $0x4  }
0xf5: {  	[tilespmem:s5+$0x2C8] =	vst.add.f32.msk $0xffff, v1  }
0xf6: {  	v1 =	vld [tilespmem:s28+$0x50];
	_ =	sdelay $0x4  }
0xf7: {  	[tilespmem:s5+$0x2D8] =	vst.add.f32.msk $0xffff, v1  }
0xf8: {  	v1 =	vld [tilespmem:s28+$0x60];
	_ =	sdelay $0x4  }
0xf9: {  	[tilespmem:s5+$0x2E8] =	vst.add.f32.msk $0xffff, v1  }
0xfa: {  	v1 =	vld [tilespmem:s28+$0x70];
	_ =	sdelay $0x4  }
0xfb: {  	[tilespmem:s5+$0x2F8] =	vst.add.f32.msk $0xffff, v1  }
.LBB2_23:
0xfc: {  	s29 =	sadd.s32 $0x1, s29  }
0xfd: {  	p2 =	seq.s32 s29, $0x0  }
.Ltmp17:
0xfe: {  	_ = 	snop;
	(pc) =	sbr.rel @p2 .LBB2_24-.Ltmp17, $2  }
0xff: {  	_ =	sdelay $0x2  }
0x100: {  	s25 =	sadd.s32 $0x1, s25;
	s28 =	sadd.s32 $0x100, s28;
	s31 =	smov.u32 s0  }
.LBB2_18:
0x101: {  	v1 =	vld.msk [tilespmem:s25+$0x0], $0x1;
	_ =	sdelay $0x4  }
0x102: {  	(v2sf) =	vpush v1, $0x0;
	_ =	sdelay $0xe  }
0x103: {  	s0 =	spop (v2sf)  }
0x104: {  	p2 =	sne.s32 s31, s0  }
.Ltmp18:
0x105: {  	_ = 	snop;
	(pc) =	sbr.rel @!p2 .LBB2_19-.Ltmp18, $3  }
0x106: {  	_ =	sdelay $0x1  }
0x107: {  	s2 =	sshll.u32 s24, $0xA  }
0x108: {  	s5 =	sshra.s32 s2, $0x2  }
0x109: {  	p2 =	seq.s32 s31, s26  }
.Ltmp19:
0x10a: {  	_ = 	snop;
	(pc) =	sbr.rel @!p2 .LBB2_21-.Ltmp19, $1  }
0x10b: {  	_ =	sdelay $0x3  }
.Ltmp20:
0x10c: {  	s2 =	sadd.s32 $0x208, s5;
	(pc) =	sbr.rel .LBB2_22-.Ltmp20, $4  }
0x10d: {  	[spmem:s16] =	stream.linear.scatter [tilespmem:s2], [sflag:$0x1], $0x100, $0x38;
	[tilespmem:$0x1E678] =	vst v63  }
0x10e: {  	_ =	swait.ge [sflag:s12], $0x100  }
0x10f: {  	[sflag:s12] =	ssyncset.done $0x0  }
0x110: {  	[sflag:s12] =	ssyncadd.s32 $0xFFFFFF00  }
.LBB2_21:
0x111: {  	s2 =	sshll.u32 s30, $0xA  }
0x112: {  	s2 =	sshra.s32 s2, $0x2  }
0x113: {  	v1 =	vld [tilespmem:s2+$0x7308];
	_ =	sdelay $0x4  }
0x114: {  	[tilespmem:s5+$0x208] =	vst.add.f32.msk $0xffff, v1  }
0x115: {  	v1 =	vld [tilespmem:s2+$0x7318];
	_ =	sdelay $0x4  }
0x116: {  	[tilespmem:s5+$0x218] =	vst.add.f32.msk $0xffff, v1  }
0x117: {  	v1 =	vld [tilespmem:s2+$0x7328];
	_ =	sdelay $0x4  }
0x118: {  	[tilespmem:s5+$0x228] =	vst.add.f32.msk $0xffff, v1  }
0x119: {  	v1 =	vld [tilespmem:s2+$0x7338];
	_ =	sdelay $0x4  }
0x11a: {  	[tilespmem:s5+$0x238] =	vst.add.f32.msk $0xffff, v1  }
0x11b: {  	v1 =	vld [tilespmem:s2+$0x7348];
	_ =	sdelay $0x4  }
0x11c: {  	[tilespmem:s5+$0x248] =	vst.add.f32.msk $0xffff, v1  }
0x11d: {  	v1 =	vld [tilespmem:s2+$0x7358];
	_ =	sdelay $0x4  }
0x11e: {  	[tilespmem:s5+$0x258] =	vst.add.f32.msk $0xffff, v1  }
0x11f: {  	v1 =	vld [tilespmem:s2+$0x7368];
	_ =	sdelay $0x4  }
0x120: {  	[tilespmem:s5+$0x268] =	vst.add.f32.msk $0xffff, v1  }
0x121: {  	v1 =	vld [tilespmem:s2+$0x7378];
	_ =	sdelay $0x4  }
0x122: {  	[tilespmem:s5+$0x278] =	vst.add.f32.msk $0xffff, v1  }
0x123: {  	v1 =	vld [tilespmem:s2+$0x7388];
	_ =	sdelay $0x4  }
0x124: {  	[tilespmem:s5+$0x288] =	vst.add.f32.msk $0xffff, v1  }
0x125: {  	v1 =	vld [tilespmem:s2+$0x7398];
	_ =	sdelay $0x4  }
0x126: {  	[tilespmem:s5+$0x298] =	vst.add.f32.msk $0xffff, v1  }
0x127: {  	v1 =	vld [tilespmem:s2+$0x73A8];
	_ =	sdelay $0x4  }
0x128: {  	[tilespmem:s5+$0x2A8] =	vst.add.f32.msk $0xffff, v1  }
0x129: {  	v1 =	vld [tilespmem:s2+$0x73B8];
	_ =	sdelay $0x4  }
0x12a: {  	[tilespmem:s5+$0x2B8] =	vst.add.f32.msk $0xffff, v1  }
0x12b: {  	v1 =	vld [tilespmem:s2+$0x73C8];
	_ =	sdelay $0x4  }
0x12c: {  	[tilespmem:s5+$0x2C8] =	vst.add.f32.msk $0xffff, v1  }
0x12d: {  	v1 =	vld [tilespmem:s2+$0x73D8];
	_ =	sdelay $0x4  }
0x12e: {  	[tilespmem:s5+$0x2D8] =	vst.add.f32.msk $0xffff, v1  }
0x12f: {  	v1 =	vld [tilespmem:s2+$0x73E8];
	_ =	sdelay $0x4  }
0x130: {  	[tilespmem:s5+$0x2E8] =	vst.add.f32.msk $0xffff, v1  }
0x131: {  	v1 =	vld [tilespmem:s2+$0x73F8];
	_ =	sdelay $0x2  }
0x132: {  	p2 =	sgt.u32 s31, $0x4E170  }
0x133: {  	s2 =	sand.u32 @!p2 $0x7FFF8, s31  }
0x134: {  	s3 =	sadd.s32 $0x208, s5;
	s9 =	sand.u32 @!p2 $0x7, s31;
	s2 =	sadd.s32 @!p2 s1, s2;
	[tilespmem:s5+$0x2F8] =	vst.add.f32.msk $0xffff, v1  }
0x135: {  	[hbm4b:s2+s9] =	stream.linear.scatter @!p2 [tilespmem:s3], [sflag:$0xC], $0x80, $0x38;
	[tilespmem:$0x1E678] =	vst v63  }
0x136: {  	s2 =	sadd.s32 @!p2 $0x80, s31  }
0x137: {  	s2 =	sand.u32 @!p2 $0xFFFF8, s2  }
0x138: {  	s3 =	sadd.s32 $0x288, s5;
	s2 =	sadd.s32 @!p2 s1, s2  }
0x139: {  	[hbm4b:s2+s9] =	stream.linear.scatter @!p2 [tilespmem:s3], [sflag:$0xC], $0x80, $0x38;
	[tilespmem:$0x1E678] =	vst v63  }
0x13a: {  	s2 =	simm.s32 $0x0  }
0x13b: {  	s2 =	simm.s32 @!p2 $0x400  }
0x13c: {  	s4 =	sadd.s32 s2, s4  }
.LBB2_22:
0x13d: {  	s2 =	sadd.s32 $0x1, s24  }
0x13e: {  	s3 =	sshrl.u32 s2, $0x4  }
0x13f: {  	s3 =	smulhi.u32 $0x24924925, s3  }
0x140: {  	v1 =	vld [tilespmem:s28+$0xFFFFFF80]  }
0x141: {  	s3 =	smul.u32 $0x70, s3;
	_ =	sdelay $0x1  }
0x142: {  	s24 =	ssub.s32 s2, s3  }
0x143: {  	s2 =	sshll.u32 s24, $0x8  }
0x144: {  	[tilespmem:s2+$0x208] =	vst v1  }
0x145: {  	v1 =	vld [tilespmem:s28+$0xFFFFFF90];
	_ =	sdelay $0x4  }
0x146: {  	[tilespmem:s2+$0x218] =	vst v1  }
0x147: {  	v1 =	vld [tilespmem:s28+$0xFFFFFFA0];
	_ =	sdelay $0x4  }
0x148: {  	[tilespmem:s2+$0x228] =	vst v1  }
0x149: {  	v1 =	vld [tilespmem:s28+$0xFFFFFFB0];
	_ =	sdelay $0x4  }
0x14a: {  	[tilespmem:s2+$0x238] =	vst v1  }
0x14b: {  	v1 =	vld [tilespmem:s28+$0xFFFFFFC0];
	_ =	sdelay $0x4  }
0x14c: {  	[tilespmem:s2+$0x248] =	vst v1  }
0x14d: {  	v1 =	vld [tilespmem:s28+$0xFFFFFFD0];
	_ =	sdelay $0x4  }
0x14e: {  	[tilespmem:s2+$0x258] =	vst v1  }
0x14f: {  	v1 =	vld [tilespmem:s28+$0xFFFFFFE0];
	_ =	sdelay $0x4  }
0x150: {  	[tilespmem:s2+$0x268] =	vst v1  }
0x151: {  	v1 =	vld [tilespmem:s28+$0xFFFFFFF0];
	_ =	sdelay $0x4  }
0x152: {  	[tilespmem:s2+$0x278] =	vst v1  }
0x153: {  	v1 =	vld [tilespmem:s28+$0x0];
	_ =	sdelay $0x4  }
0x154: {  	[tilespmem:s2+$0x288] =	vst v1  }
0x155: {  	v1 =	vld [tilespmem:s28+$0x10];
	_ =	sdelay $0x4  }
0x156: {  	[tilespmem:s2+$0x298] =	vst v1  }
0x157: {  	v1 =	vld [tilespmem:s28+$0x20];
	_ =	sdelay $0x4  }
0x158: {  	[tilespmem:s2+$0x2A8] =	vst v1  }
0x159: {  	v1 =	vld [tilespmem:s28+$0x30];
	_ =	sdelay $0x4  }
0x15a: {  	[tilespmem:s2+$0x2B8] =	vst v1  }
0x15b: {  	v1 =	vld [tilespmem:s28+$0x40];
	_ =	sdelay $0x4  }
0x15c: {  	[tilespmem:s2+$0x2C8] =	vst v1  }
0x15d: {  	v1 =	vld [tilespmem:s28+$0x50];
	_ =	sdelay $0x4  }
0x15e: {  	[tilespmem:s2+$0x2D8] =	vst v1  }
0x15f: {  	v1 =	vld [tilespmem:s28+$0x60];
	_ =	sdelay $0x4  }
0x160: {  	[tilespmem:s2+$0x2E8] =	vst v1  }
0x161: {  	v1 =	vld [tilespmem:s28+$0x70]  }
.Ltmp21:
0x162: {  	_ = 	snop;
	(pc) =	sbr.rel .LBB2_23-.Ltmp21, $2  }
0x163: {  	_ =	sdelay $0x2  }
0x164: {  	s30 =	sadd.s32 $0x1, s30;
	[tilespmem:s2+$0x2F8] =	vst v1  }
.LBB2_25:
.Ltmp22:
0x165: {  	(pc) =	sbr.rel .LBB2_26-.Ltmp22, $4  }
0x166: {  	_ = 	snop  }
0x167: {  	s0 =	simm.s32 $0x2  }
0x168: {  	_ =	swait.ge [sflag:s0], $0x0  }
0x169: {  	s2 =	simm.s32 $0x0;
	[sflag:s0] =	ssyncset.done $0x0;
	s0 =	smov.u32 s31  }
.LBB2_28:
0x16a: {  	_ =	sfence.sel $0x180000  }
0x16b: {  	s0 =	simm.s32 $0x9;
	[bflag:$0x0] =	sbarrier.arrive $0xFFFF  }
0x16c: {  	s24 =	simm.s32 $0xA;
	[sflag:s0] =	ssyncpa.u1 $0x1  }
0x16d: {  	s25 =	simm.s32 $0xB;
	[sflag:s24] =	ssyncpa.u1 $0x1  }
0x16e: {  	s26 =	simm.s32 $0x2;
	[sflag:s25] =	ssyncpa.u1 $0x1  }
0x16f: {  	[sflag:s26] =	ssyncpa.u1 $0x1  }
0x170: {  	v0 =	vld [tilespmem:$0xE408];
	_ =	sdelay $0x4  }
0x171: {  	(v2sf) =	vpush v0, $0x0  }
0x172: {  	(v2sf) =	vpush v0, $0x1;
	_ =	sdelay $0x1  }
0x173: {  	(v2sf) =	vpush v0, $0x2;
	_ =	sdelay $0xb  }
0x174: {  	s0 =	spop (v2sf)  }
0x175: {  	s2 =	spop (v2sf)  }
0x176: {  	s3 =	smov.u32 s0;
	p0 =	sne.s32 s0, s2  }
0x177: {  	s4 =	spop (v2sf);
	s3 =	simm.s32 @!p0 $0xFFFFFFFF  }
0x178: {  	v2 =	vimm.s32 $0x1;
	v3 =	vlaneseq.u32;
	p0 =	seq.s32 s4, $0xFFFFFFFF;
	v1 =	vmov s3  }
0x179: {  	s15 =	stileid.u32;
	v0 =	vperm.xlane v0, v2;
	p1 =	sne.s32 @!p0 s0, s2;
	v1 =	vperm.xlane v1, v3  }
0x17a: {  	vm0 =	vcmask $0x3F04;
	s6 =	simm.s32 $0xE408;
	s0 =	simm.s32 @!p0 $0x1;
	p1 =	por !p1, p0  }
0x17b: {  	s3 =	sshll.u32 s15, $0x1;
	s2 =	sshll.u32 @!p0 s4, $0xA;
	s0 =	simm.s32 @p1 $0x0;
	v0 =	vsel vm0, v1, v0  }
0x17c: {  	s5 =	sor.u32 $0x2000, s3;
	s2 =	sshra.s32 @!p0 s2, $0x2;
	s0 =	sor.u32 @!p0 s0, s3;
	[tilespmem:$0xE408] =	vst v0  }
0x17d: {  	[spmem:s5] =	stream.linear.scatter [tilespmem:s6], [sflag:$0x1], $0x2, $0x38;
	[tilespmem:$0x1E678] =	vst v63  }
0x17e: {  	s2 =	sadd.s32 @!p0 $0x208, s2;
	s0 =	sshll.u32 @!p0 s0, $0x8  }
0x17f: {  	[spmem:s0] =	stream.linear.scatter @!p0 [tilespmem:s2], [sflag:$0x1], $0x100, $0x38;
	[tilespmem:$0x1E678] =	vst v63  }
0x180: {  	s0 =	simm.s32 @!p0 $0x102  }
0x181: {  	s28 =	simm.s32 $0x1;
	s0 =	simm.s32 @p0 $0x2  }
0x182: {  	_ =	swait.ge [sflag:s28], s0  }
0x183: {  	s0 =	ssub.s32 $0x0, s0;
	[sflag:s28] =	ssyncset.done $0x0  }
0x184: {  	p0 =	sne.s32 s15, $0x0;
	[sflag:s28] =	ssyncadd.s32 s0  }
.Ltmp23:
0x185: {  	_ =	sfence.stream.spmem;
	(pc) =	sbr.rel @p0 .LBB2_45-.Ltmp23, $4  }
0x186: {  	s29 =	simm.s32 $0x3;
	[bflag:$0x0] =	sbarrier.arrive $0xFFFF  }
0x187: {  	s30 =	simm.s32 $0x4;
	[sflag:s29] =	ssyncpa.u1 $0x1  }
0x188: {  	s31 =	simm.s32 $0x3C;
	[sflag:s30] =	ssyncpa.u1 $0x1  }
0x189: {  	s14 =	rddreg [dreg:$0x4];
	[sflag:s31] =	ssyncpa.u1 $0x1  }
0x18a: {  	_ =	sfence.stream.spmem;
	s0 =	simm.s32 $0x5  }
0x18b: {  	s2 =	simm.s32 $0x2000;
	s3 =	simm.s32 $0xE418;
	[sflag:s0] =	ssyncpa.u1 $0x0  }
0x18c: {  	[tilespmem:s3], [sflag:$0x5] =	stream.linear.gather [spmem:s2], $0x20, $0x38;
	[tilespmem:$0x1E678] =	vst v63  }
0x18d: {  	s26 =	simm.s32 $0x0;
	s28 =	simm.s32 $0xE438  }
0x18e: {  	[tilespmem:s28], [sflag:$0x5] =	stream.linear.gather [spmem:s26], $0x2000, $0x38;
	[tilespmem:$0x1E678] =	vst v63  }
0x18f: {  	_ =	swait.ge [sflag:s0], $0x2020  }
0x190: {  	[sflag:s0] =	ssyncset.done $0x0  }
0x191: {  	s29 =	simm.s32 $0x0;
	[sflag:s0] =	ssyncadd.s32 $0xFFFFDFE0  }
0x192: {  	v0 =	vld.msk [tilespmem:s29+$0xE418], $0x1;
	_ =	sdelay $0x1  }
0x193: {  	s30 =	simm.s32 $0x1  }
0x194: {  	v1 =	vld.msk [tilespmem:s30+$0xE418], $0x1;
	_ =	sdelay $0x1  }
0x195: {  	(v2sf) =	vpush v0, $0x0;
	_ =	sdelay $0x2  }
0x196: {  	(v2sf) =	vpush v1, $0x0;
	_ =	sdelay $0x2  }
0x197: {  	s31 =	simm.s32 $0x2  }
0x198: {  	v0 =	vld.msk [tilespmem:s31+$0xE418], $0x1;
	_ =	sdelay $0x2  }
0x199: {  	s2 =	simm.s32 $0xFFFFFFFF;
	s3 =	simm.s32 $0xFFFFFFFF;
	s0 =	simm.s32 $0xC  }
.LBB2_30:
0x19a: {  	s4 =	smov.u32 s3;
	s5 =	smov.u32 s2  }
0x19b: {  	s2 =	sshra.s32 s0, $0x2;
	p1 =	sne.s32 s0, $0x7C;
	s0 =	sadd.s32 $0x4, s0;
	(v2sf) =	vpush v0, $0x0  }
0x19c: {  	v0 =	vld.msk [tilespmem:s2+$0xE418], $0x1  }
.Ltmp24:
0x19d: {  	(pc) =	sbr.rel @p1 .LBB2_30-.Ltmp24, $4  }
0x19e: {  	s3 =	spop (v2sf)  }
0x19f: {  	p2 =	sne.s32 s5, $0xFFFFFFFF;
	s2 =	smov.u32 s3  }
0x1a0: {  	p3 =	seq.s32 s3, $0xFFFFFFFF;
	s2 =	smov.u32 @p2 s5  }
0x1a1: {  	s3 =	smov.u32 @p3 s4;
	s2 =	smov.u32 @p3 s5  }
0x1a2: {  	(v2sf) =	vpush v0, $0x0;
	_ =	sdelay $0x8  }
0x1a3: {  	s0 =	spop (v2sf)  }
0x1a4: {  	p1 =	sne.s32 s2, $0xFFFFFFFF;
	s9 =	simm.s32 $0x6;
	s4 =	smov.u32 s0  }
0x1a5: {  	s6 =	simm.s32 $0x0;
	p2 =	seq.s32 s0, $0xFFFFFFFF;
	s4 =	smov.u32 @p1 s2  }
0x1a6: {  	s10 =	simm.s32 $0xE308;
	s4 =	smov.u32 @p2 s2;
	s2 =	spop (v2sf)  }
0x1a7: {  	s0 =	smov.u32 @p2 s3;
	p1 =	sne.s32 s4, $0xFFFFFFFF;
	s5 =	smov.u32 s2  }
.Ltmp25:
0x1a8: {  	p2 =	seq.s32 s2, $0xFFFFFFFF;
	s5 =	smov.u32 @p1 s4;
	(pc) =	sbr.rel .LBB2_32-.Ltmp25, $4  }
0x1a9: {  	s11 =	simm.s32 $0xE388;
	s5 =	smov.u32 @p2 s4;
	s7 =	spop (v2sf)  }
0x1aa: {  	s12 =	simm.s32 $0x0;
	p1 =	sne.s32 s5, $0xFFFFFFFF;
	s8 =	smov.u32 s7  }
0x1ab: {  	s2 =	smov.u32 @p2 s0;
	p2 =	seq.s32 s7, $0xFFFFFFFF;
	s8 =	smov.u32 @p1 s5  }
0x1ac: {  	[sflag:s9] =	ssyncpa.u1 $0x0;
	s7 =	smov.u32 @p2 s2;
	s8 =	smov.u32 @p2 s5  }
.LBB2_38:
0x1ad: {  	p1 =	sgt.u32 s0, $0x4E170  }
0x1ae: {  	p2 =	seq.s32 @!p1 s0, s8  }
0x1af: {  	p1 =	por p1, p2  }
0x1b0: {  	p2 =	sne.s32 @!p1 s0, s7  }
0x1b1: {  	p1 =	por p1, !p2  }
0x1b2: {  	s0 =	sshll.u32 @p1 s12, $0xA  }
0x1b3: {  	s2 =	sand.u32 @!p1 $0x7FFF8, s0;
	s3 =	sand.u32 @!p1 $0x7, s0;
	s0 =	sadd.s32 @!p1 $0x80, s0  }
0x1b4: {  	s2 =	sadd.s32 @!p1 s1, s2;
	s0 =	sand.u32 @!p1 $0xFFFF8, s0  }
0x1b5: {  	[tilespmem:s10], [sflag:$0x6] =	stream.linear.gather @!p1 [hbm4b:s2+s3], $0x80, $0x38;
	[tilespmem:$0x1E678] =	vst v63  }
0x1b6: {  	s0 =	sadd.s32 @!p1 s1, s0  }
0x1b7: {  	[tilespmem:s11], [sflag:$0x6] =	stream.linear.gather @!p1 [hbm4b:s0+s3], $0x80, $0x38;
	[tilespmem:$0x1E678] =	vst v63  }
0x1b8: {  	_ =	swait.ge @!p1 [sflag:s9], $0x100  }
0x1b9: {  	[sflag:s9] =	ssyncset.done @!p1 $0x0  }
0x1ba: {  	[sflag:s9] =	ssyncadd.s32 @!p1 $0xFFFFFF00  }
0x1bb: {  	v1 =	vld @!p1 [tilespmem:$0xE308];
	_ =	sdelay $0x2  }
0x1bc: {  	s0 =	sshll.u32 @!p1 s12, $0xA  }
0x1bd: {  	s2 =	sshrl.u32 @!p1 s0, $0x2  }
0x1be: {  	[tilespmem:s2+$0xE438] =	vst.add.f32.msk @!p1 $0xffff, v1  }
0x1bf: {  	v1 =	vld @!p1 [tilespmem:$0xE318];
	_ =	sdelay $0x4  }
0x1c0: {  	[tilespmem:s2+$0xE448] =	vst.add.f32.msk @!p1 $0xffff, v1  }
0x1c1: {  	v1 =	vld @!p1 [tilespmem:$0xE328];
	_ =	sdelay $0x4  }
0x1c2: {  	[tilespmem:s2+$0xE458] =	vst.add.f32.msk @!p1 $0xffff, v1  }
0x1c3: {  	v1 =	vld @!p1 [tilespmem:$0xE338];
	_ =	sdelay $0x4  }
0x1c4: {  	[tilespmem:s2+$0xE468] =	vst.add.f32.msk @!p1 $0xffff, v1  }
0x1c5: {  	v1 =	vld @!p1 [tilespmem:$0xE348];
	_ =	sdelay $0x4  }
0x1c6: {  	[tilespmem:s2+$0xE478] =	vst.add.f32.msk @!p1 $0xffff, v1  }
0x1c7: {  	v1 =	vld @!p1 [tilespmem:$0xE358];
	_ =	sdelay $0x4  }
0x1c8: {  	[tilespmem:s2+$0xE488] =	vst.add.f32.msk @!p1 $0xffff, v1  }
0x1c9: {  	v1 =	vld @!p1 [tilespmem:$0xE368];
	_ =	sdelay $0x4  }
0x1ca: {  	[tilespmem:s2+$0xE498] =	vst.add.f32.msk @!p1 $0xffff, v1  }
0x1cb: {  	v1 =	vld @!p1 [tilespmem:$0xE378];
	_ =	sdelay $0x4  }
0x1cc: {  	[tilespmem:s2+$0xE4A8] =	vst.add.f32.msk @!p1 $0xffff, v1  }
0x1cd: {  	v1 =	vld @!p1 [tilespmem:$0xE388];
	_ =	sdelay $0x4  }
0x1ce: {  	[tilespmem:s2+$0xE4B8] =	vst.add.f32.msk @!p1 $0xffff, v1  }
0x1cf: {  	v1 =	vld @!p1 [tilespmem:$0xE398];
	_ =	sdelay $0x4  }
0x1d0: {  	[tilespmem:s2+$0xE4C8] =	vst.add.f32.msk @!p1 $0xffff, v1  }
0x1d1: {  	v1 =	vld @!p1 [tilespmem:$0xE3A8];
	_ =	sdelay $0x4  }
0x1d2: {  	[tilespmem:s2+$0xE4D8] =	vst.add.f32.msk @!p1 $0xffff, v1  }
0x1d3: {  	v1 =	vld @!p1 [tilespmem:$0xE3B8];
	_ =	sdelay $0x4  }
0x1d4: {  	[tilespmem:s2+$0xE4E8] =	vst.add.f32.msk @!p1 $0xffff, v1  }
0x1d5: {  	v1 =	vld @!p1 [tilespmem:$0xE3C8];
	_ =	sdelay $0x4  }
0x1d6: {  	[tilespmem:s2+$0xE4F8] =	vst.add.f32.msk @!p1 $0xffff, v1  }
0x1d7: {  	v1 =	vld @!p1 [tilespmem:$0xE3D8];
	_ =	sdelay $0x4  }
0x1d8: {  	[tilespmem:s2+$0xE508] =	vst.add.f32.msk @!p1 $0xffff, v1  }
0x1d9: {  	v1 =	vld @!p1 [tilespmem:$0xE3E8];
	_ =	sdelay $0x4  }
0x1da: {  	[tilespmem:s2+$0xE518] =	vst.add.f32.msk @!p1 $0xffff, v1  }
0x1db: {  	v1 =	vld @!p1 [tilespmem:$0xE3F8];
	_ =	sdelay $0x4  }
0x1dc: {  	[tilespmem:s2+$0xE528] =	vst.add.f32.msk @!p1 $0xffff, v1  }
0x1dd: {  	s0 =	sshrl.u32 s0, $0x2;
	[tilespmem:s6+$0xE418] =	vst.msk $0x1, v0  }
0x1de: {  	v0 =	vld [tilespmem:s0+$0xE438];
	_ =	sdelay $0x2  }
0x1df: {  	s31 =	sshll.u32 s6, $0xA  }
0x1e0: {  	s2 =	sshra.s32 s31, $0x2  }
0x1e1: {  	[tilespmem:s2+$0xE438] =	vst v0  }
0x1e2: {  	v0 =	vld [tilespmem:s0+$0xE448];
	_ =	sdelay $0x4  }
0x1e3: {  	[tilespmem:s2+$0xE448] =	vst v0  }
0x1e4: {  	v0 =	vld [tilespmem:s0+$0xE458];
	_ =	sdelay $0x4  }
0x1e5: {  	[tilespmem:s2+$0xE458] =	vst v0  }
0x1e6: {  	v0 =	vld [tilespmem:s0+$0xE468];
	_ =	sdelay $0x4  }
0x1e7: {  	[tilespmem:s2+$0xE468] =	vst v0  }
0x1e8: {  	v0 =	vld [tilespmem:s0+$0xE478];
	_ =	sdelay $0x4  }
0x1e9: {  	[tilespmem:s2+$0xE478] =	vst v0  }
0x1ea: {  	v0 =	vld [tilespmem:s0+$0xE488];
	_ =	sdelay $0x4  }
0x1eb: {  	[tilespmem:s2+$0xE488] =	vst v0  }
0x1ec: {  	v0 =	vld [tilespmem:s0+$0xE498];
	_ =	sdelay $0x4  }
0x1ed: {  	[tilespmem:s2+$0xE498] =	vst v0  }
0x1ee: {  	v0 =	vld [tilespmem:s0+$0xE4A8];
	_ =	sdelay $0x4  }
0x1ef: {  	[tilespmem:s2+$0xE4A8] =	vst v0  }
0x1f0: {  	v0 =	vld [tilespmem:s0+$0xE4B8];
	_ =	sdelay $0x4  }
0x1f1: {  	[tilespmem:s2+$0xE4B8] =	vst v0  }
0x1f2: {  	v0 =	vld [tilespmem:s0+$0xE4C8];
	_ =	sdelay $0x4  }
0x1f3: {  	[tilespmem:s2+$0xE4C8] =	vst v0  }
0x1f4: {  	v0 =	vld [tilespmem:s0+$0xE4D8];
	_ =	sdelay $0x4  }
0x1f5: {  	[tilespmem:s2+$0xE4D8] =	vst v0  }
0x1f6: {  	v0 =	vld [tilespmem:s0+$0xE4E8];
	_ =	sdelay $0x4  }
0x1f7: {  	[tilespmem:s2+$0xE4E8] =	vst v0  }
0x1f8: {  	v0 =	vld [tilespmem:s0+$0xE4F8];
	_ =	sdelay $0x4  }
0x1f9: {  	[tilespmem:s2+$0xE4F8] =	vst v0  }
0x1fa: {  	v0 =	vld [tilespmem:s0+$0xE508];
	_ =	sdelay $0x4  }
0x1fb: {  	[tilespmem:s2+$0xE508] =	vst v0  }
0x1fc: {  	v0 =	vld [tilespmem:s0+$0xE518];
	_ =	sdelay $0x4  }
0x1fd: {  	[tilespmem:s2+$0xE518] =	vst v0  }
0x1fe: {  	v0 =	vld [tilespmem:s0+$0xE528];
	_ =	sdelay $0x4  }
0x1ff: {  	s6 =	sadd.s32 $0x1, s6;
	[tilespmem:s2+$0xE528] =	vst v0  }
.LBB2_39:
0x200: {  	s12 =	sadd.s32 $0x1, s12  }
0x201: {  	p1 =	sne.s32 s12, $0x20  }
.Ltmp26:
0x202: {  	_ = 	snop;
	(pc) =	sbr.rel @!p1 .LBB2_40-.Ltmp26, $1  }
0x203: {  	_ =	sdelay $0x3  }
.LBB2_32:
0x204: {  	v0 =	vld.msk [tilespmem:s12+$0xE418], $0x1;
	_ =	sdelay $0x4  }
0x205: {  	(v2sf) =	vpush v0, $0x0;
	_ =	sdelay $0xe  }
0x206: {  	s0 =	spop (v2sf)  }
0x207: {  	p1 =	seq.s32 s0, $0xFFFFFFFF  }
.Ltmp27:
0x208: {  	_ = 	snop;
	(pc) =	sbr.rel @p1 .LBB2_39-.Ltmp27, $1  }
0x209: {  	_ =	sdelay $0x3  }
0x20a: {  	p1 =	slt.s32 s6, $0x1  }
.Ltmp28:
0x20b: {  	_ = 	snop;
	(pc) =	sbr.rel @p1 .LBB2_38-.Ltmp28, $1  }
0x20c: {  	_ =	sdelay $0x3  }
0x20d: {  	s4 =	simm.s32 $0xE418;
	p1 =	por $0x0, $0x0  }
0x20e: {  	v1 =	vld.msk @!p1 [tilespmem:s4+$0x0], $0x1;
	_ =	sdelay $0x4  }
0x20f: {  	(v2sf) =	vpush @!p1 v1, $0x0;
	_ =	sdelay $0xd  }
0x210: {  	p3 =	sne.s32 s6, $0x1  }
.Ltmp29:
0x211: {  	s2 =	spop @!p1 (v2sf);
	(pc) =	sbr.rel @!p3 .LBB2_36-.Ltmp29, $4  }
0x212: {  	p2 =	seq.s32 @!p1 s0, s2  }
0x213: {  	s5 =	simm.s32 $0x0;
	p2 =	por !p2, p1  }
0x214: {  	s2 =	simm.s32 $0xFFFFFFFF;
	s5 =	simm.s32 @p2 $0xFFFFFFFF  }
0x215: {  	s13 =	simm.s32 $0x1;
	s5 =	smov.u32 @p1 s2  }
.LBB2_35:
0x216: {  	s2 =	smov.u32 s5;
	p1 =	sne.s32 s5, $0xFFFFFFFF  }
0x217: {  	s4 =	sadd.s32 $0x1, s4;
	s5 =	smov.u32 s13;
	s13 =	sadd.s32 $0x1, s13  }
0x218: {  	p2 =	sne.s32 s6, s13;
	v1 =	vld.msk @!p1 [tilespmem:s4+$0x0], $0x1;
	_ =	sdelay $0x4  }
0x219: {  	(v2sf) =	vpush @!p1 v1, $0x0;
	_ =	sdelay $0xe  }
.Ltmp30:
0x21a: {  	s3 =	spop @!p1 (v2sf);
	(pc) =	sbr.rel @p2 .LBB2_35-.Ltmp30, $4  }
0x21b: {  	p3 =	seq.s32 @!p1 s0, s3  }
0x21c: {  	p3 =	por !p3, p1  }
0x21d: {  	s5 =	simm.s32 @p3 $0xFFFFFFFF  }
0x21e: {  	s5 =	smov.u32 @p1 s2  }
.LBB2_36:
0x21f: {  	p1 =	seq.s32 s5, $0xFFFFFFFF  }
.Ltmp31:
0x220: {  	_ = 	snop;
	(pc) =	sbr.rel @p1 .LBB2_38-.Ltmp31, $1  }
0x221: {  	_ =	sdelay $0x3  }
0x222: {  	s0 =	sshll.u32 s12, $0x8  }
0x223: {  	s0 =	sand.u32 $0x3FFFFF00, s0  }
0x224: {  	v0 =	vld [tilespmem:s0+$0xE438];
	_ =	sdelay $0x2  }
0x225: {  	s2 =	sshll.u32 s5, $0xA  }
0x226: {  	s2 =	sshra.s32 s2, $0x2  }
0x227: {  	[tilespmem:s2+$0xE438] =	vst.add.f32.msk $0xffff, v0  }
0x228: {  	v0 =	vld [tilespmem:s0+$0xE448];
	_ =	sdelay $0x4  }
0x229: {  	[tilespmem:s2+$0xE448] =	vst.add.f32.msk $0xffff, v0  }
0x22a: {  	v0 =	vld [tilespmem:s0+$0xE458];
	_ =	sdelay $0x4  }
0x22b: {  	[tilespmem:s2+$0xE458] =	vst.add.f32.msk $0xffff, v0  }
0x22c: {  	v0 =	vld [tilespmem:s0+$0xE468];
	_ =	sdelay $0x4  }
0x22d: {  	[tilespmem:s2+$0xE468] =	vst.add.f32.msk $0xffff, v0  }
0x22e: {  	v0 =	vld [tilespmem:s0+$0xE478];
	_ =	sdelay $0x4  }
0x22f: {  	[tilespmem:s2+$0xE478] =	vst.add.f32.msk $0xffff, v0  }
0x230: {  	v0 =	vld [tilespmem:s0+$0xE488];
	_ =	sdelay $0x4  }
0x231: {  	[tilespmem:s2+$0xE488] =	vst.add.f32.msk $0xffff, v0  }
0x232: {  	v0 =	vld [tilespmem:s0+$0xE498];
	_ =	sdelay $0x4  }
0x233: {  	[tilespmem:s2+$0xE498] =	vst.add.f32.msk $0xffff, v0  }
0x234: {  	v0 =	vld [tilespmem:s0+$0xE4A8];
	_ =	sdelay $0x4  }
0x235: {  	[tilespmem:s2+$0xE4A8] =	vst.add.f32.msk $0xffff, v0  }
0x236: {  	v0 =	vld [tilespmem:s0+$0xE4B8];
	_ =	sdelay $0x4  }
0x237: {  	[tilespmem:s2+$0xE4B8] =	vst.add.f32.msk $0xffff, v0  }
0x238: {  	v0 =	vld [tilespmem:s0+$0xE4C8];
	_ =	sdelay $0x4  }
0x239: {  	[tilespmem:s2+$0xE4C8] =	vst.add.f32.msk $0xffff, v0  }
0x23a: {  	v0 =	vld [tilespmem:s0+$0xE4D8];
	_ =	sdelay $0x4  }
0x23b: {  	[tilespmem:s2+$0xE4D8] =	vst.add.f32.msk $0xffff, v0  }
0x23c: {  	v0 =	vld [tilespmem:s0+$0xE4E8];
	_ =	sdelay $0x4  }
0x23d: {  	[tilespmem:s2+$0xE4E8] =	vst.add.f32.msk $0xffff, v0  }
0x23e: {  	v0 =	vld [tilespmem:s0+$0xE4F8];
	_ =	sdelay $0x4  }
0x23f: {  	[tilespmem:s2+$0xE4F8] =	vst.add.f32.msk $0xffff, v0  }
0x240: {  	v0 =	vld [tilespmem:s0+$0xE508];
	_ =	sdelay $0x4  }
0x241: {  	[tilespmem:s2+$0xE508] =	vst.add.f32.msk $0xffff, v0  }
0x242: {  	v0 =	vld [tilespmem:s0+$0xE518];
	_ =	sdelay $0x4  }
0x243: {  	[tilespmem:s2+$0xE518] =	vst.add.f32.msk $0xffff, v0  }
0x244: {  	v0 =	vld [tilespmem:s0+$0xE528]  }
.Ltmp32:
0x245: {  	_ = 	snop;
	(pc) =	sbr.rel .LBB2_39-.Ltmp32, $2  }
0x246: {  	_ =	sdelay $0x2  }
0x247: {  	[tilespmem:s2+$0xE528] =	vst.add.f32.msk $0xffff, v0  }
.LBB2_40:
0x248: {  	s0 =	simm.s32 $0x6;
	p1 =	seq.s32 s6, $0x0  }
0x249: {  	[sflag:s0] =	ssyncpa.u1 $0x1;
	v0 =	vimm.s32 @p1 $0xFFFFFFFF  }
0x24a: {  	s0 =	sadd.s32 $0xFFFFFFFF, s6;
	[tilespmem:$0x10438] =	vst @p1 v0  }
0x24b: {  	v0 =	vld.msk @!p1 [tilespmem:s0+$0xE418], $0x1;
	_ =	sdelay $0x1  }
0x24c: {  	v1 =	vld.msk @!p1 [tilespmem:$0xE418], $0x1;
	_ =	sdelay $0x2  }
0x24d: {  	p2 =	seq.s32 @!p1 s0, $0x0;
	v0 =	vbroadcast @!p1 v0, $0x0  }
0x24e: {  	vm0 =	vmmov @!p1 $0x1;
	p2 =	por !p2, p1  }
0x24f: {  	v1 =	vnsel @!p1 vm0, $0xFFFFFFFF, v1;
	vm0 =	vcmask @!p1 $0x308;
	v0 =	vpsel !p2, $0xFFFFFFFF, v0  }
0x250: {  	p2 =	sne.s32 @!p1 s8, s7;
	v0 =	vsel @!p1 vm0, v1, v0  }
0x251: {  	s2 =	simm.s32 @!p1 $0xE438;
	s3 =	simm.s32 @!p1 $0x0;
	p3 =	por !p2, p1;
	[tilespmem:$0x10438] =	vst @!p1 v0  }
0x252: {  	[spmem:s3] =	stream.linear.scatter @!p1 [tilespmem:s2], [sflag:$0x1], $0x100, $0x38;
	[tilespmem:$0x1E678] =	vst v63  }
0x253: {  	s2 =	sshll.u32 @!p3 s0, $0xA  }
0x254: {  	s2 =	sshra.s32 @!p3 s2, $0x2  }
0x255: {  	s3 =	simm.s32 @!p3 $0x100;
	s2 =	sadd.s32 @!p3 $0xE438, s2  }
0x256: {  	[spmem:s3] =	stream.linear.scatter @!p3 [tilespmem:s2], [sflag:$0x1], $0x100, $0x38;
	[tilespmem:$0x1E678] =	vst v63  }
0x257: {  	s2 =	simm.s32 @!p3 $0x1  }
0x258: {  	_ =	swait.ge @!p3 [sflag:s2], $0x200  }
0x259: {  	p1 =	por p2, p1;
	[sflag:s2] =	ssyncset.done @!p3 $0x0  }
0x25a: {  	[sflag:s2] =	ssyncadd.s32 @!p3 $0xFFFFFE00;
	s2 =	simm.s32 @!p1 $0x1  }
0x25b: {  	_ =	swait.ge @!p1 [sflag:s2], $0x100  }
0x25c: {  	s29 =	simm.s32 $0x10438;
	[sflag:s2] =	ssyncset.done @!p1 $0x0  }
0x25d: {  	s30 =	simm.s32 $0x2000;
	s31 =	simm.s32 $0x1;
	[sflag:s2] =	ssyncadd.s32 @!p1 $0xFFFFFF00  }
0x25e: {  	[spmem:s30] =	stream.linear.scatter [tilespmem:s29], [sflag:$0x1], $0x10, $0x38;
	[tilespmem:$0x1E678] =	vst v63  }
0x25f: {  	_ =	swait.ge [sflag:s31], $0x10  }
0x260: {  	[sflag:s31] =	ssyncset.done $0x0  }
0x261: {  	p1 =	seq.s32 s14, $0x0;
	s9 =	rddreg [dreg:$0x1];
	[sflag:s31] =	ssyncadd.s32 $0xFFFFFFF0  }
0x262: {  	s3 =	sshll.u32 @p1 s9, $0xE;
	s8 =	rddreg [dreg:$0x2]  }
0x263: {  	s2 =	sadd.s32 @p1 $0x15C3C, s3;
	s3 =	sshll.u32 @p1 s8, $0x11  }
0x264: {  	_ =	sfence.stream.spmem;
	s2 =	sor.u32 @p1 s3, s2  }
0x265: {  	[sflag:s2] =	ssyncadd.remote.s32 @p1 $0x1;
	s2 =	simm.s32 @p1 $0x4  }
0x266: {  	s4 =	simm.s32 @!p1 $0x3C;
	s3 =	sand.u32 $0xFFFFFFFE, s9;
	_ =	swait.ge @p1 [sflag:s2], $0x42  }
0x267: {  	s5 =	simm.s32 @!p1 $0x0;
	s3 =	sadd.s32 @!p1 $0x4, s3;
	[sflag:s2] =	ssyncset.done @p1 $0x0  }
0x268: {  	s7 =	simm.s32 @!p1 $0x200;
	[sflag:s2] =	ssyncadd.s32 @p1 $0xFFFFFFBE;
	s2 =	sshll.u32 @!p1 s3, $0x1A  }
0x269: {  	s3 =	sshll.u32 @!p1 s3, $0xD;
	s2 =	sor.u32 @!p1 s2, s8;
	_ =	swait.eq @!p1 [sflag:s4], $0x1  }
0x26a: {  	s3 =	sor.u32 @!p1 $0x1C04, s3;
	s4 =	simm.s32 @!p1 $0x1C03;
	s2 =	sor.u32 @!p1 $0x80004000, s2  }
0x26b: {  	[spmem:s7], [sflag:s3] =	dma.general @!p1 [spmem:s5], [sflag:s4], length:$0x40, [dreg:$0x0], stride_count:$0x0, ici_dest:s2, dma_misc:DstOpCode:WRITE  }
0x26c: {  	p2 =	slt.s32 s0, $0x2;
	s5 =	simm.s32 @!p1 $0x400;
	s7 =	simm.s32 @!p1 $0x402  }
0x26d: {  	[spmem:s7], [sflag:s3] =	dma.general @!p1 [spmem:s5], [sflag:s4], length:$0x2, [dreg:$0x0], stride_count:$0x0, ici_dest:s2, dma_misc:DstOpCode:WRITE  }
.Ltmp33:
0x26e: {  	s2 =	simm.s32 @!p1 $0x3;
	(pc) =	sbr.rel @p2 .LBB2_44-.Ltmp33, $4  }
0x26f: {  	s3 =	sshll.u32 @!p1 s9, $0xE;
	_ =	swait.ge @!p1 [sflag:s2], $0x42  }
0x270: {  	s4 =	sshll.u32 @!p1 s8, $0x11;
	s3 =	sadd.s32 @!p1 $0x11C3C, s3;
	[sflag:s2] =	ssyncset.done @!p1 $0x0  }
0x271: {  	[sflag:s2] =	ssyncadd.s32 @!p1 $0xFFFFFFBE;
	s2 =	sor.u32 @!p1 s4, s3  }
0x272: {  	s0 =	simm.s32 $0x0;
	[sflag:s2] =	ssyncadd.remote.s32 @!p1 $0xFFFFFFFF  }
0x273: {  	s0 =	simm.s32 $0xE419  }
0x274: {  	v0 =	vld.msk [tilespmem:s0+$0x0], $0x1;
	_ =	sdelay $0x4  }
0x275: {  	(v2sf) =	vpush v0, $0x0;
	_ =	sdelay $0xd  }
0x276: {  	s31 =	sadd.s32 $0xFFFFFFFE, s6  }
0x277: {  	s6 =	simm.s32 $0x0;
	s0 =	sadd.s32 $0xFFFFFFFF, s31;
	s2 =	spop (v2sf)  }
0x278: {  	s3 =	simm.s32 $0xE538;
	p1 =	sne.s32 s0, $0x0;
	p2 =	sgt.u32 s2, $0x4E170  }
.Ltmp34:
0x279: {  	s4 =	simm.s32 $0xE638;
	s5 =	sand.u32 @!p2 $0x7FFF8, s2;
	(pc) =	sbr.rel @!p1 .LBB2_43-.Ltmp34, $4  }
0x27a: {  	s7 =	sadd.s32 @!p2 $0x80, s2;
	s2 =	sand.u32 @!p2 $0x7, s2;
	s6 =	simm.s32 @!p2 $0x400  }
0x27b: {  	s5 =	sadd.s32 @!p2 s1, s5;
	s7 =	sand.u32 @!p2 $0xFFFF8, s7;
	s6 =	sadd.s32 $0x0, s6  }
0x27c: {  	[hbm4b:s5+s2] =	stream.linear.scatter @!p2 [tilespmem:s3], [sflag:$0x5], $0x80, $0x38;
	[tilespmem:$0x1E678] =	vst v63  }
0x27d: {  	s5 =	simm.s32 $0xE41A;
	s3 =	simm.s32 @!p2 $0xE5B8;
	s7 =	sadd.s32 @!p2 s1, s7  }
.LBB2_42:
0x27e: {  	[hbm4b:s7+s2] =	stream.linear.scatter @!p2 [tilespmem:s3], [sflag:$0x5], $0x80, $0x38;
	[tilespmem:$0x1E678] =	vst v63  }
0x27f: {  	s0 =	sadd.s32 $0xFFFFFFFF, s0;
	s3 =	smov.u32 s4;
	v0 =	vld.msk [tilespmem:s5+$0x0], $0x1  }
0x280: {  	p1 =	sne.s32 s0, $0x0;
	_ =	sdelay $0x3  }
0x281: {  	(v2sf) =	vpush v0, $0x0;
	_ =	sdelay $0xe  }
0x282: {  	s4 =	sadd.s32 $0x100, s4;
	s8 =	simm.s32 $0x0;
	s2 =	spop (v2sf)  }
.Ltmp35:
0x283: {  	s5 =	sadd.s32 $0x1, s5;
	p2 =	sgt.u32 s2, $0x4E170;
	(pc) =	sbr.rel @p1 .LBB2_42-.Ltmp35, $4  }
0x284: {  	s8 =	simm.s32 @!p2 $0x400;
	s7 =	sand.u32 @!p2 $0x7FFF8, s2;
	s9 =	sadd.s32 @!p2 $0x80, s2  }
0x285: {  	s2 =	sand.u32 @!p2 $0x7, s2;
	s7 =	sadd.s32 @!p2 s1, s7;
	s9 =	sand.u32 @!p2 $0xFFFF8, s9  }
0x286: {  	[hbm4b:s7+s2] =	stream.linear.scatter @!p2 [tilespmem:s3], [sflag:$0x5], $0x80, $0x38;
	[tilespmem:$0x1E678] =	vst v63  }
0x287: {  	s6 =	sadd.s32 s6, s8;
	s3 =	sadd.s32 @!p2 $0x80, s3;
	s7 =	sadd.s32 @!p2 s1, s9  }
.LBB2_43:
0x288: {  	[hbm4b:s7+s2] =	stream.linear.scatter @!p2 [tilespmem:s3], [sflag:$0x5], $0x80, $0x38;
	[tilespmem:$0x1E678] =	vst v63  }
0x289: {  	s0 =	sshrl.u32 s6, $0x2  }
.LBB2_44:
0x28a: {  	s2 =	simm.s32 $0x5  }
0x28b: {  	_ =	swait.ge [sflag:s2], s0  }
0x28c: {  	s31 =	ssub.s32 $0x0, s0;
	[sflag:s2] =	ssyncset.done $0x0  }
0x28d: {  	[sflag:s2] =	ssyncadd.s32 s31  }
0x28e: {  	[sflag:s2] =	ssyncpa.u1 $0x1  }
.LBB2_45:
0x28f: {  	s0 =	sor.u32 s14, s15  }
0x290: {  	p1 =	sne.s32 s0, $0x0  }
.Ltmp36:
0x291: {  	_ = 	snop;
	(pc) =	sbr.rel @p1 .LBB2_60-.Ltmp36, $3  }
0x292: {  	_ =	sdelay $0x1  }
0x293: {  	[bflag:$0x0] =	sbarrier.arrive $0xFFFF  }
0x294: {  	_ =	sfence  }
0x295: {  	s0 =	simm.s32 $0x7  }
0x296: {  	s2 =	simm.s32 $0x2000;
	s3 =	simm.s32 $0xE418;
	[sflag:s0] =	ssyncpa.u1 $0x0  }
0x297: {  	[tilespmem:s3], [sflag:$0x7] =	stream.linear.gather [spmem:s2], $0x20, $0x38;
	[tilespmem:$0x1E678] =	vst v63  }
0x298: {  	s30 =	simm.s32 $0xE438;
	s2 =	simm.s32 $0x0  }
0x299: {  	[tilespmem:s30], [sflag:$0x7] =	stream.linear.gather [spmem:s2], $0x2000, $0x38;
	[tilespmem:$0x1E678] =	vst v63  }
.Ltmp37:
0x29a: {  	_ = 	snop;
	(pc) =	sbr.rel .LBB2_47-.Ltmp37, $4  }
0x29b: {  	_ =	swait.ge [sflag:s0], $0x2020  }
0x29c: {  	[sflag:s0] =	ssyncset.done $0x0  }
0x29d: {  	s31 =	simm.s32 $0x8;
	[sflag:s0] =	ssyncadd.s32 $0xFFFFDFE0  }
0x29e: {  	s3 =	simm.s32 $0x0;
	[sflag:s31] =	ssyncpa.u1 $0x0  }
.LBB2_53:
0x29f: {  	p1 =	slt.u32 s0, $0x4E171  }
0x2a0: {  	s4 =	sand.u32 @p1 $0x7FFF8, s0;
	s5 =	sand.u32 @p1 $0x7, s0;
	s0 =	sadd.s32 @p1 $0x80, s0  }
0x2a1: {  	s6 =	simm.s32 @p1 $0xE308;
	s4 =	sadd.s32 @p1 s1, s4;
	s0 =	sand.u32 @p1 $0xFFFF8, s0  }
0x2a2: {  	[tilespmem:s6], [sflag:$0x8] =	stream.linear.gather @p1 [hbm4b:s4+s5], $0x80, $0x38;
	[tilespmem:$0x1E678] =	vst v63  }
0x2a3: {  	s0 =	sadd.s32 @p1 s1, s0;
	s4 =	simm.s32 @p1 $0xE388  }
0x2a4: {  	[tilespmem:s4], [sflag:$0x8] =	stream.linear.gather @p1 [hbm4b:s0+s5], $0x80, $0x38;
	[tilespmem:$0x1E678] =	vst v63  }
0x2a5: {  	s0 =	simm.s32 @p1 $0x8  }
0x2a6: {  	_ =	swait.ge @p1 [sflag:s0], $0x100  }
0x2a7: {  	[sflag:s0] =	ssyncset.done @p1 $0x0  }
0x2a8: {  	[sflag:s0] =	ssyncadd.s32 @p1 $0xFFFFFF00  }
0x2a9: {  	v1 =	vld @p1 [tilespmem:$0xE308];
	_ =	sdelay $0x2  }
0x2aa: {  	s0 =	sshll.u32 @p1 s3, $0xA  }
0x2ab: {  	s4 =	sshrl.u32 @p1 s0, $0x2  }
0x2ac: {  	[tilespmem:s4+$0xE438] =	vst.add.f32.msk @p1 $0xffff, v1  }
0x2ad: {  	v1 =	vld @p1 [tilespmem:$0xE318];
	_ =	sdelay $0x4  }
0x2ae: {  	[tilespmem:s4+$0xE448] =	vst.add.f32.msk @p1 $0xffff, v1  }
0x2af: {  	v1 =	vld @p1 [tilespmem:$0xE328];
	_ =	sdelay $0x4  }
0x2b0: {  	[tilespmem:s4+$0xE458] =	vst.add.f32.msk @p1 $0xffff, v1  }
0x2b1: {  	v1 =	vld @p1 [tilespmem:$0xE338];
	_ =	sdelay $0x4  }
0x2b2: {  	[tilespmem:s4+$0xE468] =	vst.add.f32.msk @p1 $0xffff, v1  }
0x2b3: {  	v1 =	vld @p1 [tilespmem:$0xE348];
	_ =	sdelay $0x4  }
0x2b4: {  	[tilespmem:s4+$0xE478] =	vst.add.f32.msk @p1 $0xffff, v1  }
0x2b5: {  	v1 =	vld @p1 [tilespmem:$0xE358];
	_ =	sdelay $0x4  }
0x2b6: {  	[tilespmem:s4+$0xE488] =	vst.add.f32.msk @p1 $0xffff, v1  }
0x2b7: {  	v1 =	vld @p1 [tilespmem:$0xE368];
	_ =	sdelay $0x4  }
0x2b8: {  	[tilespmem:s4+$0xE498] =	vst.add.f32.msk @p1 $0xffff, v1  }
0x2b9: {  	v1 =	vld @p1 [tilespmem:$0xE378];
	_ =	sdelay $0x4  }
0x2ba: {  	[tilespmem:s4+$0xE4A8] =	vst.add.f32.msk @p1 $0xffff, v1  }
0x2bb: {  	v1 =	vld @p1 [tilespmem:$0xE388];
	_ =	sdelay $0x4  }
0x2bc: {  	[tilespmem:s4+$0xE4B8] =	vst.add.f32.msk @p1 $0xffff, v1  }
0x2bd: {  	v1 =	vld @p1 [tilespmem:$0xE398];
	_ =	sdelay $0x4  }
0x2be: {  	[tilespmem:s4+$0xE4C8] =	vst.add.f32.msk @p1 $0xffff, v1  }
0x2bf: {  	v1 =	vld @p1 [tilespmem:$0xE3A8];
	_ =	sdelay $0x4  }
0x2c0: {  	[tilespmem:s4+$0xE4D8] =	vst.add.f32.msk @p1 $0xffff, v1  }
0x2c1: {  	v1 =	vld @p1 [tilespmem:$0xE3B8];
	_ =	sdelay $0x4  }
0x2c2: {  	[tilespmem:s4+$0xE4E8] =	vst.add.f32.msk @p1 $0xffff, v1  }
0x2c3: {  	v1 =	vld @p1 [tilespmem:$0xE3C8];
	_ =	sdelay $0x4  }
0x2c4: {  	[tilespmem:s4+$0xE4F8] =	vst.add.f32.msk @p1 $0xffff, v1  }
0x2c5: {  	v1 =	vld @p1 [tilespmem:$0xE3D8];
	_ =	sdelay $0x4  }
0x2c6: {  	[tilespmem:s4+$0xE508] =	vst.add.f32.msk @p1 $0xffff, v1  }
0x2c7: {  	v1 =	vld @p1 [tilespmem:$0xE3E8];
	_ =	sdelay $0x4  }
0x2c8: {  	[tilespmem:s4+$0xE518] =	vst.add.f32.msk @p1 $0xffff, v1  }
0x2c9: {  	v1 =	vld @p1 [tilespmem:$0xE3F8];
	_ =	sdelay $0x3  }
0x2ca: {  	s5 =	sshll.u32 @!p1 s3, $0xA  }
0x2cb: {  	s5 =	smov.u32 @p1 s0;
	[tilespmem:s4+$0xE528] =	vst.add.f32.msk @p1 $0xffff, v1  }
0x2cc: {  	s0 =	sshrl.u32 s5, $0x2;
	[tilespmem:s2+$0xE418] =	vst.msk $0x1, v0  }
0x2cd: {  	v0 =	vld [tilespmem:s0+$0xE438];
	_ =	sdelay $0x2  }
0x2ce: {  	s31 =	sshll.u32 s2, $0xA  }
0x2cf: {  	s4 =	sshra.s32 s31, $0x2  }
0x2d0: {  	[tilespmem:s4+$0xE438] =	vst v0  }
0x2d1: {  	v0 =	vld [tilespmem:s0+$0xE448];
	_ =	sdelay $0x4  }
0x2d2: {  	[tilespmem:s4+$0xE448] =	vst v0  }
0x2d3: {  	v0 =	vld [tilespmem:s0+$0xE458];
	_ =	sdelay $0x4  }
0x2d4: {  	[tilespmem:s4+$0xE458] =	vst v0  }
0x2d5: {  	v0 =	vld [tilespmem:s0+$0xE468];
	_ =	sdelay $0x4  }
0x2d6: {  	[tilespmem:s4+$0xE468] =	vst v0  }
0x2d7: {  	v0 =	vld [tilespmem:s0+$0xE478];
	_ =	sdelay $0x4  }
0x2d8: {  	[tilespmem:s4+$0xE478] =	vst v0  }
0x2d9: {  	v0 =	vld [tilespmem:s0+$0xE488];
	_ =	sdelay $0x4  }
0x2da: {  	[tilespmem:s4+$0xE488] =	vst v0  }
0x2db: {  	v0 =	vld [tilespmem:s0+$0xE498];
	_ =	sdelay $0x4  }
0x2dc: {  	[tilespmem:s4+$0xE498] =	vst v0  }
0x2dd: {  	v0 =	vld [tilespmem:s0+$0xE4A8];
	_ =	sdelay $0x4  }
0x2de: {  	[tilespmem:s4+$0xE4A8] =	vst v0  }
0x2df: {  	v0 =	vld [tilespmem:s0+$0xE4B8];
	_ =	sdelay $0x4  }
0x2e0: {  	[tilespmem:s4+$0xE4B8] =	vst v0  }
0x2e1: {  	v0 =	vld [tilespmem:s0+$0xE4C8];
	_ =	sdelay $0x4  }
0x2e2: {  	[tilespmem:s4+$0xE4C8] =	vst v0  }
0x2e3: {  	v0 =	vld [tilespmem:s0+$0xE4D8];
	_ =	sdelay $0x4  }
0x2e4: {  	[tilespmem:s4+$0xE4D8] =	vst v0  }
0x2e5: {  	v0 =	vld [tilespmem:s0+$0xE4E8];
	_ =	sdelay $0x4  }
0x2e6: {  	[tilespmem:s4+$0xE4E8] =	vst v0  }
0x2e7: {  	v0 =	vld [tilespmem:s0+$0xE4F8];
	_ =	sdelay $0x4  }
0x2e8: {  	[tilespmem:s4+$0xE4F8] =	vst v0  }
0x2e9: {  	v0 =	vld [tilespmem:s0+$0xE508];
	_ =	sdelay $0x4  }
0x2ea: {  	[tilespmem:s4+$0xE508] =	vst v0  }
0x2eb: {  	v0 =	vld [tilespmem:s0+$0xE518];
	_ =	sdelay $0x4  }
0x2ec: {  	[tilespmem:s4+$0xE518] =	vst v0  }
0x2ed: {  	v0 =	vld [tilespmem:s0+$0xE528];
	_ =	sdelay $0x4  }
0x2ee: {  	s2 =	sadd.s32 $0x1, s2;
	[tilespmem:s4+$0xE528] =	vst v0  }
.LBB2_54:
0x2ef: {  	s3 =	sadd.s32 $0x1, s3  }
0x2f0: {  	p1 =	sne.s32 s3, $0x20  }
.Ltmp38:
0x2f1: {  	_ = 	snop;
	(pc) =	sbr.rel @!p1 .LBB2_55-.Ltmp38, $1  }
0x2f2: {  	_ =	sdelay $0x3  }
.LBB2_47:
0x2f3: {  	v0 =	vld.msk [tilespmem:s3+$0xE418], $0x1;
	_ =	sdelay $0x4  }
0x2f4: {  	(v2sf) =	vpush v0, $0x0;
	_ =	sdelay $0xe  }
0x2f5: {  	s0 =	spop (v2sf)  }
0x2f6: {  	p1 =	seq.s32 s0, $0xFFFFFFFF  }
.Ltmp39:
0x2f7: {  	_ = 	snop;
	(pc) =	sbr.rel @p1 .LBB2_54-.Ltmp39, $1  }
0x2f8: {  	_ =	sdelay $0x3  }
0x2f9: {  	p1 =	slt.s32 s2, $0x1  }
.Ltmp40:
0x2fa: {  	_ = 	snop;
	(pc) =	sbr.rel @p1 .LBB2_53-.Ltmp40, $1  }
0x2fb: {  	_ =	sdelay $0x3  }
0x2fc: {  	s4 =	simm.s32 $0xE418;
	p1 =	por $0x0, $0x0  }
0x2fd: {  	v1 =	vld.msk @!p1 [tilespmem:s4+$0x0], $0x1;
	_ =	sdelay $0x4  }
0x2fe: {  	(v2sf) =	vpush @!p1 v1, $0x0;
	_ =	sdelay $0xd  }
0x2ff: {  	p3 =	sne.s32 s2, $0x1  }
.Ltmp41:
0x300: {  	s5 =	spop @!p1 (v2sf);
	(pc) =	sbr.rel @!p3 .LBB2_51-.Ltmp41, $4  }
0x301: {  	p2 =	seq.s32 @!p1 s0, s5  }
0x302: {  	s5 =	simm.s32 $0x0;
	p2 =	por !p2, p1  }
0x303: {  	s7 =	simm.s32 $0xFFFFFFFF;
	s5 =	simm.s32 @p2 $0xFFFFFFFF  }
0x304: {  	s6 =	simm.s32 $0x1;
	s5 =	smov.u32 @p1 s7  }
.LBB2_50:
0x305: {  	s7 =	smov.u32 s5;
	p1 =	sne.s32 s5, $0xFFFFFFFF  }
0x306: {  	s4 =	sadd.s32 $0x1, s4;
	s5 =	smov.u32 s6;
	s6 =	sadd.s32 $0x1, s6  }
0x307: {  	p2 =	sne.s32 s2, s6;
	v1 =	vld.msk @!p1 [tilespmem:s4+$0x0], $0x1;
	_ =	sdelay $0x4  }
0x308: {  	(v2sf) =	vpush @!p1 v1, $0x0;
	_ =	sdelay $0xe  }
.Ltmp42:
0x309: {  	s8 =	spop @!p1 (v2sf);
	(pc) =	sbr.rel @p2 .LBB2_50-.Ltmp42, $4  }
0x30a: {  	p3 =	seq.s32 @!p1 s0, s8  }
0x30b: {  	p3 =	por !p3, p1  }
0x30c: {  	s5 =	simm.s32 @p3 $0xFFFFFFFF  }
0x30d: {  	s5 =	smov.u32 @p1 s7  }
.LBB2_51:
0x30e: {  	p1 =	seq.s32 s5, $0xFFFFFFFF  }
.Ltmp43:
0x30f: {  	_ = 	snop;
	(pc) =	sbr.rel @p1 .LBB2_53-.Ltmp43, $1  }
0x310: {  	_ =	sdelay $0x3  }
0x311: {  	s0 =	sshll.u32 s3, $0x8  }
0x312: {  	s0 =	sand.u32 $0x3FFFFF00, s0  }
0x313: {  	v0 =	vld [tilespmem:s0+$0xE438];
	_ =	sdelay $0x2  }
0x314: {  	s4 =	sshll.u32 s5, $0xA  }
0x315: {  	s4 =	sshra.s32 s4, $0x2  }
0x316: {  	[tilespmem:s4+$0xE438] =	vst.add.f32.msk $0xffff, v0  }
0x317: {  	v0 =	vld [tilespmem:s0+$0xE448];
	_ =	sdelay $0x4  }
0x318: {  	[tilespmem:s4+$0xE448] =	vst.add.f32.msk $0xffff, v0  }
0x319: {  	v0 =	vld [tilespmem:s0+$0xE458];
	_ =	sdelay $0x4  }
0x31a: {  	[tilespmem:s4+$0xE458] =	vst.add.f32.msk $0xffff, v0  }
0x31b: {  	v0 =	vld [tilespmem:s0+$0xE468];
	_ =	sdelay $0x4  }
0x31c: {  	[tilespmem:s4+$0xE468] =	vst.add.f32.msk $0xffff, v0  }
0x31d: {  	v0 =	vld [tilespmem:s0+$0xE478];
	_ =	sdelay $0x4  }
0x31e: {  	[tilespmem:s4+$0xE478] =	vst.add.f32.msk $0xffff, v0  }
0x31f: {  	v0 =	vld [tilespmem:s0+$0xE488];
	_ =	sdelay $0x4  }
0x320: {  	[tilespmem:s4+$0xE488] =	vst.add.f32.msk $0xffff, v0  }
0x321: {  	v0 =	vld [tilespmem:s0+$0xE498];
	_ =	sdelay $0x4  }
0x322: {  	[tilespmem:s4+$0xE498] =	vst.add.f32.msk $0xffff, v0  }
0x323: {  	v0 =	vld [tilespmem:s0+$0xE4A8];
	_ =	sdelay $0x4  }
0x324: {  	[tilespmem:s4+$0xE4A8] =	vst.add.f32.msk $0xffff, v0  }
0x325: {  	v0 =	vld [tilespmem:s0+$0xE4B8];
	_ =	sdelay $0x4  }
0x326: {  	[tilespmem:s4+$0xE4B8] =	vst.add.f32.msk $0xffff, v0  }
0x327: {  	v0 =	vld [tilespmem:s0+$0xE4C8];
	_ =	sdelay $0x4  }
0x328: {  	[tilespmem:s4+$0xE4C8] =	vst.add.f32.msk $0xffff, v0  }
0x329: {  	v0 =	vld [tilespmem:s0+$0xE4D8];
	_ =	sdelay $0x4  }
0x32a: {  	[tilespmem:s4+$0xE4D8] =	vst.add.f32.msk $0xffff, v0  }
0x32b: {  	v0 =	vld [tilespmem:s0+$0xE4E8];
	_ =	sdelay $0x4  }
0x32c: {  	[tilespmem:s4+$0xE4E8] =	vst.add.f32.msk $0xffff, v0  }
0x32d: {  	v0 =	vld [tilespmem:s0+$0xE4F8];
	_ =	sdelay $0x4  }
0x32e: {  	[tilespmem:s4+$0xE4F8] =	vst.add.f32.msk $0xffff, v0  }
0x32f: {  	v0 =	vld [tilespmem:s0+$0xE508];
	_ =	sdelay $0x4  }
0x330: {  	[tilespmem:s4+$0xE508] =	vst.add.f32.msk $0xffff, v0  }
0x331: {  	v0 =	vld [tilespmem:s0+$0xE518];
	_ =	sdelay $0x4  }
0x332: {  	[tilespmem:s4+$0xE518] =	vst.add.f32.msk $0xffff, v0  }
0x333: {  	v0 =	vld [tilespmem:s0+$0xE528]  }
.Ltmp44:
0x334: {  	_ = 	snop;
	(pc) =	sbr.rel .LBB2_54-.Ltmp44, $2  }
0x335: {  	_ =	sdelay $0x2  }
0x336: {  	[tilespmem:s4+$0xE528] =	vst.add.f32.msk $0xffff, v0  }
.LBB2_55:
0x337: {  	p1 =	slt.s32 s2, $0x1  }
.Ltmp45:
0x338: {  	_ = 	snop;
	(pc) =	sbr.rel @p1 .LBB2_59-.Ltmp45, $3  }
0x339: {  	_ =	sdelay $0x1  }
0x33a: {  	s0 =	simm.s32 $0x8  }
0x33b: {  	s4 =	simm.s32 $0x0;
	[sflag:s0] =	ssyncpa.u1 $0x1  }
0x33c: {  	s0 =	simm.s32 $0xE418  }
0x33d: {  	v0 =	vld.msk [tilespmem:s0+$0x0], $0x1;
	_ =	sdelay $0x4  }
0x33e: {  	(v2sf) =	vpush v0, $0x0;
	_ =	sdelay $0xe  }
0x33f: {  	s0 =	sadd.s32 $0xFFFFFFFF, s2;
	s3 =	spop (v2sf)  }
0x340: {  	s6 =	simm.s32 $0xE438;
	p1 =	sne.s32 s0, $0x0;
	p2 =	sgt.u32 s3, $0x4E170  }
.Ltmp46:
0x341: {  	s2 =	simm.s32 $0xE538;
	s5 =	sand.u32 @!p2 $0x7FFF8, s3;
	(pc) =	sbr.rel @!p1 .LBB2_58-.Ltmp46, $4  }
0x342: {  	s7 =	sadd.s32 @!p2 $0x80, s3;
	s4 =	simm.s32 @!p2 $0x400;
	s8 =	sadd.s32 @!p2 s1, s5  }
0x343: {  	s5 =	sand.u32 @!p2 $0x7, s3;
	s3 =	simm.s32 $0xE419;
	s7 =	sand.u32 @!p2 $0xFFFF8, s7  }
0x344: {  	[hbm4b:s8+s5] =	stream.linear.scatter @!p2 [tilespmem:s6], [sflag:$0x7], $0x80, $0x38;
	[tilespmem:$0x1E678] =	vst v63  }
0x345: {  	s4 =	sadd.s32 $0x0, s4;
	s6 =	simm.s32 @!p2 $0xE4B8;
	s7 =	sadd.s32 @!p2 s1, s7  }
.LBB2_57:
0x346: {  	[hbm4b:s7+s5] =	stream.linear.scatter @!p2 [tilespmem:s6], [sflag:$0x7], $0x80, $0x38;
	[tilespmem:$0x1E678] =	vst v63  }
0x347: {  	s0 =	sadd.s32 $0xFFFFFFFF, s0;
	s6 =	smov.u32 s2;
	v0 =	vld.msk [tilespmem:s3+$0x0], $0x1  }
0x348: {  	p1 =	sne.s32 s0, $0x0;
	_ =	sdelay $0x3  }
0x349: {  	(v2sf) =	vpush v0, $0x0;
	_ =	sdelay $0xe  }
0x34a: {  	s2 =	sadd.s32 $0x100, s2;
	s8 =	simm.s32 $0x0;
	s5 =	spop (v2sf)  }
.Ltmp47:
0x34b: {  	s3 =	sadd.s32 $0x1, s3;
	p2 =	sgt.u32 s5, $0x4E170;
	(pc) =	sbr.rel @p1 .LBB2_57-.Ltmp47, $4  }
0x34c: {  	s8 =	simm.s32 @!p2 $0x400;
	s7 =	sand.u32 @!p2 $0x7FFF8, s5;
	s9 =	sadd.s32 @!p2 $0x80, s5  }
0x34d: {  	s5 =	sand.u32 @!p2 $0x7, s5;
	s7 =	sadd.s32 @!p2 s1, s7;
	s9 =	sand.u32 @!p2 $0xFFFF8, s9  }
0x34e: {  	[hbm4b:s7+s5] =	stream.linear.scatter @!p2 [tilespmem:s6], [sflag:$0x7], $0x80, $0x38;
	[tilespmem:$0x1E678] =	vst v63  }
0x34f: {  	s4 =	sadd.s32 s4, s8;
	s6 =	sadd.s32 @!p2 $0x80, s6;
	s7 =	sadd.s32 @!p2 s1, s9  }
.LBB2_58:
0x350: {  	[hbm4b:s7+s5] =	stream.linear.scatter @!p2 [tilespmem:s6], [sflag:$0x7], $0x80, $0x38;
	[tilespmem:$0x1E678] =	vst v63  }
0x351: {  	s4 =	sshrl.u32 s4, $0x2  }
.LBB2_59:
0x352: {  	s0 =	simm.s32 $0x7  }
0x353: {  	_ =	swait.ge [sflag:s0], s4  }
0x354: {  	s1 =	ssub.s32 $0x0, s4;
	[sflag:s0] =	ssyncset.done $0x0  }
0x355: {  	[sflag:s0] =	ssyncadd.s32 s1  }
0x356: {  	[sflag:s0] =	ssyncpa.u1 $0x1  }
.LBB2_60:
0x357: {  	_ =	sfence;
	s0 =	simm.s32 $0x1  }
0x358: {  	[sflag:s0] =	ssyncpa.u1 $0x1  }
0x359: {  	_ =	strace $0x90000047  }
0x35a: {  	[bflag:$0x2] =	sbarrier.arrive $0xFFFF  }
0x35b: {  	s0 =	rddreg [dreg:$0x3]  }
0x35c: {  	s0 =	sadd.s32 @!p0 $0x100000, s0  }
0x35d: {  	[sflag:s0] =	ssyncadd.tile.s32 @!p0 $0x1;
	_ =	shalt  }
.Lfunc_end2:
_tile_overlayer_lowered:
.L_overlay_start_2:
0x35e: {  	(tag) =	ssettag $0x2  }
0x35f: {  	s0 =	rddreg [dreg:$0x0];
	s2 =	stileid.u32  }
0x360: {  	s1 =	rddreg [dreg:$0x1];
	p0 =	sne.s32 s2, $0x0  }
0x361: {  	s3 =	rddreg [dreg:$0x2];
	[bflag:$0x3] =	sbarrier.arrive $0xFFFF;
	s2 =	simm.s32 @!p0 $0x1C01  }
0x362: {  	[timem:s3], [sflag:s2] =	dma.local @!p0 [hbm:s0], s1  }
0x363: {  	s0 =	simm.s32 @!p0 $0x1  }
0x364: {  	_ =	swait.ge @!p0 [sflag:s0], s1  }
0x365: {  	s1 =	ssub.s32 @!p0 $0x0, s1;
	[sflag:s0] =	ssyncset.done @!p0 $0x0  }
0x366: {  	[sflag:s0] =	ssyncadd.s32 @!p0 s1  }
0x367: {  	[bflag:$0x3] =	sbarrier.arrive $0xFFFF  }
0x368: {  	_ =	shalt  }

</sc_bundles>
